<compile_context>
chip_gen: v7x
topology: tpu7x:2x2x1
jax: 0.10.2.dev20260603
libtpu: 0.0.44.dev20260713+nightly
codegen_flags: <defaults>
</compile_context>

<pallas_src>
import jax
import jax.numpy as jnp
from jax import lax
from jax.experimental import pallas as pl
from jax.experimental.pallas import tpu as pltpu
from jax.experimental.pallas import tpu_sc as plsc

VOCAB = 1000000
DIM = 64
B, U = 4096, 200

NC, NS, LANES = 2, 16, 16
NW = NC * NS
SEQ_PER_W = B // NW
PAIRS = SEQ_PER_W // 2
NT = DIM // LANES
PDIM = 2 * DIM
GRP = 4
OFFPAD = U + 8
GSPLIT = 128 // GRP
CHUNKS = ((0, 128), (128, 72))

_TAKE_DNUMS = lax.GatherDimensionNumbers(
    offset_dims=(), collapsed_slice_dims=(0,), start_index_map=(0,))


def _shuffle(x, perm):
    return lax.gather(
        x, perm[:, None], _TAKE_DNUMS, slice_sizes=(1,),
        mode=lax.GatherScatterMode.PROMISE_IN_BOUNDS)


def _decoder_body(yh_hbm, yoff_hbm, table_hbm, wa_hbm, wb_hbm, out_hbm,
                  idx0, idx1, off0, off1, rows0, rows1, outb0, outb1,
                  wa_v, wb_v, gsem0, gsem1, osem0, osem1):
    wid = lax.axis_index("s") * NC + lax.axis_index("c")
    base = wid * SEQ_PER_W

    pltpu.sync_copy(wa_hbm, wa_v)
    pltpu.sync_copy(wb_hbm, wb_v)
    wa = [[wa_v[j, pl.ds(LANES * t, LANES)] for j in range(4)] for t in range(NT)]
    wb = [[wb_v[j, pl.ds(LANES * t, LANES)] for j in range(4)] for t in range(NT)]

    lane = lax.iota(jnp.int32, LANES)
    group_base = jnp.bitwise_and(lane, -4)
    perms = [group_base + j for j in range(4)]
    zero = jnp.zeros((LANES,), jnp.float32)

    def start_gather(seq, idx_v, off_v, rows_v, gsem):
        pltpu.sync_copy(yh_hbm.at[pl.ds(seq * U, U)], idx_v)
        pltpu.sync_copy(yoff_hbm.at[pl.ds(seq * U, U)], off_v.at[pl.ds(0, U)])
        for off, n in CHUNKS:
            pltpu.async_copy(
                table_hbm.at[idx_v.at[pl.ds(off, n)]],
                rows_v.at[pl.ds(off, n)], gsem)

    def wait_chunk(idx_v, rows_v, gsem, ci):
        off, n = CHUNKS[ci]
        pltpu.make_async_copy(
            table_hbm.at[idx_v.at[pl.ds(off, n)]],
            rows_v.at[pl.ds(off, n)], gsem).wait()

    def conv(off_v, rows_v, outb_v, g_lo, g_hi, pend0):
        def grp_body(g, pend):
            base_u = g * GRP
            win = jnp.bitwise_and(base_u, -8)
            offs = off_v[pl.ds(win, LANES)]
            rot = jnp.bitwise_and((base_u - win) + lane, 15)
            offs_al = _shuffle(offs, rot)
            outs = []
            for k in range(GRP):
                u = base_u + k
                sel = _shuffle(offs_al, jnp.full((LANES,), k, jnp.int32)) != 0
                newp = []
                for t in range(NT):
                    lo = rows_v[u, pl.ds(LANES * t, LANES)]
                    hi = rows_v[u, pl.ds(DIM + LANES * t, LANES)]
                    cur = jnp.where(sel, hi, lo)
                    s = [_shuffle(cur, perms[j]) for j in range(4)]
                    accb = s[0] * wb[t][0]
                    acca = s[0] * wa[t][0]
                    for j in range(1, 4):
                        accb = accb + s[j] * wb[t][j]
                        acca = acca + s[j] * wa[t][j]
                    outs.append(jnp.maximum(pend[t] + accb, 0.0))
                    newp.append(acca)
                pend = tuple(newp)
            for k in range(GRP):
                for t in range(NT):
                    outb_v[base_u + k, pl.ds(LANES * t, LANES)] = \
                        outs[NT * k + t]
            return pend

        return lax.fori_loop(g_lo, g_hi, grp_body, pend0, unroll=False)

    start_gather(base, idx0, off0, rows0, gsem0)

    def pair_body(p, carry):
        s0 = base + 2 * p
        start_gather(s0 + 1, idx1, off1, rows1, gsem1)
        wait_chunk(idx0, rows0, gsem0, 0)

        @pl.when(p > 0)
        def _():
            pltpu.make_async_copy(outb0, out_hbm.at[s0], osem0).wait()
        pend = conv(off0, rows0, outb0, 0, GSPLIT, (zero,) * NT)
        wait_chunk(idx0, rows0, gsem0, 1)
        conv(off0, rows0, outb0, GSPLIT, U // GRP, pend)
        pltpu.async_copy(outb0, out_hbm.at[s0], osem0)

        @pl.when(p < PAIRS - 1)
        def _():
            start_gather(s0 + 2, idx0, off0, rows0, gsem0)
        wait_chunk(idx1, rows1, gsem1, 0)

        @pl.when(p > 0)
        def _():
            pltpu.make_async_copy(outb1, out_hbm.at[s0 + 1], osem1).wait()
        pend = conv(off1, rows1, outb1, 0, GSPLIT, (zero,) * NT)
        wait_chunk(idx1, rows1, gsem1, 1)
        conv(off1, rows1, outb1, GSPLIT, U // GRP, pend)
        pltpu.async_copy(outb1, out_hbm.at[s0 + 1], osem1)
        return carry

    lax.fori_loop(0, PAIRS, pair_body, 0, unroll=False)
    last = base + SEQ_PER_W - 2
    pltpu.make_async_copy(outb0, out_hbm.at[last], osem0).wait()
    pltpu.make_async_copy(outb1, out_hbm.at[last + 1], osem1).wait()


@jax.jit
def _decoder(yh, yoff, table2, wa, wb):
    mesh = plsc.VectorSubcoreMesh(core_axis_name="c", subcore_axis_name="s")
    out = pl.kernel(
        _decoder_body,
        out_type=jax.ShapeDtypeStruct((B, U, DIM), jnp.float32),
        mesh=mesh,
        scratch_types=[
            pltpu.VMEM((U,), jnp.int32),
            pltpu.VMEM((U,), jnp.int32),
            pltpu.VMEM((OFFPAD,), jnp.int32),
            pltpu.VMEM((OFFPAD,), jnp.int32),
            pltpu.VMEM((U, PDIM), jnp.float32),
            pltpu.VMEM((U, PDIM), jnp.float32),
            pltpu.VMEM((U, DIM), jnp.float32),
            pltpu.VMEM((U, DIM), jnp.float32),
            pltpu.VMEM((4, DIM), jnp.float32),
            pltpu.VMEM((4, DIM), jnp.float32),
            pltpu.SemaphoreType.DMA,
            pltpu.SemaphoreType.DMA,
            pltpu.SemaphoreType.DMA,
            pltpu.SemaphoreType.DMA,
        ],
        compiler_params=pltpu.CompilerParams(
            use_tc_tiling_on_sc=True, needs_layout_passes=False),
    )(yh, yoff, table2, wa, wb)
    return out


def kernel(y, emb_table, conv_w):
    y = y.astype(jnp.int32).reshape(-1)
    yh = y >> 1
    yoff = (y & 1) * DIM
    table2 = emb_table.reshape(VOCAB // 2, PDIM)
    wa = jnp.transpose(conv_w[:, :, 0], (1, 0))
    wb = jnp.transpose(conv_w[:, :, 1], (1, 0))
    return _decoder(yh, yoff, table2, wa, wb)

# --- scband reference (transcript-rebuilt; emitter-appended) ---
"""Pipeline reference for scband-decoder-62895501083275 (READ-ONLY COPY).

The authoritative reference and input builder live on the scoring server;
editing this copy changes nothing except your own understanding.
"""

import jax, jax.numpy as jnp
import numpy as np

VOCAB = 1000000
DIM = 64
CONTEXT = 2
GROUPS = DIM // 4
B, U = 4096, 200

def setup_inputs(seed: int = 0) -> dict:
    key = jax.random.key(seed)
    k1, k2, k3 = jax.random.split(key, 3)
    y = jax.random.randint(k1, (B, U), 0, VOCAB, dtype=jnp.int32)
    emb_table = jax.random.normal(k2, (VOCAB, DIM), dtype=jnp.float32) * 0.02
    # Conv1d(in=DIM, out=DIM, kernel=CONTEXT, groups=GROUPS, bias=False)
    # weight shape (out_channels, in_channels // groups, kernel)
    conv_w = jax.random.normal(k3, (DIM, DIM // GROUPS, CONTEXT), dtype=jnp.float32) * 0.1
    return {"y": y, "emb_table": emb_table, "conv_w": conv_w}

def reference(y, emb_table, conv_w):
    y = y.astype(jnp.int32)
    mask = (y >= 0)
    # embedding(y.clamp(min=0)) * (y >= 0).unsqueeze(-1)
    emb = jnp.take(emb_table, jnp.maximum(y, 0), axis=0)
    emb = emb * mask[..., None].astype(emb.dtype)
    # context_size > 1 branch, need_pad=True
    x = jnp.transpose(emb, (0, 2, 1))  # (N, C, U)
    x = jnp.pad(x, ((0, 0), (0, 0), (CONTEXT - 1, 0)))  # left pad
    out = jax.lax.conv_general_dilated(
        x, conv_w,
        window_strides=(1,),
        padding='VALID',
        dimension_numbers=('NCH', 'OIH', 'NCH'),
        feature_group_count=GROUPS,
    )
    out = jnp.transpose(out, (0, 2, 1))  # (N, U, C)
    return jax.nn.relu(out)

if __name__ == "__main__":
    import jax
    _d = setup_inputs()
    print(jax.jit(kernel)(*tuple(_d.values())))

</pallas_src>

<mosaic_0001>
#map = affine_map<(d0, d1) -> (0)>
#map1 = affine_map<(d0, d1) -> (0, 0)>
#map2 = affine_map<(d0, d1) -> (0, 0, 0)>
module attributes {stable_mosaic.version = 14 : i64} {
  func.func @_decoder_body(%arg0: i32, %arg1: i32, %arg2: memref<819200xi32, #tpu.memory_space<hbm>>, %arg3: memref<819200xi32, #tpu.memory_space<hbm>>, %arg4: memref<500000x128xf32, #tpu.memory_space<hbm>>, %arg5: memref<4x64xf32, #tpu.memory_space<hbm>>, %arg6: memref<4x64xf32, #tpu.memory_space<hbm>>, %arg7: memref<4096x200x64xf32, #tpu.memory_space<hbm>>, %arg8: memref<200xi32, #tpu.memory_space<vmem>>, %arg9: memref<200xi32, #tpu.memory_space<vmem>>, %arg10: memref<208xi32, #tpu.memory_space<vmem>>, %arg11: memref<208xi32, #tpu.memory_space<vmem>>, %arg12: memref<200x128xf32, #tpu.memory_space<vmem>>, %arg13: memref<200x128xf32, #tpu.memory_space<vmem>>, %arg14: memref<200x64xf32, #tpu.memory_space<vmem>>, %arg15: memref<200x64xf32, #tpu.memory_space<vmem>>, %arg16: memref<4x64xf32, #tpu.memory_space<vmem>>, %arg17: memref<4x64xf32, #tpu.memory_space<vmem>>, %arg18: memref<!tpu.dma_semaphore, #tpu.memory_space<semaphore_mem>>, %arg19: memref<!tpu.dma_semaphore, #tpu.memory_space<semaphore_mem>>, %arg20: memref<!tpu.dma_semaphore, #tpu.memory_space<semaphore_mem>>, %arg21: memref<!tpu.dma_semaphore, #tpu.memory_space<semaphore_mem>>) attributes {dimension_semantics = [#tpu.dimension_semantics<core_parallel>, #tpu.dimension_semantics<subcore_parallel>], iteration_bounds = array<i64: 2, 16>, scalar_prefetch = 0 : i64, scratch_operands = 14 : i64, tpu.core_type = #tpu.core_type<sc_vector_subcore>, window_params = [{transform_indices = #map}, {transform_indices = #map}, {transform_indices = #map1}, {transform_indices = #map1}, {transform_indices = #map1}, {transform_indices = #map2}]} {
    %mul3A = arith.constant 2 : i32
    %mul3A_0 = arith.muli %arg1, %mul3A : i32
    %add3A = arith.addi %mul3A_0, %arg0 : i32
    %mul3A_1 = arith.constant 128 : i32
    %mul3A_2 = arith.muli %add3A, %mul3A_1 : i32
    "tpu.region"() ({
      %run_scoped3A = tpu.sem_alloc : memref<!tpu.dma_semaphore, #tpu.memory_space<semaphore_mem>>
      tpu.enqueue_dma source(%arg5 : memref<4x64xf32, #tpu.memory_space<hbm>>) target(%arg16 : memref<4x64xf32, #tpu.memory_space<vmem>>) target_semaphore(%run_scoped3A : memref<!tpu.dma_semaphore, #tpu.memory_space<semaphore_mem>>)
      tpu.wait_dma2 semaphore(%run_scoped3A : memref<!tpu.dma_semaphore, #tpu.memory_space<semaphore_mem>>) src(%arg5 : memref<4x64xf32, #tpu.memory_space<hbm>>) dst(%arg16 : memref<4x64xf32, #tpu.memory_space<vmem>>)
      tpu.yield
    }) : () -> ()
    "tpu.region"() ({
      %run_scoped3A = tpu.sem_alloc : memref<!tpu.dma_semaphore, #tpu.memory_space<semaphore_mem>>
      tpu.enqueue_dma source(%arg6 : memref<4x64xf32, #tpu.memory_space<hbm>>) target(%arg17 : memref<4x64xf32, #tpu.memory_space<vmem>>) target_semaphore(%run_scoped3A : memref<!tpu.dma_semaphore, #tpu.memory_space<semaphore_mem>>)
      tpu.wait_dma2 semaphore(%run_scoped3A : memref<!tpu.dma_semaphore, #tpu.memory_space<semaphore_mem>>) src(%arg6 : memref<4x64xf32, #tpu.memory_space<hbm>>) dst(%arg17 : memref<4x64xf32, #tpu.memory_space<vmem>>)
      tpu.yield
    }) : () -> ()
    %get3A = arith.constant 0 : i32
    %get3A_3 = arith.index_cast %get3A : i32 to index
    %get3A_4 = arith.constant 0 : index
    %get3A_5 = tpu.vector_load %arg16[%get3A_3, %get3A_4] {strides = array<i32>} : memref<4x64xf32, #tpu.memory_space<vmem>>, vector<16xf32>,
    %get3A_6 = arith.constant 1 : i32
    %get3A_7 = arith.index_cast %get3A_6 : i32 to index
    %get3A_8 = arith.constant 0 : index
    %get3A_9 = tpu.vector_load %arg16[%get3A_7, %get3A_8] {strides = array<i32>} : memref<4x64xf32, #tpu.memory_space<vmem>>, vector<16xf32>,
    %get3A_10 = arith.constant 2 : i32
    %get3A_11 = arith.index_cast %get3A_10 : i32 to index
    %get3A_12 = arith.constant 0 : index
    %get3A_13 = tpu.vector_load %arg16[%get3A_11, %get3A_12] {strides = array<i32>} : memref<4x64xf32, #tpu.memory_space<vmem>>, vector<16xf32>,
    %get3A_14 = arith.constant 3 : i32
    %get3A_15 = arith.index_cast %get3A_14 : i32 to index
    %get3A_16 = arith.constant 0 : index
    %get3A_17 = tpu.vector_load %arg16[%get3A_15, %get3A_16] {strides = array<i32>} : memref<4x64xf32, #tpu.memory_space<vmem>>, vector<16xf32>,
    %get3A_18 = arith.constant 0 : i32
    %get3A_19 = arith.index_cast %get3A_18 : i32 to index
    %get3A_20 = arith.constant 16 : index
    %get3A_21 = tpu.vector_load %arg16[%get3A_19, %get3A_20] {strides = array<i32>} : memref<4x64xf32, #tpu.memory_space<vmem>>, vector<16xf32>,
    %get3A_22 = arith.constant 1 : i32
    %get3A_23 = arith.index_cast %get3A_22 : i32 to index
    %get3A_24 = arith.constant 16 : index
    %get3A_25 = tpu.vector_load %arg16[%get3A_23, %get3A_24] {strides = array<i32>} : memref<4x64xf32, #tpu.memory_space<vmem>>, vector<16xf32>,
    %get3A_26 = arith.constant 2 : i32
    %get3A_27 = arith.index_cast %get3A_26 : i32 to index
    %get3A_28 = arith.constant 16 : index
    %get3A_29 = tpu.vector_load %arg16[%get3A_27, %get3A_28] {strides = array<i32>} : memref<4x64xf32, #tpu.memory_space<vmem>>, vector<16xf32>,
    %get3A_30 = arith.constant 3 : i32
    %get3A_31 = arith.index_cast %get3A_30 : i32 to index
    %get3A_32 = arith.constant 16 : index
    %get3A_33 = tpu.vector_load %arg16[%get3A_31, %get3A_32] {strides = array<i32>} : memref<4x64xf32, #tpu.memory_space<vmem>>, vector<16xf32>,
    %get3A_34 = arith.constant 0 : i32
    %get3A_35 = arith.index_cast %get3A_34 : i32 to index
    %get3A_36 = arith.constant 32 : index
    %get3A_37 = tpu.vector_load %arg16[%get3A_35, %get3A_36] {strides = array<i32>} : memref<4x64xf32, #tpu.memory_space<vmem>>, vector<16xf32>,
    %get3A_38 = arith.constant 1 : i32
    %get3A_39 = arith.index_cast %get3A_38 : i32 to index
    %get3A_40 = arith.constant 32 : index
    %get3A_41 = tpu.vector_load %arg16[%get3A_39, %get3A_40] {strides = array<i32>} : memref<4x64xf32, #tpu.memory_space<vmem>>, vector<16xf32>,
    %get3A_42 = arith.constant 2 : i32
    %get3A_43 = arith.index_cast %get3A_42 : i32 to index
    %get3A_44 = arith.constant 32 : index
    %get3A_45 = tpu.vector_load %arg16[%get3A_43, %get3A_44] {strides = array<i32>} : memref<4x64xf32, #tpu.memory_space<vmem>>, vector<16xf32>,
    %get3A_46 = arith.constant 3 : i32
    %get3A_47 = arith.index_cast %get3A_46 : i32 to index
    %get3A_48 = arith.constant 32 : index
    %get3A_49 = tpu.vector_load %arg16[%get3A_47, %get3A_48] {strides = array<i32>} : memref<4x64xf32, #tpu.memory_space<vmem>>, vector<16xf32>,
    %get3A_50 = arith.constant 0 : i32
    %get3A_51 = arith.index_cast %get3A_50 : i32 to index
    %get3A_52 = arith.constant 48 : index
    %get3A_53 = tpu.vector_load %arg16[%get3A_51, %get3A_52] {strides = array<i32>} : memref<4x64xf32, #tpu.memory_space<vmem>>, vector<16xf32>,
    %get3A_54 = arith.constant 1 : i32
    %get3A_55 = arith.index_cast %get3A_54 : i32 to index
    %get3A_56 = arith.constant 48 : index
    %get3A_57 = tpu.vector_load %arg16[%get3A_55, %get3A_56] {strides = array<i32>} : memref<4x64xf32, #tpu.memory_space<vmem>>, vector<16xf32>,
    %get3A_58 = arith.constant 2 : i32
    %get3A_59 = arith.index_cast %get3A_58 : i32 to index
    %get3A_60 = arith.constant 48 : index
    %get3A_61 = tpu.vector_load %arg16[%get3A_59, %get3A_60] {strides = array<i32>} : memref<4x64xf32, #tpu.memory_space<vmem>>, vector<16xf32>,
    %get3A_62 = arith.constant 3 : i32
    %get3A_63 = arith.index_cast %get3A_62 : i32 to index
    %get3A_64 = arith.constant 48 : index
    %get3A_65 = tpu.vector_load %arg16[%get3A_63, %get3A_64] {strides = array<i32>} : memref<4x64xf32, #tpu.memory_space<vmem>>, vector<16xf32>,
    %get3A_66 = arith.constant 0 : i32
    %get3A_67 = arith.index_cast %get3A_66 : i32 to index
    %get3A_68 = arith.constant 0 : index
    %get3A_69 = tpu.vector_load %arg17[%get3A_67, %get3A_68] {strides = array<i32>} : memref<4x64xf32, #tpu.memory_space<vmem>>, vector<16xf32>,
    %get3A_70 = arith.constant 1 : i32
    %get3A_71 = arith.index_cast %get3A_70 : i32 to index
    %get3A_72 = arith.constant 0 : index
    %get3A_73 = tpu.vector_load %arg17[%get3A_71, %get3A_72] {strides = array<i32>} : memref<4x64xf32, #tpu.memory_space<vmem>>, vector<16xf32>,
    %get3A_74 = arith.constant 2 : i32
    %get3A_75 = arith.index_cast %get3A_74 : i32 to index
    %get3A_76 = arith.constant 0 : index
    %get3A_77 = tpu.vector_load %arg17[%get3A_75, %get3A_76] {strides = array<i32>} : memref<4x64xf32, #tpu.memory_space<vmem>>, vector<16xf32>,
    %get3A_78 = arith.constant 3 : i32
    %get3A_79 = arith.index_cast %get3A_78 : i32 to index
    %get3A_80 = arith.constant 0 : index
    %get3A_81 = tpu.vector_load %arg17[%get3A_79, %get3A_80] {strides = array<i32>} : memref<4x64xf32, #tpu.memory_space<vmem>>, vector<16xf32>,
    %get3A_82 = arith.constant 0 : i32
    %get3A_83 = arith.index_cast %get3A_82 : i32 to index
    %get3A_84 = arith.constant 16 : index
    %get3A_85 = tpu.vector_load %arg17[%get3A_83, %get3A_84] {strides = array<i32>} : memref<4x64xf32, #tpu.memory_space<vmem>>, vector<16xf32>,
    %get3A_86 = arith.constant 1 : i32
    %get3A_87 = arith.index_cast %get3A_86 : i32 to index
    %get3A_88 = arith.constant 16 : index
    %get3A_89 = tpu.vector_load %arg17[%get3A_87, %get3A_88] {strides = array<i32>} : memref<4x64xf32, #tpu.memory_space<vmem>>, vector<16xf32>,
    %get3A_90 = arith.constant 2 : i32
    %get3A_91 = arith.index_cast %get3A_90 : i32 to index
    %get3A_92 = arith.constant 16 : index
    %get3A_93 = tpu.vector_load %arg17[%get3A_91, %get3A_92] {strides = array<i32>} : memref<4x64xf32, #tpu.memory_space<vmem>>, vector<16xf32>,
    %get3A_94 = arith.constant 3 : i32
    %get3A_95 = arith.index_cast %get3A_94 : i32 to index
    %get3A_96 = arith.constant 16 : index
    %get3A_97 = tpu.vector_load %arg17[%get3A_95, %get3A_96] {strides = array<i32>} : memref<4x64xf32, #tpu.memory_space<vmem>>, vector<16xf32>,
    %get3A_98 = arith.constant 0 : i32
    %get3A_99 = arith.index_cast %get3A_98 : i32 to index
    %get3A_100 = arith.constant 32 : index
    %get3A_101 = tpu.vector_load %arg17[%get3A_99, %get3A_100] {strides = array<i32>} : memref<4x64xf32, #tpu.memory_space<vmem>>, vector<16xf32>,
    %get3A_102 = arith.constant 1 : i32
    %get3A_103 = arith.index_cast %get3A_102 : i32 to index
    %get3A_104 = arith.constant 32 : index
    %get3A_105 = tpu.vector_load %arg17[%get3A_103, %get3A_104] {strides = array<i32>} : memref<4x64xf32, #tpu.memory_space<vmem>>, vector<16xf32>,
    %get3A_106 = arith.constant 2 : i32
    %get3A_107 = arith.index_cast %get3A_106 : i32 to index
    %get3A_108 = arith.constant 32 : index
    %get3A_109 = tpu.vector_load %arg17[%get3A_107, %get3A_108] {strides = array<i32>} : memref<4x64xf32, #tpu.memory_space<vmem>>, vector<16xf32>,
    %get3A_110 = arith.constant 3 : i32
    %get3A_111 = arith.index_cast %get3A_110 : i32 to index
    %get3A_112 = arith.constant 32 : index
    %get3A_113 = tpu.vector_load %arg17[%get3A_111, %get3A_112] {strides = array<i32>} : memref<4x64xf32, #tpu.memory_space<vmem>>, vector<16xf32>,
    %get3A_114 = arith.constant 0 : i32
    %get3A_115 = arith.index_cast %get3A_114 : i32 to index
    %get3A_116 = arith.constant 48 : index
    %get3A_117 = tpu.vector_load %arg17[%get3A_115, %get3A_116] {strides = array<i32>} : memref<4x64xf32, #tpu.memory_space<vmem>>, vector<16xf32>,
    %get3A_118 = arith.constant 1 : i32
    %get3A_119 = arith.index_cast %get3A_118 : i32 to index
    %get3A_120 = arith.constant 48 : index
    %get3A_121 = tpu.vector_load %arg17[%get3A_119, %get3A_120] {strides = array<i32>} : memref<4x64xf32, #tpu.memory_space<vmem>>, vector<16xf32>,
    %get3A_122 = arith.constant 2 : i32
    %get3A_123 = arith.index_cast %get3A_122 : i32 to index
    %get3A_124 = arith.constant 48 : index
    %get3A_125 = tpu.vector_load %arg17[%get3A_123, %get3A_124] {strides = array<i32>} : memref<4x64xf32, #tpu.memory_space<vmem>>, vector<16xf32>,
    %get3A_126 = arith.constant 3 : i32
    %get3A_127 = arith.index_cast %get3A_126 : i32 to index
    %get3A_128 = arith.constant 48 : index
    %get3A_129 = tpu.vector_load %arg17[%get3A_127, %get3A_128] {strides = array<i32>} : memref<4x64xf32, #tpu.memory_space<vmem>>, vector<16xf32>,
    %iota3A = tpu.iota {dimensions = array<i32: 0>} : vector<16xi32>
    %and3A = arith.constant -4 : i32
    %and3A_130 = vector.broadcast %and3A : i32 to vector<16xi32>
    %and3A_131 = arith.andi %iota3A, %and3A_130 : vector<16xi32>
    %add3A_132 = arith.constant 0 : i32
    %add3A_133 = vector.broadcast %add3A_132 : i32 to vector<16xi32>
    %add3A_134 = arith.addi %and3A_131, %add3A_133 : vector<16xi32>
    %add3A_135 = arith.constant 1 : i32
    %add3A_136 = vector.broadcast %add3A_135 : i32 to vector<16xi32>
    %add3A_137 = arith.addi %and3A_131, %add3A_136 : vector<16xi32>
    %add3A_138 = arith.constant 2 : i32
    %add3A_139 = vector.broadcast %add3A_138 : i32 to vector<16xi32>
    %add3A_140 = arith.addi %and3A_131, %add3A_139 : vector<16xi32>
    %add3A_141 = arith.constant 3 : i32
    %add3A_142 = vector.broadcast %add3A_141 : i32 to vector<16xi32>
    %add3A_143 = arith.addi %and3A_131, %add3A_142 : vector<16xi32>
    %broadcast_in_dim3A = arith.constant 0.000000e+00 : f32
    %broadcast_in_dim3A_144 = vector.broadcast %broadcast_in_dim3A : f32 to vector<16xf32>
    %mul3A_145 = arith.constant 200 : i32
    %mul3A_146 = arith.muli %mul3A_2, %mul3A_145 : i32
    "tpu.region"() ({
      %run_scoped3A = tpu.sem_alloc : memref<!tpu.dma_semaphore, #tpu.memory_space<semaphore_mem>>
      %dma_start3A_189 = tpu.memref_slice %arg2[%mul3A_146] : memref<819200xi32, #tpu.memory_space<hbm>> -> memref<200xi32, #tpu.memory_space<hbm>>
      %dma_start3A_190 = tpu.memref_slice %arg2[%mul3A_146] : memref<819200xi32, #tpu.memory_space<hbm>> -> memref<200xi32, #tpu.memory_space<hbm>>
      tpu.enqueue_dma source(%dma_start3A_190 : memref<200xi32, #tpu.memory_space<hbm>>) target(%arg8 : memref<200xi32, #tpu.memory_space<vmem>>) target_semaphore(%run_scoped3A : memref<!tpu.dma_semaphore, #tpu.memory_space<semaphore_mem>>)
      %dma_wait3A_191 = tpu.memref_slice %arg2[%mul3A_146] : memref<819200xi32, #tpu.memory_space<hbm>> -> memref<200xi32, #tpu.memory_space<hbm>>
      %dma_wait3A_192 = tpu.memref_slice %arg2[%mul3A_146] : memref<819200xi32, #tpu.memory_space<hbm>> -> memref<200xi32, #tpu.memory_space<hbm>>
      tpu.wait_dma2 semaphore(%run_scoped3A : memref<!tpu.dma_semaphore, #tpu.memory_space<semaphore_mem>>) src(%dma_wait3A_192 : memref<200xi32, #tpu.memory_space<hbm>>) dst(%arg8 : memref<200xi32, #tpu.memory_space<vmem>>)
      tpu.yield
    }) : () -> ()
    %mul3A_147 = arith.constant 200 : i32
    %mul3A_148 = arith.muli %mul3A_2, %mul3A_147 : i32
    "tpu.region"() ({
      %run_scoped3A = tpu.sem_alloc : memref<!tpu.dma_semaphore, #tpu.memory_space<semaphore_mem>>
      %dma_start3A_189 = arith.constant 0 : i32
      %dma_start3A_190 = tpu.memref_slice %arg10[%dma_start3A_189] : memref<208xi32, #tpu.memory_space<vmem>> -> memref<200xi32, #tpu.memory_space<vmem>>
      %dma_start3A_191 = tpu.memref_slice %arg3[%mul3A_148] : memref<819200xi32, #tpu.memory_space<hbm>> -> memref<200xi32, #tpu.memory_space<hbm>>
      %dma_start3A_192 = arith.constant 0 : i32
      %dma_start3A_193 = tpu.memref_slice %arg10[%dma_start3A_192] : memref<208xi32, #tpu.memory_space<vmem>> -> memref<200xi32, #tpu.memory_space<vmem>>
      %dma_start3A_194 = tpu.memref_slice %arg3[%mul3A_148] : memref<819200xi32, #tpu.memory_space<hbm>> -> memref<200xi32, #tpu.memory_space<hbm>>
      tpu.enqueue_dma source(%dma_start3A_194 : memref<200xi32, #tpu.memory_space<hbm>>) target(%dma_start3A_193 : memref<200xi32, #tpu.memory_space<vmem>>) target_semaphore(%run_scoped3A : memref<!tpu.dma_semaphore, #tpu.memory_space<semaphore_mem>>)
      %dma_wait3A_195 = arith.constant 0 : i32
      %dma_wait3A_196 = tpu.memref_slice %arg10[%dma_wait3A_195] : memref<208xi32, #tpu.memory_space<vmem>> -> memref<200xi32, #tpu.memory_space<vmem>>
      %dma_wait3A_197 = tpu.memref_slice %arg3[%mul3A_148] : memref<819200xi32, #tpu.memory_space<hbm>> -> memref<200xi32, #tpu.memory_space<hbm>>
      %dma_wait3A_198 = arith.constant 0 : i32
      %dma_wait3A_199 = tpu.memref_slice %arg10[%dma_wait3A_198] : memref<208xi32, #tpu.memory_space<vmem>> -> memref<200xi32, #tpu.memory_space<vmem>>
      %dma_wait3A_200 = tpu.memref_slice %arg3[%mul3A_148] : memref<819200xi32, #tpu.memory_space<hbm>> -> memref<200xi32, #tpu.memory_space<hbm>>
      tpu.wait_dma2 semaphore(%run_scoped3A : memref<!tpu.dma_semaphore, #tpu.memory_space<semaphore_mem>>) src(%dma_wait3A_200 : memref<200xi32, #tpu.memory_space<hbm>>) dst(%dma_wait3A_199 : memref<200xi32, #tpu.memory_space<vmem>>)
      tpu.yield
    }) : () -> ()
    %dma_start3A = arith.constant 0 : i32
    %dma_start3A_149 = arith.constant 0 : i32
    %dma_start3A_150 = tpu.memref_slice %arg12[%dma_start3A, %dma_start3A_149] : memref<200x128xf32, #tpu.memory_space<vmem>> -> memref<128x128xf32, #tpu.memory_space<vmem>>
    %dma_start3A_151 = arith.constant 0 : i32
    %dma_start3A_152 = tpu.memref_slice %arg8[%dma_start3A_151] : memref<200xi32, #tpu.memory_space<vmem>> -> memref<128xi32, #tpu.memory_space<vmem>>
    %dma_start3A_153 = arith.constant 0 : i32
    %dma_start3A_154 = arith.constant 0 : i32
    %dma_start3A_155 = tpu.memref_slice %arg4[%dma_start3A_153, %dma_start3A_154] : memref<500000x128xf32, #tpu.memory_space<hbm>> -> memref<500000x128xf32, #tpu.memory_space<hbm>>
    tpu.enqueue_indirect_dma source(%dma_start3A_155 : memref<500000x128xf32, #tpu.memory_space<hbm>>) target(%dma_start3A_150 : memref<128x128xf32, #tpu.memory_space<vmem>>) offsets(%dma_start3A_152 : memref<128xi32, #tpu.memory_space<vmem>>) semaphore(%arg18 : memref<!tpu.dma_semaphore, #tpu.memory_space<semaphore_mem>>)
    %dma_start3A_156 = arith.constant 128 : i32
    %dma_start3A_157 = arith.constant 0 : i32
    %dma_start3A_158 = tpu.memref_slice %arg12[%dma_start3A_156, %dma_start3A_157] : memref<200x128xf32, #tpu.memory_space<vmem>> -> memref<72x128xf32, #tpu.memory_space<vmem>>
    %dma_start3A_159 = arith.constant 128 : i32
    %dma_start3A_160 = tpu.memref_slice %arg8[%dma_start3A_159] : memref<200xi32, #tpu.memory_space<vmem>> -> memref<72xi32, #tpu.memory_space<vmem>>
    %dma_start3A_161 = arith.constant 0 : i32
    %dma_start3A_162 = arith.constant 0 : i32
    %dma_start3A_163 = tpu.memref_slice %arg4[%dma_start3A_161, %dma_start3A_162] : memref<500000x128xf32, #tpu.memory_space<hbm>> -> memref<500000x128xf32, #tpu.memory_space<hbm>>
    tpu.enqueue_indirect_dma source(%dma_start3A_163 : memref<500000x128xf32, #tpu.memory_space<hbm>>) target(%dma_start3A_158 : memref<72x128xf32, #tpu.memory_space<vmem>>) offsets(%dma_start3A_160 : memref<72xi32, #tpu.memory_space<vmem>>) semaphore(%arg18 : memref<!tpu.dma_semaphore, #tpu.memory_space<semaphore_mem>>)
    %scan3A = arith.constant 0 : i32
    %scan3A_164 = arith.constant 0 : i32
    %scan3A_165 = arith.constant 64 : i32
    %scan3A_166 = arith.addi %scan3A_164, %scan3A_165 : i32
    %scan3A_167 = arith.constant 1 : i32
    scf.for %scan3A_189 = %scan3A_164 to %scan3A_166 step %scan3A_167  : i32 {
      %mul3A_190 = arith.constant 2 : i32
      %mul3A_191 = arith.muli %mul3A_190, %scan3A_189 : i32
      %add3A_192 = arith.addi %mul3A_2, %mul3A_191 : i32
      %add3A_193 = arith.constant 1 : i32
      %add3A_194 = arith.addi %add3A_192, %add3A_193 : i32
      %mul3A_195 = arith.constant 200 : i32
      %mul3A_196 = arith.muli %add3A_194, %mul3A_195 : i32
      "tpu.region"() ({
        %run_scoped3A = tpu.sem_alloc : memref<!tpu.dma_semaphore, #tpu.memory_space<semaphore_mem>>
        %dma_start3A_300 = tpu.memref_slice %arg2[%mul3A_196] : memref<819200xi32, #tpu.memory_space<hbm>> -> memref<200xi32, #tpu.memory_space<hbm>>
        %dma_start3A_301 = tpu.memref_slice %arg2[%mul3A_196] : memref<819200xi32, #tpu.memory_space<hbm>> -> memref<200xi32, #tpu.memory_space<hbm>>
        tpu.enqueue_dma source(%dma_start3A_301 : memref<200xi32, #tpu.memory_space<hbm>>) target(%arg9 : memref<200xi32, #tpu.memory_space<vmem>>) target_semaphore(%run_scoped3A : memref<!tpu.dma_semaphore, #tpu.memory_space<semaphore_mem>>)
        %dma_wait3A_302 = tpu.memref_slice %arg2[%mul3A_196] : memref<819200xi32, #tpu.memory_space<hbm>> -> memref<200xi32, #tpu.memory_space<hbm>>
        %dma_wait3A_303 = tpu.memref_slice %arg2[%mul3A_196] : memref<819200xi32, #tpu.memory_space<hbm>> -> memref<200xi32, #tpu.memory_space<hbm>>
        tpu.wait_dma2 semaphore(%run_scoped3A : memref<!tpu.dma_semaphore, #tpu.memory_space<semaphore_mem>>) src(%dma_wait3A_303 : memref<200xi32, #tpu.memory_space<hbm>>) dst(%arg9 : memref<200xi32, #tpu.memory_space<vmem>>)
        tpu.yield
      }) : () -> ()
      %mul3A_197 = arith.constant 200 : i32
      %mul3A_198 = arith.muli %add3A_194, %mul3A_197 : i32
      "tpu.region"() ({
        %run_scoped3A = tpu.sem_alloc : memref<!tpu.dma_semaphore, #tpu.memory_space<semaphore_mem>>
        %dma_start3A_300 = arith.constant 0 : i32
        %dma_start3A_301 = tpu.memref_slice %arg11[%dma_start3A_300] : memref<208xi32, #tpu.memory_space<vmem>> -> memref<200xi32, #tpu.memory_space<vmem>>
        %dma_start3A_302 = tpu.memref_slice %arg3[%mul3A_198] : memref<819200xi32, #tpu.memory_space<hbm>> -> memref<200xi32, #tpu.memory_space<hbm>>
        %dma_start3A_303 = arith.constant 0 : i32
        %dma_start3A_304 = tpu.memref_slice %arg11[%dma_start3A_303] : memref<208xi32, #tpu.memory_space<vmem>> -> memref<200xi32, #tpu.memory_space<vmem>>
        %dma_start3A_305 = tpu.memref_slice %arg3[%mul3A_198] : memref<819200xi32, #tpu.memory_space<hbm>> -> memref<200xi32, #tpu.memory_space<hbm>>
        tpu.enqueue_dma source(%dma_start3A_305 : memref<200xi32, #tpu.memory_space<hbm>>) target(%dma_start3A_304 : memref<200xi32, #tpu.memory_space<vmem>>) target_semaphore(%run_scoped3A : memref<!tpu.dma_semaphore, #tpu.memory_space<semaphore_mem>>)
        %dma_wait3A_306 = arith.constant 0 : i32
        %dma_wait3A_307 = tpu.memref_slice %arg11[%dma_wait3A_306] : memref<208xi32, #tpu.memory_space<vmem>> -> memref<200xi32, #tpu.memory_space<vmem>>
        %dma_wait3A_308 = tpu.memref_slice %arg3[%mul3A_198] : memref<819200xi32, #tpu.memory_space<hbm>> -> memref<200xi32, #tpu.memory_space<hbm>>
        %dma_wait3A_309 = arith.constant 0 : i32
        %dma_wait3A_310 = tpu.memref_slice %arg11[%dma_wait3A_309] : memref<208xi32, #tpu.memory_space<vmem>> -> memref<200xi32, #tpu.memory_space<vmem>>
        %dma_wait3A_311 = tpu.memref_slice %arg3[%mul3A_198] : memref<819200xi32, #tpu.memory_space<hbm>> -> memref<200xi32, #tpu.memory_space<hbm>>
        tpu.wait_dma2 semaphore(%run_scoped3A : memref<!tpu.dma_semaphore, #tpu.memory_space<semaphore_mem>>) src(%dma_wait3A_311 : memref<200xi32, #tpu.memory_space<hbm>>) dst(%dma_wait3A_310 : memref<200xi32, #tpu.memory_space<vmem>>)
        tpu.yield
      }) : () -> ()
      %dma_start3A_199 = arith.constant 0 : i32
      %dma_start3A_200 = arith.constant 0 : i32
      %dma_start3A_201 = tpu.memref_slice %arg13[%dma_start3A_199, %dma_start3A_200] : memref<200x128xf32, #tpu.memory_space<vmem>> -> memref<128x128xf32, #tpu.memory_space<vmem>>
      %dma_start3A_202 = arith.constant 0 : i32
      %dma_start3A_203 = tpu.memref_slice %arg9[%dma_start3A_202] : memref<200xi32, #tpu.memory_space<vmem>> -> memref<128xi32, #tpu.memory_space<vmem>>
      %dma_start3A_204 = arith.constant 0 : i32
      %dma_start3A_205 = arith.constant 0 : i32
      %dma_start3A_206 = tpu.memref_slice %arg4[%dma_start3A_204, %dma_start3A_205] : memref<500000x128xf32, #tpu.memory_space<hbm>> -> memref<500000x128xf32, #tpu.memory_space<hbm>>
      tpu.enqueue_indirect_dma source(%dma_start3A_206 : memref<500000x128xf32, #tpu.memory_space<hbm>>) target(%dma_start3A_201 : memref<128x128xf32, #tpu.memory_space<vmem>>) offsets(%dma_start3A_203 : memref<128xi32, #tpu.memory_space<vmem>>) semaphore(%arg19 : memref<!tpu.dma_semaphore, #tpu.memory_space<semaphore_mem>>)
      %dma_start3A_207 = arith.constant 128 : i32
      %dma_start3A_208 = arith.constant 0 : i32
      %dma_start3A_209 = tpu.memref_slice %arg13[%dma_start3A_207, %dma_start3A_208] : memref<200x128xf32, #tpu.memory_space<vmem>> -> memref<72x128xf32, #tpu.memory_space<vmem>>
      %dma_start3A_210 = arith.constant 128 : i32
      %dma_start3A_211 = tpu.memref_slice %arg9[%dma_start3A_210] : memref<200xi32, #tpu.memory_space<vmem>> -> memref<72xi32, #tpu.memory_space<vmem>>
      %dma_start3A_212 = arith.constant 0 : i32
      %dma_start3A_213 = arith.constant 0 : i32
      %dma_start3A_214 = tpu.memref_slice %arg4[%dma_start3A_212, %dma_start3A_213] : memref<500000x128xf32, #tpu.memory_space<hbm>> -> memref<500000x128xf32, #tpu.memory_space<hbm>>
      tpu.enqueue_indirect_dma source(%dma_start3A_214 : memref<500000x128xf32, #tpu.memory_space<hbm>>) target(%dma_start3A_209 : memref<72x128xf32, #tpu.memory_space<vmem>>) offsets(%dma_start3A_211 : memref<72xi32, #tpu.memory_space<vmem>>) semaphore(%arg19 : memref<!tpu.dma_semaphore, #tpu.memory_space<semaphore_mem>>)
      %dma_wait3A_215 = arith.constant 0 : i32
      %dma_wait3A_216 = arith.constant 0 : i32
      %dma_wait3A_217 = tpu.memref_slice %arg12[%dma_wait3A_215, %dma_wait3A_216] : memref<200x128xf32, #tpu.memory_space<vmem>> -> memref<128x128xf32, #tpu.memory_space<vmem>>
      %dma_wait3A_218 = arith.constant 0 : i32
      %dma_wait3A_219 = tpu.memref_slice %arg8[%dma_wait3A_218] : memref<200xi32, #tpu.memory_space<vmem>> -> memref<128xi32, #tpu.memory_space<vmem>>
      %dma_wait3A_220 = arith.constant 0 : i32
      %dma_wait3A_221 = arith.constant 0 : i32
      %dma_wait3A_222 = tpu.memref_slice %arg4[%dma_wait3A_220, %dma_wait3A_221] : memref<500000x128xf32, #tpu.memory_space<hbm>> -> memref<500000x128xf32, #tpu.memory_space<hbm>>
      tpu.wait_indirect_dma semaphore(%arg18 : memref<!tpu.dma_semaphore, #tpu.memory_space<semaphore_mem>>) src(%dma_wait3A_222 : memref<500000x128xf32, #tpu.memory_space<hbm>>) dst(%dma_wait3A_217 : memref<128x128xf32, #tpu.memory_space<vmem>>)
      %gt3A = arith.constant 0 : i32
      %gt3A_223 = arith.cmpi sgt, %scan3A_189, %gt3A : i32
      %convert_element_type3A = arith.extui %gt3A_223 : i1 to i32
      %cond3A = arith.constant 0 : i32
      %cond3A_224 = arith.cmpi ne, %convert_element_type3A, %cond3A : i32
      scf.if %cond3A_224 {
        %dma_wait3A_300 = arith.constant 0 : i32
        %dma_wait3A_301 = arith.constant 0 : i32
        %dma_wait3A_302 = tpu.memref_slice %arg7[%add3A_192, %dma_wait3A_300, %dma_wait3A_301] : memref<4096x200x64xf32, #tpu.memory_space<hbm>> -> memref<1x200x64xf32, #tpu.memory_space<hbm>>
        %dma_wait3A_303 = tpu.memref_squeeze %dma_wait3A_302 : memref<1x200x64xf32, #tpu.memory_space<hbm>> -> memref<200x64xf32, #tpu.memory_space<hbm>>
        %dma_wait3A_304 = arith.constant 0 : i32
        %dma_wait3A_305 = arith.constant 0 : i32
        %dma_wait3A_306 = tpu.memref_slice %arg7[%add3A_192, %dma_wait3A_304, %dma_wait3A_305] : memref<4096x200x64xf32, #tpu.memory_space<hbm>> -> memref<1x200x64xf32, #tpu.memory_space<hbm>>
        %dma_wait3A_307 = tpu.memref_squeeze %dma_wait3A_306 : memref<1x200x64xf32, #tpu.memory_space<hbm>> -> memref<200x64xf32, #tpu.memory_space<hbm>>
        tpu.wait_dma2 semaphore(%arg20 : memref<!tpu.dma_semaphore, #tpu.memory_space<semaphore_mem>>) src(%arg14 : memref<200x64xf32, #tpu.memory_space<vmem>>) dst(%dma_wait3A_307 : memref<200x64xf32, #tpu.memory_space<hbm>>)
      } else {
      }
      %scan3A_225 = arith.constant 0 : i32
      %scan3A_226 = arith.constant 32 : i32
      %scan3A_227 = arith.addi %scan3A_225, %scan3A_226 : i32
      %scan3A_228 = arith.constant 1 : i32
      %scan3A_229:4 = scf.for %scan3A_300 = %scan3A_225 to %scan3A_227 step %scan3A_228 iter_args(%scan3A_301 = %broadcast_in_dim3A_144, %scan3A_302 = %broadcast_in_dim3A_144, %scan3A_303 = %broadcast_in_dim3A_144, %scan3A_304 = %broadcast_in_dim3A_144) -> (vector<16xf32>, vector<16xf32>, vector<16xf32>, vector<16xf32>)  : i32 {
        %mul3A_305 = arith.constant 4 : i32
        %mul3A_306 = arith.muli %scan3A_300, %mul3A_305 : i32
        %and3A_307 = arith.constant -8 : i32
        %and3A_308 = arith.andi %mul3A_306, %and3A_307 : i32
        %get3A_309 = arith.index_cast %and3A_308 : i32 to index
        %get3A_310 = tpu.vector_load %arg10[%get3A_309] {strides = array<i32>} : memref<208xi32, #tpu.memory_space<vmem>>, vector<16xi32>,
        %sub3A_311 = arith.subi %mul3A_306, %and3A_308 : i32
        %add3A_312 = vector.broadcast %sub3A_311 : i32 to vector<16xi32>
        %add3A_313 = arith.addi %add3A_312, %iota3A : vector<16xi32>
        %and3A_314 = arith.constant 15 : i32
        %and3A_315 = vector.broadcast %and3A_314 : i32 to vector<16xi32>
        %and3A_316 = arith.andi %add3A_313, %and3A_315 : vector<16xi32>
        %broadcast_in_dim3A_317 = vector.shape_cast %and3A_316 : vector<16xi32> to vector<16x1xi32>
        %gather3A = vector.shape_cast %broadcast_in_dim3A_317 : vector<16x1xi32> to vector<16xi32>
        %gather3A_318 = tpu.dynamic_gather %get3A_310[%gather3A] in [0] : vector<16xi32>, vector<16xi32> -> vector<16xi32>
        %add3A_319 = arith.constant 0 : i32
        %add3A_320 = arith.addi %mul3A_306, %add3A_319 : i32
        %broadcast_in_dim3A_321 = arith.constant 0 : i32
        %broadcast_in_dim3A_322 = vector.broadcast %broadcast_in_dim3A_321 : i32 to vector<16xi32>
        %broadcast_in_dim3A_323 = vector.shape_cast %broadcast_in_dim3A_322 : vector<16xi32> to vector<16x1xi32>
        %gather3A_324 = vector.shape_cast %broadcast_in_dim3A_323 : vector<16x1xi32> to vector<16xi32>
        %gather3A_325 = tpu.dynamic_gather %gather3A_318[%gather3A_324] in [0] : vector<16xi32>, vector<16xi32> -> vector<16xi32>
        %ne3A = arith.constant 0 : i32
        %ne3A_326 = vector.broadcast %ne3A : i32 to vector<16xi32>
        %ne3A_327 = arith.cmpi ne, %gather3A_325, %ne3A_326 : vector<16xi32>
        %get3A_328 = arith.index_cast %add3A_320 : i32 to index
        %get3A_329 = arith.constant 0 : index
        %get3A_330 = tpu.vector_load %arg12[%get3A_328, %get3A_329] {strides = array<i32>} : memref<200x128xf32, #tpu.memory_space<vmem>>, vector<16xf32>,
        %get3A_331 = arith.index_cast %add3A_320 : i32 to index
        %get3A_332 = arith.constant 64 : index
        %get3A_333 = tpu.vector_load %arg12[%get3A_331, %get3A_332] {strides = array<i32>} : memref<200x128xf32, #tpu.memory_space<vmem>>, vector<16xf32>,
        %select_n3A = arith.select %ne3A_327, %get3A_333, %get3A_330 : vector<16xi1>, vector<16xf32>
        %broadcast_in_dim3A_334 = vector.shape_cast %add3A_134 : vector<16xi32> to vector<16x1xi32>
        %gather3A_335 = vector.shape_cast %broadcast_in_dim3A_334 : vector<16x1xi32> to vector<16xi32>
        %gather3A_336 = tpu.dynamic_gather %select_n3A[%gather3A_335] in [0] : vector<16xf32>, vector<16xi32> -> vector<16xf32>
        %broadcast_in_dim3A_337 = vector.shape_cast %add3A_137 : vector<16xi32> to vector<16x1xi32>
        %gather3A_338 = vector.shape_cast %broadcast_in_dim3A_337 : vector<16x1xi32> to vector<16xi32>
        %gather3A_339 = tpu.dynamic_gather %select_n3A[%gather3A_338] in [0] : vector<16xf32>, vector<16xi32> -> vector<16xf32>
        %broadcast_in_dim3A_340 = vector.shape_cast %add3A_140 : vector<16xi32> to vector<16x1xi32>
        %gather3A_341 = vector.shape_cast %broadcast_in_dim3A_340 : vector<16x1xi32> to vector<16xi32>
        %gather3A_342 = tpu.dynamic_gather %select_n3A[%gather3A_341] in [0] : vector<16xf32>, vector<16xi32> -> vector<16xf32>
        %broadcast_in_dim3A_343 = vector.shape_cast %add3A_143 : vector<16xi32> to vector<16x1xi32>
        %gather3A_344 = vector.shape_cast %broadcast_in_dim3A_343 : vector<16x1xi32> to vector<16xi32>
        %gather3A_345 = tpu.dynamic_gather %select_n3A[%gather3A_344] in [0] : vector<16xf32>, vector<16xi32> -> vector<16xf32>
        %mul3A_346 = arith.mulf %gather3A_336, %get3A_69 : vector<16xf32>
        %mul3A_347 = arith.mulf %gather3A_336, %get3A_5 : vector<16xf32>
        %mul3A_348 = arith.mulf %gather3A_339, %get3A_73 : vector<16xf32>
        %add3A_349 = arith.addf %mul3A_346, %mul3A_348 : vector<16xf32>
        %mul3A_350 = arith.mulf %gather3A_339, %get3A_9 : vector<16xf32>
        %add3A_351 = arith.addf %mul3A_347, %mul3A_350 : vector<16xf32>
        %mul3A_352 = arith.mulf %gather3A_342, %get3A_77 : vector<16xf32>
        %add3A_353 = arith.addf %add3A_349, %mul3A_352 : vector<16xf32>
        %mul3A_354 = arith.mulf %gather3A_342, %get3A_13 : vector<16xf32>
        %add3A_355 = arith.addf %add3A_351, %mul3A_354 : vector<16xf32>
        %mul3A_356 = arith.mulf %gather3A_345, %get3A_81 : vector<16xf32>
        %add3A_357 = arith.addf %add3A_353, %mul3A_356 : vector<16xf32>
        %mul3A_358 = arith.mulf %gather3A_345, %get3A_17 : vector<16xf32>
        %add3A_359 = arith.addf %add3A_355, %mul3A_358 : vector<16xf32>
        %add3A_360 = arith.addf %scan3A_301, %add3A_357 : vector<16xf32>
        %max3A = arith.constant 0.000000e+00 : f32
        %max3A_361 = vector.broadcast %max3A : f32 to vector<16xf32>
        %max3A_362 = arith.maximumf %add3A_360, %max3A_361 : vector<16xf32>
        %get3A_363 = arith.index_cast %add3A_320 : i32 to index
        %get3A_364 = arith.constant 16 : index
        %get3A_365 = tpu.vector_load %arg12[%get3A_363, %get3A_364] {strides = array<i32>} : memref<200x128xf32, #tpu.memory_space<vmem>>, vector<16xf32>,
        %get3A_366 = arith.index_cast %add3A_320 : i32 to index
        %get3A_367 = arith.constant 80 : index
        %get3A_368 = tpu.vector_load %arg12[%get3A_366, %get3A_367] {strides = array<i32>} : memref<200x128xf32, #tpu.memory_space<vmem>>, vector<16xf32>,
        %select_n3A_369 = arith.select %ne3A_327, %get3A_368, %get3A_365 : vector<16xi1>, vector<16xf32>
        %broadcast_in_dim3A_370 = vector.shape_cast %add3A_134 : vector<16xi32> to vector<16x1xi32>
        %gather3A_371 = vector.shape_cast %broadcast_in_dim3A_370 : vector<16x1xi32> to vector<16xi32>
        %gather3A_372 = tpu.dynamic_gather %select_n3A_369[%gather3A_371] in [0] : vector<16xf32>, vector<16xi32> -> vector<16xf32>
        %broadcast_in_dim3A_373 = vector.shape_cast %add3A_137 : vector<16xi32> to vector<16x1xi32>
        %gather3A_374 = vector.shape_cast %broadcast_in_dim3A_373 : vector<16x1xi32> to vector<16xi32>
        %gather3A_375 = tpu.dynamic_gather %select_n3A_369[%gather3A_374] in [0] : vector<16xf32>, vector<16xi32> -> vector<16xf32>
        %broadcast_in_dim3A_376 = vector.shape_cast %add3A_140 : vector<16xi32> to vector<16x1xi32>
        %gather3A_377 = vector.shape_cast %broadcast_in_dim3A_376 : vector<16x1xi32> to vector<16xi32>
        %gather3A_378 = tpu.dynamic_gather %select_n3A_369[%gather3A_377] in [0] : vector<16xf32>, vector<16xi32> -> vector<16xf32>
        %broadcast_in_dim3A_379 = vector.shape_cast %add3A_143 : vector<16xi32> to vector<16x1xi32>
        %gather3A_380 = vector.shape_cast %broadcast_in_dim3A_379 : vector<16x1xi32> to vector<16xi32>
        %gather3A_381 = tpu.dynamic_gather %select_n3A_369[%gather3A_380] in [0] : vector<16xf32>, vector<16xi32> -> vector<16xf32>
        %mul3A_382 = arith.mulf %gather3A_372, %get3A_85 : vector<16xf32>
        %mul3A_383 = arith.mulf %gather3A_372, %get3A_21 : vector<16xf32>
        %mul3A_384 = arith.mulf %gather3A_375, %get3A_89 : vector<16xf32>
        %add3A_385 = arith.addf %mul3A_382, %mul3A_384 : vector<16xf32>
        %mul3A_386 = arith.mulf %gather3A_375, %get3A_25 : vector<16xf32>
        %add3A_387 = arith.addf %mul3A_383, %mul3A_386 : vector<16xf32>
        %mul3A_388 = arith.mulf %gather3A_378, %get3A_93 : vector<16xf32>
        %add3A_389 = arith.addf %add3A_385, %mul3A_388 : vector<16xf32>
        %mul3A_390 = arith.mulf %gather3A_378, %get3A_29 : vector<16xf32>
        %add3A_391 = arith.addf %add3A_387, %mul3A_390 : vector<16xf32>
        %mul3A_392 = arith.mulf %gather3A_381, %get3A_97 : vector<16xf32>
        %add3A_393 = arith.addf %add3A_389, %mul3A_392 : vector<16xf32>
        %mul3A_394 = arith.mulf %gather3A_381, %get3A_33 : vector<16xf32>
        %add3A_395 = arith.addf %add3A_391, %mul3A_394 : vector<16xf32>
        %add3A_396 = arith.addf %scan3A_302, %add3A_393 : vector<16xf32>
        %max3A_397 = arith.constant 0.000000e+00 : f32
        %max3A_398 = vector.broadcast %max3A_397 : f32 to vector<16xf32>
        %max3A_399 = arith.maximumf %add3A_396, %max3A_398 : vector<16xf32>
        %get3A_400 = arith.index_cast %add3A_320 : i32 to index
        %get3A_401 = arith.constant 32 : index
        %get3A_402 = tpu.vector_load %arg12[%get3A_400, %get3A_401] {strides = array<i32>} : memref<200x128xf32, #tpu.memory_space<vmem>>, vector<16xf32>,
        %get3A_403 = arith.index_cast %add3A_320 : i32 to index
        %get3A_404 = arith.constant 96 : index
        %get3A_405 = tpu.vector_load %arg12[%get3A_403, %get3A_404] {strides = array<i32>} : memref<200x128xf32, #tpu.memory_space<vmem>>, vector<16xf32>,
        %select_n3A_406 = arith.select %ne3A_327, %get3A_405, %get3A_402 : vector<16xi1>, vector<16xf32>
        %broadcast_in_dim3A_407 = vector.shape_cast %add3A_134 : vector<16xi32> to vector<16x1xi32>
        %gather3A_408 = vector.shape_cast %broadcast_in_dim3A_407 : vector<16x1xi32> to vector<16xi32>
        %gather3A_409 = tpu.dynamic_gather %select_n3A_406[%gather3A_408] in [0] : vector<16xf32>, vector<16xi32> -> vector<16xf32>
        %broadcast_in_dim3A_410 = vector.shape_cast %add3A_137 : vector<16xi32> to vector<16x1xi32>
        %gather3A_411 = vector.shape_cast %broadcast_in_dim3A_410 : vector<16x1xi32> to vector<16xi32>
        %gather3A_412 = tpu.dynamic_gather %select_n3A_406[%gather3A_411] in [0] : vector<16xf32>, vector<16xi32> -> vector<16xf32>
        %broadcast_in_dim3A_413 = vector.shape_cast %add3A_140 : vector<16xi32> to vector<16x1xi32>
        %gather3A_414 = vector.shape_cast %broadcast_in_dim3A_413 : vector<16x1xi32> to vector<16xi32>
        %gather3A_415 = tpu.dynamic_gather %select_n3A_406[%gather3A_414] in [0] : vector<16xf32>, vector<16xi32> -> vector<16xf32>
        %broadcast_in_dim3A_416 = vector.shape_cast %add3A_143 : vector<16xi32> to vector<16x1xi32>
        %gather3A_417 = vector.shape_cast %broadcast_in_dim3A_416 : vector<16x1xi32> to vector<16xi32>
        %gather3A_418 = tpu.dynamic_gather %select_n3A_406[%gather3A_417] in [0] : vector<16xf32>, vector<16xi32> -> vector<16xf32>
        %mul3A_419 = arith.mulf %gather3A_409, %get3A_101 : vector<16xf32>
        %mul3A_420 = arith.mulf %gather3A_409, %get3A_37 : vector<16xf32>
        %mul3A_421 = arith.mulf %gather3A_412, %get3A_105 : vector<16xf32>
        %add3A_422 = arith.addf %mul3A_419, %mul3A_421 : vector<16xf32>
        %mul3A_423 = arith.mulf %gather3A_412, %get3A_41 : vector<16xf32>
        %add3A_424 = arith.addf %mul3A_420, %mul3A_423 : vector<16xf32>
        %mul3A_425 = arith.mulf %gather3A_415, %get3A_109 : vector<16xf32>
        %add3A_426 = arith.addf %add3A_422, %mul3A_425 : vector<16xf32>
        %mul3A_427 = arith.mulf %gather3A_415, %get3A_45 : vector<16xf32>
        %add3A_428 = arith.addf %add3A_424, %mul3A_427 : vector<16xf32>
        %mul3A_429 = arith.mulf %gather3A_418, %get3A_113 : vector<16xf32>
        %add3A_430 = arith.addf %add3A_426, %mul3A_429 : vector<16xf32>
        %mul3A_431 = arith.mulf %gather3A_418, %get3A_49 : vector<16xf32>
        %add3A_432 = arith.addf %add3A_428, %mul3A_431 : vector<16xf32>
        %add3A_433 = arith.addf %scan3A_303, %add3A_430 : vector<16xf32>
        %max3A_434 = arith.constant 0.000000e+00 : f32
        %max3A_435 = vector.broadcast %max3A_434 : f32 to vector<16xf32>
        %max3A_436 = arith.maximumf %add3A_433, %max3A_435 : vector<16xf32>
        %get3A_437 = arith.index_cast %add3A_320 : i32 to index
        %get3A_438 = arith.constant 48 : index
        %get3A_439 = tpu.vector_load %arg12[%get3A_437, %get3A_438] {strides = array<i32>} : memref<200x128xf32, #tpu.memory_space<vmem>>, vector<16xf32>,
        %get3A_440 = arith.index_cast %add3A_320 : i32 to index
        %get3A_441 = arith.constant 112 : index
        %get3A_442 = tpu.vector_load %arg12[%get3A_440, %get3A_441] {strides = array<i32>} : memref<200x128xf32, #tpu.memory_space<vmem>>, vector<16xf32>,
        %select_n3A_443 = arith.select %ne3A_327, %get3A_442, %get3A_439 : vector<16xi1>, vector<16xf32>
        %broadcast_in_dim3A_444 = vector.shape_cast %add3A_134 : vector<16xi32> to vector<16x1xi32>
        %gather3A_445 = vector.shape_cast %broadcast_in_dim3A_444 : vector<16x1xi32> to vector<16xi32>
        %gather3A_446 = tpu.dynamic_gather %select_n3A_443[%gather3A_445] in [0] : vector<16xf32>, vector<16xi32> -> vector<16xf32>
        %broadcast_in_dim3A_447 = vector.shape_cast %add3A_137 : vector<16xi32> to vector<16x1xi32>
        %gather3A_448 = vector.shape_cast %broadcast_in_dim3A_447 : vector<16x1xi32> to vector<16xi32>
        %gather3A_449 = tpu.dynamic_gather %select_n3A_443[%gather3A_448] in [0] : vector<16xf32>, vector<16xi32> -> vector<16xf32>
        %broadcast_in_dim3A_450 = vector.shape_cast %add3A_140 : vector<16xi32> to vector<16x1xi32>
        %gather3A_451 = vector.shape_cast %broadcast_in_dim3A_450 : vector<16x1xi32> to vector<16xi32>
        %gather3A_452 = tpu.dynamic_gather %select_n3A_443[%gather3A_451] in [0] : vector<16xf32>, vector<16xi32> -> vector<16xf32>
        %broadcast_in_dim3A_453 = vector.shape_cast %add3A_143 : vector<16xi32> to vector<16x1xi32>
        %gather3A_454 = vector.shape_cast %broadcast_in_dim3A_453 : vector<16x1xi32> to vector<16xi32>
        %gather3A_455 = tpu.dynamic_gather %select_n3A_443[%gather3A_454] in [0] : vector<16xf32>, vector<16xi32> -> vector<16xf32>
        %mul3A_456 = arith.mulf %gather3A_446, %get3A_117 : vector<16xf32>
        %mul3A_457 = arith.mulf %gather3A_446, %get3A_53 : vector<16xf32>
        %mul3A_458 = arith.mulf %gather3A_449, %get3A_121 : vector<16xf32>
        %add3A_459 = arith.addf %mul3A_456, %mul3A_458 : vector<16xf32>
        %mul3A_460 = arith.mulf %gather3A_449, %get3A_57 : vector<16xf32>
        %add3A_461 = arith.addf %mul3A_457, %mul3A_460 : vector<16xf32>
        %mul3A_462 = arith.mulf %gather3A_452, %get3A_125 : vector<16xf32>
        %add3A_463 = arith.addf %add3A_459, %mul3A_462 : vector<16xf32>
        %mul3A_464 = arith.mulf %gather3A_452, %get3A_61 : vector<16xf32>
        %add3A_465 = arith.addf %add3A_461, %mul3A_464 : vector<16xf32>
        %mul3A_466 = arith.mulf %gather3A_455, %get3A_129 : vector<16xf32>
        %add3A_467 = arith.addf %add3A_463, %mul3A_466 : vector<16xf32>
        %mul3A_468 = arith.mulf %gather3A_455, %get3A_65 : vector<16xf32>
        %add3A_469 = arith.addf %add3A_465, %mul3A_468 : vector<16xf32>
        %add3A_470 = arith.addf %scan3A_304, %add3A_467 : vector<16xf32>
        %max3A_471 = arith.constant 0.000000e+00 : f32
        %max3A_472 = vector.broadcast %max3A_471 : f32 to vector<16xf32>
        %max3A_473 = arith.maximumf %add3A_470, %max3A_472 : vector<16xf32>
        %add3A_474 = arith.constant 1 : i32
        %add3A_475 = arith.addi %mul3A_306, %add3A_474 : i32
        %broadcast_in_dim3A_476 = arith.constant 1 : i32
        %broadcast_in_dim3A_477 = vector.broadcast %broadcast_in_dim3A_476 : i32 to vector<16xi32>
        %broadcast_in_dim3A_478 = vector.shape_cast %broadcast_in_dim3A_477 : vector<16xi32> to vector<16x1xi32>
        %gather3A_479 = vector.shape_cast %broadcast_in_dim3A_478 : vector<16x1xi32> to vector<16xi32>
        %gather3A_480 = tpu.dynamic_gather %gather3A_318[%gather3A_479] in [0] : vector<16xi32>, vector<16xi32> -> vector<16xi32>
        %ne3A_481 = arith.constant 0 : i32
        %ne3A_482 = vector.broadcast %ne3A_481 : i32 to vector<16xi32>
        %ne3A_483 = arith.cmpi ne, %gather3A_480, %ne3A_482 : vector<16xi32>
        %get3A_484 = arith.index_cast %add3A_475 : i32 to index
        %get3A_485 = arith.constant 0 : index
        %get3A_486 = tpu.vector_load %arg12[%get3A_484, %get3A_485] {strides = array<i32>} : memref<200x128xf32, #tpu.memory_space<vmem>>, vector<16xf32>,
        %get3A_487 = arith.index_cast %add3A_475 : i32 to index
        %get3A_488 = arith.constant 64 : index
        %get3A_489 = tpu.vector_load %arg12[%get3A_487, %get3A_488] {strides = array<i32>} : memref<200x128xf32, #tpu.memory_space<vmem>>, vector<16xf32>,
        %select_n3A_490 = arith.select %ne3A_483, %get3A_489, %get3A_486 : vector<16xi1>, vector<16xf32>
        %broadcast_in_dim3A_491 = vector.shape_cast %add3A_134 : vector<16xi32> to vector<16x1xi32>
        %gather3A_492 = vector.shape_cast %broadcast_in_dim3A_491 : vector<16x1xi32> to vector<16xi32>
        %gather3A_493 = tpu.dynamic_gather %select_n3A_490[%gather3A_492] in [0] : vector<16xf32>, vector<16xi32> -> vector<16xf32>
        %broadcast_in_dim3A_494 = vector.shape_cast %add3A_137 : vector<16xi32> to vector<16x1xi32>
        %gather3A_495 = vector.shape_cast %broadcast_in_dim3A_494 : vector<16x1xi32> to vector<16xi32>
        %gather3A_496 = tpu.dynamic_gather %select_n3A_490[%gather3A_495] in [0] : vector<16xf32>, vector<16xi32> -> vector<16xf32>
        %broadcast_in_dim3A_497 = vector.shape_cast %add3A_140 : vector<16xi32> to vector<16x1xi32>
        %gather3A_498 = vector.shape_cast %broadcast_in_dim3A_497 : vector<16x1xi32> to vector<16xi32>
        %gather3A_499 = tpu.dynamic_gather %select_n3A_490[%gather3A_498] in [0] : vector<16xf32>, vector<16xi32> -> vector<16xf32>
        %broadcast_in_dim3A_500 = vector.shape_cast %add3A_143 : vector<16xi32> to vector<16x1xi32>
        %gather3A_501 = vector.shape_cast %broadcast_in_dim3A_500 : vector<16x1xi32> to vector<16xi32>
        %gather3A_502 = tpu.dynamic_gather %select_n3A_490[%gather3A_501] in [0] : vector<16xf32>, vector<16xi32> -> vector<16xf32>
        %mul3A_503 = arith.mulf %gather3A_493, %get3A_69 : vector<16xf32>
        %mul3A_504 = arith.mulf %gather3A_493, %get3A_5 : vector<16xf32>
        %mul3A_505 = arith.mulf %gather3A_496, %get3A_73 : vector<16xf32>
        %add3A_506 = arith.addf %mul3A_503, %mul3A_505 : vector<16xf32>
        %mul3A_507 = arith.mulf %gather3A_496, %get3A_9 : vector<16xf32>
        %add3A_508 = arith.addf %mul3A_504, %mul3A_507 : vector<16xf32>
        %mul3A_509 = arith.mulf %gather3A_499, %get3A_77 : vector<16xf32>
        %add3A_510 = arith.addf %add3A_506, %mul3A_509 : vector<16xf32>
        %mul3A_511 = arith.mulf %gather3A_499, %get3A_13 : vector<16xf32>
        %add3A_512 = arith.addf %add3A_508, %mul3A_511 : vector<16xf32>
        %mul3A_513 = arith.mulf %gather3A_502, %get3A_81 : vector<16xf32>
        %add3A_514 = arith.addf %add3A_510, %mul3A_513 : vector<16xf32>
        %mul3A_515 = arith.mulf %gather3A_502, %get3A_17 : vector<16xf32>
        %add3A_516 = arith.addf %add3A_512, %mul3A_515 : vector<16xf32>
        %add3A_517 = arith.addf %add3A_359, %add3A_514 : vector<16xf32>
        %max3A_518 = arith.constant 0.000000e+00 : f32
        %max3A_519 = vector.broadcast %max3A_518 : f32 to vector<16xf32>
        %max3A_520 = arith.maximumf %add3A_517, %max3A_519 : vector<16xf32>
        %get3A_521 = arith.index_cast %add3A_475 : i32 to index
        %get3A_522 = arith.constant 16 : index
        %get3A_523 = tpu.vector_load %arg12[%get3A_521, %get3A_522] {strides = array<i32>} : memref<200x128xf32, #tpu.memory_space<vmem>>, vector<16xf32>,
        %get3A_524 = arith.index_cast %add3A_475 : i32 to index
        %get3A_525 = arith.constant 80 : index
        %get3A_526 = tpu.vector_load %arg12[%get3A_524, %get3A_525] {strides = array<i32>} : memref<200x128xf32, #tpu.memory_space<vmem>>, vector<16xf32>,
        %select_n3A_527 = arith.select %ne3A_483, %get3A_526, %get3A_523 : vector<16xi1>, vector<16xf32>
        %broadcast_in_dim3A_528 = vector.shape_cast %add3A_134 : vector<16xi32> to vector<16x1xi32>
        %gather3A_529 = vector.shape_cast %broadcast_in_dim3A_528 : vector<16x1xi32> to vector<16xi32>
        %gather3A_530 = tpu.dynamic_gather %select_n3A_527[%gather3A_529] in [0] : vector<16xf32>, vector<16xi32> -> vector<16xf32>
        %broadcast_in_dim3A_531 = vector.shape_cast %add3A_137 : vector<16xi32> to vector<16x1xi32>
        %gather3A_532 = vector.shape_cast %broadcast_in_dim3A_531 : vector<16x1xi32> to vector<16xi32>
        %gather3A_533 = tpu.dynamic_gather %select_n3A_527[%gather3A_532] in [0] : vector<16xf32>, vector<16xi32> -> vector<16xf32>
        %broadcast_in_dim3A_534 = vector.shape_cast %add3A_140 : vector<16xi32> to vector<16x1xi32>
        %gather3A_535 = vector.shape_cast %broadcast_in_dim3A_534 : vector<16x1xi32> to vector<16xi32>
        %gather3A_536 = tpu.dynamic_gather %select_n3A_527[%gather3A_535] in [0] : vector<16xf32>, vector<16xi32> -> vector<16xf32>
        %broadcast_in_dim3A_537 = vector.shape_cast %add3A_143 : vector<16xi32> to vector<16x1xi32>
        %gather3A_538 = vector.shape_cast %broadcast_in_dim3A_537 : vector<16x1xi32> to vector<16xi32>
        %gather3A_539 = tpu.dynamic_gather %select_n3A_527[%gather3A_538] in [0] : vector<16xf32>, vector<16xi32> -> vector<16xf32>
        %mul3A_540 = arith.mulf %gather3A_530, %get3A_85 : vector<16xf32>
        %mul3A_541 = arith.mulf %gather3A_530, %get3A_21 : vector<16xf32>
        %mul3A_542 = arith.mulf %gather3A_533, %get3A_89 : vector<16xf32>
        %add3A_543 = arith.addf %mul3A_540, %mul3A_542 : vector<16xf32>
        %mul3A_544 = arith.mulf %gather3A_533, %get3A_25 : vector<16xf32>
        %add3A_545 = arith.addf %mul3A_541, %mul3A_544 : vector<16xf32>
        %mul3A_546 = arith.mulf %gather3A_536, %get3A_93 : vector<16xf32>
        %add3A_547 = arith.addf %add3A_543, %mul3A_546 : vector<16xf32>
        %mul3A_548 = arith.mulf %gather3A_536, %get3A_29 : vector<16xf32>
        %add3A_549 = arith.addf %add3A_545, %mul3A_548 : vector<16xf32>
        %mul3A_550 = arith.mulf %gather3A_539, %get3A_97 : vector<16xf32>
        %add3A_551 = arith.addf %add3A_547, %mul3A_550 : vector<16xf32>
        %mul3A_552 = arith.mulf %gather3A_539, %get3A_33 : vector<16xf32>
        %add3A_553 = arith.addf %add3A_549, %mul3A_552 : vector<16xf32>
        %add3A_554 = arith.addf %add3A_395, %add3A_551 : vector<16xf32>
        %max3A_555 = arith.constant 0.000000e+00 : f32
        %max3A_556 = vector.broadcast %max3A_555 : f32 to vector<16xf32>
        %max3A_557 = arith.maximumf %add3A_554, %max3A_556 : vector<16xf32>
        %get3A_558 = arith.index_cast %add3A_475 : i32 to index
        %get3A_559 = arith.constant 32 : index
        %get3A_560 = tpu.vector_load %arg12[%get3A_558, %get3A_559] {strides = array<i32>} : memref<200x128xf32, #tpu.memory_space<vmem>>, vector<16xf32>,
        %get3A_561 = arith.index_cast %add3A_475 : i32 to index
        %get3A_562 = arith.constant 96 : index
        %get3A_563 = tpu.vector_load %arg12[%get3A_561, %get3A_562] {strides = array<i32>} : memref<200x128xf32, #tpu.memory_space<vmem>>, vector<16xf32>,
        %select_n3A_564 = arith.select %ne3A_483, %get3A_563, %get3A_560 : vector<16xi1>, vector<16xf32>
        %broadcast_in_dim3A_565 = vector.shape_cast %add3A_134 : vector<16xi32> to vector<16x1xi32>
        %gather3A_566 = vector.shape_cast %broadcast_in_dim3A_565 : vector<16x1xi32> to vector<16xi32>
        %gather3A_567 = tpu.dynamic_gather %select_n3A_564[%gather3A_566] in [0] : vector<16xf32>, vector<16xi32> -> vector<16xf32>
        %broadcast_in_dim3A_568 = vector.shape_cast %add3A_137 : vector<16xi32> to vector<16x1xi32>
        %gather3A_569 = vector.shape_cast %broadcast_in_dim3A_568 : vector<16x1xi32> to vector<16xi32>
        %gather3A_570 = tpu.dynamic_gather %select_n3A_564[%gather3A_569] in [0] : vector<16xf32>, vector<16xi32> -> vector<16xf32>
        %broadcast_in_dim3A_571 = vector.shape_cast %add3A_140 : vector<16xi32> to vector<16x1xi32>
        %gather3A_572 = vector.shape_cast %broadcast_in_dim3A_571 : vector<16x1xi32> to vector<16xi32>
        %gather3A_573 = tpu.dynamic_gather %select_n3A_564[%gather3A_572] in [0] : vector<16xf32>, vector<16xi32> -> vector<16xf32>
        %broadcast_in_dim3A_574 = vector.shape_cast %add3A_143 : vector<16xi32> to vector<16x1xi32>
        %gather3A_575 = vector.shape_cast %broadcast_in_dim3A_574 : vector<16x1xi32> to vector<16xi32>
        %gather3A_576 = tpu.dynamic_gather %select_n3A_564[%gather3A_575] in [0] : vector<16xf32>, vector<16xi32> -> vector<16xf32>
        %mul3A_577 = arith.mulf %gather3A_567, %get3A_101 : vector<16xf32>
        %mul3A_578 = arith.mulf %gather3A_567, %get3A_37 : vector<16xf32>
        %mul3A_579 = arith.mulf %gather3A_570, %get3A_105 : vector<16xf32>
        %add3A_580 = arith.addf %mul3A_577, %mul3A_579 : vector<16xf32>
        %mul3A_581 = arith.mulf %gather3A_570, %get3A_41 : vector<16xf32>
        %add3A_582 = arith.addf %mul3A_578, %mul3A_581 : vector<16xf32>
        %mul3A_583 = arith.mulf %gather3A_573, %get3A_109 : vector<16xf32>
        %add3A_584 = arith.addf %add3A_580, %mul3A_583 : vector<16xf32>
        %mul3A_585 = arith.mulf %gather3A_573, %get3A_45 : vector<16xf32>
        %add3A_586 = arith.addf %add3A_582, %mul3A_585 : vector<16xf32>
        %mul3A_587 = arith.mulf %gather3A_576, %get3A_113 : vector<16xf32>
        %add3A_588 = arith.addf %add3A_584, %mul3A_587 : vector<16xf32>
        %mul3A_589 = arith.mulf %gather3A_576, %get3A_49 : vector<16xf32>
        %add3A_590 = arith.addf %add3A_586, %mul3A_589 : vector<16xf32>
        %add3A_591 = arith.addf %add3A_432, %add3A_588 : vector<16xf32>
        %max3A_592 = arith.constant 0.000000e+00 : f32
        %max3A_593 = vector.broadcast %max3A_592 : f32 to vector<16xf32>
        %max3A_594 = arith.maximumf %add3A_591, %max3A_593 : vector<16xf32>
        %get3A_595 = arith.index_cast %add3A_475 : i32 to index
        %get3A_596 = arith.constant 48 : index
        %get3A_597 = tpu.vector_load %arg12[%get3A_595, %get3A_596] {strides = array<i32>} : memref<200x128xf32, #tpu.memory_space<vmem>>, vector<16xf32>,
        %get3A_598 = arith.index_cast %add3A_475 : i32 to index
        %get3A_599 = arith.constant 112 : index
        %get3A_600 = tpu.vector_load %arg12[%get3A_598, %get3A_599] {strides = array<i32>} : memref<200x128xf32, #tpu.memory_space<vmem>>, vector<16xf32>,
        %select_n3A_601 = arith.select %ne3A_483, %get3A_600, %get3A_597 : vector<16xi1>, vector<16xf32>
        %broadcast_in_dim3A_602 = vector.shape_cast %add3A_134 : vector<16xi32> to vector<16x1xi32>
        %gather3A_603 = vector.shape_cast %broadcast_in_dim3A_602 : vector<16x1xi32> to vector<16xi32>
        %gather3A_604 = tpu.dynamic_gather %select_n3A_601[%gather3A_603] in [0] : vector<16xf32>, vector<16xi32> -> vector<16xf32>
        %broadcast_in_dim3A_605 = vector.shape_cast %add3A_137 : vector<16xi32> to vector<16x1xi32>
        %gather3A_606 = vector.shape_cast %broadcast_in_dim3A_605 : vector<16x1xi32> to vector<16xi32>
        %gather3A_607 = tpu.dynamic_gather %select_n3A_601[%gather3A_606] in [0] : vector<16xf32>, vector<16xi32> -> vector<16xf32>
        %broadcast_in_dim3A_608 = vector.shape_cast %add3A_140 : vector<16xi32> to vector<16x1xi32>
        %gather3A_609 = vector.shape_cast %broadcast_in_dim3A_608 : vector<16x1xi32> to vector<16xi32>
        %gather3A_610 = tpu.dynamic_gather %select_n3A_601[%gather3A_609] in [0] : vector<16xf32>, vector<16xi32> -> vector<16xf32>
        %broadcast_in_dim3A_611 = vector.shape_cast %add3A_143 : vector<16xi32> to vector<16x1xi32>
        %gather3A_612 = vector.shape_cast %broadcast_in_dim3A_611 : vector<16x1xi32> to vector<16xi32>
        %gather3A_613 = tpu.dynamic_gather %select_n3A_601[%gather3A_612] in [0] : vector<16xf32>, vector<16xi32> -> vector<16xf32>
        %mul3A_614 = arith.mulf %gather3A_604, %get3A_117 : vector<16xf32>
        %mul3A_615 = arith.mulf %gather3A_604, %get3A_53 : vector<16xf32>
        %mul3A_616 = arith.mulf %gather3A_607, %get3A_121 : vector<16xf32>
        %add3A_617 = arith.addf %mul3A_614, %mul3A_616 : vector<16xf32>
        %mul3A_618 = arith.mulf %gather3A_607, %get3A_57 : vector<16xf32>
        %add3A_619 = arith.addf %mul3A_615, %mul3A_618 : vector<16xf32>
        %mul3A_620 = arith.mulf %gather3A_610, %get3A_125 : vector<16xf32>
        %add3A_621 = arith.addf %add3A_617, %mul3A_620 : vector<16xf32>
        %mul3A_622 = arith.mulf %gather3A_610, %get3A_61 : vector<16xf32>
        %add3A_623 = arith.addf %add3A_619, %mul3A_622 : vector<16xf32>
        %mul3A_624 = arith.mulf %gather3A_613, %get3A_129 : vector<16xf32>
        %add3A_625 = arith.addf %add3A_621, %mul3A_624 : vector<16xf32>
        %mul3A_626 = arith.mulf %gather3A_613, %get3A_65 : vector<16xf32>
        %add3A_627 = arith.addf %add3A_623, %mul3A_626 : vector<16xf32>
        %add3A_628 = arith.addf %add3A_469, %add3A_625 : vector<16xf32>
        %max3A_629 = arith.constant 0.000000e+00 : f32
        %max3A_630 = vector.broadcast %max3A_629 : f32 to vector<16xf32>
        %max3A_631 = arith.maximumf %add3A_628, %max3A_630 : vector<16xf32>
        %add3A_632 = arith.constant 2 : i32
        %add3A_633 = arith.addi %mul3A_306, %add3A_632 : i32
        %broadcast_in_dim3A_634 = arith.constant 2 : i32
        %broadcast_in_dim3A_635 = vector.broadcast %broadcast_in_dim3A_634 : i32 to vector<16xi32>
        %broadcast_in_dim3A_636 = vector.shape_cast %broadcast_in_dim3A_635 : vector<16xi32> to vector<16x1xi32>
        %gather3A_637 = vector.shape_cast %broadcast_in_dim3A_636 : vector<16x1xi32> to vector<16xi32>
        %gather3A_638 = tpu.dynamic_gather %gather3A_318[%gather3A_637] in [0] : vector<16xi32>, vector<16xi32> -> vector<16xi32>
        %ne3A_639 = arith.constant 0 : i32
        %ne3A_640 = vector.broadcast %ne3A_639 : i32 to vector<16xi32>
        %ne3A_641 = arith.cmpi ne, %gather3A_638, %ne3A_640 : vector<16xi32>
        %get3A_642 = arith.index_cast %add3A_633 : i32 to index
        %get3A_643 = arith.constant 0 : index
        %get3A_644 = tpu.vector_load %arg12[%get3A_642, %get3A_643] {strides = array<i32>} : memref<200x128xf32, #tpu.memory_space<vmem>>, vector<16xf32>,
        %get3A_645 = arith.index_cast %add3A_633 : i32 to index
        %get3A_646 = arith.constant 64 : index
        %get3A_647 = tpu.vector_load %arg12[%get3A_645, %get3A_646] {strides = array<i32>} : memref<200x128xf32, #tpu.memory_space<vmem>>, vector<16xf32>,
        %select_n3A_648 = arith.select %ne3A_641, %get3A_647, %get3A_644 : vector<16xi1>, vector<16xf32>
        %broadcast_in_dim3A_649 = vector.shape_cast %add3A_134 : vector<16xi32> to vector<16x1xi32>
        %gather3A_650 = vector.shape_cast %broadcast_in_dim3A_649 : vector<16x1xi32> to vector<16xi32>
        %gather3A_651 = tpu.dynamic_gather %select_n3A_648[%gather3A_650] in [0] : vector<16xf32>, vector<16xi32> -> vector<16xf32>
        %broadcast_in_dim3A_652 = vector.shape_cast %add3A_137 : vector<16xi32> to vector<16x1xi32>
        %gather3A_653 = vector.shape_cast %broadcast_in_dim3A_652 : vector<16x1xi32> to vector<16xi32>
        %gather3A_654 = tpu.dynamic_gather %select_n3A_648[%gather3A_653] in [0] : vector<16xf32>, vector<16xi32> -> vector<16xf32>
        %broadcast_in_dim3A_655 = vector.shape_cast %add3A_140 : vector<16xi32> to vector<16x1xi32>
        %gather3A_656 = vector.shape_cast %broadcast_in_dim3A_655 : vector<16x1xi32> to vector<16xi32>
        %gather3A_657 = tpu.dynamic_gather %select_n3A_648[%gather3A_656] in [0] : vector<16xf32>, vector<16xi32> -> vector<16xf32>
        %broadcast_in_dim3A_658 = vector.shape_cast %add3A_143 : vector<16xi32> to vector<16x1xi32>
        %gather3A_659 = vector.shape_cast %broadcast_in_dim3A_658 : vector<16x1xi32> to vector<16xi32>
        %gather3A_660 = tpu.dynamic_gather %select_n3A_648[%gather3A_659] in [0] : vector<16xf32>, vector<16xi32> -> vector<16xf32>
        %mul3A_661 = arith.mulf %gather3A_651, %get3A_69 : vector<16xf32>
        %mul3A_662 = arith.mulf %gather3A_651, %get3A_5 : vector<16xf32>
        %mul3A_663 = arith.mulf %gather3A_654, %get3A_73 : vector<16xf32>
        %add3A_664 = arith.addf %mul3A_661, %mul3A_663 : vector<16xf32>
        %mul3A_665 = arith.mulf %gather3A_654, %get3A_9 : vector<16xf32>
        %add3A_666 = arith.addf %mul3A_662, %mul3A_665 : vector<16xf32>
        %mul3A_667 = arith.mulf %gather3A_657, %get3A_77 : vector<16xf32>
        %add3A_668 = arith.addf %add3A_664, %mul3A_667 : vector<16xf32>
        %mul3A_669 = arith.mulf %gather3A_657, %get3A_13 : vector<16xf32>
        %add3A_670 = arith.addf %add3A_666, %mul3A_669 : vector<16xf32>
        %mul3A_671 = arith.mulf %gather3A_660, %get3A_81 : vector<16xf32>
        %add3A_672 = arith.addf %add3A_668, %mul3A_671 : vector<16xf32>
        %mul3A_673 = arith.mulf %gather3A_660, %get3A_17 : vector<16xf32>
        %add3A_674 = arith.addf %add3A_670, %mul3A_673 : vector<16xf32>
        %add3A_675 = arith.addf %add3A_516, %add3A_672 : vector<16xf32>
        %max3A_676 = arith.constant 0.000000e+00 : f32
        %max3A_677 = vector.broadcast %max3A_676 : f32 to vector<16xf32>
        %max3A_678 = arith.maximumf %add3A_675, %max3A_677 : vector<16xf32>
        %get3A_679 = arith.index_cast %add3A_633 : i32 to index
        %get3A_680 = arith.constant 16 : index
        %get3A_681 = tpu.vector_load %arg12[%get3A_679, %get3A_680] {strides = array<i32>} : memref<200x128xf32, #tpu.memory_space<vmem>>, vector<16xf32>,
        %get3A_682 = arith.index_cast %add3A_633 : i32 to index
        %get3A_683 = arith.constant 80 : index
        %get3A_684 = tpu.vector_load %arg12[%get3A_682, %get3A_683] {strides = array<i32>} : memref<200x128xf32, #tpu.memory_space<vmem>>, vector<16xf32>,
        %select_n3A_685 = arith.select %ne3A_641, %get3A_684, %get3A_681 : vector<16xi1>, vector<16xf32>
        %broadcast_in_dim3A_686 = vector.shape_cast %add3A_134 : vector<16xi32> to vector<16x1xi32>
        %gather3A_687 = vector.shape_cast %broadcast_in_dim3A_686 : vector<16x1xi32> to vector<16xi32>
        %gather3A_688 = tpu.dynamic_gather %select_n3A_685[%gather3A_687] in [0] : vector<16xf32>, vector<16xi32> -> vector<16xf32>
        %broadcast_in_dim3A_689 = vector.shape_cast %add3A_137 : vector<16xi32> to vector<16x1xi32>
        %gather3A_690 = vector.shape_cast %broadcast_in_dim3A_689 : vector<16x1xi32> to vector<16xi32>
        %gather3A_691 = tpu.dynamic_gather %select_n3A_685[%gather3A_690] in [0] : vector<16xf32>, vector<16xi32> -> vector<16xf32>
        %broadcast_in_dim3A_692 = vector.shape_cast %add3A_140 : vector<16xi32> to vector<16x1xi32>
        %gather3A_693 = vector.shape_cast %broadcast_in_dim3A_692 : vector<16x1xi32> to vector<16xi32>
        %gather3A_694 = tpu.dynamic_gather %select_n3A_685[%gather3A_693] in [0] : vector<16xf32>, vector<16xi32> -> vector<16xf32>
        %broadcast_in_dim3A_695 = vector.shape_cast %add3A_143 : vector<16xi32> to vector<16x1xi32>
        %gather3A_696 = vector.shape_cast %broadcast_in_dim3A_695 : vector<16x1xi32> to vector<16xi32>
        %gather3A_697 = tpu.dynamic_gather %select_n3A_685[%gather3A_696] in [0] : vector<16xf32>, vector<16xi32> -> vector<16xf32>
        %mul3A_698 = arith.mulf %gather3A_688, %get3A_85 : vector<16xf32>
        %mul3A_699 = arith.mulf %gather3A_688, %get3A_21 : vector<16xf32>
        %mul3A_700 = arith.mulf %gather3A_691, %get3A_89 : vector<16xf32>
        %add3A_701 = arith.addf %mul3A_698, %mul3A_700 : vector<16xf32>
        %mul3A_702 = arith.mulf %gather3A_691, %get3A_25 : vector<16xf32>
        %add3A_703 = arith.addf %mul3A_699, %mul3A_702 : vector<16xf32>
        %mul3A_704 = arith.mulf %gather3A_694, %get3A_93 : vector<16xf32>
        %add3A_705 = arith.addf %add3A_701, %mul3A_704 : vector<16xf32>
        %mul3A_706 = arith.mulf %gather3A_694, %get3A_29 : vector<16xf32>
        %add3A_707 = arith.addf %add3A_703, %mul3A_706 : vector<16xf32>
        %mul3A_708 = arith.mulf %gather3A_697, %get3A_97 : vector<16xf32>
        %add3A_709 = arith.addf %add3A_705, %mul3A_708 : vector<16xf32>
        %mul3A_710 = arith.mulf %gather3A_697, %get3A_33 : vector<16xf32>
        %add3A_711 = arith.addf %add3A_707, %mul3A_710 : vector<16xf32>
        %add3A_712 = arith.addf %add3A_553, %add3A_709 : vector<16xf32>
        %max3A_713 = arith.constant 0.000000e+00 : f32
        %max3A_714 = vector.broadcast %max3A_713 : f32 to vector<16xf32>
        %max3A_715 = arith.maximumf %add3A_712, %max3A_714 : vector<16xf32>
        %get3A_716 = arith.index_cast %add3A_633 : i32 to index
        %get3A_717 = arith.constant 32 : index
        %get3A_718 = tpu.vector_load %arg12[%get3A_716, %get3A_717] {strides = array<i32>} : memref<200x128xf32, #tpu.memory_space<vmem>>, vector<16xf32>,
        %get3A_719 = arith.index_cast %add3A_633 : i32 to index
        %get3A_720 = arith.constant 96 : index
        %get3A_721 = tpu.vector_load %arg12[%get3A_719, %get3A_720] {strides = array<i32>} : memref<200x128xf32, #tpu.memory_space<vmem>>, vector<16xf32>,
        %select_n3A_722 = arith.select %ne3A_641, %get3A_721, %get3A_718 : vector<16xi1>, vector<16xf32>
        %broadcast_in_dim3A_723 = vector.shape_cast %add3A_134 : vector<16xi32> to vector<16x1xi32>
        %gather3A_724 = vector.shape_cast %broadcast_in_dim3A_723 : vector<16x1xi32> to vector<16xi32>
        %gather3A_725 = tpu.dynamic_gather %select_n3A_722[%gather3A_724] in [0] : vector<16xf32>, vector<16xi32> -> vector<16xf32>
        %broadcast_in_dim3A_726 = vector.shape_cast %add3A_137 : vector<16xi32> to vector<16x1xi32>
        %gather3A_727 = vector.shape_cast %broadcast_in_dim3A_726 : vector<16x1xi32> to vector<16xi32>
        %gather3A_728 = tpu.dynamic_gather %select_n3A_722[%gather3A_727] in [0] : vector<16xf32>, vector<16xi32> -> vector<16xf32>
        %broadcast_in_dim3A_729 = vector.shape_cast %add3A_140 : vector<16xi32> to vector<16x1xi32>
        %gather3A_730 = vector.shape_cast %broadcast_in_dim3A_729 : vector<16x1xi32> to vector<16xi32>
        %gather3A_731 = tpu.dynamic_gather %select_n3A_722[%gather3A_730] in [0] : vector<16xf32>, vector<16xi32> -> vector<16xf32>
        %broadcast_in_dim3A_732 = vector.shape_cast %add3A_143 : vector<16xi32> to vector<16x1xi32>
        %gather3A_733 = vector.shape_cast %broadcast_in_dim3A_732 : vector<16x1xi32> to vector<16xi32>
        %gather3A_734 = tpu.dynamic_gather %select_n3A_722[%gather3A_733] in [0] : vector<16xf32>, vector<16xi32> -> vector<16xf32>
        %mul3A_735 = arith.mulf %gather3A_725, %get3A_101 : vector<16xf32>
        %mul3A_736 = arith.mulf %gather3A_725, %get3A_37 : vector<16xf32>
        %mul3A_737 = arith.mulf %gather3A_728, %get3A_105 : vector<16xf32>
        %add3A_738 = arith.addf %mul3A_735, %mul3A_737 : vector<16xf32>
        %mul3A_739 = arith.mulf %gather3A_728, %get3A_41 : vector<16xf32>
        %add3A_740 = arith.addf %mul3A_736, %mul3A_739 : vector<16xf32>
        %mul3A_741 = arith.mulf %gather3A_731, %get3A_109 : vector<16xf32>
        %add3A_742 = arith.addf %add3A_738, %mul3A_741 : vector<16xf32>
        %mul3A_743 = arith.mulf %gather3A_731, %get3A_45 : vector<16xf32>
        %add3A_744 = arith.addf %add3A_740, %mul3A_743 : vector<16xf32>
        %mul3A_745 = arith.mulf %gather3A_734, %get3A_113 : vector<16xf32>
        %add3A_746 = arith.addf %add3A_742, %mul3A_745 : vector<16xf32>
        %mul3A_747 = arith.mulf %gather3A_734, %get3A_49 : vector<16xf32>
        %add3A_748 = arith.addf %add3A_744, %mul3A_747 : vector<16xf32>
        %add3A_749 = arith.addf %add3A_590, %add3A_746 : vector<16xf32>
        %max3A_750 = arith.constant 0.000000e+00 : f32
        %max3A_751 = vector.broadcast %max3A_750 : f32 to vector<16xf32>
        %max3A_752 = arith.maximumf %add3A_749, %max3A_751 : vector<16xf32>
        %get3A_753 = arith.index_cast %add3A_633 : i32 to index
        %get3A_754 = arith.constant 48 : index
        %get3A_755 = tpu.vector_load %arg12[%get3A_753, %get3A_754] {strides = array<i32>} : memref<200x128xf32, #tpu.memory_space<vmem>>, vector<16xf32>,
        %get3A_756 = arith.index_cast %add3A_633 : i32 to index
        %get3A_757 = arith.constant 112 : index
        %get3A_758 = tpu.vector_load %arg12[%get3A_756, %get3A_757] {strides = array<i32>} : memref<200x128xf32, #tpu.memory_space<vmem>>, vector<16xf32>,
        %select_n3A_759 = arith.select %ne3A_641, %get3A_758, %get3A_755 : vector<16xi1>, vector<16xf32>
        %broadcast_in_dim3A_760 = vector.shape_cast %add3A_134 : vector<16xi32> to vector<16x1xi32>
        %gather3A_761 = vector.shape_cast %broadcast_in_dim3A_760 : vector<16x1xi32> to vector<16xi32>
        %gather3A_762 = tpu.dynamic_gather %select_n3A_759[%gather3A_761] in [0] : vector<16xf32>, vector<16xi32> -> vector<16xf32>
        %broadcast_in_dim3A_763 = vector.shape_cast %add3A_137 : vector<16xi32> to vector<16x1xi32>
        %gather3A_764 = vector.shape_cast %broadcast_in_dim3A_763 : vector<16x1xi32> to vector<16xi32>
        %gather3A_765 = tpu.dynamic_gather %select_n3A_759[%gather3A_764] in [0] : vector<16xf32>, vector<16xi32> -> vector<16xf32>
        %broadcast_in_dim3A_766 = vector.shape_cast %add3A_140 : vector<16xi32> to vector<16x1xi32>
        %gather3A_767 = vector.shape_cast %broadcast_in_dim3A_766 : vector<16x1xi32> to vector<16xi32>
        %gather3A_768 = tpu.dynamic_gather %select_n3A_759[%gather3A_767] in [0] : vector<16xf32>, vector<16xi32> -> vector<16xf32>
        %broadcast_in_dim3A_769 = vector.shape_cast %add3A_143 : vector<16xi32> to vector<16x1xi32>
        %gather3A_770 = vector.shape_cast %broadcast_in_dim3A_769 : vector<16x1xi32> to vector<16xi32>
        %gather3A_771 = tpu.dynamic_gather %select_n3A_759[%gather3A_770] in [0] : vector<16xf32>, vector<16xi32> -> vector<16xf32>
        %mul3A_772 = arith.mulf %gather3A_762, %get3A_117 : vector<16xf32>
        %mul3A_773 = arith.mulf %gather3A_762, %get3A_53 : vector<16xf32>
        %mul3A_774 = arith.mulf %gather3A_765, %get3A_121 : vector<16xf32>
        %add3A_775 = arith.addf %mul3A_772, %mul3A_774 : vector<16xf32>
        %mul3A_776 = arith.mulf %gather3A_765, %get3A_57 : vector<16xf32>
        %add3A_777 = arith.addf %mul3A_773, %mul3A_776 : vector<16xf32>
        %mul3A_778 = arith.mulf %gather3A_768, %get3A_125 : vector<16xf32>
        %add3A_779 = arith.addf %add3A_775, %mul3A_778 : vector<16xf32>
        %mul3A_780 = arith.mulf %gather3A_768, %get3A_61 : vector<16xf32>
        %add3A_781 = arith.addf %add3A_777, %mul3A_780 : vector<16xf32>
        %mul3A_782 = arith.mulf %gather3A_771, %get3A_129 : vector<16xf32>
        %add3A_783 = arith.addf %add3A_779, %mul3A_782 : vector<16xf32>
        %mul3A_784 = arith.mulf %gather3A_771, %get3A_65 : vector<16xf32>
        %add3A_785 = arith.addf %add3A_781, %mul3A_784 : vector<16xf32>
        %add3A_786 = arith.addf %add3A_627, %add3A_783 : vector<16xf32>
        %max3A_787 = arith.constant 0.000000e+00 : f32
        %max3A_788 = vector.broadcast %max3A_787 : f32 to vector<16xf32>
        %max3A_789 = arith.maximumf %add3A_786, %max3A_788 : vector<16xf32>
        %add3A_790 = arith.constant 3 : i32
        %add3A_791 = arith.addi %mul3A_306, %add3A_790 : i32
        %broadcast_in_dim3A_792 = arith.constant 3 : i32
        %broadcast_in_dim3A_793 = vector.broadcast %broadcast_in_dim3A_792 : i32 to vector<16xi32>
        %broadcast_in_dim3A_794 = vector.shape_cast %broadcast_in_dim3A_793 : vector<16xi32> to vector<16x1xi32>
        %gather3A_795 = vector.shape_cast %broadcast_in_dim3A_794 : vector<16x1xi32> to vector<16xi32>
        %gather3A_796 = tpu.dynamic_gather %gather3A_318[%gather3A_795] in [0] : vector<16xi32>, vector<16xi32> -> vector<16xi32>
        %ne3A_797 = arith.constant 0 : i32
        %ne3A_798 = vector.broadcast %ne3A_797 : i32 to vector<16xi32>
        %ne3A_799 = arith.cmpi ne, %gather3A_796, %ne3A_798 : vector<16xi32>
        %get3A_800 = arith.index_cast %add3A_791 : i32 to index
        %get3A_801 = arith.constant 0 : index
        %get3A_802 = tpu.vector_load %arg12[%get3A_800, %get3A_801] {strides = array<i32>} : memref<200x128xf32, #tpu.memory_space<vmem>>, vector<16xf32>,
        %get3A_803 = arith.index_cast %add3A_791 : i32 to index
        %get3A_804 = arith.constant 64 : index
        %get3A_805 = tpu.vector_load %arg12[%get3A_803, %get3A_804] {strides = array<i32>} : memref<200x128xf32, #tpu.memory_space<vmem>>, vector<16xf32>,
        %select_n3A_806 = arith.select %ne3A_799, %get3A_805, %get3A_802 : vector<16xi1>, vector<16xf32>
        %broadcast_in_dim3A_807 = vector.shape_cast %add3A_134 : vector<16xi32> to vector<16x1xi32>
        %gather3A_808 = vector.shape_cast %broadcast_in_dim3A_807 : vector<16x1xi32> to vector<16xi32>
        %gather3A_809 = tpu.dynamic_gather %select_n3A_806[%gather3A_808] in [0] : vector<16xf32>, vector<16xi32> -> vector<16xf32>
        %broadcast_in_dim3A_810 = vector.shape_cast %add3A_137 : vector<16xi32> to vector<16x1xi32>
        %gather3A_811 = vector.shape_cast %broadcast_in_dim3A_810 : vector<16x1xi32> to vector<16xi32>
        %gather3A_812 = tpu.dynamic_gather %select_n3A_806[%gather3A_811] in [0] : vector<16xf32>, vector<16xi32> -> vector<16xf32>
        %broadcast_in_dim3A_813 = vector.shape_cast %add3A_140 : vector<16xi32> to vector<16x1xi32>
        %gather3A_814 = vector.shape_cast %broadcast_in_dim3A_813 : vector<16x1xi32> to vector<16xi32>
        %gather3A_815 = tpu.dynamic_gather %select_n3A_806[%gather3A_814] in [0] : vector<16xf32>, vector<16xi32> -> vector<16xf32>
        %broadcast_in_dim3A_816 = vector.shape_cast %add3A_143 : vector<16xi32> to vector<16x1xi32>
        %gather3A_817 = vector.shape_cast %broadcast_in_dim3A_816 : vector<16x1xi32> to vector<16xi32>
        %gather3A_818 = tpu.dynamic_gather %select_n3A_806[%gather3A_817] in [0] : vector<16xf32>, vector<16xi32> -> vector<16xf32>
        %mul3A_819 = arith.mulf %gather3A_809, %get3A_69 : vector<16xf32>
        %mul3A_820 = arith.mulf %gather3A_809, %get3A_5 : vector<16xf32>
        %mul3A_821 = arith.mulf %gather3A_812, %get3A_73 : vector<16xf32>
        %add3A_822 = arith.addf %mul3A_819, %mul3A_821 : vector<16xf32>
        %mul3A_823 = arith.mulf %gather3A_812, %get3A_9 : vector<16xf32>
        %add3A_824 = arith.addf %mul3A_820, %mul3A_823 : vector<16xf32>
        %mul3A_825 = arith.mulf %gather3A_815, %get3A_77 : vector<16xf32>
        %add3A_826 = arith.addf %add3A_822, %mul3A_825 : vector<16xf32>
        %mul3A_827 = arith.mulf %gather3A_815, %get3A_13 : vector<16xf32>
        %add3A_828 = arith.addf %add3A_824, %mul3A_827 : vector<16xf32>
        %mul3A_829 = arith.mulf %gather3A_818, %get3A_81 : vector<16xf32>
        %add3A_830 = arith.addf %add3A_826, %mul3A_829 : vector<16xf32>
        %mul3A_831 = arith.mulf %gather3A_818, %get3A_17 : vector<16xf32>
        %add3A_832 = arith.addf %add3A_828, %mul3A_831 : vector<16xf32>
        %add3A_833 = arith.addf %add3A_674, %add3A_830 : vector<16xf32>
        %max3A_834 = arith.constant 0.000000e+00 : f32
        %max3A_835 = vector.broadcast %max3A_834 : f32 to vector<16xf32>
        %max3A_836 = arith.maximumf %add3A_833, %max3A_835 : vector<16xf32>
        %get3A_837 = arith.index_cast %add3A_791 : i32 to index
        %get3A_838 = arith.constant 16 : index
        %get3A_839 = tpu.vector_load %arg12[%get3A_837, %get3A_838] {strides = array<i32>} : memref<200x128xf32, #tpu.memory_space<vmem>>, vector<16xf32>,
        %get3A_840 = arith.index_cast %add3A_791 : i32 to index
        %get3A_841 = arith.constant 80 : index
        %get3A_842 = tpu.vector_load %arg12[%get3A_840, %get3A_841] {strides = array<i32>} : memref<200x128xf32, #tpu.memory_space<vmem>>, vector<16xf32>,
        %select_n3A_843 = arith.select %ne3A_799, %get3A_842, %get3A_839 : vector<16xi1>, vector<16xf32>
        %broadcast_in_dim3A_844 = vector.shape_cast %add3A_134 : vector<16xi32> to vector<16x1xi32>
        %gather3A_845 = vector.shape_cast %broadcast_in_dim3A_844 : vector<16x1xi32> to vector<16xi32>
        %gather3A_846 = tpu.dynamic_gather %select_n3A_843[%gather3A_845] in [0] : vector<16xf32>, vector<16xi32> -> vector<16xf32>
        %broadcast_in_dim3A_847 = vector.shape_cast %add3A_137 : vector<16xi32> to vector<16x1xi32>
        %gather3A_848 = vector.shape_cast %broadcast_in_dim3A_847 : vector<16x1xi32> to vector<16xi32>
        %gather3A_849 = tpu.dynamic_gather %select_n3A_843[%gather3A_848] in [0] : vector<16xf32>, vector<16xi32> -> vector<16xf32>
        %broadcast_in_dim3A_850 = vector.shape_cast %add3A_140 : vector<16xi32> to vector<16x1xi32>
        %gather3A_851 = vector.shape_cast %broadcast_in_dim3A_850 : vector<16x1xi32> to vector<16xi32>
        %gather3A_852 = tpu.dynamic_gather %select_n3A_843[%gather3A_851] in [0] : vector<16xf32>, vector<16xi32> -> vector<16xf32>
        %broadcast_in_dim3A_853 = vector.shape_cast %add3A_143 : vector<16xi32> to vector<16x1xi32>
        %gather3A_854 = vector.shape_cast %broadcast_in_dim3A_853 : vector<16x1xi32> to vector<16xi32>
        %gather3A_855 = tpu.dynamic_gather %select_n3A_843[%gather3A_854] in [0] : vector<16xf32>, vector<16xi32> -> vector<16xf32>
        %mul3A_856 = arith.mulf %gather3A_846, %get3A_85 : vector<16xf32>
        %mul3A_857 = arith.mulf %gather3A_846, %get3A_21 : vector<16xf32>
        %mul3A_858 = arith.mulf %gather3A_849, %get3A_89 : vector<16xf32>
        %add3A_859 = arith.addf %mul3A_856, %mul3A_858 : vector<16xf32>
        %mul3A_860 = arith.mulf %gather3A_849, %get3A_25 : vector<16xf32>
        %add3A_861 = arith.addf %mul3A_857, %mul3A_860 : vector<16xf32>
        %mul3A_862 = arith.mulf %gather3A_852, %get3A_93 : vector<16xf32>
        %add3A_863 = arith.addf %add3A_859, %mul3A_862 : vector<16xf32>
        %mul3A_864 = arith.mulf %gather3A_852, %get3A_29 : vector<16xf32>
        %add3A_865 = arith.addf %add3A_861, %mul3A_864 : vector<16xf32>
        %mul3A_866 = arith.mulf %gather3A_855, %get3A_97 : vector<16xf32>
        %add3A_867 = arith.addf %add3A_863, %mul3A_866 : vector<16xf32>
        %mul3A_868 = arith.mulf %gather3A_855, %get3A_33 : vector<16xf32>
        %add3A_869 = arith.addf %add3A_865, %mul3A_868 : vector<16xf32>
        %add3A_870 = arith.addf %add3A_711, %add3A_867 : vector<16xf32>
        %max3A_871 = arith.constant 0.000000e+00 : f32
        %max3A_872 = vector.broadcast %max3A_871 : f32 to vector<16xf32>
        %max3A_873 = arith.maximumf %add3A_870, %max3A_872 : vector<16xf32>
        %get3A_874 = arith.index_cast %add3A_791 : i32 to index
        %get3A_875 = arith.constant 32 : index
        %get3A_876 = tpu.vector_load %arg12[%get3A_874, %get3A_875] {strides = array<i32>} : memref<200x128xf32, #tpu.memory_space<vmem>>, vector<16xf32>,
        %get3A_877 = arith.index_cast %add3A_791 : i32 to index
        %get3A_878 = arith.constant 96 : index
        %get3A_879 = tpu.vector_load %arg12[%get3A_877, %get3A_878] {strides = array<i32>} : memref<200x128xf32, #tpu.memory_space<vmem>>, vector<16xf32>,
        %select_n3A_880 = arith.select %ne3A_799, %get3A_879, %get3A_876 : vector<16xi1>, vector<16xf32>
        %broadcast_in_dim3A_881 = vector.shape_cast %add3A_134 : vector<16xi32> to vector<16x1xi32>
        %gather3A_882 = vector.shape_cast %broadcast_in_dim3A_881 : vector<16x1xi32> to vector<16xi32>
        %gather3A_883 = tpu.dynamic_gather %select_n3A_880[%gather3A_882] in [0] : vector<16xf32>, vector<16xi32> -> vector<16xf32>
        %broadcast_in_dim3A_884 = vector.shape_cast %add3A_137 : vector<16xi32> to vector<16x1xi32>
        %gather3A_885 = vector.shape_cast %broadcast_in_dim3A_884 : vector<16x1xi32> to vector<16xi32>
        %gather3A_886 = tpu.dynamic_gather %select_n3A_880[%gather3A_885] in [0] : vector<16xf32>, vector<16xi32> -> vector<16xf32>
        %broadcast_in_dim3A_887 = vector.shape_cast %add3A_140 : vector<16xi32> to vector<16x1xi32>
        %gather3A_888 = vector.shape_cast %broadcast_in_dim3A_887 : vector<16x1xi32> to vector<16xi32>
        %gather3A_889 = tpu.dynamic_gather %select_n3A_880[%gather3A_888] in [0] : vector<16xf32>, vector<16xi32> -> vector<16xf32>
        %broadcast_in_dim3A_890 = vector.shape_cast %add3A_143 : vector<16xi32> to vector<16x1xi32>
        %gather3A_891 = vector.shape_cast %broadcast_in_dim3A_890 : vector<16x1xi32> to vector<16xi32>
        %gather3A_892 = tpu.dynamic_gather %select_n3A_880[%gather3A_891] in [0] : vector<16xf32>, vector<16xi32> -> vector<16xf32>
        %mul3A_893 = arith.mulf %gather3A_883, %get3A_101 : vector<16xf32>
        %mul3A_894 = arith.mulf %gather3A_883, %get3A_37 : vector<16xf32>
        %mul3A_895 = arith.mulf %gather3A_886, %get3A_105 : vector<16xf32>
        %add3A_896 = arith.addf %mul3A_893, %mul3A_895 : vector<16xf32>
        %mul3A_897 = arith.mulf %gather3A_886, %get3A_41 : vector<16xf32>
        %add3A_898 = arith.addf %mul3A_894, %mul3A_897 : vector<16xf32>
        %mul3A_899 = arith.mulf %gather3A_889, %get3A_109 : vector<16xf32>
        %add3A_900 = arith.addf %add3A_896, %mul3A_899 : vector<16xf32>
        %mul3A_901 = arith.mulf %gather3A_889, %get3A_45 : vector<16xf32>
        %add3A_902 = arith.addf %add3A_898, %mul3A_901 : vector<16xf32>
        %mul3A_903 = arith.mulf %gather3A_892, %get3A_113 : vector<16xf32>
        %add3A_904 = arith.addf %add3A_900, %mul3A_903 : vector<16xf32>
        %mul3A_905 = arith.mulf %gather3A_892, %get3A_49 : vector<16xf32>
        %add3A_906 = arith.addf %add3A_902, %mul3A_905 : vector<16xf32>
        %add3A_907 = arith.addf %add3A_748, %add3A_904 : vector<16xf32>
        %max3A_908 = arith.constant 0.000000e+00 : f32
        %max3A_909 = vector.broadcast %max3A_908 : f32 to vector<16xf32>
        %max3A_910 = arith.maximumf %add3A_907, %max3A_909 : vector<16xf32>
        %get3A_911 = arith.index_cast %add3A_791 : i32 to index
        %get3A_912 = arith.constant 48 : index
        %get3A_913 = tpu.vector_load %arg12[%get3A_911, %get3A_912] {strides = array<i32>} : memref<200x128xf32, #tpu.memory_space<vmem>>, vector<16xf32>,
        %get3A_914 = arith.index_cast %add3A_791 : i32 to index
        %get3A_915 = arith.constant 112 : index
        %get3A_916 = tpu.vector_load %arg12[%get3A_914, %get3A_915] {strides = array<i32>} : memref<200x128xf32, #tpu.memory_space<vmem>>, vector<16xf32>,
        %select_n3A_917 = arith.select %ne3A_799, %get3A_916, %get3A_913 : vector<16xi1>, vector<16xf32>
        %broadcast_in_dim3A_918 = vector.shape_cast %add3A_134 : vector<16xi32> to vector<16x1xi32>
        %gather3A_919 = vector.shape_cast %broadcast_in_dim3A_918 : vector<16x1xi32> to vector<16xi32>
        %gather3A_920 = tpu.dynamic_gather %select_n3A_917[%gather3A_919] in [0] : vector<16xf32>, vector<16xi32> -> vector<16xf32>
        %broadcast_in_dim3A_921 = vector.shape_cast %add3A_137 : vector<16xi32> to vector<16x1xi32>
        %gather3A_922 = vector.shape_cast %broadcast_in_dim3A_921 : vector<16x1xi32> to vector<16xi32>
        %gather3A_923 = tpu.dynamic_gather %select_n3A_917[%gather3A_922] in [0] : vector<16xf32>, vector<16xi32> -> vector<16xf32>
        %broadcast_in_dim3A_924 = vector.shape_cast %add3A_140 : vector<16xi32> to vector<16x1xi32>
        %gather3A_925 = vector.shape_cast %broadcast_in_dim3A_924 : vector<16x1xi32> to vector<16xi32>
        %gather3A_926 = tpu.dynamic_gather %select_n3A_917[%gather3A_925] in [0] : vector<16xf32>, vector<16xi32> -> vector<16xf32>
        %broadcast_in_dim3A_927 = vector.shape_cast %add3A_143 : vector<16xi32> to vector<16x1xi32>
        %gather3A_928 = vector.shape_cast %broadcast_in_dim3A_927 : vector<16x1xi32> to vector<16xi32>
        %gather3A_929 = tpu.dynamic_gather %select_n3A_917[%gather3A_928] in [0] : vector<16xf32>, vector<16xi32> -> vector<16xf32>
        %mul3A_930 = arith.mulf %gather3A_920, %get3A_117 : vector<16xf32>
        %mul3A_931 = arith.mulf %gather3A_920, %get3A_53 : vector<16xf32>
        %mul3A_932 = arith.mulf %gather3A_923, %get3A_121 : vector<16xf32>
        %add3A_933 = arith.addf %mul3A_930, %mul3A_932 : vector<16xf32>
        %mul3A_934 = arith.mulf %gather3A_923, %get3A_57 : vector<16xf32>
        %add3A_935 = arith.addf %mul3A_931, %mul3A_934 : vector<16xf32>
        %mul3A_936 = arith.mulf %gather3A_926, %get3A_125 : vector<16xf32>
        %add3A_937 = arith.addf %add3A_933, %mul3A_936 : vector<16xf32>
        %mul3A_938 = arith.mulf %gather3A_926, %get3A_61 : vector<16xf32>
        %add3A_939 = arith.addf %add3A_935, %mul3A_938 : vector<16xf32>
        %mul3A_940 = arith.mulf %gather3A_929, %get3A_129 : vector<16xf32>
        %add3A_941 = arith.addf %add3A_937, %mul3A_940 : vector<16xf32>
        %mul3A_942 = arith.mulf %gather3A_929, %get3A_65 : vector<16xf32>
        %add3A_943 = arith.addf %add3A_939, %mul3A_942 : vector<16xf32>
        %add3A_944 = arith.addf %add3A_785, %add3A_941 : vector<16xf32>
        %max3A_945 = arith.constant 0.000000e+00 : f32
        %max3A_946 = vector.broadcast %max3A_945 : f32 to vector<16xf32>
        %max3A_947 = arith.maximumf %add3A_944, %max3A_946 : vector<16xf32>
        %add3A_948 = arith.constant 0 : i32
        %add3A_949 = arith.addi %mul3A_306, %add3A_948 : i32
        %swap3A = arith.index_cast %add3A_949 : i32 to index
        %swap3A_950 = arith.constant 0 : index
        %swap3A_951 = tpu.vector_load %arg14[%swap3A, %swap3A_950] {strides = array<i32>} : memref<200x64xf32, #tpu.memory_space<vmem>>, vector<16xf32>,
        tpu.vector_store %arg14[%swap3A, %swap3A_950], %max3A_362 {strides = array<i32>} : memref<200x64xf32, #tpu.memory_space<vmem>>, vector<16xf32>,
        %add3A_952 = arith.constant 0 : i32
        %add3A_953 = arith.addi %mul3A_306, %add3A_952 : i32
        %swap3A_954 = arith.index_cast %add3A_953 : i32 to index
        %swap3A_955 = arith.constant 16 : index
        %swap3A_956 = tpu.vector_load %arg14[%swap3A_954, %swap3A_955] {strides = array<i32>} : memref<200x64xf32, #tpu.memory_space<vmem>>, vector<16xf32>,
        tpu.vector_store %arg14[%swap3A_954, %swap3A_955], %max3A_399 {strides = array<i32>} : memref<200x64xf32, #tpu.memory_space<vmem>>, vector<16xf32>,
        %add3A_957 = arith.constant 0 : i32
        %add3A_958 = arith.addi %mul3A_306, %add3A_957 : i32
        %swap3A_959 = arith.index_cast %add3A_958 : i32 to index
        %swap3A_960 = arith.constant 32 : index
        %swap3A_961 = tpu.vector_load %arg14[%swap3A_959, %swap3A_960] {strides = array<i32>} : memref<200x64xf32, #tpu.memory_space<vmem>>, vector<16xf32>,
        tpu.vector_store %arg14[%swap3A_959, %swap3A_960], %max3A_436 {strides = array<i32>} : memref<200x64xf32, #tpu.memory_space<vmem>>, vector<16xf32>,
        %add3A_962 = arith.constant 0 : i32
        %add3A_963 = arith.addi %mul3A_306, %add3A_962 : i32
        %swap3A_964 = arith.index_cast %add3A_963 : i32 to index
        %swap3A_965 = arith.constant 48 : index
        %swap3A_966 = tpu.vector_load %arg14[%swap3A_964, %swap3A_965] {strides = array<i32>} : memref<200x64xf32, #tpu.memory_space<vmem>>, vector<16xf32>,
        tpu.vector_store %arg14[%swap3A_964, %swap3A_965], %max3A_473 {strides = array<i32>} : memref<200x64xf32, #tpu.memory_space<vmem>>, vector<16xf32>,
        %add3A_967 = arith.constant 1 : i32
        %add3A_968 = arith.addi %mul3A_306, %add3A_967 : i32
        %swap3A_969 = arith.index_cast %add3A_968 : i32 to index
        %swap3A_970 = arith.constant 0 : index
        %swap3A_971 = tpu.vector_load %arg14[%swap3A_969, %swap3A_970] {strides = array<i32>} : memref<200x64xf32, #tpu.memory_space<vmem>>, vector<16xf32>,
        tpu.vector_store %arg14[%swap3A_969, %swap3A_970], %max3A_520 {strides = array<i32>} : memref<200x64xf32, #tpu.memory_space<vmem>>, vector<16xf32>,
        %add3A_972 = arith.constant 1 : i32
        %add3A_973 = arith.addi %mul3A_306, %add3A_972 : i32
        %swap3A_974 = arith.index_cast %add3A_973 : i32 to index
        %swap3A_975 = arith.constant 16 : index
        %swap3A_976 = tpu.vector_load %arg14[%swap3A_974, %swap3A_975] {strides = array<i32>} : memref<200x64xf32, #tpu.memory_space<vmem>>, vector<16xf32>,
        tpu.vector_store %arg14[%swap3A_974, %swap3A_975], %max3A_557 {strides = array<i32>} : memref<200x64xf32, #tpu.memory_space<vmem>>, vector<16xf32>,
        %add3A_977 = arith.constant 1 : i32
        %add3A_978 = arith.addi %mul3A_306, %add3A_977 : i32
        %swap3A_979 = arith.index_cast %add3A_978 : i32 to index
        %swap3A_980 = arith.constant 32 : index
        %swap3A_981 = tpu.vector_load %arg14[%swap3A_979, %swap3A_980] {strides = array<i32>} : memref<200x64xf32, #tpu.memory_space<vmem>>, vector<16xf32>,
        tpu.vector_store %arg14[%swap3A_979, %swap3A_980], %max3A_594 {strides = array<i32>} : memref<200x64xf32, #tpu.memory_space<vmem>>, vector<16xf32>,
        %add3A_982 = arith.constant 1 : i32
        %add3A_983 = arith.addi %mul3A_306, %add3A_982 : i32
        %swap3A_984 = arith.index_cast %add3A_983 : i32 to index
        %swap3A_985 = arith.constant 48 : index
        %swap3A_986 = tpu.vector_load %arg14[%swap3A_984, %swap3A_985] {strides = array<i32>} : memref<200x64xf32, #tpu.memory_space<vmem>>, vector<16xf32>,
        tpu.vector_store %arg14[%swap3A_984, %swap3A_985], %max3A_631 {strides = array<i32>} : memref<200x64xf32, #tpu.memory_space<vmem>>, vector<16xf32>,
        %add3A_987 = arith.constant 2 : i32
        %add3A_988 = arith.addi %mul3A_306, %add3A_987 : i32
        %swap3A_989 = arith.index_cast %add3A_988 : i32 to index
        %swap3A_990 = arith.constant 0 : index
        %swap3A_991 = tpu.vector_load %arg14[%swap3A_989, %swap3A_990] {strides = array<i32>} : memref<200x64xf32, #tpu.memory_space<vmem>>, vector<16xf32>,
        tpu.vector_store %arg14[%swap3A_989, %swap3A_990], %max3A_678 {strides = array<i32>} : memref<200x64xf32, #tpu.memory_space<vmem>>, vector<16xf32>,
        %add3A_992 = arith.constant 2 : i32
        %add3A_993 = arith.addi %mul3A_306, %add3A_992 : i32
        %swap3A_994 = arith.index_cast %add3A_993 : i32 to index
        %swap3A_995 = arith.constant 16 : index
        %swap3A_996 = tpu.vector_load %arg14[%swap3A_994, %swap3A_995] {strides = array<i32>} : memref<200x64xf32, #tpu.memory_space<vmem>>, vector<16xf32>,
        tpu.vector_store %arg14[%swap3A_994, %swap3A_995], %max3A_715 {strides = array<i32>} : memref<200x64xf32, #tpu.memory_space<vmem>>, vector<16xf32>,
        %add3A_997 = arith.constant 2 : i32
        %add3A_998 = arith.addi %mul3A_306, %add3A_997 : i32
        %swap3A_999 = arith.index_cast %add3A_998 : i32 to index
        %swap3A_1000 = arith.constant 32 : index
        %swap3A_1001 = tpu.vector_load %arg14[%swap3A_999, %swap3A_1000] {strides = array<i32>} : memref<200x64xf32, #tpu.memory_space<vmem>>, vector<16xf32>,
        tpu.vector_store %arg14[%swap3A_999, %swap3A_1000], %max3A_752 {strides = array<i32>} : memref<200x64xf32, #tpu.memory_space<vmem>>, vector<16xf32>,
        %add3A_1002 = arith.constant 2 : i32
        %add3A_1003 = arith.addi %mul3A_306, %add3A_1002 : i32
        %swap3A_1004 = arith.index_cast %add3A_1003 : i32 to index
        %swap3A_1005 = arith.constant 48 : index
        %swap3A_1006 = tpu.vector_load %arg14[%swap3A_1004, %swap3A_1005] {strides = array<i32>} : memref<200x64xf32, #tpu.memory_space<vmem>>, vector<16xf32>,
        tpu.vector_store %arg14[%swap3A_1004, %swap3A_1005], %max3A_789 {strides = array<i32>} : memref<200x64xf32, #tpu.memory_space<vmem>>, vector<16xf32>,
        %add3A_1007 = arith.constant 3 : i32
        %add3A_1008 = arith.addi %mul3A_306, %add3A_1007 : i32
        %swap3A_1009 = arith.index_cast %add3A_1008 : i32 to index
        %swap3A_1010 = arith.constant 0 : index
        %swap3A_1011 = tpu.vector_load %arg14[%swap3A_1009, %swap3A_1010] {strides = array<i32>} : memref<200x64xf32, #tpu.memory_space<vmem>>, vector<16xf32>,
        tpu.vector_store %arg14[%swap3A_1009, %swap3A_1010], %max3A_836 {strides = array<i32>} : memref<200x64xf32, #tpu.memory_space<vmem>>, vector<16xf32>,
        %add3A_1012 = arith.constant 3 : i32
        %add3A_1013 = arith.addi %mul3A_306, %add3A_1012 : i32
        %swap3A_1014 = arith.index_cast %add3A_1013 : i32 to index
        %swap3A_1015 = arith.constant 16 : index
        %swap3A_1016 = tpu.vector_load %arg14[%swap3A_1014, %swap3A_1015] {strides = array<i32>} : memref<200x64xf32, #tpu.memory_space<vmem>>, vector<16xf32>,
        tpu.vector_store %arg14[%swap3A_1014, %swap3A_1015], %max3A_873 {strides = array<i32>} : memref<200x64xf32, #tpu.memory_space<vmem>>, vector<16xf32>,
        %add3A_1017 = arith.constant 3 : i32
        %add3A_1018 = arith.addi %mul3A_306, %add3A_1017 : i32
        %swap3A_1019 = arith.index_cast %add3A_1018 : i32 to index
        %swap3A_1020 = arith.constant 32 : index
        %swap3A_1021 = tpu.vector_load %arg14[%swap3A_1019, %swap3A_1020] {strides = array<i32>} : memref<200x64xf32, #tpu.memory_space<vmem>>, vector<16xf32>,
        tpu.vector_store %arg14[%swap3A_1019, %swap3A_1020], %max3A_910 {strides = array<i32>} : memref<200x64xf32, #tpu.memory_space<vmem>>, vector<16xf32>,
        %add3A_1022 = arith.constant 3 : i32
        %add3A_1023 = arith.addi %mul3A_306, %add3A_1022 : i32
        %swap3A_1024 = arith.index_cast %add3A_1023 : i32 to index
        %swap3A_1025 = arith.constant 48 : index
        %swap3A_1026 = tpu.vector_load %arg14[%swap3A_1024, %swap3A_1025] {strides = array<i32>} : memref<200x64xf32, #tpu.memory_space<vmem>>, vector<16xf32>,
        tpu.vector_store %arg14[%swap3A_1024, %swap3A_1025], %max3A_947 {strides = array<i32>} : memref<200x64xf32, #tpu.memory_space<vmem>>, vector<16xf32>,
        scf.yield %add3A_832, %add3A_869, %add3A_906, %add3A_943 : vector<16xf32>, vector<16xf32>, vector<16xf32>, vector<16xf32>
      }
      %scan3A_230 = arith.constant 32 : i32
      %dma_wait3A_231 = arith.constant 128 : i32
      %dma_wait3A_232 = arith.constant 0 : i32
      %dma_wait3A_233 = tpu.memref_slice %arg12[%dma_wait3A_231, %dma_wait3A_232] : memref<200x128xf32, #tpu.memory_space<vmem>> -> memref<72x128xf32, #tpu.memory_space<vmem>>
      %dma_wait3A_234 = arith.constant 128 : i32
      %dma_wait3A_235 = tpu.memref_slice %arg8[%dma_wait3A_234] : memref<200xi32, #tpu.memory_space<vmem>> -> memref<72xi32, #tpu.memory_space<vmem>>
      %dma_wait3A_236 = arith.constant 0 : i32
      %dma_wait3A_237 = arith.constant 0 : i32
      %dma_wait3A_238 = tpu.memref_slice %arg4[%dma_wait3A_236, %dma_wait3A_237] : memref<500000x128xf32, #tpu.memory_space<hbm>> -> memref<500000x128xf32, #tpu.memory_space<hbm>>
      tpu.wait_indirect_dma semaphore(%arg18 : memref<!tpu.dma_semaphore, #tpu.memory_space<semaphore_mem>>) src(%dma_wait3A_238 : memref<500000x128xf32, #tpu.memory_space<hbm>>) dst(%dma_wait3A_233 : memref<72x128xf32, #tpu.memory_space<vmem>>)
      %scan3A_239 = arith.constant 32 : i32
      %scan3A_240 = arith.constant 18 : i32
      %scan3A_241 = arith.addi %scan3A_239, %scan3A_240 : i32
      %scan3A_242 = arith.constant 1 : i32
      %scan3A_243:4 = scf.for %scan3A_300 = %scan3A_239 to %scan3A_241 step %scan3A_242 iter_args(%scan3A_301 = %scan3A_229#0, %scan3A_302 = %scan3A_229#1, %scan3A_303 = %scan3A_229#2, %scan3A_304 = %scan3A_229#3) -> (vector<16xf32>, vector<16xf32>, vector<16xf32>, vector<16xf32>)  : i32 {
        %mul3A_305 = arith.constant 4 : i32
        %mul3A_306 = arith.muli %scan3A_300, %mul3A_305 : i32
        %and3A_307 = arith.constant -8 : i32
        %and3A_308 = arith.andi %mul3A_306, %and3A_307 : i32
        %get3A_309 = arith.index_cast %and3A_308 : i32 to index
        %get3A_310 = tpu.vector_load %arg10[%get3A_309] {strides = array<i32>} : memref<208xi32, #tpu.memory_space<vmem>>, vector<16xi32>,
        %sub3A_311 = arith.subi %mul3A_306, %and3A_308 : i32
        %add3A_312 = vector.broadcast %sub3A_311 : i32 to vector<16xi32>
        %add3A_313 = arith.addi %add3A_312, %iota3A : vector<16xi32>
        %and3A_314 = arith.constant 15 : i32
        %and3A_315 = vector.broadcast %and3A_314 : i32 to vector<16xi32>
        %and3A_316 = arith.andi %add3A_313, %and3A_315 : vector<16xi32>
        %broadcast_in_dim3A_317 = vector.shape_cast %and3A_316 : vector<16xi32> to vector<16x1xi32>
        %gather3A = vector.shape_cast %broadcast_in_dim3A_317 : vector<16x1xi32> to vector<16xi32>
        %gather3A_318 = tpu.dynamic_gather %get3A_310[%gather3A] in [0] : vector<16xi32>, vector<16xi32> -> vector<16xi32>
        %add3A_319 = arith.constant 0 : i32
        %add3A_320 = arith.addi %mul3A_306, %add3A_319 : i32
        %broadcast_in_dim3A_321 = arith.constant 0 : i32
        %broadcast_in_dim3A_322 = vector.broadcast %broadcast_in_dim3A_321 : i32 to vector<16xi32>
        %broadcast_in_dim3A_323 = vector.shape_cast %broadcast_in_dim3A_322 : vector<16xi32> to vector<16x1xi32>
        %gather3A_324 = vector.shape_cast %broadcast_in_dim3A_323 : vector<16x1xi32> to vector<16xi32>
        %gather3A_325 = tpu.dynamic_gather %gather3A_318[%gather3A_324] in [0] : vector<16xi32>, vector<16xi32> -> vector<16xi32>
        %ne3A = arith.constant 0 : i32
        %ne3A_326 = vector.broadcast %ne3A : i32 to vector<16xi32>
        %ne3A_327 = arith.cmpi ne, %gather3A_325, %ne3A_326 : vector<16xi32>
        %get3A_328 = arith.index_cast %add3A_320 : i32 to index
        %get3A_329 = arith.constant 0 : index
        %get3A_330 = tpu.vector_load %arg12[%get3A_328, %get3A_329] {strides = array<i32>} : memref<200x128xf32, #tpu.memory_space<vmem>>, vector<16xf32>,
        %get3A_331 = arith.index_cast %add3A_320 : i32 to index
        %get3A_332 = arith.constant 64 : index
        %get3A_333 = tpu.vector_load %arg12[%get3A_331, %get3A_332] {strides = array<i32>} : memref<200x128xf32, #tpu.memory_space<vmem>>, vector<16xf32>,
        %select_n3A = arith.select %ne3A_327, %get3A_333, %get3A_330 : vector<16xi1>, vector<16xf32>
        %broadcast_in_dim3A_334 = vector.shape_cast %add3A_134 : vector<16xi32> to vector<16x1xi32>
        %gather3A_335 = vector.shape_cast %broadcast_in_dim3A_334 : vector<16x1xi32> to vector<16xi32>
        %gather3A_336 = tpu.dynamic_gather %select_n3A[%gather3A_335] in [0] : vector<16xf32>, vector<16xi32> -> vector<16xf32>
        %broadcast_in_dim3A_337 = vector.shape_cast %add3A_137 : vector<16xi32> to vector<16x1xi32>
        %gather3A_338 = vector.shape_cast %broadcast_in_dim3A_337 : vector<16x1xi32> to vector<16xi32>
        %gather3A_339 = tpu.dynamic_gather %select_n3A[%gather3A_338] in [0] : vector<16xf32>, vector<16xi32> -> vector<16xf32>
        %broadcast_in_dim3A_340 = vector.shape_cast %add3A_140 : vector<16xi32> to vector<16x1xi32>
        %gather3A_341 = vector.shape_cast %broadcast_in_dim3A_340 : vector<16x1xi32> to vector<16xi32>
        %gather3A_342 = tpu.dynamic_gather %select_n3A[%gather3A_341] in [0] : vector<16xf32>, vector<16xi32> -> vector<16xf32>
        %broadcast_in_dim3A_343 = vector.shape_cast %add3A_143 : vector<16xi32> to vector<16x1xi32>
        %gather3A_344 = vector.shape_cast %broadcast_in_dim3A_343 : vector<16x1xi32> to vector<16xi32>
        %gather3A_345 = tpu.dynamic_gather %select_n3A[%gather3A_344] in [0] : vector<16xf32>, vector<16xi32> -> vector<16xf32>
        %mul3A_346 = arith.mulf %gather3A_336, %get3A_69 : vector<16xf32>
        %mul3A_347 = arith.mulf %gather3A_336, %get3A_5 : vector<16xf32>
        %mul3A_348 = arith.mulf %gather3A_339, %get3A_73 : vector<16xf32>
        %add3A_349 = arith.addf %mul3A_346, %mul3A_348 : vector<16xf32>
        %mul3A_350 = arith.mulf %gather3A_339, %get3A_9 : vector<16xf32>
        %add3A_351 = arith.addf %mul3A_347, %mul3A_350 : vector<16xf32>
        %mul3A_352 = arith.mulf %gather3A_342, %get3A_77 : vector<16xf32>
        %add3A_353 = arith.addf %add3A_349, %mul3A_352 : vector<16xf32>
        %mul3A_354 = arith.mulf %gather3A_342, %get3A_13 : vector<16xf32>
        %add3A_355 = arith.addf %add3A_351, %mul3A_354 : vector<16xf32>
        %mul3A_356 = arith.mulf %gather3A_345, %get3A_81 : vector<16xf32>
        %add3A_357 = arith.addf %add3A_353, %mul3A_356 : vector<16xf32>
        %mul3A_358 = arith.mulf %gather3A_345, %get3A_17 : vector<16xf32>
        %add3A_359 = arith.addf %add3A_355, %mul3A_358 : vector<16xf32>
        %add3A_360 = arith.addf %scan3A_301, %add3A_357 : vector<16xf32>
        %max3A = arith.constant 0.000000e+00 : f32
        %max3A_361 = vector.broadcast %max3A : f32 to vector<16xf32>
        %max3A_362 = arith.maximumf %add3A_360, %max3A_361 : vector<16xf32>
        %get3A_363 = arith.index_cast %add3A_320 : i32 to index
        %get3A_364 = arith.constant 16 : index
        %get3A_365 = tpu.vector_load %arg12[%get3A_363, %get3A_364] {strides = array<i32>} : memref<200x128xf32, #tpu.memory_space<vmem>>, vector<16xf32>,
        %get3A_366 = arith.index_cast %add3A_320 : i32 to index
        %get3A_367 = arith.constant 80 : index
        %get3A_368 = tpu.vector_load %arg12[%get3A_366, %get3A_367] {strides = array<i32>} : memref<200x128xf32, #tpu.memory_space<vmem>>, vector<16xf32>,
        %select_n3A_369 = arith.select %ne3A_327, %get3A_368, %get3A_365 : vector<16xi1>, vector<16xf32>
        %broadcast_in_dim3A_370 = vector.shape_cast %add3A_134 : vector<16xi32> to vector<16x1xi32>
        %gather3A_371 = vector.shape_cast %broadcast_in_dim3A_370 : vector<16x1xi32> to vector<16xi32>
        %gather3A_372 = tpu.dynamic_gather %select_n3A_369[%gather3A_371] in [0] : vector<16xf32>, vector<16xi32> -> vector<16xf32>
        %broadcast_in_dim3A_373 = vector.shape_cast %add3A_137 : vector<16xi32> to vector<16x1xi32>
        %gather3A_374 = vector.shape_cast %broadcast_in_dim3A_373 : vector<16x1xi32> to vector<16xi32>
        %gather3A_375 = tpu.dynamic_gather %select_n3A_369[%gather3A_374] in [0] : vector<16xf32>, vector<16xi32> -> vector<16xf32>
        %broadcast_in_dim3A_376 = vector.shape_cast %add3A_140 : vector<16xi32> to vector<16x1xi32>
        %gather3A_377 = vector.shape_cast %broadcast_in_dim3A_376 : vector<16x1xi32> to vector<16xi32>
        %gather3A_378 = tpu.dynamic_gather %select_n3A_369[%gather3A_377] in [0] : vector<16xf32>, vector<16xi32> -> vector<16xf32>
        %broadcast_in_dim3A_379 = vector.shape_cast %add3A_143 : vector<16xi32> to vector<16x1xi32>
        %gather3A_380 = vector.shape_cast %broadcast_in_dim3A_379 : vector<16x1xi32> to vector<16xi32>
        %gather3A_381 = tpu.dynamic_gather %select_n3A_369[%gather3A_380] in [0] : vector<16xf32>, vector<16xi32> -> vector<16xf32>
        %mul3A_382 = arith.mulf %gather3A_372, %get3A_85 : vector<16xf32>
        %mul3A_383 = arith.mulf %gather3A_372, %get3A_21 : vector<16xf32>
        %mul3A_384 = arith.mulf %gather3A_375, %get3A_89 : vector<16xf32>
        %add3A_385 = arith.addf %mul3A_382, %mul3A_384 : vector<16xf32>
        %mul3A_386 = arith.mulf %gather3A_375, %get3A_25 : vector<16xf32>
        %add3A_387 = arith.addf %mul3A_383, %mul3A_386 : vector<16xf32>
        %mul3A_388 = arith.mulf %gather3A_378, %get3A_93 : vector<16xf32>
        %add3A_389 = arith.addf %add3A_385, %mul3A_388 : vector<16xf32>
        %mul3A_390 = arith.mulf %gather3A_378, %get3A_29 : vector<16xf32>
        %add3A_391 = arith.addf %add3A_387, %mul3A_390 : vector<16xf32>
        %mul3A_392 = arith.mulf %gather3A_381, %get3A_97 : vector<16xf32>
        %add3A_393 = arith.addf %add3A_389, %mul3A_392 : vector<16xf32>
        %mul3A_394 = arith.mulf %gather3A_381, %get3A_33 : vector<16xf32>
        %add3A_395 = arith.addf %add3A_391, %mul3A_394 : vector<16xf32>
        %add3A_396 = arith.addf %scan3A_302, %add3A_393 : vector<16xf32>
        %max3A_397 = arith.constant 0.000000e+00 : f32
        %max3A_398 = vector.broadcast %max3A_397 : f32 to vector<16xf32>
        %max3A_399 = arith.maximumf %add3A_396, %max3A_398 : vector<16xf32>
        %get3A_400 = arith.index_cast %add3A_320 : i32 to index
        %get3A_401 = arith.constant 32 : index
        %get3A_402 = tpu.vector_load %arg12[%get3A_400, %get3A_401] {strides = array<i32>} : memref<200x128xf32, #tpu.memory_space<vmem>>, vector<16xf32>,
        %get3A_403 = arith.index_cast %add3A_320 : i32 to index
        %get3A_404 = arith.constant 96 : index
        %get3A_405 = tpu.vector_load %arg12[%get3A_403, %get3A_404] {strides = array<i32>} : memref<200x128xf32, #tpu.memory_space<vmem>>, vector<16xf32>,
        %select_n3A_406 = arith.select %ne3A_327, %get3A_405, %get3A_402 : vector<16xi1>, vector<16xf32>
        %broadcast_in_dim3A_407 = vector.shape_cast %add3A_134 : vector<16xi32> to vector<16x1xi32>
        %gather3A_408 = vector.shape_cast %broadcast_in_dim3A_407 : vector<16x1xi32> to vector<16xi32>
        %gather3A_409 = tpu.dynamic_gather %select_n3A_406[%gather3A_408] in [0] : vector<16xf32>, vector<16xi32> -> vector<16xf32>
        %broadcast_in_dim3A_410 = vector.shape_cast %add3A_137 : vector<16xi32> to vector<16x1xi32>
        %gather3A_411 = vector.shape_cast %broadcast_in_dim3A_410 : vector<16x1xi32> to vector<16xi32>
        %gather3A_412 = tpu.dynamic_gather %select_n3A_406[%gather3A_411] in [0] : vector<16xf32>, vector<16xi32> -> vector<16xf32>
        %broadcast_in_dim3A_413 = vector.shape_cast %add3A_140 : vector<16xi32> to vector<16x1xi32>
        %gather3A_414 = vector.shape_cast %broadcast_in_dim3A_413 : vector<16x1xi32> to vector<16xi32>
        %gather3A_415 = tpu.dynamic_gather %select_n3A_406[%gather3A_414] in [0] : vector<16xf32>, vector<16xi32> -> vector<16xf32>
        %broadcast_in_dim3A_416 = vector.shape_cast %add3A_143 : vector<16xi32> to vector<16x1xi32>
        %gather3A_417 = vector.shape_cast %broadcast_in_dim3A_416 : vector<16x1xi32> to vector<16xi32>
        %gather3A_418 = tpu.dynamic_gather %select_n3A_406[%gather3A_417] in [0] : vector<16xf32>, vector<16xi32> -> vector<16xf32>
        %mul3A_419 = arith.mulf %gather3A_409, %get3A_101 : vector<16xf32>
        %mul3A_420 = arith.mulf %gather3A_409, %get3A_37 : vector<16xf32>
        %mul3A_421 = arith.mulf %gather3A_412, %get3A_105 : vector<16xf32>
        %add3A_422 = arith.addf %mul3A_419, %mul3A_421 : vector<16xf32>
        %mul3A_423 = arith.mulf %gather3A_412, %get3A_41 : vector<16xf32>
        %add3A_424 = arith.addf %mul3A_420, %mul3A_423 : vector<16xf32>
        %mul3A_425 = arith.mulf %gather3A_415, %get3A_109 : vector<16xf32>
        %add3A_426 = arith.addf %add3A_422, %mul3A_425 : vector<16xf32>
        %mul3A_427 = arith.mulf %gather3A_415, %get3A_45 : vector<16xf32>
        %add3A_428 = arith.addf %add3A_424, %mul3A_427 : vector<16xf32>
        %mul3A_429 = arith.mulf %gather3A_418, %get3A_113 : vector<16xf32>
        %add3A_430 = arith.addf %add3A_426, %mul3A_429 : vector<16xf32>
        %mul3A_431 = arith.mulf %gather3A_418, %get3A_49 : vector<16xf32>
        %add3A_432 = arith.addf %add3A_428, %mul3A_431 : vector<16xf32>
        %add3A_433 = arith.addf %scan3A_303, %add3A_430 : vector<16xf32>
        %max3A_434 = arith.constant 0.000000e+00 : f32
        %max3A_435 = vector.broadcast %max3A_434 : f32 to vector<16xf32>
        %max3A_436 = arith.maximumf %add3A_433, %max3A_435 : vector<16xf32>
        %get3A_437 = arith.index_cast %add3A_320 : i32 to index
        %get3A_438 = arith.constant 48 : index
        %get3A_439 = tpu.vector_load %arg12[%get3A_437, %get3A_438] {strides = array<i32>} : memref<200x128xf32, #tpu.memory_space<vmem>>, vector<16xf32>,
        %get3A_440 = arith.index_cast %add3A_320 : i32 to index
        %get3A_441 = arith.constant 112 : index
        %get3A_442 = tpu.vector_load %arg12[%get3A_440, %get3A_441] {strides = array<i32>} : memref<200x128xf32, #tpu.memory_space<vmem>>, vector<16xf32>,
        %select_n3A_443 = arith.select %ne3A_327, %get3A_442, %get3A_439 : vector<16xi1>, vector<16xf32>
        %broadcast_in_dim3A_444 = vector.shape_cast %add3A_134 : vector<16xi32> to vector<16x1xi32>
        %gather3A_445 = vector.shape_cast %broadcast_in_dim3A_444 : vector<16x1xi32> to vector<16xi32>
        %gather3A_446 = tpu.dynamic_gather %select_n3A_443[%gather3A_445] in [0] : vector<16xf32>, vector<16xi32> -> vector<16xf32>
        %broadcast_in_dim3A_447 = vector.shape_cast %add3A_137 : vector<16xi32> to vector<16x1xi32>
        %gather3A_448 = vector.shape_cast %broadcast_in_dim3A_447 : vector<16x1xi32> to vector<16xi32>
        %gather3A_449 = tpu.dynamic_gather %select_n3A_443[%gather3A_448] in [0] : vector<16xf32>, vector<16xi32> -> vector<16xf32>
        %broadcast_in_dim3A_450 = vector.shape_cast %add3A_140 : vector<16xi32> to vector<16x1xi32>
        %gather3A_451 = vector.shape_cast %broadcast_in_dim3A_450 : vector<16x1xi32> to vector<16xi32>
        %gather3A_452 = tpu.dynamic_gather %select_n3A_443[%gather3A_451] in [0] : vector<16xf32>, vector<16xi32> -> vector<16xf32>
        %broadcast_in_dim3A_453 = vector.shape_cast %add3A_143 : vector<16xi32> to vector<16x1xi32>
        %gather3A_454 = vector.shape_cast %broadcast_in_dim3A_453 : vector<16x1xi32> to vector<16xi32>
        %gather3A_455 = tpu.dynamic_gather %select_n3A_443[%gather3A_454] in [0] : vector<16xf32>, vector<16xi32> -> vector<16xf32>
        %mul3A_456 = arith.mulf %gather3A_446, %get3A_117 : vector<16xf32>
        %mul3A_457 = arith.mulf %gather3A_446, %get3A_53 : vector<16xf32>
        %mul3A_458 = arith.mulf %gather3A_449, %get3A_121 : vector<16xf32>
        %add3A_459 = arith.addf %mul3A_456, %mul3A_458 : vector<16xf32>
        %mul3A_460 = arith.mulf %gather3A_449, %get3A_57 : vector<16xf32>
        %add3A_461 = arith.addf %mul3A_457, %mul3A_460 : vector<16xf32>
        %mul3A_462 = arith.mulf %gather3A_452, %get3A_125 : vector<16xf32>
        %add3A_463 = arith.addf %add3A_459, %mul3A_462 : vector<16xf32>
        %mul3A_464 = arith.mulf %gather3A_452, %get3A_61 : vector<16xf32>
        %add3A_465 = arith.addf %add3A_461, %mul3A_464 : vector<16xf32>
        %mul3A_466 = arith.mulf %gather3A_455, %get3A_129 : vector<16xf32>
        %add3A_467 = arith.addf %add3A_463, %mul3A_466 : vector<16xf32>
        %mul3A_468 = arith.mulf %gather3A_455, %get3A_65 : vector<16xf32>
        %add3A_469 = arith.addf %add3A_465, %mul3A_468 : vector<16xf32>
        %add3A_470 = arith.addf %scan3A_304, %add3A_467 : vector<16xf32>
        %max3A_471 = arith.constant 0.000000e+00 : f32
        %max3A_472 = vector.broadcast %max3A_471 : f32 to vector<16xf32>
        %max3A_473 = arith.maximumf %add3A_470, %max3A_472 : vector<16xf32>
        %add3A_474 = arith.constant 1 : i32
        %add3A_475 = arith.addi %mul3A_306, %add3A_474 : i32
        %broadcast_in_dim3A_476 = arith.constant 1 : i32
        %broadcast_in_dim3A_477 = vector.broadcast %broadcast_in_dim3A_476 : i32 to vector<16xi32>
        %broadcast_in_dim3A_478 = vector.shape_cast %broadcast_in_dim3A_477 : vector<16xi32> to vector<16x1xi32>
        %gather3A_479 = vector.shape_cast %broadcast_in_dim3A_478 : vector<16x1xi32> to vector<16xi32>
        %gather3A_480 = tpu.dynamic_gather %gather3A_318[%gather3A_479] in [0] : vector<16xi32>, vector<16xi32> -> vector<16xi32>
        %ne3A_481 = arith.constant 0 : i32
        %ne3A_482 = vector.broadcast %ne3A_481 : i32 to vector<16xi32>
        %ne3A_483 = arith.cmpi ne, %gather3A_480, %ne3A_482 : vector<16xi32>
        %get3A_484 = arith.index_cast %add3A_475 : i32 to index
        %get3A_485 = arith.constant 0 : index
        %get3A_486 = tpu.vector_load %arg12[%get3A_484, %get3A_485] {strides = array<i32>} : memref<200x128xf32, #tpu.memory_space<vmem>>, vector<16xf32>,
        %get3A_487 = arith.index_cast %add3A_475 : i32 to index
        %get3A_488 = arith.constant 64 : index
        %get3A_489 = tpu.vector_load %arg12[%get3A_487, %get3A_488] {strides = array<i32>} : memref<200x128xf32, #tpu.memory_space<vmem>>, vector<16xf32>,
        %select_n3A_490 = arith.select %ne3A_483, %get3A_489, %get3A_486 : vector<16xi1>, vector<16xf32>
        %broadcast_in_dim3A_491 = vector.shape_cast %add3A_134 : vector<16xi32> to vector<16x1xi32>
        %gather3A_492 = vector.shape_cast %broadcast_in_dim3A_491 : vector<16x1xi32> to vector<16xi32>
        %gather3A_493 = tpu.dynamic_gather %select_n3A_490[%gather3A_492] in [0] : vector<16xf32>, vector<16xi32> -> vector<16xf32>
        %broadcast_in_dim3A_494 = vector.shape_cast %add3A_137 : vector<16xi32> to vector<16x1xi32>
        %gather3A_495 = vector.shape_cast %broadcast_in_dim3A_494 : vector<16x1xi32> to vector<16xi32>
        %gather3A_496 = tpu.dynamic_gather %select_n3A_490[%gather3A_495] in [0] : vector<16xf32>, vector<16xi32> -> vector<16xf32>
        %broadcast_in_dim3A_497 = vector.shape_cast %add3A_140 : vector<16xi32> to vector<16x1xi32>
        %gather3A_498 = vector.shape_cast %broadcast_in_dim3A_497 : vector<16x1xi32> to vector<16xi32>
        %gather3A_499 = tpu.dynamic_gather %select_n3A_490[%gather3A_498] in [0] : vector<16xf32>, vector<16xi32> -> vector<16xf32>
        %broadcast_in_dim3A_500 = vector.shape_cast %add3A_143 : vector<16xi32> to vector<16x1xi32>
        %gather3A_501 = vector.shape_cast %broadcast_in_dim3A_500 : vector<16x1xi32> to vector<16xi32>
        %gather3A_502 = tpu.dynamic_gather %select_n3A_490[%gather3A_501] in [0] : vector<16xf32>, vector<16xi32> -> vector<16xf32>
        %mul3A_503 = arith.mulf %gather3A_493, %get3A_69 : vector<16xf32>
        %mul3A_504 = arith.mulf %gather3A_493, %get3A_5 : vector<16xf32>
        %mul3A_505 = arith.mulf %gather3A_496, %get3A_73 : vector<16xf32>
        %add3A_506 = arith.addf %mul3A_503, %mul3A_505 : vector<16xf32>
        %mul3A_507 = arith.mulf %gather3A_496, %get3A_9 : vector<16xf32>
        %add3A_508 = arith.addf %mul3A_504, %mul3A_507 : vector<16xf32>
        %mul3A_509 = arith.mulf %gather3A_499, %get3A_77 : vector<16xf32>
        %add3A_510 = arith.addf %add3A_506, %mul3A_509 : vector<16xf32>
        %mul3A_511 = arith.mulf %gather3A_499, %get3A_13 : vector<16xf32>
        %add3A_512 = arith.addf %add3A_508, %mul3A_511 : vector<16xf32>
        %mul3A_513 = arith.mulf %gather3A_502, %get3A_81 : vector<16xf32>
        %add3A_514 = arith.addf %add3A_510, %mul3A_513 : vector<16xf32>
        %mul3A_515 = arith.mulf %gather3A_502, %get3A_17 : vector<16xf32>
        %add3A_516 = arith.addf %add3A_512, %mul3A_515 : vector<16xf32>
        %add3A_517 = arith.addf %add3A_359, %add3A_514 : vector<16xf32>
        %max3A_518 = arith.constant 0.000000e+00 : f32
        %max3A_519 = vector.broadcast %max3A_518 : f32 to vector<16xf32>
        %max3A_520 = arith.maximumf %add3A_517, %max3A_519 : vector<16xf32>
        %get3A_521 = arith.index_cast %add3A_475 : i32 to index
        %get3A_522 = arith.constant 16 : index
        %get3A_523 = tpu.vector_load %arg12[%get3A_521, %get3A_522] {strides = array<i32>} : memref<200x128xf32, #tpu.memory_space<vmem>>, vector<16xf32>,
        %get3A_524 = arith.index_cast %add3A_475 : i32 to index
        %get3A_525 = arith.constant 80 : index
        %get3A_526 = tpu.vector_load %arg12[%get3A_524, %get3A_525] {strides = array<i32>} : memref<200x128xf32, #tpu.memory_space<vmem>>, vector<16xf32>,
        %select_n3A_527 = arith.select %ne3A_483, %get3A_526, %get3A_523 : vector<16xi1>, vector<16xf32>
        %broadcast_in_dim3A_528 = vector.shape_cast %add3A_134 : vector<16xi32> to vector<16x1xi32>
        %gather3A_529 = vector.shape_cast %broadcast_in_dim3A_528 : vector<16x1xi32> to vector<16xi32>
        %gather3A_530 = tpu.dynamic_gather %select_n3A_527[%gather3A_529] in [0] : vector<16xf32>, vector<16xi32> -> vector<16xf32>
        %broadcast_in_dim3A_531 = vector.shape_cast %add3A_137 : vector<16xi32> to vector<16x1xi32>
        %gather3A_532 = vector.shape_cast %broadcast_in_dim3A_531 : vector<16x1xi32> to vector<16xi32>
        %gather3A_533 = tpu.dynamic_gather %select_n3A_527[%gather3A_532] in [0] : vector<16xf32>, vector<16xi32> -> vector<16xf32>
        %broadcast_in_dim3A_534 = vector.shape_cast %add3A_140 : vector<16xi32> to vector<16x1xi32>
        %gather3A_535 = vector.shape_cast %broadcast_in_dim3A_534 : vector<16x1xi32> to vector<16xi32>
        %gather3A_536 = tpu.dynamic_gather %select_n3A_527[%gather3A_535] in [0] : vector<16xf32>, vector<16xi32> -> vector<16xf32>
        %broadcast_in_dim3A_537 = vector.shape_cast %add3A_143 : vector<16xi32> to vector<16x1xi32>
        %gather3A_538 = vector.shape_cast %broadcast_in_dim3A_537 : vector<16x1xi32> to vector<16xi32>
        %gather3A_539 = tpu.dynamic_gather %select_n3A_527[%gather3A_538] in [0] : vector<16xf32>, vector<16xi32> -> vector<16xf32>
        %mul3A_540 = arith.mulf %gather3A_530, %get3A_85 : vector<16xf32>
        %mul3A_541 = arith.mulf %gather3A_530, %get3A_21 : vector<16xf32>
        %mul3A_542 = arith.mulf %gather3A_533, %get3A_89 : vector<16xf32>
        %add3A_543 = arith.addf %mul3A_540, %mul3A_542 : vector<16xf32>
        %mul3A_544 = arith.mulf %gather3A_533, %get3A_25 : vector<16xf32>
        %add3A_545 = arith.addf %mul3A_541, %mul3A_544 : vector<16xf32>
        %mul3A_546 = arith.mulf %gather3A_536, %get3A_93 : vector<16xf32>
        %add3A_547 = arith.addf %add3A_543, %mul3A_546 : vector<16xf32>
        %mul3A_548 = arith.mulf %gather3A_536, %get3A_29 : vector<16xf32>
        %add3A_549 = arith.addf %add3A_545, %mul3A_548 : vector<16xf32>
        %mul3A_550 = arith.mulf %gather3A_539, %get3A_97 : vector<16xf32>
        %add3A_551 = arith.addf %add3A_547, %mul3A_550 : vector<16xf32>
        %mul3A_552 = arith.mulf %gather3A_539, %get3A_33 : vector<16xf32>
        %add3A_553 = arith.addf %add3A_549, %mul3A_552 : vector<16xf32>
        %add3A_554 = arith.addf %add3A_395, %add3A_551 : vector<16xf32>
        %max3A_555 = arith.constant 0.000000e+00 : f32
        %max3A_556 = vector.broadcast %max3A_555 : f32 to vector<16xf32>
        %max3A_557 = arith.maximumf %add3A_554, %max3A_556 : vector<16xf32>
        %get3A_558 = arith.index_cast %add3A_475 : i32 to index
        %get3A_559 = arith.constant 32 : index
        %get3A_560 = tpu.vector_load %arg12[%get3A_558, %get3A_559] {strides = array<i32>} : memref<200x128xf32, #tpu.memory_space<vmem>>, vector<16xf32>,
        %get3A_561 = arith.index_cast %add3A_475 : i32 to index
        %get3A_562 = arith.constant 96 : index
        %get3A_563 = tpu.vector_load %arg12[%get3A_561, %get3A_562] {strides = array<i32>} : memref<200x128xf32, #tpu.memory_space<vmem>>, vector<16xf32>,
        %select_n3A_564 = arith.select %ne3A_483, %get3A_563, %get3A_560 : vector<16xi1>, vector<16xf32>
        %broadcast_in_dim3A_565 = vector.shape_cast %add3A_134 : vector<16xi32> to vector<16x1xi32>
        %gather3A_566 = vector.shape_cast %broadcast_in_dim3A_565 : vector<16x1xi32> to vector<16xi32>
        %gather3A_567 = tpu.dynamic_gather %select_n3A_564[%gather3A_566] in [0] : vector<16xf32>, vector<16xi32> -> vector<16xf32>
        %broadcast_in_dim3A_568 = vector.shape_cast %add3A_137 : vector<16xi32> to vector<16x1xi32>
        %gather3A_569 = vector.shape_cast %broadcast_in_dim3A_568 : vector<16x1xi32> to vector<16xi32>
        %gather3A_570 = tpu.dynamic_gather %select_n3A_564[%gather3A_569] in [0] : vector<16xf32>, vector<16xi32> -> vector<16xf32>
        %broadcast_in_dim3A_571 = vector.shape_cast %add3A_140 : vector<16xi32> to vector<16x1xi32>
        %gather3A_572 = vector.shape_cast %broadcast_in_dim3A_571 : vector<16x1xi32> to vector<16xi32>
        %gather3A_573 = tpu.dynamic_gather %select_n3A_564[%gather3A_572] in [0] : vector<16xf32>, vector<16xi32> -> vector<16xf32>
        %broadcast_in_dim3A_574 = vector.shape_cast %add3A_143 : vector<16xi32> to vector<16x1xi32>
        %gather3A_575 = vector.shape_cast %broadcast_in_dim3A_574 : vector<16x1xi32> to vector<16xi32>
        %gather3A_576 = tpu.dynamic_gather %select_n3A_564[%gather3A_575] in [0] : vector<16xf32>, vector<16xi32> -> vector<16xf32>
        %mul3A_577 = arith.mulf %gather3A_567, %get3A_101 : vector<16xf32>
        %mul3A_578 = arith.mulf %gather3A_567, %get3A_37 : vector<16xf32>
        %mul3A_579 = arith.mulf %gather3A_570, %get3A_105 : vector<16xf32>
        %add3A_580 = arith.addf %mul3A_577, %mul3A_579 : vector<16xf32>
        %mul3A_581 = arith.mulf %gather3A_570, %get3A_41 : vector<16xf32>
        %add3A_582 = arith.addf %mul3A_578, %mul3A_581 : vector<16xf32>
        %mul3A_583 = arith.mulf %gather3A_573, %get3A_109 : vector<16xf32>
        %add3A_584 = arith.addf %add3A_580, %mul3A_583 : vector<16xf32>
        %mul3A_585 = arith.mulf %gather3A_573, %get3A_45 : vector<16xf32>
        %add3A_586 = arith.addf %add3A_582, %mul3A_585 : vector<16xf32>
        %mul3A_587 = arith.mulf %gather3A_576, %get3A_113 : vector<16xf32>
        %add3A_588 = arith.addf %add3A_584, %mul3A_587 : vector<16xf32>
        %mul3A_589 = arith.mulf %gather3A_576, %get3A_49 : vector<16xf32>
        %add3A_590 = arith.addf %add3A_586, %mul3A_589 : vector<16xf32>
        %add3A_591 = arith.addf %add3A_432, %add3A_588 : vector<16xf32>
        %max3A_592 = arith.constant 0.000000e+00 : f32
        %max3A_593 = vector.broadcast %max3A_592 : f32 to vector<16xf32>
        %max3A_594 = arith.maximumf %add3A_591, %max3A_593 : vector<16xf32>
        %get3A_595 = arith.index_cast %add3A_475 : i32 to index
        %get3A_596 = arith.constant 48 : index
        %get3A_597 = tpu.vector_load %arg12[%get3A_595, %get3A_596] {strides = array<i32>} : memref<200x128xf32, #tpu.memory_space<vmem>>, vector<16xf32>,
        %get3A_598 = arith.index_cast %add3A_475 : i32 to index
        %get3A_599 = arith.constant 112 : index
        %get3A_600 = tpu.vector_load %arg12[%get3A_598, %get3A_599] {strides = array<i32>} : memref<200x128xf32, #tpu.memory_space<vmem>>, vector<16xf32>,
        %select_n3A_601 = arith.select %ne3A_483, %get3A_600, %get3A_597 : vector<16xi1>, vector<16xf32>
        %broadcast_in_dim3A_602 = vector.shape_cast %add3A_134 : vector<16xi32> to vector<16x1xi32>
        %gather3A_603 = vector.shape_cast %broadcast_in_dim3A_602 : vector<16x1xi32> to vector<16xi32>
        %gather3A_604 = tpu.dynamic_gather %select_n3A_601[%gather3A_603] in [0] : vector<16xf32>, vector<16xi32> -> vector<16xf32>
        %broadcast_in_dim3A_605 = vector.shape_cast %add3A_137 : vector<16xi32> to vector<16x1xi32>
        %gather3A_606 = vector.shape_cast %broadcast_in_dim3A_605 : vector<16x1xi32> to vector<16xi32>
        %gather3A_607 = tpu.dynamic_gather %select_n3A_601[%gather3A_606] in [0] : vector<16xf32>, vector<16xi32> -> vector<16xf32>
        %broadcast_in_dim3A_608 = vector.shape_cast %add3A_140 : vector<16xi32> to vector<16x1xi32>
        %gather3A_609 = vector.shape_cast %broadcast_in_dim3A_608 : vector<16x1xi32> to vector<16xi32>
        %gather3A_610 = tpu.dynamic_gather %select_n3A_601[%gather3A_609] in [0] : vector<16xf32>, vector<16xi32> -> vector<16xf32>
        %broadcast_in_dim3A_611 = vector.shape_cast %add3A_143 : vector<16xi32> to vector<16x1xi32>
        %gather3A_612 = vector.shape_cast %broadcast_in_dim3A_611 : vector<16x1xi32> to vector<16xi32>
        %gather3A_613 = tpu.dynamic_gather %select_n3A_601[%gather3A_612] in [0] : vector<16xf32>, vector<16xi32> -> vector<16xf32>
        %mul3A_614 = arith.mulf %gather3A_604, %get3A_117 : vector<16xf32>
        %mul3A_615 = arith.mulf %gather3A_604, %get3A_53 : vector<16xf32>
        %mul3A_616 = arith.mulf %gather3A_607, %get3A_121 : vector<16xf32>
        %add3A_617 = arith.addf %mul3A_614, %mul3A_616 : vector<16xf32>
        %mul3A_618 = arith.mulf %gather3A_607, %get3A_57 : vector<16xf32>
        %add3A_619 = arith.addf %mul3A_615, %mul3A_618 : vector<16xf32>
        %mul3A_620 = arith.mulf %gather3A_610, %get3A_125 : vector<16xf32>
        %add3A_621 = arith.addf %add3A_617, %mul3A_620 : vector<16xf32>
        %mul3A_622 = arith.mulf %gather3A_610, %get3A_61 : vector<16xf32>
        %add3A_623 = arith.addf %add3A_619, %mul3A_622 : vector<16xf32>
        %mul3A_624 = arith.mulf %gather3A_613, %get3A_129 : vector<16xf32>
        %add3A_625 = arith.addf %add3A_621, %mul3A_624 : vector<16xf32>
        %mul3A_626 = arith.mulf %gather3A_613, %get3A_65 : vector<16xf32>
        %add3A_627 = arith.addf %add3A_623, %mul3A_626 : vector<16xf32>
        %add3A_628 = arith.addf %add3A_469, %add3A_625 : vector<16xf32>
        %max3A_629 = arith.constant 0.000000e+00 : f32
        %max3A_630 = vector.broadcast %max3A_629 : f32 to vector<16xf32>
        %max3A_631 = arith.maximumf %add3A_628, %max3A_630 : vector<16xf32>
        %add3A_632 = arith.constant 2 : i32
        %add3A_633 = arith.addi %mul3A_306, %add3A_632 : i32
        %broadcast_in_dim3A_634 = arith.constant 2 : i32
        %broadcast_in_dim3A_635 = vector.broadcast %broadcast_in_dim3A_634 : i32 to vector<16xi32>
        %broadcast_in_dim3A_636 = vector.shape_cast %broadcast_in_dim3A_635 : vector<16xi32> to vector<16x1xi32>
        %gather3A_637 = vector.shape_cast %broadcast_in_dim3A_636 : vector<16x1xi32> to vector<16xi32>
        %gather3A_638 = tpu.dynamic_gather %gather3A_318[%gather3A_637] in [0] : vector<16xi32>, vector<16xi32> -> vector<16xi32>
        %ne3A_639 = arith.constant 0 : i32
        %ne3A_640 = vector.broadcast %ne3A_639 : i32 to vector<16xi32>
        %ne3A_641 = arith.cmpi ne, %gather3A_638, %ne3A_640 : vector<16xi32>
        %get3A_642 = arith.index_cast %add3A_633 : i32 to index
        %get3A_643 = arith.constant 0 : index
        %get3A_644 = tpu.vector_load %arg12[%get3A_642, %get3A_643] {strides = array<i32>} : memref<200x128xf32, #tpu.memory_space<vmem>>, vector<16xf32>,
        %get3A_645 = arith.index_cast %add3A_633 : i32 to index
        %get3A_646 = arith.constant 64 : index
        %get3A_647 = tpu.vector_load %arg12[%get3A_645, %get3A_646] {strides = array<i32>} : memref<200x128xf32, #tpu.memory_space<vmem>>, vector<16xf32>,
        %select_n3A_648 = arith.select %ne3A_641, %get3A_647, %get3A_644 : vector<16xi1>, vector<16xf32>
        %broadcast_in_dim3A_649 = vector.shape_cast %add3A_134 : vector<16xi32> to vector<16x1xi32>
        %gather3A_650 = vector.shape_cast %broadcast_in_dim3A_649 : vector<16x1xi32> to vector<16xi32>
        %gather3A_651 = tpu.dynamic_gather %select_n3A_648[%gather3A_650] in [0] : vector<16xf32>, vector<16xi32> -> vector<16xf32>
        %broadcast_in_dim3A_652 = vector.shape_cast %add3A_137 : vector<16xi32> to vector<16x1xi32>
        %gather3A_653 = vector.shape_cast %broadcast_in_dim3A_652 : vector<16x1xi32> to vector<16xi32>
        %gather3A_654 = tpu.dynamic_gather %select_n3A_648[%gather3A_653] in [0] : vector<16xf32>, vector<16xi32> -> vector<16xf32>
        %broadcast_in_dim3A_655 = vector.shape_cast %add3A_140 : vector<16xi32> to vector<16x1xi32>
        %gather3A_656 = vector.shape_cast %broadcast_in_dim3A_655 : vector<16x1xi32> to vector<16xi32>
        %gather3A_657 = tpu.dynamic_gather %select_n3A_648[%gather3A_656] in [0] : vector<16xf32>, vector<16xi32> -> vector<16xf32>
        %broadcast_in_dim3A_658 = vector.shape_cast %add3A_143 : vector<16xi32> to vector<16x1xi32>
        %gather3A_659 = vector.shape_cast %broadcast_in_dim3A_658 : vector<16x1xi32> to vector<16xi32>
        %gather3A_660 = tpu.dynamic_gather %select_n3A_648[%gather3A_659] in [0] : vector<16xf32>, vector<16xi32> -> vector<16xf32>
        %mul3A_661 = arith.mulf %gather3A_651, %get3A_69 : vector<16xf32>
        %mul3A_662 = arith.mulf %gather3A_651, %get3A_5 : vector<16xf32>
        %mul3A_663 = arith.mulf %gather3A_654, %get3A_73 : vector<16xf32>
        %add3A_664 = arith.addf %mul3A_661, %mul3A_663 : vector<16xf32>
        %mul3A_665 = arith.mulf %gather3A_654, %get3A_9 : vector<16xf32>
        %add3A_666 = arith.addf %mul3A_662, %mul3A_665 : vector<16xf32>
        %mul3A_667 = arith.mulf %gather3A_657, %get3A_77 : vector<16xf32>
        %add3A_668 = arith.addf %add3A_664, %mul3A_667 : vector<16xf32>
        %mul3A_669 = arith.mulf %gather3A_657, %get3A_13 : vector<16xf32>
        %add3A_670 = arith.addf %add3A_666, %mul3A_669 : vector<16xf32>
        %mul3A_671 = arith.mulf %gather3A_660, %get3A_81 : vector<16xf32>
        %add3A_672 = arith.addf %add3A_668, %mul3A_671 : vector<16xf32>
        %mul3A_673 = arith.mulf %gather3A_660, %get3A_17 : vector<16xf32>
        %add3A_674 = arith.addf %add3A_670, %mul3A_673 : vector<16xf32>
        %add3A_675 = arith.addf %add3A_516, %add3A_672 : vector<16xf32>
        %max3A_676 = arith.constant 0.000000e+00 : f32
        %max3A_677 = vector.broadcast %max3A_676 : f32 to vector<16xf32>
        %max3A_678 = arith.maximumf %add3A_675, %max3A_677 : vector<16xf32>
        %get3A_679 = arith.index_cast %add3A_633 : i32 to index
        %get3A_680 = arith.constant 16 : index
        %get3A_681 = tpu.vector_load %arg12[%get3A_679, %get3A_680] {strides = array<i32>} : memref<200x128xf32, #tpu.memory_space<vmem>>, vector<16xf32>,
        %get3A_682 = arith.index_cast %add3A_633 : i32 to index
        %get3A_683 = arith.constant 80 : index
        %get3A_684 = tpu.vector_load %arg12[%get3A_682, %get3A_683] {strides = array<i32>} : memref<200x128xf32, #tpu.memory_space<vmem>>, vector<16xf32>,
        %select_n3A_685 = arith.select %ne3A_641, %get3A_684, %get3A_681 : vector<16xi1>, vector<16xf32>
        %broadcast_in_dim3A_686 = vector.shape_cast %add3A_134 : vector<16xi32> to vector<16x1xi32>
        %gather3A_687 = vector.shape_cast %broadcast_in_dim3A_686 : vector<16x1xi32> to vector<16xi32>
        %gather3A_688 = tpu.dynamic_gather %select_n3A_685[%gather3A_687] in [0] : vector<16xf32>, vector<16xi32> -> vector<16xf32>
        %broadcast_in_dim3A_689 = vector.shape_cast %add3A_137 : vector<16xi32> to vector<16x1xi32>
        %gather3A_690 = vector.shape_cast %broadcast_in_dim3A_689 : vector<16x1xi32> to vector<16xi32>
        %gather3A_691 = tpu.dynamic_gather %select_n3A_685[%gather3A_690] in [0] : vector<16xf32>, vector<16xi32> -> vector<16xf32>
        %broadcast_in_dim3A_692 = vector.shape_cast %add3A_140 : vector<16xi32> to vector<16x1xi32>
        %gather3A_693 = vector.shape_cast %broadcast_in_dim3A_692 : vector<16x1xi32> to vector<16xi32>
        %gather3A_694 = tpu.dynamic_gather %select_n3A_685[%gather3A_693] in [0] : vector<16xf32>, vector<16xi32> -> vector<16xf32>
        %broadcast_in_dim3A_695 = vector.shape_cast %add3A_143 : vector<16xi32> to vector<16x1xi32>
        %gather3A_696 = vector.shape_cast %broadcast_in_dim3A_695 : vector<16x1xi32> to vector<16xi32>
        %gather3A_697 = tpu.dynamic_gather %select_n3A_685[%gather3A_696] in [0] : vector<16xf32>, vector<16xi32> -> vector<16xf32>
        %mul3A_698 = arith.mulf %gather3A_688, %get3A_85 : vector<16xf32>
        %mul3A_699 = arith.mulf %gather3A_688, %get3A_21 : vector<16xf32>
        %mul3A_700 = arith.mulf %gather3A_691, %get3A_89 : vector<16xf32>
        %add3A_701 = arith.addf %mul3A_698, %mul3A_700 : vector<16xf32>
        %mul3A_702 = arith.mulf %gather3A_691, %get3A_25 : vector<16xf32>
        %add3A_703 = arith.addf %mul3A_699, %mul3A_702 : vector<16xf32>
        %mul3A_704 = arith.mulf %gather3A_694, %get3A_93 : vector<16xf32>
        %add3A_705 = arith.addf %add3A_701, %mul3A_704 : vector<16xf32>
        %mul3A_706 = arith.mulf %gather3A_694, %get3A_29 : vector<16xf32>
        %add3A_707 = arith.addf %add3A_703, %mul3A_706 : vector<16xf32>
        %mul3A_708 = arith.mulf %gather3A_697, %get3A_97 : vector<16xf32>
        %add3A_709 = arith.addf %add3A_705, %mul3A_708 : vector<16xf32>
        %mul3A_710 = arith.mulf %gather3A_697, %get3A_33 : vector<16xf32>
        %add3A_711 = arith.addf %add3A_707, %mul3A_710 : vector<16xf32>
        %add3A_712 = arith.addf %add3A_553, %add3A_709 : vector<16xf32>
        %max3A_713 = arith.constant 0.000000e+00 : f32
        %max3A_714 = vector.broadcast %max3A_713 : f32 to vector<16xf32>
        %max3A_715 = arith.maximumf %add3A_712, %max3A_714 : vector<16xf32>
        %get3A_716 = arith.index_cast %add3A_633 : i32 to index
        %get3A_717 = arith.constant 32 : index
        %get3A_718 = tpu.vector_load %arg12[%get3A_716, %get3A_717] {strides = array<i32>} : memref<200x128xf32, #tpu.memory_space<vmem>>, vector<16xf32>,
        %get3A_719 = arith.index_cast %add3A_633 : i32 to index
        %get3A_720 = arith.constant 96 : index
        %get3A_721 = tpu.vector_load %arg12[%get3A_719, %get3A_720] {strides = array<i32>} : memref<200x128xf32, #tpu.memory_space<vmem>>, vector<16xf32>,
        %select_n3A_722 = arith.select %ne3A_641, %get3A_721, %get3A_718 : vector<16xi1>, vector<16xf32>
        %broadcast_in_dim3A_723 = vector.shape_cast %add3A_134 : vector<16xi32> to vector<16x1xi32>
        %gather3A_724 = vector.shape_cast %broadcast_in_dim3A_723 : vector<16x1xi32> to vector<16xi32>
        %gather3A_725 = tpu.dynamic_gather %select_n3A_722[%gather3A_724] in [0] : vector<16xf32>, vector<16xi32> -> vector<16xf32>
        %broadcast_in_dim3A_726 = vector.shape_cast %add3A_137 : vector<16xi32> to vector<16x1xi32>
        %gather3A_727 = vector.shape_cast %broadcast_in_dim3A_726 : vector<16x1xi32> to vector<16xi32>
        %gather3A_728 = tpu.dynamic_gather %select_n3A_722[%gather3A_727] in [0] : vector<16xf32>, vector<16xi32> -> vector<16xf32>
        %broadcast_in_dim3A_729 = vector.shape_cast %add3A_140 : vector<16xi32> to vector<16x1xi32>
        %gather3A_730 = vector.shape_cast %broadcast_in_dim3A_729 : vector<16x1xi32> to vector<16xi32>
        %gather3A_731 = tpu.dynamic_gather %select_n3A_722[%gather3A_730] in [0] : vector<16xf32>, vector<16xi32> -> vector<16xf32>
        %broadcast_in_dim3A_732 = vector.shape_cast %add3A_143 : vector<16xi32> to vector<16x1xi32>
        %gather3A_733 = vector.shape_cast %broadcast_in_dim3A_732 : vector<16x1xi32> to vector<16xi32>
        %gather3A_734 = tpu.dynamic_gather %select_n3A_722[%gather3A_733] in [0] : vector<16xf32>, vector<16xi32> -> vector<16xf32>
        %mul3A_735 = arith.mulf %gather3A_725, %get3A_101 : vector<16xf32>
        %mul3A_736 = arith.mulf %gather3A_725, %get3A_37 : vector<16xf32>
        %mul3A_737 = arith.mulf %gather3A_728, %get3A_105 : vector<16xf32>
        %add3A_738 = arith.addf %mul3A_735, %mul3A_737 : vector<16xf32>
        %mul3A_739 = arith.mulf %gather3A_728, %get3A_41 : vector<16xf32>
        %add3A_740 = arith.addf %mul3A_736, %mul3A_739 : vector<16xf32>
        %mul3A_741 = arith.mulf %gather3A_731, %get3A_109 : vector<16xf32>
        %add3A_742 = arith.addf %add3A_738, %mul3A_741 : vector<16xf32>
        %mul3A_743 = arith.mulf %gather3A_731, %get3A_45 : vector<16xf32>
        %add3A_744 = arith.addf %add3A_740, %mul3A_743 : vector<16xf32>
        %mul3A_745 = arith.mulf %gather3A_734, %get3A_113 : vector<16xf32>
        %add3A_746 = arith.addf %add3A_742, %mul3A_745 : vector<16xf32>
        %mul3A_747 = arith.mulf %gather3A_734, %get3A_49 : vector<16xf32>
        %add3A_748 = arith.addf %add3A_744, %mul3A_747 : vector<16xf32>
        %add3A_749 = arith.addf %add3A_590, %add3A_746 : vector<16xf32>
        %max3A_750 = arith.constant 0.000000e+00 : f32
        %max3A_751 = vector.broadcast %max3A_750 : f32 to vector<16xf32>
        %max3A_752 = arith.maximumf %add3A_749, %max3A_751 : vector<16xf32>
        %get3A_753 = arith.index_cast %add3A_633 : i32 to index
        %get3A_754 = arith.constant 48 : index
        %get3A_755 = tpu.vector_load %arg12[%get3A_753, %get3A_754] {strides = array<i32>} : memref<200x128xf32, #tpu.memory_space<vmem>>, vector<16xf32>,
        %get3A_756 = arith.index_cast %add3A_633 : i32 to index
        %get3A_757 = arith.constant 112 : index
        %get3A_758 = tpu.vector_load %arg12[%get3A_756, %get3A_757] {strides = array<i32>} : memref<200x128xf32, #tpu.memory_space<vmem>>, vector<16xf32>,
        %select_n3A_759 = arith.select %ne3A_641, %get3A_758, %get3A_755 : vector<16xi1>, vector<16xf32>
        %broadcast_in_dim3A_760 = vector.shape_cast %add3A_134 : vector<16xi32> to vector<16x1xi32>
        %gather3A_761 = vector.shape_cast %broadcast_in_dim3A_760 : vector<16x1xi32> to vector<16xi32>
        %gather3A_762 = tpu.dynamic_gather %select_n3A_759[%gather3A_761] in [0] : vector<16xf32>, vector<16xi32> -> vector<16xf32>
        %broadcast_in_dim3A_763 = vector.shape_cast %add3A_137 : vector<16xi32> to vector<16x1xi32>
        %gather3A_764 = vector.shape_cast %broadcast_in_dim3A_763 : vector<16x1xi32> to vector<16xi32>
        %gather3A_765 = tpu.dynamic_gather %select_n3A_759[%gather3A_764] in [0] : vector<16xf32>, vector<16xi32> -> vector<16xf32>
        %broadcast_in_dim3A_766 = vector.shape_cast %add3A_140 : vector<16xi32> to vector<16x1xi32>
        %gather3A_767 = vector.shape_cast %broadcast_in_dim3A_766 : vector<16x1xi32> to vector<16xi32>
        %gather3A_768 = tpu.dynamic_gather %select_n3A_759[%gather3A_767] in [0] : vector<16xf32>, vector<16xi32> -> vector<16xf32>
        %broadcast_in_dim3A_769 = vector.shape_cast %add3A_143 : vector<16xi32> to vector<16x1xi32>
        %gather3A_770 = vector.shape_cast %broadcast_in_dim3A_769 : vector<16x1xi32> to vector<16xi32>
        %gather3A_771 = tpu.dynamic_gather %select_n3A_759[%gather3A_770] in [0] : vector<16xf32>, vector<16xi32> -> vector<16xf32>
        %mul3A_772 = arith.mulf %gather3A_762, %get3A_117 : vector<16xf32>
        %mul3A_773 = arith.mulf %gather3A_762, %get3A_53 : vector<16xf32>
        %mul3A_774 = arith.mulf %gather3A_765, %get3A_121 : vector<16xf32>
        %add3A_775 = arith.addf %mul3A_772, %mul3A_774 : vector<16xf32>
        %mul3A_776 = arith.mulf %gather3A_765, %get3A_57 : vector<16xf32>
        %add3A_777 = arith.addf %mul3A_773, %mul3A_776 : vector<16xf32>
        %mul3A_778 = arith.mulf %gather3A_768, %get3A_125 : vector<16xf32>
        %add3A_779 = arith.addf %add3A_775, %mul3A_778 : vector<16xf32>
        %mul3A_780 = arith.mulf %gather3A_768, %get3A_61 : vector<16xf32>
        %add3A_781 = arith.addf %add3A_777, %mul3A_780 : vector<16xf32>
        %mul3A_782 = arith.mulf %gather3A_771, %get3A_129 : vector<16xf32>
        %add3A_783 = arith.addf %add3A_779, %mul3A_782 : vector<16xf32>
        %mul3A_784 = arith.mulf %gather3A_771, %get3A_65 : vector<16xf32>
        %add3A_785 = arith.addf %add3A_781, %mul3A_784 : vector<16xf32>
        %add3A_786 = arith.addf %add3A_627, %add3A_783 : vector<16xf32>
        %max3A_787 = arith.constant 0.000000e+00 : f32
        %max3A_788 = vector.broadcast %max3A_787 : f32 to vector<16xf32>
        %max3A_789 = arith.maximumf %add3A_786, %max3A_788 : vector<16xf32>
        %add3A_790 = arith.constant 3 : i32
        %add3A_791 = arith.addi %mul3A_306, %add3A_790 : i32
        %broadcast_in_dim3A_792 = arith.constant 3 : i32
        %broadcast_in_dim3A_793 = vector.broadcast %broadcast_in_dim3A_792 : i32 to vector<16xi32>
        %broadcast_in_dim3A_794 = vector.shape_cast %broadcast_in_dim3A_793 : vector<16xi32> to vector<16x1xi32>
        %gather3A_795 = vector.shape_cast %broadcast_in_dim3A_794 : vector<16x1xi32> to vector<16xi32>
        %gather3A_796 = tpu.dynamic_gather %gather3A_318[%gather3A_795] in [0] : vector<16xi32>, vector<16xi32> -> vector<16xi32>
        %ne3A_797 = arith.constant 0 : i32
        %ne3A_798 = vector.broadcast %ne3A_797 : i32 to vector<16xi32>
        %ne3A_799 = arith.cmpi ne, %gather3A_796, %ne3A_798 : vector<16xi32>
        %get3A_800 = arith.index_cast %add3A_791 : i32 to index
        %get3A_801 = arith.constant 0 : index
        %get3A_802 = tpu.vector_load %arg12[%get3A_800, %get3A_801] {strides = array<i32>} : memref<200x128xf32, #tpu.memory_space<vmem>>, vector<16xf32>,
        %get3A_803 = arith.index_cast %add3A_791 : i32 to index
        %get3A_804 = arith.constant 64 : index
        %get3A_805 = tpu.vector_load %arg12[%get3A_803, %get3A_804] {strides = array<i32>} : memref<200x128xf32, #tpu.memory_space<vmem>>, vector<16xf32>,
        %select_n3A_806 = arith.select %ne3A_799, %get3A_805, %get3A_802 : vector<16xi1>, vector<16xf32>
        %broadcast_in_dim3A_807 = vector.shape_cast %add3A_134 : vector<16xi32> to vector<16x1xi32>
        %gather3A_808 = vector.shape_cast %broadcast_in_dim3A_807 : vector<16x1xi32> to vector<16xi32>
        %gather3A_809 = tpu.dynamic_gather %select_n3A_806[%gather3A_808] in [0] : vector<16xf32>, vector<16xi32> -> vector<16xf32>
        %broadcast_in_dim3A_810 = vector.shape_cast %add3A_137 : vector<16xi32> to vector<16x1xi32>
        %gather3A_811 = vector.shape_cast %broadcast_in_dim3A_810 : vector<16x1xi32> to vector<16xi32>
        %gather3A_812 = tpu.dynamic_gather %select_n3A_806[%gather3A_811] in [0] : vector<16xf32>, vector<16xi32> -> vector<16xf32>
        %broadcast_in_dim3A_813 = vector.shape_cast %add3A_140 : vector<16xi32> to vector<16x1xi32>
        %gather3A_814 = vector.shape_cast %broadcast_in_dim3A_813 : vector<16x1xi32> to vector<16xi32>
        %gather3A_815 = tpu.dynamic_gather %select_n3A_806[%gather3A_814] in [0] : vector<16xf32>, vector<16xi32> -> vector<16xf32>
        %broadcast_in_dim3A_816 = vector.shape_cast %add3A_143 : vector<16xi32> to vector<16x1xi32>
        %gather3A_817 = vector.shape_cast %broadcast_in_dim3A_816 : vector<16x1xi32> to vector<16xi32>
        %gather3A_818 = tpu.dynamic_gather %select_n3A_806[%gather3A_817] in [0] : vector<16xf32>, vector<16xi32> -> vector<16xf32>
        %mul3A_819 = arith.mulf %gather3A_809, %get3A_69 : vector<16xf32>
        %mul3A_820 = arith.mulf %gather3A_809, %get3A_5 : vector<16xf32>
        %mul3A_821 = arith.mulf %gather3A_812, %get3A_73 : vector<16xf32>
        %add3A_822 = arith.addf %mul3A_819, %mul3A_821 : vector<16xf32>
        %mul3A_823 = arith.mulf %gather3A_812, %get3A_9 : vector<16xf32>
        %add3A_824 = arith.addf %mul3A_820, %mul3A_823 : vector<16xf32>
        %mul3A_825 = arith.mulf %gather3A_815, %get3A_77 : vector<16xf32>
        %add3A_826 = arith.addf %add3A_822, %mul3A_825 : vector<16xf32>
        %mul3A_827 = arith.mulf %gather3A_815, %get3A_13 : vector<16xf32>
        %add3A_828 = arith.addf %add3A_824, %mul3A_827 : vector<16xf32>
        %mul3A_829 = arith.mulf %gather3A_818, %get3A_81 : vector<16xf32>
        %add3A_830 = arith.addf %add3A_826, %mul3A_829 : vector<16xf32>
        %mul3A_831 = arith.mulf %gather3A_818, %get3A_17 : vector<16xf32>
        %add3A_832 = arith.addf %add3A_828, %mul3A_831 : vector<16xf32>
        %add3A_833 = arith.addf %add3A_674, %add3A_830 : vector<16xf32>
        %max3A_834 = arith.constant 0.000000e+00 : f32
        %max3A_835 = vector.broadcast %max3A_834 : f32 to vector<16xf32>
        %max3A_836 = arith.maximumf %add3A_833, %max3A_835 : vector<16xf32>
        %get3A_837 = arith.index_cast %add3A_791 : i32 to index
        %get3A_838 = arith.constant 16 : index
        %get3A_839 = tpu.vector_load %arg12[%get3A_837, %get3A_838] {strides = array<i32>} : memref<200x128xf32, #tpu.memory_space<vmem>>, vector<16xf32>,
        %get3A_840 = arith.index_cast %add3A_791 : i32 to index
        %get3A_841 = arith.constant 80 : index
        %get3A_842 = tpu.vector_load %arg12[%get3A_840, %get3A_841] {strides = array<i32>} : memref<200x128xf32, #tpu.memory_space<vmem>>, vector<16xf32>,
        %select_n3A_843 = arith.select %ne3A_799, %get3A_842, %get3A_839 : vector<16xi1>, vector<16xf32>
        %broadcast_in_dim3A_844 = vector.shape_cast %add3A_134 : vector<16xi32> to vector<16x1xi32>
        %gather3A_845 = vector.shape_cast %broadcast_in_dim3A_844 : vector<16x1xi32> to vector<16xi32>
        %gather3A_846 = tpu.dynamic_gather %select_n3A_843[%gather3A_845] in [0] : vector<16xf32>, vector<16xi32> -> vector<16xf32>
        %broadcast_in_dim3A_847 = vector.shape_cast %add3A_137 : vector<16xi32> to vector<16x1xi32>
        %gather3A_848 = vector.shape_cast %broadcast_in_dim3A_847 : vector<16x1xi32> to vector<16xi32>
        %gather3A_849 = tpu.dynamic_gather %select_n3A_843[%gather3A_848] in [0] : vector<16xf32>, vector<16xi32> -> vector<16xf32>
        %broadcast_in_dim3A_850 = vector.shape_cast %add3A_140 : vector<16xi32> to vector<16x1xi32>
        %gather3A_851 = vector.shape_cast %broadcast_in_dim3A_850 : vector<16x1xi32> to vector<16xi32>
        %gather3A_852 = tpu.dynamic_gather %select_n3A_843[%gather3A_851] in [0] : vector<16xf32>, vector<16xi32> -> vector<16xf32>
        %broadcast_in_dim3A_853 = vector.shape_cast %add3A_143 : vector<16xi32> to vector<16x1xi32>
        %gather3A_854 = vector.shape_cast %broadcast_in_dim3A_853 : vector<16x1xi32> to vector<16xi32>
        %gather3A_855 = tpu.dynamic_gather %select_n3A_843[%gather3A_854] in [0] : vector<16xf32>, vector<16xi32> -> vector<16xf32>
        %mul3A_856 = arith.mulf %gather3A_846, %get3A_85 : vector<16xf32>
        %mul3A_857 = arith.mulf %gather3A_846, %get3A_21 : vector<16xf32>
        %mul3A_858 = arith.mulf %gather3A_849, %get3A_89 : vector<16xf32>
        %add3A_859 = arith.addf %mul3A_856, %mul3A_858 : vector<16xf32>
        %mul3A_860 = arith.mulf %gather3A_849, %get3A_25 : vector<16xf32>
        %add3A_861 = arith.addf %mul3A_857, %mul3A_860 : vector<16xf32>
        %mul3A_862 = arith.mulf %gather3A_852, %get3A_93 : vector<16xf32>
        %add3A_863 = arith.addf %add3A_859, %mul3A_862 : vector<16xf32>
        %mul3A_864 = arith.mulf %gather3A_852, %get3A_29 : vector<16xf32>
        %add3A_865 = arith.addf %add3A_861, %mul3A_864 : vector<16xf32>
        %mul3A_866 = arith.mulf %gather3A_855, %get3A_97 : vector<16xf32>
        %add3A_867 = arith.addf %add3A_863, %mul3A_866 : vector<16xf32>
        %mul3A_868 = arith.mulf %gather3A_855, %get3A_33 : vector<16xf32>
        %add3A_869 = arith.addf %add3A_865, %mul3A_868 : vector<16xf32>
        %add3A_870 = arith.addf %add3A_711, %add3A_867 : vector<16xf32>
        %max3A_871 = arith.constant 0.000000e+00 : f32
        %max3A_872 = vector.broadcast %max3A_871 : f32 to vector<16xf32>
        %max3A_873 = arith.maximumf %add3A_870, %max3A_872 : vector<16xf32>
        %get3A_874 = arith.index_cast %add3A_791 : i32 to index
        %get3A_875 = arith.constant 32 : index
        %get3A_876 = tpu.vector_load %arg12[%get3A_874, %get3A_875] {strides = array<i32>} : memref<200x128xf32, #tpu.memory_space<vmem>>, vector<16xf32>,
        %get3A_877 = arith.index_cast %add3A_791 : i32 to index
        %get3A_878 = arith.constant 96 : index
        %get3A_879 = tpu.vector_load %arg12[%get3A_877, %get3A_878] {strides = array<i32>} : memref<200x128xf32, #tpu.memory_space<vmem>>, vector<16xf32>,
        %select_n3A_880 = arith.select %ne3A_799, %get3A_879, %get3A_876 : vector<16xi1>, vector<16xf32>
        %broadcast_in_dim3A_881 = vector.shape_cast %add3A_134 : vector<16xi32> to vector<16x1xi32>
        %gather3A_882 = vector.shape_cast %broadcast_in_dim3A_881 : vector<16x1xi32> to vector<16xi32>
        %gather3A_883 = tpu.dynamic_gather %select_n3A_880[%gather3A_882] in [0] : vector<16xf32>, vector<16xi32> -> vector<16xf32>
        %broadcast_in_dim3A_884 = vector.shape_cast %add3A_137 : vector<16xi32> to vector<16x1xi32>
        %gather3A_885 = vector.shape_cast %broadcast_in_dim3A_884 : vector<16x1xi32> to vector<16xi32>
        %gather3A_886 = tpu.dynamic_gather %select_n3A_880[%gather3A_885] in [0] : vector<16xf32>, vector<16xi32> -> vector<16xf32>
        %broadcast_in_dim3A_887 = vector.shape_cast %add3A_140 : vector<16xi32> to vector<16x1xi32>
        %gather3A_888 = vector.shape_cast %broadcast_in_dim3A_887 : vector<16x1xi32> to vector<16xi32>
        %gather3A_889 = tpu.dynamic_gather %select_n3A_880[%gather3A_888] in [0] : vector<16xf32>, vector<16xi32> -> vector<16xf32>
        %broadcast_in_dim3A_890 = vector.shape_cast %add3A_143 : vector<16xi32> to vector<16x1xi32>
        %gather3A_891 = vector.shape_cast %broadcast_in_dim3A_890 : vector<16x1xi32> to vector<16xi32>
        %gather3A_892 = tpu.dynamic_gather %select_n3A_880[%gather3A_891] in [0] : vector<16xf32>, vector<16xi32> -> vector<16xf32>
        %mul3A_893 = arith.mulf %gather3A_883, %get3A_101 : vector<16xf32>
        %mul3A_894 = arith.mulf %gather3A_883, %get3A_37 : vector<16xf32>
        %mul3A_895 = arith.mulf %gather3A_886, %get3A_105 : vector<16xf32>
        %add3A_896 = arith.addf %mul3A_893, %mul3A_895 : vector<16xf32>
        %mul3A_897 = arith.mulf %gather3A_886, %get3A_41 : vector<16xf32>
        %add3A_898 = arith.addf %mul3A_894, %mul3A_897 : vector<16xf32>
        %mul3A_899 = arith.mulf %gather3A_889, %get3A_109 : vector<16xf32>
        %add3A_900 = arith.addf %add3A_896, %mul3A_899 : vector<16xf32>
        %mul3A_901 = arith.mulf %gather3A_889, %get3A_45 : vector<16xf32>
        %add3A_902 = arith.addf %add3A_898, %mul3A_901 : vector<16xf32>
        %mul3A_903 = arith.mulf %gather3A_892, %get3A_113 : vector<16xf32>
        %add3A_904 = arith.addf %add3A_900, %mul3A_903 : vector<16xf32>
        %mul3A_905 = arith.mulf %gather3A_892, %get3A_49 : vector<16xf32>
        %add3A_906 = arith.addf %add3A_902, %mul3A_905 : vector<16xf32>
        %add3A_907 = arith.addf %add3A_748, %add3A_904 : vector<16xf32>
        %max3A_908 = arith.constant 0.000000e+00 : f32
        %max3A_909 = vector.broadcast %max3A_908 : f32 to vector<16xf32>
        %max3A_910 = arith.maximumf %add3A_907, %max3A_909 : vector<16xf32>
        %get3A_911 = arith.index_cast %add3A_791 : i32 to index
        %get3A_912 = arith.constant 48 : index
        %get3A_913 = tpu.vector_load %arg12[%get3A_911, %get3A_912] {strides = array<i32>} : memref<200x128xf32, #tpu.memory_space<vmem>>, vector<16xf32>,
        %get3A_914 = arith.index_cast %add3A_791 : i32 to index
        %get3A_915 = arith.constant 112 : index
        %get3A_916 = tpu.vector_load %arg12[%get3A_914, %get3A_915] {strides = array<i32>} : memref<200x128xf32, #tpu.memory_space<vmem>>, vector<16xf32>,
        %select_n3A_917 = arith.select %ne3A_799, %get3A_916, %get3A_913 : vector<16xi1>, vector<16xf32>
        %broadcast_in_dim3A_918 = vector.shape_cast %add3A_134 : vector<16xi32> to vector<16x1xi32>
        %gather3A_919 = vector.shape_cast %broadcast_in_dim3A_918 : vector<16x1xi32> to vector<16xi32>
        %gather3A_920 = tpu.dynamic_gather %select_n3A_917[%gather3A_919] in [0] : vector<16xf32>, vector<16xi32> -> vector<16xf32>
        %broadcast_in_dim3A_921 = vector.shape_cast %add3A_137 : vector<16xi32> to vector<16x1xi32>
        %gather3A_922 = vector.shape_cast %broadcast_in_dim3A_921 : vector<16x1xi32> to vector<16xi32>
        %gather3A_923 = tpu.dynamic_gather %select_n3A_917[%gather3A_922] in [0] : vector<16xf32>, vector<16xi32> -> vector<16xf32>
        %broadcast_in_dim3A_924 = vector.shape_cast %add3A_140 : vector<16xi32> to vector<16x1xi32>
        %gather3A_925 = vector.shape_cast %broadcast_in_dim3A_924 : vector<16x1xi32> to vector<16xi32>
        %gather3A_926 = tpu.dynamic_gather %select_n3A_917[%gather3A_925] in [0] : vector<16xf32>, vector<16xi32> -> vector<16xf32>
        %broadcast_in_dim3A_927 = vector.shape_cast %add3A_143 : vector<16xi32> to vector<16x1xi32>
        %gather3A_928 = vector.shape_cast %broadcast_in_dim3A_927 : vector<16x1xi32> to vector<16xi32>
        %gather3A_929 = tpu.dynamic_gather %select_n3A_917[%gather3A_928] in [0] : vector<16xf32>, vector<16xi32> -> vector<16xf32>
        %mul3A_930 = arith.mulf %gather3A_920, %get3A_117 : vector<16xf32>
        %mul3A_931 = arith.mulf %gather3A_920, %get3A_53 : vector<16xf32>
        %mul3A_932 = arith.mulf %gather3A_923, %get3A_121 : vector<16xf32>
        %add3A_933 = arith.addf %mul3A_930, %mul3A_932 : vector<16xf32>
        %mul3A_934 = arith.mulf %gather3A_923, %get3A_57 : vector<16xf32>
        %add3A_935 = arith.addf %mul3A_931, %mul3A_934 : vector<16xf32>
        %mul3A_936 = arith.mulf %gather3A_926, %get3A_125 : vector<16xf32>
        %add3A_937 = arith.addf %add3A_933, %mul3A_936 : vector<16xf32>
        %mul3A_938 = arith.mulf %gather3A_926, %get3A_61 : vector<16xf32>
        %add3A_939 = arith.addf %add3A_935, %mul3A_938 : vector<16xf32>
        %mul3A_940 = arith.mulf %gather3A_929, %get3A_129 : vector<16xf32>
        %add3A_941 = arith.addf %add3A_937, %mul3A_940 : vector<16xf32>
        %mul3A_942 = arith.mulf %gather3A_929, %get3A_65 : vector<16xf32>
        %add3A_943 = arith.addf %add3A_939, %mul3A_942 : vector<16xf32>
        %add3A_944 = arith.addf %add3A_785, %add3A_941 : vector<16xf32>
        %max3A_945 = arith.constant 0.000000e+00 : f32
        %max3A_946 = vector.broadcast %max3A_945 : f32 to vector<16xf32>
        %max3A_947 = arith.maximumf %add3A_944, %max3A_946 : vector<16xf32>
        %add3A_948 = arith.constant 0 : i32
        %add3A_949 = arith.addi %mul3A_306, %add3A_948 : i32
        %swap3A = arith.index_cast %add3A_949 : i32 to index
        %swap3A_950 = arith.constant 0 : index
        %swap3A_951 = tpu.vector_load %arg14[%swap3A, %swap3A_950] {strides = array<i32>} : memref<200x64xf32, #tpu.memory_space<vmem>>, vector<16xf32>,
        tpu.vector_store %arg14[%swap3A, %swap3A_950], %max3A_362 {strides = array<i32>} : memref<200x64xf32, #tpu.memory_space<vmem>>, vector<16xf32>,
        %add3A_952 = arith.constant 0 : i32
        %add3A_953 = arith.addi %mul3A_306, %add3A_952 : i32
        %swap3A_954 = arith.index_cast %add3A_953 : i32 to index
        %swap3A_955 = arith.constant 16 : index
        %swap3A_956 = tpu.vector_load %arg14[%swap3A_954, %swap3A_955] {strides = array<i32>} : memref<200x64xf32, #tpu.memory_space<vmem>>, vector<16xf32>,
        tpu.vector_store %arg14[%swap3A_954, %swap3A_955], %max3A_399 {strides = array<i32>} : memref<200x64xf32, #tpu.memory_space<vmem>>, vector<16xf32>,
        %add3A_957 = arith.constant 0 : i32
        %add3A_958 = arith.addi %mul3A_306, %add3A_957 : i32
        %swap3A_959 = arith.index_cast %add3A_958 : i32 to index
        %swap3A_960 = arith.constant 32 : index
        %swap3A_961 = tpu.vector_load %arg14[%swap3A_959, %swap3A_960] {strides = array<i32>} : memref<200x64xf32, #tpu.memory_space<vmem>>, vector<16xf32>,
        tpu.vector_store %arg14[%swap3A_959, %swap3A_960], %max3A_436 {strides = array<i32>} : memref<200x64xf32, #tpu.memory_space<vmem>>, vector<16xf32>,
        %add3A_962 = arith.constant 0 : i32
        %add3A_963 = arith.addi %mul3A_306, %add3A_962 : i32
        %swap3A_964 = arith.index_cast %add3A_963 : i32 to index
        %swap3A_965 = arith.constant 48 : index
        %swap3A_966 = tpu.vector_load %arg14[%swap3A_964, %swap3A_965] {strides = array<i32>} : memref<200x64xf32, #tpu.memory_space<vmem>>, vector<16xf32>,
        tpu.vector_store %arg14[%swap3A_964, %swap3A_965], %max3A_473 {strides = array<i32>} : memref<200x64xf32, #tpu.memory_space<vmem>>, vector<16xf32>,
        %add3A_967 = arith.constant 1 : i32
        %add3A_968 = arith.addi %mul3A_306, %add3A_967 : i32
        %swap3A_969 = arith.index_cast %add3A_968 : i32 to index
        %swap3A_970 = arith.constant 0 : index
        %swap3A_971 = tpu.vector_load %arg14[%swap3A_969, %swap3A_970] {strides = array<i32>} : memref<200x64xf32, #tpu.memory_space<vmem>>, vector<16xf32>,
        tpu.vector_store %arg14[%swap3A_969, %swap3A_970], %max3A_520 {strides = array<i32>} : memref<200x64xf32, #tpu.memory_space<vmem>>, vector<16xf32>,
        %add3A_972 = arith.constant 1 : i32
        %add3A_973 = arith.addi %mul3A_306, %add3A_972 : i32
        %swap3A_974 = arith.index_cast %add3A_973 : i32 to index
        %swap3A_975 = arith.constant 16 : index
        %swap3A_976 = tpu.vector_load %arg14[%swap3A_974, %swap3A_975] {strides = array<i32>} : memref<200x64xf32, #tpu.memory_space<vmem>>, vector<16xf32>,
        tpu.vector_store %arg14[%swap3A_974, %swap3A_975], %max3A_557 {strides = array<i32>} : memref<200x64xf32, #tpu.memory_space<vmem>>, vector<16xf32>,
        %add3A_977 = arith.constant 1 : i32
        %add3A_978 = arith.addi %mul3A_306, %add3A_977 : i32
        %swap3A_979 = arith.index_cast %add3A_978 : i32 to index
        %swap3A_980 = arith.constant 32 : index
        %swap3A_981 = tpu.vector_load %arg14[%swap3A_979, %swap3A_980] {strides = array<i32>} : memref<200x64xf32, #tpu.memory_space<vmem>>, vector<16xf32>,
        tpu.vector_store %arg14[%swap3A_979, %swap3A_980], %max3A_594 {strides = array<i32>} : memref<200x64xf32, #tpu.memory_space<vmem>>, vector<16xf32>,
        %add3A_982 = arith.constant 1 : i32
        %add3A_983 = arith.addi %mul3A_306, %add3A_982 : i32
        %swap3A_984 = arith.index_cast %add3A_983 : i32 to index
        %swap3A_985 = arith.constant 48 : index
        %swap3A_986 = tpu.vector_load %arg14[%swap3A_984, %swap3A_985] {strides = array<i32>} : memref<200x64xf32, #tpu.memory_space<vmem>>, vector<16xf32>,
        tpu.vector_store %arg14[%swap3A_984, %swap3A_985], %max3A_631 {strides = array<i32>} : memref<200x64xf32, #tpu.memory_space<vmem>>, vector<16xf32>,
        %add3A_987 = arith.constant 2 : i32
        %add3A_988 = arith.addi %mul3A_306, %add3A_987 : i32
        %swap3A_989 = arith.index_cast %add3A_988 : i32 to index
        %swap3A_990 = arith.constant 0 : index
        %swap3A_991 = tpu.vector_load %arg14[%swap3A_989, %swap3A_990] {strides = array<i32>} : memref<200x64xf32, #tpu.memory_space<vmem>>, vector<16xf32>,
        tpu.vector_store %arg14[%swap3A_989, %swap3A_990], %max3A_678 {strides = array<i32>} : memref<200x64xf32, #tpu.memory_space<vmem>>, vector<16xf32>,
        %add3A_992 = arith.constant 2 : i32
        %add3A_993 = arith.addi %mul3A_306, %add3A_992 : i32
        %swap3A_994 = arith.index_cast %add3A_993 : i32 to index
        %swap3A_995 = arith.constant 16 : index
        %swap3A_996 = tpu.vector_load %arg14[%swap3A_994, %swap3A_995] {strides = array<i32>} : memref<200x64xf32, #tpu.memory_space<vmem>>, vector<16xf32>,
        tpu.vector_store %arg14[%swap3A_994, %swap3A_995], %max3A_715 {strides = array<i32>} : memref<200x64xf32, #tpu.memory_space<vmem>>, vector<16xf32>,
        %add3A_997 = arith.constant 2 : i32
        %add3A_998 = arith.addi %mul3A_306, %add3A_997 : i32
        %swap3A_999 = arith.index_cast %add3A_998 : i32 to index
        %swap3A_1000 = arith.constant 32 : index
        %swap3A_1001 = tpu.vector_load %arg14[%swap3A_999, %swap3A_1000] {strides = array<i32>} : memref<200x64xf32, #tpu.memory_space<vmem>>, vector<16xf32>,
        tpu.vector_store %arg14[%swap3A_999, %swap3A_1000], %max3A_752 {strides = array<i32>} : memref<200x64xf32, #tpu.memory_space<vmem>>, vector<16xf32>,
        %add3A_1002 = arith.constant 2 : i32
        %add3A_1003 = arith.addi %mul3A_306, %add3A_1002 : i32
        %swap3A_1004 = arith.index_cast %add3A_1003 : i32 to index
        %swap3A_1005 = arith.constant 48 : index
        %swap3A_1006 = tpu.vector_load %arg14[%swap3A_1004, %swap3A_1005] {strides = array<i32>} : memref<200x64xf32, #tpu.memory_space<vmem>>, vector<16xf32>,
        tpu.vector_store %arg14[%swap3A_1004, %swap3A_1005], %max3A_789 {strides = array<i32>} : memref<200x64xf32, #tpu.memory_space<vmem>>, vector<16xf32>,
        %add3A_1007 = arith.constant 3 : i32
        %add3A_1008 = arith.addi %mul3A_306, %add3A_1007 : i32
        %swap3A_1009 = arith.index_cast %add3A_1008 : i32 to index
        %swap3A_1010 = arith.constant 0 : index
        %swap3A_1011 = tpu.vector_load %arg14[%swap3A_1009, %swap3A_1010] {strides = array<i32>} : memref<200x64xf32, #tpu.memory_space<vmem>>, vector<16xf32>,
        tpu.vector_store %arg14[%swap3A_1009, %swap3A_1010], %max3A_836 {strides = array<i32>} : memref<200x64xf32, #tpu.memory_space<vmem>>, vector<16xf32>,
        %add3A_1012 = arith.constant 3 : i32
        %add3A_1013 = arith.addi %mul3A_306, %add3A_1012 : i32
        %swap3A_1014 = arith.index_cast %add3A_1013 : i32 to index
        %swap3A_1015 = arith.constant 16 : index
        %swap3A_1016 = tpu.vector_load %arg14[%swap3A_1014, %swap3A_1015] {strides = array<i32>} : memref<200x64xf32, #tpu.memory_space<vmem>>, vector<16xf32>,
        tpu.vector_store %arg14[%swap3A_1014, %swap3A_1015], %max3A_873 {strides = array<i32>} : memref<200x64xf32, #tpu.memory_space<vmem>>, vector<16xf32>,
        %add3A_1017 = arith.constant 3 : i32
        %add3A_1018 = arith.addi %mul3A_306, %add3A_1017 : i32
        %swap3A_1019 = arith.index_cast %add3A_1018 : i32 to index
        %swap3A_1020 = arith.constant 32 : index
        %swap3A_1021 = tpu.vector_load %arg14[%swap3A_1019, %swap3A_1020] {strides = array<i32>} : memref<200x64xf32, #tpu.memory_space<vmem>>, vector<16xf32>,
        tpu.vector_store %arg14[%swap3A_1019, %swap3A_1020], %max3A_910 {strides = array<i32>} : memref<200x64xf32, #tpu.memory_space<vmem>>, vector<16xf32>,
        %add3A_1022 = arith.constant 3 : i32
        %add3A_1023 = arith.addi %mul3A_306, %add3A_1022 : i32
        %swap3A_1024 = arith.index_cast %add3A_1023 : i32 to index
        %swap3A_1025 = arith.constant 48 : index
        %swap3A_1026 = tpu.vector_load %arg14[%swap3A_1024, %swap3A_1025] {strides = array<i32>} : memref<200x64xf32, #tpu.memory_space<vmem>>, vector<16xf32>,
        tpu.vector_store %arg14[%swap3A_1024, %swap3A_1025], %max3A_947 {strides = array<i32>} : memref<200x64xf32, #tpu.memory_space<vmem>>, vector<16xf32>,
        scf.yield %add3A_832, %add3A_869, %add3A_906, %add3A_943 : vector<16xf32>, vector<16xf32>, vector<16xf32>, vector<16xf32>
      }
      %scan3A_244 = arith.constant 18 : i32
      %dma_start3A_245 = arith.constant 0 : i32
      %dma_start3A_246 = arith.constant 0 : i32
      %dma_start3A_247 = tpu.memref_slice %arg7[%add3A_192, %dma_start3A_245, %dma_start3A_246] : memref<4096x200x64xf32, #tpu.memory_space<hbm>> -> memref<1x200x64xf32, #tpu.memory_space<hbm>>
      %dma_start3A_248 = tpu.memref_squeeze %dma_start3A_247 : memref<1x200x64xf32, #tpu.memory_space<hbm>> -> memref<200x64xf32, #tpu.memory_space<hbm>>
      %dma_start3A_249 = arith.constant 0 : i32
      %dma_start3A_250 = arith.constant 0 : i32
      %dma_start3A_251 = tpu.memref_slice %arg7[%add3A_192, %dma_start3A_249, %dma_start3A_250] : memref<4096x200x64xf32, #tpu.memory_space<hbm>> -> memref<1x200x64xf32, #tpu.memory_space<hbm>>
      %dma_start3A_252 = tpu.memref_squeeze %dma_start3A_251 : memref<1x200x64xf32, #tpu.memory_space<hbm>> -> memref<200x64xf32, #tpu.memory_space<hbm>>
      tpu.enqueue_dma source(%arg14 : memref<200x64xf32, #tpu.memory_space<vmem>>) target(%dma_start3A_252 : memref<200x64xf32, #tpu.memory_space<hbm>>) target_semaphore(%arg20 : memref<!tpu.dma_semaphore, #tpu.memory_space<semaphore_mem>>)
      %lt3A = arith.constant 63 : i32
      %lt3A_253 = arith.cmpi slt, %scan3A_189, %lt3A : i32
      %convert_element_type3A_254 = arith.extui %lt3A_253 : i1 to i32
      %cond3A_255 = arith.constant 0 : i32
      %cond3A_256 = arith.cmpi ne, %convert_element_type3A_254, %cond3A_255 : i32
      scf.if %cond3A_256 {
        %add3A_300 = arith.constant 2 : i32
        %add3A_301 = arith.addi %add3A_192, %add3A_300 : i32
        %mul3A_302 = arith.constant 200 : i32
        %mul3A_303 = arith.muli %add3A_301, %mul3A_302 : i32
        "tpu.region"() ({
          %run_scoped3A = tpu.sem_alloc : memref<!tpu.dma_semaphore, #tpu.memory_space<semaphore_mem>>
          %dma_start3A_322 = tpu.memref_slice %arg2[%mul3A_303] : memref<819200xi32, #tpu.memory_space<hbm>> -> memref<200xi32, #tpu.memory_space<hbm>>
          %dma_start3A_323 = tpu.memref_slice %arg2[%mul3A_303] : memref<819200xi32, #tpu.memory_space<hbm>> -> memref<200xi32, #tpu.memory_space<hbm>>
          tpu.enqueue_dma source(%dma_start3A_323 : memref<200xi32, #tpu.memory_space<hbm>>) target(%arg8 : memref<200xi32, #tpu.memory_space<vmem>>) target_semaphore(%run_scoped3A : memref<!tpu.dma_semaphore, #tpu.memory_space<semaphore_mem>>)
          %dma_wait3A_324 = tpu.memref_slice %arg2[%mul3A_303] : memref<819200xi32, #tpu.memory_space<hbm>> -> memref<200xi32, #tpu.memory_space<hbm>>
          %dma_wait3A_325 = tpu.memref_slice %arg2[%mul3A_303] : memref<819200xi32, #tpu.memory_space<hbm>> -> memref<200xi32, #tpu.memory_space<hbm>>
          tpu.wait_dma2 semaphore(%run_scoped3A : memref<!tpu.dma_semaphore, #tpu.memory_space<semaphore_mem>>) src(%dma_wait3A_325 : memref<200xi32, #tpu.memory_space<hbm>>) dst(%arg8 : memref<200xi32, #tpu.memory_space<vmem>>)
          tpu.yield
        }) : () -> ()
        %mul3A_304 = arith.constant 200 : i32
        %mul3A_305 = arith.muli %add3A_301, %mul3A_304 : i32
        "tpu.region"() ({
          %run_scoped3A = tpu.sem_alloc : memref<!tpu.dma_semaphore, #tpu.memory_space<semaphore_mem>>
          %dma_start3A_322 = arith.constant 0 : i32
          %dma_start3A_323 = tpu.memref_slice %arg10[%dma_start3A_322] : memref<208xi32, #tpu.memory_space<vmem>> -> memref<200xi32, #tpu.memory_space<vmem>>
          %dma_start3A_324 = tpu.memref_slice %arg3[%mul3A_305] : memref<819200xi32, #tpu.memory_space<hbm>> -> memref<200xi32, #tpu.memory_space<hbm>>
          %dma_start3A_325 = arith.constant 0 : i32
          %dma_start3A_326 = tpu.memref_slice %arg10[%dma_start3A_325] : memref<208xi32, #tpu.memory_space<vmem>> -> memref<200xi32, #tpu.memory_space<vmem>>
          %dma_start3A_327 = tpu.memref_slice %arg3[%mul3A_305] : memref<819200xi32, #tpu.memory_space<hbm>> -> memref<200xi32, #tpu.memory_space<hbm>>
          tpu.enqueue_dma source(%dma_start3A_327 : memref<200xi32, #tpu.memory_space<hbm>>) target(%dma_start3A_326 : memref<200xi32, #tpu.memory_space<vmem>>) target_semaphore(%run_scoped3A : memref<!tpu.dma_semaphore, #tpu.memory_space<semaphore_mem>>)
          %dma_wait3A_328 = arith.constant 0 : i32
          %dma_wait3A_329 = tpu.memref_slice %arg10[%dma_wait3A_328] : memref<208xi32, #tpu.memory_space<vmem>> -> memref<200xi32, #tpu.memory_space<vmem>>
          %dma_wait3A_330 = tpu.memref_slice %arg3[%mul3A_305] : memref<819200xi32, #tpu.memory_space<hbm>> -> memref<200xi32, #tpu.memory_space<hbm>>
          %dma_wait3A_331 = arith.constant 0 : i32
          %dma_wait3A_332 = tpu.memref_slice %arg10[%dma_wait3A_331] : memref<208xi32, #tpu.memory_space<vmem>> -> memref<200xi32, #tpu.memory_space<vmem>>
          %dma_wait3A_333 = tpu.memref_slice %arg3[%mul3A_305] : memref<819200xi32, #tpu.memory_space<hbm>> -> memref<200xi32, #tpu.memory_space<hbm>>
          tpu.wait_dma2 semaphore(%run_scoped3A : memref<!tpu.dma_semaphore, #tpu.memory_space<semaphore_mem>>) src(%dma_wait3A_333 : memref<200xi32, #tpu.memory_space<hbm>>) dst(%dma_wait3A_332 : memref<200xi32, #tpu.memory_space<vmem>>)
          tpu.yield
        }) : () -> ()
        %dma_start3A_306 = arith.constant 0 : i32
        %dma_start3A_307 = arith.constant 0 : i32
        %dma_start3A_308 = tpu.memref_slice %arg12[%dma_start3A_306, %dma_start3A_307] : memref<200x128xf32, #tpu.memory_space<vmem>> -> memref<128x128xf32, #tpu.memory_space<vmem>>
        %dma_start3A_309 = arith.constant 0 : i32
        %dma_start3A_310 = tpu.memref_slice %arg8[%dma_start3A_309] : memref<200xi32, #tpu.memory_space<vmem>> -> memref<128xi32, #tpu.memory_space<vmem>>
        %dma_start3A_311 = arith.constant 0 : i32
        %dma_start3A_312 = arith.constant 0 : i32
        %dma_start3A_313 = tpu.memref_slice %arg4[%dma_start3A_311, %dma_start3A_312] : memref<500000x128xf32, #tpu.memory_space<hbm>> -> memref<500000x128xf32, #tpu.memory_space<hbm>>
        tpu.enqueue_indirect_dma source(%dma_start3A_313 : memref<500000x128xf32, #tpu.memory_space<hbm>>) target(%dma_start3A_308 : memref<128x128xf32, #tpu.memory_space<vmem>>) offsets(%dma_start3A_310 : memref<128xi32, #tpu.memory_space<vmem>>) semaphore(%arg18 : memref<!tpu.dma_semaphore, #tpu.memory_space<semaphore_mem>>)
        %dma_start3A_314 = arith.constant 128 : i32
        %dma_start3A_315 = arith.constant 0 : i32
        %dma_start3A_316 = tpu.memref_slice %arg12[%dma_start3A_314, %dma_start3A_315] : memref<200x128xf32, #tpu.memory_space<vmem>> -> memref<72x128xf32, #tpu.memory_space<vmem>>
        %dma_start3A_317 = arith.constant 128 : i32
        %dma_start3A_318 = tpu.memref_slice %arg8[%dma_start3A_317] : memref<200xi32, #tpu.memory_space<vmem>> -> memref<72xi32, #tpu.memory_space<vmem>>
        %dma_start3A_319 = arith.constant 0 : i32
        %dma_start3A_320 = arith.constant 0 : i32
        %dma_start3A_321 = tpu.memref_slice %arg4[%dma_start3A_319, %dma_start3A_320] : memref<500000x128xf32, #tpu.memory_space<hbm>> -> memref<500000x128xf32, #tpu.memory_space<hbm>>
        tpu.enqueue_indirect_dma source(%dma_start3A_321 : memref<500000x128xf32, #tpu.memory_space<hbm>>) target(%dma_start3A_316 : memref<72x128xf32, #tpu.memory_space<vmem>>) offsets(%dma_start3A_318 : memref<72xi32, #tpu.memory_space<vmem>>) semaphore(%arg18 : memref<!tpu.dma_semaphore, #tpu.memory_space<semaphore_mem>>)
      } else {
      }
      %dma_wait3A_257 = arith.constant 0 : i32
      %dma_wait3A_258 = arith.constant 0 : i32
      %dma_wait3A_259 = tpu.memref_slice %arg13[%dma_wait3A_257, %dma_wait3A_258] : memref<200x128xf32, #tpu.memory_space<vmem>> -> memref<128x128xf32, #tpu.memory_space<vmem>>
      %dma_wait3A_260 = arith.constant 0 : i32
      %dma_wait3A_261 = tpu.memref_slice %arg9[%dma_wait3A_260] : memref<200xi32, #tpu.memory_space<vmem>> -> memref<128xi32, #tpu.memory_space<vmem>>
      %dma_wait3A_262 = arith.constant 0 : i32
      %dma_wait3A_263 = arith.constant 0 : i32
      %dma_wait3A_264 = tpu.memref_slice %arg4[%dma_wait3A_262, %dma_wait3A_263] : memref<500000x128xf32, #tpu.memory_space<hbm>> -> memref<500000x128xf32, #tpu.memory_space<hbm>>
      tpu.wait_indirect_dma semaphore(%arg19 : memref<!tpu.dma_semaphore, #tpu.memory_space<semaphore_mem>>) src(%dma_wait3A_264 : memref<500000x128xf32, #tpu.memory_space<hbm>>) dst(%dma_wait3A_259 : memref<128x128xf32, #tpu.memory_space<vmem>>)
      %gt3A_265 = arith.constant 0 : i32
      %gt3A_266 = arith.cmpi sgt, %scan3A_189, %gt3A_265 : i32
      %convert_element_type3A_267 = arith.extui %gt3A_266 : i1 to i32
      %cond3A_268 = arith.constant 0 : i32
      %cond3A_269 = arith.cmpi ne, %convert_element_type3A_267, %cond3A_268 : i32
      scf.if %cond3A_269 {
        %add3A_300 = arith.constant 1 : i32
        %add3A_301 = arith.addi %add3A_192, %add3A_300 : i32
        %dma_wait3A_302 = arith.constant 0 : i32
        %dma_wait3A_303 = arith.constant 0 : i32
        %dma_wait3A_304 = tpu.memref_slice %arg7[%add3A_301, %dma_wait3A_302, %dma_wait3A_303] : memref<4096x200x64xf32, #tpu.memory_space<hbm>> -> memref<1x200x64xf32, #tpu.memory_space<hbm>>
        %dma_wait3A_305 = tpu.memref_squeeze %dma_wait3A_304 : memref<1x200x64xf32, #tpu.memory_space<hbm>> -> memref<200x64xf32, #tpu.memory_space<hbm>>
        %dma_wait3A_306 = arith.constant 0 : i32
        %dma_wait3A_307 = arith.constant 0 : i32
        %dma_wait3A_308 = tpu.memref_slice %arg7[%add3A_301, %dma_wait3A_306, %dma_wait3A_307] : memref<4096x200x64xf32, #tpu.memory_space<hbm>> -> memref<1x200x64xf32, #tpu.memory_space<hbm>>
        %dma_wait3A_309 = tpu.memref_squeeze %dma_wait3A_308 : memref<1x200x64xf32, #tpu.memory_space<hbm>> -> memref<200x64xf32, #tpu.memory_space<hbm>>
        tpu.wait_dma2 semaphore(%arg21 : memref<!tpu.dma_semaphore, #tpu.memory_space<semaphore_mem>>) src(%arg15 : memref<200x64xf32, #tpu.memory_space<vmem>>) dst(%dma_wait3A_309 : memref<200x64xf32, #tpu.memory_space<hbm>>)
      } else {
      }
      %scan3A_270 = arith.constant 0 : i32
      %scan3A_271 = arith.constant 32 : i32
      %scan3A_272 = arith.addi %scan3A_270, %scan3A_271 : i32
      %scan3A_273 = arith.constant 1 : i32
      %scan3A_274:4 = scf.for %scan3A_300 = %scan3A_270 to %scan3A_272 step %scan3A_273 iter_args(%scan3A_301 = %broadcast_in_dim3A_144, %scan3A_302 = %broadcast_in_dim3A_144, %scan3A_303 = %broadcast_in_dim3A_144, %scan3A_304 = %broadcast_in_dim3A_144) -> (vector<16xf32>, vector<16xf32>, vector<16xf32>, vector<16xf32>)  : i32 {
        %mul3A_305 = arith.constant 4 : i32
        %mul3A_306 = arith.muli %scan3A_300, %mul3A_305 : i32
        %and3A_307 = arith.constant -8 : i32
        %and3A_308 = arith.andi %mul3A_306, %and3A_307 : i32
        %get3A_309 = arith.index_cast %and3A_308 : i32 to index
        %get3A_310 = tpu.vector_load %arg11[%get3A_309] {strides = array<i32>} : memref<208xi32, #tpu.memory_space<vmem>>, vector<16xi32>,
        %sub3A_311 = arith.subi %mul3A_306, %and3A_308 : i32
        %add3A_312 = vector.broadcast %sub3A_311 : i32 to vector<16xi32>
        %add3A_313 = arith.addi %add3A_312, %iota3A : vector<16xi32>
        %and3A_314 = arith.constant 15 : i32
        %and3A_315 = vector.broadcast %and3A_314 : i32 to vector<16xi32>
        %and3A_316 = arith.andi %add3A_313, %and3A_315 : vector<16xi32>
        %broadcast_in_dim3A_317 = vector.shape_cast %and3A_316 : vector<16xi32> to vector<16x1xi32>
        %gather3A = vector.shape_cast %broadcast_in_dim3A_317 : vector<16x1xi32> to vector<16xi32>
        %gather3A_318 = tpu.dynamic_gather %get3A_310[%gather3A] in [0] : vector<16xi32>, vector<16xi32> -> vector<16xi32>
        %add3A_319 = arith.constant 0 : i32
        %add3A_320 = arith.addi %mul3A_306, %add3A_319 : i32
        %broadcast_in_dim3A_321 = arith.constant 0 : i32
        %broadcast_in_dim3A_322 = vector.broadcast %broadcast_in_dim3A_321 : i32 to vector<16xi32>
        %broadcast_in_dim3A_323 = vector.shape_cast %broadcast_in_dim3A_322 : vector<16xi32> to vector<16x1xi32>
        %gather3A_324 = vector.shape_cast %broadcast_in_dim3A_323 : vector<16x1xi32> to vector<16xi32>
        %gather3A_325 = tpu.dynamic_gather %gather3A_318[%gather3A_324] in [0] : vector<16xi32>, vector<16xi32> -> vector<16xi32>
        %ne3A = arith.constant 0 : i32
        %ne3A_326 = vector.broadcast %ne3A : i32 to vector<16xi32>
        %ne3A_327 = arith.cmpi ne, %gather3A_325, %ne3A_326 : vector<16xi32>
        %get3A_328 = arith.index_cast %add3A_320 : i32 to index
        %get3A_329 = arith.constant 0 : index
        %get3A_330 = tpu.vector_load %arg13[%get3A_328, %get3A_329] {strides = array<i32>} : memref<200x128xf32, #tpu.memory_space<vmem>>, vector<16xf32>,
        %get3A_331 = arith.index_cast %add3A_320 : i32 to index
        %get3A_332 = arith.constant 64 : index
        %get3A_333 = tpu.vector_load %arg13[%get3A_331, %get3A_332] {strides = array<i32>} : memref<200x128xf32, #tpu.memory_space<vmem>>, vector<16xf32>,
        %select_n3A = arith.select %ne3A_327, %get3A_333, %get3A_330 : vector<16xi1>, vector<16xf32>
        %broadcast_in_dim3A_334 = vector.shape_cast %add3A_134 : vector<16xi32> to vector<16x1xi32>
        %gather3A_335 = vector.shape_cast %broadcast_in_dim3A_334 : vector<16x1xi32> to vector<16xi32>
        %gather3A_336 = tpu.dynamic_gather %select_n3A[%gather3A_335] in [0] : vector<16xf32>, vector<16xi32> -> vector<16xf32>
        %broadcast_in_dim3A_337 = vector.shape_cast %add3A_137 : vector<16xi32> to vector<16x1xi32>
        %gather3A_338 = vector.shape_cast %broadcast_in_dim3A_337 : vector<16x1xi32> to vector<16xi32>
        %gather3A_339 = tpu.dynamic_gather %select_n3A[%gather3A_338] in [0] : vector<16xf32>, vector<16xi32> -> vector<16xf32>
        %broadcast_in_dim3A_340 = vector.shape_cast %add3A_140 : vector<16xi32> to vector<16x1xi32>
        %gather3A_341 = vector.shape_cast %broadcast_in_dim3A_340 : vector<16x1xi32> to vector<16xi32>
        %gather3A_342 = tpu.dynamic_gather %select_n3A[%gather3A_341] in [0] : vector<16xf32>, vector<16xi32> -> vector<16xf32>
        %broadcast_in_dim3A_343 = vector.shape_cast %add3A_143 : vector<16xi32> to vector<16x1xi32>
        %gather3A_344 = vector.shape_cast %broadcast_in_dim3A_343 : vector<16x1xi32> to vector<16xi32>
        %gather3A_345 = tpu.dynamic_gather %select_n3A[%gather3A_344] in [0] : vector<16xf32>, vector<16xi32> -> vector<16xf32>
        %mul3A_346 = arith.mulf %gather3A_336, %get3A_69 : vector<16xf32>
        %mul3A_347 = arith.mulf %gather3A_336, %get3A_5 : vector<16xf32>
        %mul3A_348 = arith.mulf %gather3A_339, %get3A_73 : vector<16xf32>
        %add3A_349 = arith.addf %mul3A_346, %mul3A_348 : vector<16xf32>
        %mul3A_350 = arith.mulf %gather3A_339, %get3A_9 : vector<16xf32>
        %add3A_351 = arith.addf %mul3A_347, %mul3A_350 : vector<16xf32>
        %mul3A_352 = arith.mulf %gather3A_342, %get3A_77 : vector<16xf32>
        %add3A_353 = arith.addf %add3A_349, %mul3A_352 : vector<16xf32>
        %mul3A_354 = arith.mulf %gather3A_342, %get3A_13 : vector<16xf32>
        %add3A_355 = arith.addf %add3A_351, %mul3A_354 : vector<16xf32>
        %mul3A_356 = arith.mulf %gather3A_345, %get3A_81 : vector<16xf32>
        %add3A_357 = arith.addf %add3A_353, %mul3A_356 : vector<16xf32>
        %mul3A_358 = arith.mulf %gather3A_345, %get3A_17 : vector<16xf32>
        %add3A_359 = arith.addf %add3A_355, %mul3A_358 : vector<16xf32>
        %add3A_360 = arith.addf %scan3A_301, %add3A_357 : vector<16xf32>
        %max3A = arith.constant 0.000000e+00 : f32
        %max3A_361 = vector.broadcast %max3A : f32 to vector<16xf32>
        %max3A_362 = arith.maximumf %add3A_360, %max3A_361 : vector<16xf32>
        %get3A_363 = arith.index_cast %add3A_320 : i32 to index
        %get3A_364 = arith.constant 16 : index
        %get3A_365 = tpu.vector_load %arg13[%get3A_363, %get3A_364] {strides = array<i32>} : memref<200x128xf32, #tpu.memory_space<vmem>>, vector<16xf32>,
        %get3A_366 = arith.index_cast %add3A_320 : i32 to index
        %get3A_367 = arith.constant 80 : index
        %get3A_368 = tpu.vector_load %arg13[%get3A_366, %get3A_367] {strides = array<i32>} : memref<200x128xf32, #tpu.memory_space<vmem>>, vector<16xf32>,
        %select_n3A_369 = arith.select %ne3A_327, %get3A_368, %get3A_365 : vector<16xi1>, vector<16xf32>
        %broadcast_in_dim3A_370 = vector.shape_cast %add3A_134 : vector<16xi32> to vector<16x1xi32>
        %gather3A_371 = vector.shape_cast %broadcast_in_dim3A_370 : vector<16x1xi32> to vector<16xi32>
        %gather3A_372 = tpu.dynamic_gather %select_n3A_369[%gather3A_371] in [0] : vector<16xf32>, vector<16xi32> -> vector<16xf32>
        %broadcast_in_dim3A_373 = vector.shape_cast %add3A_137 : vector<16xi32> to vector<16x1xi32>
        %gather3A_374 = vector.shape_cast %broadcast_in_dim3A_373 : vector<16x1xi32> to vector<16xi32>
        %gather3A_375 = tpu.dynamic_gather %select_n3A_369[%gather3A_374] in [0] : vector<16xf32>, vector<16xi32> -> vector<16xf32>
        %broadcast_in_dim3A_376 = vector.shape_cast %add3A_140 : vector<16xi32> to vector<16x1xi32>
        %gather3A_377 = vector.shape_cast %broadcast_in_dim3A_376 : vector<16x1xi32> to vector<16xi32>
        %gather3A_378 = tpu.dynamic_gather %select_n3A_369[%gather3A_377] in [0] : vector<16xf32>, vector<16xi32> -> vector<16xf32>
        %broadcast_in_dim3A_379 = vector.shape_cast %add3A_143 : vector<16xi32> to vector<16x1xi32>
        %gather3A_380 = vector.shape_cast %broadcast_in_dim3A_379 : vector<16x1xi32> to vector<16xi32>
        %gather3A_381 = tpu.dynamic_gather %select_n3A_369[%gather3A_380] in [0] : vector<16xf32>, vector<16xi32> -> vector<16xf32>
        %mul3A_382 = arith.mulf %gather3A_372, %get3A_85 : vector<16xf32>
        %mul3A_383 = arith.mulf %gather3A_372, %get3A_21 : vector<16xf32>
        %mul3A_384 = arith.mulf %gather3A_375, %get3A_89 : vector<16xf32>
        %add3A_385 = arith.addf %mul3A_382, %mul3A_384 : vector<16xf32>
        %mul3A_386 = arith.mulf %gather3A_375, %get3A_25 : vector<16xf32>
        %add3A_387 = arith.addf %mul3A_383, %mul3A_386 : vector<16xf32>
        %mul3A_388 = arith.mulf %gather3A_378, %get3A_93 : vector<16xf32>
        %add3A_389 = arith.addf %add3A_385, %mul3A_388 : vector<16xf32>
        %mul3A_390 = arith.mulf %gather3A_378, %get3A_29 : vector<16xf32>
        %add3A_391 = arith.addf %add3A_387, %mul3A_390 : vector<16xf32>
        %mul3A_392 = arith.mulf %gather3A_381, %get3A_97 : vector<16xf32>
        %add3A_393 = arith.addf %add3A_389, %mul3A_392 : vector<16xf32>
        %mul3A_394 = arith.mulf %gather3A_381, %get3A_33 : vector<16xf32>
        %add3A_395 = arith.addf %add3A_391, %mul3A_394 : vector<16xf32>
        %add3A_396 = arith.addf %scan3A_302, %add3A_393 : vector<16xf32>
        %max3A_397 = arith.constant 0.000000e+00 : f32
        %max3A_398 = vector.broadcast %max3A_397 : f32 to vector<16xf32>
        %max3A_399 = arith.maximumf %add3A_396, %max3A_398 : vector<16xf32>
        %get3A_400 = arith.index_cast %add3A_320 : i32 to index
        %get3A_401 = arith.constant 32 : index
        %get3A_402 = tpu.vector_load %arg13[%get3A_400, %get3A_401] {strides = array<i32>} : memref<200x128xf32, #tpu.memory_space<vmem>>, vector<16xf32>,
        %get3A_403 = arith.index_cast %add3A_320 : i32 to index
        %get3A_404 = arith.constant 96 : index
        %get3A_405 = tpu.vector_load %arg13[%get3A_403, %get3A_404] {strides = array<i32>} : memref<200x128xf32, #tpu.memory_space<vmem>>, vector<16xf32>,
        %select_n3A_406 = arith.select %ne3A_327, %get3A_405, %get3A_402 : vector<16xi1>, vector<16xf32>
        %broadcast_in_dim3A_407 = vector.shape_cast %add3A_134 : vector<16xi32> to vector<16x1xi32>
        %gather3A_408 = vector.shape_cast %broadcast_in_dim3A_407 : vector<16x1xi32> to vector<16xi32>
        %gather3A_409 = tpu.dynamic_gather %select_n3A_406[%gather3A_408] in [0] : vector<16xf32>, vector<16xi32> -> vector<16xf32>
        %broadcast_in_dim3A_410 = vector.shape_cast %add3A_137 : vector<16xi32> to vector<16x1xi32>
        %gather3A_411 = vector.shape_cast %broadcast_in_dim3A_410 : vector<16x1xi32> to vector<16xi32>
        %gather3A_412 = tpu.dynamic_gather %select_n3A_406[%gather3A_411] in [0] : vector<16xf32>, vector<16xi32> -> vector<16xf32>
        %broadcast_in_dim3A_413 = vector.shape_cast %add3A_140 : vector<16xi32> to vector<16x1xi32>
        %gather3A_414 = vector.shape_cast %broadcast_in_dim3A_413 : vector<16x1xi32> to vector<16xi32>
        %gather3A_415 = tpu.dynamic_gather %select_n3A_406[%gather3A_414] in [0] : vector<16xf32>, vector<16xi32> -> vector<16xf32>
        %broadcast_in_dim3A_416 = vector.shape_cast %add3A_143 : vector<16xi32> to vector<16x1xi32>
        %gather3A_417 = vector.shape_cast %broadcast_in_dim3A_416 : vector<16x1xi32> to vector<16xi32>
        %gather3A_418 = tpu.dynamic_gather %select_n3A_406[%gather3A_417] in [0] : vector<16xf32>, vector<16xi32> -> vector<16xf32>
        %mul3A_419 = arith.mulf %gather3A_409, %get3A_101 : vector<16xf32>
        %mul3A_420 = arith.mulf %gather3A_409, %get3A_37 : vector<16xf32>
        %mul3A_421 = arith.mulf %gather3A_412, %get3A_105 : vector<16xf32>
        %add3A_422 = arith.addf %mul3A_419, %mul3A_421 : vector<16xf32>
        %mul3A_423 = arith.mulf %gather3A_412, %get3A_41 : vector<16xf32>
        %add3A_424 = arith.addf %mul3A_420, %mul3A_423 : vector<16xf32>
        %mul3A_425 = arith.mulf %gather3A_415, %get3A_109 : vector<16xf32>
        %add3A_426 = arith.addf %add3A_422, %mul3A_425 : vector<16xf32>
        %mul3A_427 = arith.mulf %gather3A_415, %get3A_45 : vector<16xf32>
        %add3A_428 = arith.addf %add3A_424, %mul3A_427 : vector<16xf32>
        %mul3A_429 = arith.mulf %gather3A_418, %get3A_113 : vector<16xf32>
        %add3A_430 = arith.addf %add3A_426, %mul3A_429 : vector<16xf32>
        %mul3A_431 = arith.mulf %gather3A_418, %get3A_49 : vector<16xf32>
        %add3A_432 = arith.addf %add3A_428, %mul3A_431 : vector<16xf32>
        %add3A_433 = arith.addf %scan3A_303, %add3A_430 : vector<16xf32>
        %max3A_434 = arith.constant 0.000000e+00 : f32
        %max3A_435 = vector.broadcast %max3A_434 : f32 to vector<16xf32>
        %max3A_436 = arith.maximumf %add3A_433, %max3A_435 : vector<16xf32>
        %get3A_437 = arith.index_cast %add3A_320 : i32 to index
        %get3A_438 = arith.constant 48 : index
        %get3A_439 = tpu.vector_load %arg13[%get3A_437, %get3A_438] {strides = array<i32>} : memref<200x128xf32, #tpu.memory_space<vmem>>, vector<16xf32>,
        %get3A_440 = arith.index_cast %add3A_320 : i32 to index
        %get3A_441 = arith.constant 112 : index
        %get3A_442 = tpu.vector_load %arg13[%get3A_440, %get3A_441] {strides = array<i32>} : memref<200x128xf32, #tpu.memory_space<vmem>>, vector<16xf32>,
        %select_n3A_443 = arith.select %ne3A_327, %get3A_442, %get3A_439 : vector<16xi1>, vector<16xf32>
        %broadcast_in_dim3A_444 = vector.shape_cast %add3A_134 : vector<16xi32> to vector<16x1xi32>
        %gather3A_445 = vector.shape_cast %broadcast_in_dim3A_444 : vector<16x1xi32> to vector<16xi32>
        %gather3A_446 = tpu.dynamic_gather %select_n3A_443[%gather3A_445] in [0] : vector<16xf32>, vector<16xi32> -> vector<16xf32>
        %broadcast_in_dim3A_447 = vector.shape_cast %add3A_137 : vector<16xi32> to vector<16x1xi32>
        %gather3A_448 = vector.shape_cast %broadcast_in_dim3A_447 : vector<16x1xi32> to vector<16xi32>
        %gather3A_449 = tpu.dynamic_gather %select_n3A_443[%gather3A_448] in [0] : vector<16xf32>, vector<16xi32> -> vector<16xf32>
        %broadcast_in_dim3A_450 = vector.shape_cast %add3A_140 : vector<16xi32> to vector<16x1xi32>
        %gather3A_451 = vector.shape_cast %broadcast_in_dim3A_450 : vector<16x1xi32> to vector<16xi32>
        %gather3A_452 = tpu.dynamic_gather %select_n3A_443[%gather3A_451] in [0] : vector<16xf32>, vector<16xi32> -> vector<16xf32>
        %broadcast_in_dim3A_453 = vector.shape_cast %add3A_143 : vector<16xi32> to vector<16x1xi32>
        %gather3A_454 = vector.shape_cast %broadcast_in_dim3A_453 : vector<16x1xi32> to vector<16xi32>
        %gather3A_455 = tpu.dynamic_gather %select_n3A_443[%gather3A_454] in [0] : vector<16xf32>, vector<16xi32> -> vector<16xf32>
        %mul3A_456 = arith.mulf %gather3A_446, %get3A_117 : vector<16xf32>
        %mul3A_457 = arith.mulf %gather3A_446, %get3A_53 : vector<16xf32>
        %mul3A_458 = arith.mulf %gather3A_449, %get3A_121 : vector<16xf32>
        %add3A_459 = arith.addf %mul3A_456, %mul3A_458 : vector<16xf32>
        %mul3A_460 = arith.mulf %gather3A_449, %get3A_57 : vector<16xf32>
        %add3A_461 = arith.addf %mul3A_457, %mul3A_460 : vector<16xf32>
        %mul3A_462 = arith.mulf %gather3A_452, %get3A_125 : vector<16xf32>
        %add3A_463 = arith.addf %add3A_459, %mul3A_462 : vector<16xf32>
        %mul3A_464 = arith.mulf %gather3A_452, %get3A_61 : vector<16xf32>
        %add3A_465 = arith.addf %add3A_461, %mul3A_464 : vector<16xf32>
        %mul3A_466 = arith.mulf %gather3A_455, %get3A_129 : vector<16xf32>
        %add3A_467 = arith.addf %add3A_463, %mul3A_466 : vector<16xf32>
        %mul3A_468 = arith.mulf %gather3A_455, %get3A_65 : vector<16xf32>
        %add3A_469 = arith.addf %add3A_465, %mul3A_468 : vector<16xf32>
        %add3A_470 = arith.addf %scan3A_304, %add3A_467 : vector<16xf32>
        %max3A_471 = arith.constant 0.000000e+00 : f32
        %max3A_472 = vector.broadcast %max3A_471 : f32 to vector<16xf32>
        %max3A_473 = arith.maximumf %add3A_470, %max3A_472 : vector<16xf32>
        %add3A_474 = arith.constant 1 : i32
        %add3A_475 = arith.addi %mul3A_306, %add3A_474 : i32
        %broadcast_in_dim3A_476 = arith.constant 1 : i32
        %broadcast_in_dim3A_477 = vector.broadcast %broadcast_in_dim3A_476 : i32 to vector<16xi32>
        %broadcast_in_dim3A_478 = vector.shape_cast %broadcast_in_dim3A_477 : vector<16xi32> to vector<16x1xi32>
        %gather3A_479 = vector.shape_cast %broadcast_in_dim3A_478 : vector<16x1xi32> to vector<16xi32>
        %gather3A_480 = tpu.dynamic_gather %gather3A_318[%gather3A_479] in [0] : vector<16xi32>, vector<16xi32> -> vector<16xi32>
        %ne3A_481 = arith.constant 0 : i32
        %ne3A_482 = vector.broadcast %ne3A_481 : i32 to vector<16xi32>
        %ne3A_483 = arith.cmpi ne, %gather3A_480, %ne3A_482 : vector<16xi32>
        %get3A_484 = arith.index_cast %add3A_475 : i32 to index
        %get3A_485 = arith.constant 0 : index
        %get3A_486 = tpu.vector_load %arg13[%get3A_484, %get3A_485] {strides = array<i32>} : memref<200x128xf32, #tpu.memory_space<vmem>>, vector<16xf32>,
        %get3A_487 = arith.index_cast %add3A_475 : i32 to index
        %get3A_488 = arith.constant 64 : index
        %get3A_489 = tpu.vector_load %arg13[%get3A_487, %get3A_488] {strides = array<i32>} : memref<200x128xf32, #tpu.memory_space<vmem>>, vector<16xf32>,
        %select_n3A_490 = arith.select %ne3A_483, %get3A_489, %get3A_486 : vector<16xi1>, vector<16xf32>
        %broadcast_in_dim3A_491 = vector.shape_cast %add3A_134 : vector<16xi32> to vector<16x1xi32>
        %gather3A_492 = vector.shape_cast %broadcast_in_dim3A_491 : vector<16x1xi32> to vector<16xi32>
        %gather3A_493 = tpu.dynamic_gather %select_n3A_490[%gather3A_492] in [0] : vector<16xf32>, vector<16xi32> -> vector<16xf32>
        %broadcast_in_dim3A_494 = vector.shape_cast %add3A_137 : vector<16xi32> to vector<16x1xi32>
        %gather3A_495 = vector.shape_cast %broadcast_in_dim3A_494 : vector<16x1xi32> to vector<16xi32>
        %gather3A_496 = tpu.dynamic_gather %select_n3A_490[%gather3A_495] in [0] : vector<16xf32>, vector<16xi32> -> vector<16xf32>
        %broadcast_in_dim3A_497 = vector.shape_cast %add3A_140 : vector<16xi32> to vector<16x1xi32>
        %gather3A_498 = vector.shape_cast %broadcast_in_dim3A_497 : vector<16x1xi32> to vector<16xi32>
        %gather3A_499 = tpu.dynamic_gather %select_n3A_490[%gather3A_498] in [0] : vector<16xf32>, vector<16xi32> -> vector<16xf32>
        %broadcast_in_dim3A_500 = vector.shape_cast %add3A_143 : vector<16xi32> to vector<16x1xi32>
        %gather3A_501 = vector.shape_cast %broadcast_in_dim3A_500 : vector<16x1xi32> to vector<16xi32>
        %gather3A_502 = tpu.dynamic_gather %select_n3A_490[%gather3A_501] in [0] : vector<16xf32>, vector<16xi32> -> vector<16xf32>
        %mul3A_503 = arith.mulf %gather3A_493, %get3A_69 : vector<16xf32>
        %mul3A_504 = arith.mulf %gather3A_493, %get3A_5 : vector<16xf32>
        %mul3A_505 = arith.mulf %gather3A_496, %get3A_73 : vector<16xf32>
        %add3A_506 = arith.addf %mul3A_503, %mul3A_505 : vector<16xf32>
        %mul3A_507 = arith.mulf %gather3A_496, %get3A_9 : vector<16xf32>
        %add3A_508 = arith.addf %mul3A_504, %mul3A_507 : vector<16xf32>
        %mul3A_509 = arith.mulf %gather3A_499, %get3A_77 : vector<16xf32>
        %add3A_510 = arith.addf %add3A_506, %mul3A_509 : vector<16xf32>
        %mul3A_511 = arith.mulf %gather3A_499, %get3A_13 : vector<16xf32>
        %add3A_512 = arith.addf %add3A_508, %mul3A_511 : vector<16xf32>
        %mul3A_513 = arith.mulf %gather3A_502, %get3A_81 : vector<16xf32>
        %add3A_514 = arith.addf %add3A_510, %mul3A_513 : vector<16xf32>
        %mul3A_515 = arith.mulf %gather3A_502, %get3A_17 : vector<16xf32>
        %add3A_516 = arith.addf %add3A_512, %mul3A_515 : vector<16xf32>
        %add3A_517 = arith.addf %add3A_359, %add3A_514 : vector<16xf32>
        %max3A_518 = arith.constant 0.000000e+00 : f32
        %max3A_519 = vector.broadcast %max3A_518 : f32 to vector<16xf32>
        %max3A_520 = arith.maximumf %add3A_517, %max3A_519 : vector<16xf32>
        %get3A_521 = arith.index_cast %add3A_475 : i32 to index
        %get3A_522 = arith.constant 16 : index
        %get3A_523 = tpu.vector_load %arg13[%get3A_521, %get3A_522] {strides = array<i32>} : memref<200x128xf32, #tpu.memory_space<vmem>>, vector<16xf32>,
        %get3A_524 = arith.index_cast %add3A_475 : i32 to index
        %get3A_525 = arith.constant 80 : index
        %get3A_526 = tpu.vector_load %arg13[%get3A_524, %get3A_525] {strides = array<i32>} : memref<200x128xf32, #tpu.memory_space<vmem>>, vector<16xf32>,
        %select_n3A_527 = arith.select %ne3A_483, %get3A_526, %get3A_523 : vector<16xi1>, vector<16xf32>
        %broadcast_in_dim3A_528 = vector.shape_cast %add3A_134 : vector<16xi32> to vector<16x1xi32>
        %gather3A_529 = vector.shape_cast %broadcast_in_dim3A_528 : vector<16x1xi32> to vector<16xi32>
        %gather3A_530 = tpu.dynamic_gather %select_n3A_527[%gather3A_529] in [0] : vector<16xf32>, vector<16xi32> -> vector<16xf32>
        %broadcast_in_dim3A_531 = vector.shape_cast %add3A_137 : vector<16xi32> to vector<16x1xi32>
        %gather3A_532 = vector.shape_cast %broadcast_in_dim3A_531 : vector<16x1xi32> to vector<16xi32>
        %gather3A_533 = tpu.dynamic_gather %select_n3A_527[%gather3A_532] in [0] : vector<16xf32>, vector<16xi32> -> vector<16xf32>
        %broadcast_in_dim3A_534 = vector.shape_cast %add3A_140 : vector<16xi32> to vector<16x1xi32>
        %gather3A_535 = vector.shape_cast %broadcast_in_dim3A_534 : vector<16x1xi32> to vector<16xi32>
        %gather3A_536 = tpu.dynamic_gather %select_n3A_527[%gather3A_535] in [0] : vector<16xf32>, vector<16xi32> -> vector<16xf32>
        %broadcast_in_dim3A_537 = vector.shape_cast %add3A_143 : vector<16xi32> to vector<16x1xi32>
        %gather3A_538 = vector.shape_cast %broadcast_in_dim3A_537 : vector<16x1xi32> to vector<16xi32>
        %gather3A_539 = tpu.dynamic_gather %select_n3A_527[%gather3A_538] in [0] : vector<16xf32>, vector<16xi32> -> vector<16xf32>
        %mul3A_540 = arith.mulf %gather3A_530, %get3A_85 : vector<16xf32>
        %mul3A_541 = arith.mulf %gather3A_530, %get3A_21 : vector<16xf32>
        %mul3A_542 = arith.mulf %gather3A_533, %get3A_89 : vector<16xf32>
        %add3A_543 = arith.addf %mul3A_540, %mul3A_542 : vector<16xf32>
        %mul3A_544 = arith.mulf %gather3A_533, %get3A_25 : vector<16xf32>
        %add3A_545 = arith.addf %mul3A_541, %mul3A_544 : vector<16xf32>
        %mul3A_546 = arith.mulf %gather3A_536, %get3A_93 : vector<16xf32>
        %add3A_547 = arith.addf %add3A_543, %mul3A_546 : vector<16xf32>
        %mul3A_548 = arith.mulf %gather3A_536, %get3A_29 : vector<16xf32>
        %add3A_549 = arith.addf %add3A_545, %mul3A_548 : vector<16xf32>
        %mul3A_550 = arith.mulf %gather3A_539, %get3A_97 : vector<16xf32>
        %add3A_551 = arith.addf %add3A_547, %mul3A_550 : vector<16xf32>
        %mul3A_552 = arith.mulf %gather3A_539, %get3A_33 : vector<16xf32>
        %add3A_553 = arith.addf %add3A_549, %mul3A_552 : vector<16xf32>
        %add3A_554 = arith.addf %add3A_395, %add3A_551 : vector<16xf32>
        %max3A_555 = arith.constant 0.000000e+00 : f32
        %max3A_556 = vector.broadcast %max3A_555 : f32 to vector<16xf32>
        %max3A_557 = arith.maximumf %add3A_554, %max3A_556 : vector<16xf32>
        %get3A_558 = arith.index_cast %add3A_475 : i32 to index
        %get3A_559 = arith.constant 32 : index
        %get3A_560 = tpu.vector_load %arg13[%get3A_558, %get3A_559] {strides = array<i32>} : memref<200x128xf32, #tpu.memory_space<vmem>>, vector<16xf32>,
        %get3A_561 = arith.index_cast %add3A_475 : i32 to index
        %get3A_562 = arith.constant 96 : index
        %get3A_563 = tpu.vector_load %arg13[%get3A_561, %get3A_562] {strides = array<i32>} : memref<200x128xf32, #tpu.memory_space<vmem>>, vector<16xf32>,
        %select_n3A_564 = arith.select %ne3A_483, %get3A_563, %get3A_560 : vector<16xi1>, vector<16xf32>
        %broadcast_in_dim3A_565 = vector.shape_cast %add3A_134 : vector<16xi32> to vector<16x1xi32>
        %gather3A_566 = vector.shape_cast %broadcast_in_dim3A_565 : vector<16x1xi32> to vector<16xi32>
        %gather3A_567 = tpu.dynamic_gather %select_n3A_564[%gather3A_566] in [0] : vector<16xf32>, vector<16xi32> -> vector<16xf32>
        %broadcast_in_dim3A_568 = vector.shape_cast %add3A_137 : vector<16xi32> to vector<16x1xi32>
        %gather3A_569 = vector.shape_cast %broadcast_in_dim3A_568 : vector<16x1xi32> to vector<16xi32>
        %gather3A_570 = tpu.dynamic_gather %select_n3A_564[%gather3A_569] in [0] : vector<16xf32>, vector<16xi32> -> vector<16xf32>
        %broadcast_in_dim3A_571 = vector.shape_cast %add3A_140 : vector<16xi32> to vector<16x1xi32>
        %gather3A_572 = vector.shape_cast %broadcast_in_dim3A_571 : vector<16x1xi32> to vector<16xi32>
        %gather3A_573 = tpu.dynamic_gather %select_n3A_564[%gather3A_572] in [0] : vector<16xf32>, vector<16xi32> -> vector<16xf32>
        %broadcast_in_dim3A_574 = vector.shape_cast %add3A_143 : vector<16xi32> to vector<16x1xi32>
        %gather3A_575 = vector.shape_cast %broadcast_in_dim3A_574 : vector<16x1xi32> to vector<16xi32>
        %gather3A_576 = tpu.dynamic_gather %select_n3A_564[%gather3A_575] in [0] : vector<16xf32>, vector<16xi32> -> vector<16xf32>
        %mul3A_577 = arith.mulf %gather3A_567, %get3A_101 : vector<16xf32>
        %mul3A_578 = arith.mulf %gather3A_567, %get3A_37 : vector<16xf32>
        %mul3A_579 = arith.mulf %gather3A_570, %get3A_105 : vector<16xf32>
        %add3A_580 = arith.addf %mul3A_577, %mul3A_579 : vector<16xf32>
        %mul3A_581 = arith.mulf %gather3A_570, %get3A_41 : vector<16xf32>
        %add3A_582 = arith.addf %mul3A_578, %mul3A_581 : vector<16xf32>
        %mul3A_583 = arith.mulf %gather3A_573, %get3A_109 : vector<16xf32>
        %add3A_584 = arith.addf %add3A_580, %mul3A_583 : vector<16xf32>
        %mul3A_585 = arith.mulf %gather3A_573, %get3A_45 : vector<16xf32>
        %add3A_586 = arith.addf %add3A_582, %mul3A_585 : vector<16xf32>
        %mul3A_587 = arith.mulf %gather3A_576, %get3A_113 : vector<16xf32>
        %add3A_588 = arith.addf %add3A_584, %mul3A_587 : vector<16xf32>
        %mul3A_589 = arith.mulf %gather3A_576, %get3A_49 : vector<16xf32>
        %add3A_590 = arith.addf %add3A_586, %mul3A_589 : vector<16xf32>
        %add3A_591 = arith.addf %add3A_432, %add3A_588 : vector<16xf32>
        %max3A_592 = arith.constant 0.000000e+00 : f32
        %max3A_593 = vector.broadcast %max3A_592 : f32 to vector<16xf32>
        %max3A_594 = arith.maximumf %add3A_591, %max3A_593 : vector<16xf32>
        %get3A_595 = arith.index_cast %add3A_475 : i32 to index
        %get3A_596 = arith.constant 48 : index
        %get3A_597 = tpu.vector_load %arg13[%get3A_595, %get3A_596] {strides = array<i32>} : memref<200x128xf32, #tpu.memory_space<vmem>>, vector<16xf32>,
        %get3A_598 = arith.index_cast %add3A_475 : i32 to index
        %get3A_599 = arith.constant 112 : index
        %get3A_600 = tpu.vector_load %arg13[%get3A_598, %get3A_599] {strides = array<i32>} : memref<200x128xf32, #tpu.memory_space<vmem>>, vector<16xf32>,
        %select_n3A_601 = arith.select %ne3A_483, %get3A_600, %get3A_597 : vector<16xi1>, vector<16xf32>
        %broadcast_in_dim3A_602 = vector.shape_cast %add3A_134 : vector<16xi32> to vector<16x1xi32>
        %gather3A_603 = vector.shape_cast %broadcast_in_dim3A_602 : vector<16x1xi32> to vector<16xi32>
        %gather3A_604 = tpu.dynamic_gather %select_n3A_601[%gather3A_603] in [0] : vector<16xf32>, vector<16xi32> -> vector<16xf32>
        %broadcast_in_dim3A_605 = vector.shape_cast %add3A_137 : vector<16xi32> to vector<16x1xi32>
        %gather3A_606 = vector.shape_cast %broadcast_in_dim3A_605 : vector<16x1xi32> to vector<16xi32>
        %gather3A_607 = tpu.dynamic_gather %select_n3A_601[%gather3A_606] in [0] : vector<16xf32>, vector<16xi32> -> vector<16xf32>
        %broadcast_in_dim3A_608 = vector.shape_cast %add3A_140 : vector<16xi32> to vector<16x1xi32>
        %gather3A_609 = vector.shape_cast %broadcast_in_dim3A_608 : vector<16x1xi32> to vector<16xi32>
        %gather3A_610 = tpu.dynamic_gather %select_n3A_601[%gather3A_609] in [0] : vector<16xf32>, vector<16xi32> -> vector<16xf32>
        %broadcast_in_dim3A_611 = vector.shape_cast %add3A_143 : vector<16xi32> to vector<16x1xi32>
        %gather3A_612 = vector.shape_cast %broadcast_in_dim3A_611 : vector<16x1xi32> to vector<16xi32>
        %gather3A_613 = tpu.dynamic_gather %select_n3A_601[%gather3A_612] in [0] : vector<16xf32>, vector<16xi32> -> vector<16xf32>
        %mul3A_614 = arith.mulf %gather3A_604, %get3A_117 : vector<16xf32>
        %mul3A_615 = arith.mulf %gather3A_604, %get3A_53 : vector<16xf32>
        %mul3A_616 = arith.mulf %gather3A_607, %get3A_121 : vector<16xf32>
        %add3A_617 = arith.addf %mul3A_614, %mul3A_616 : vector<16xf32>
        %mul3A_618 = arith.mulf %gather3A_607, %get3A_57 : vector<16xf32>
        %add3A_619 = arith.addf %mul3A_615, %mul3A_618 : vector<16xf32>
        %mul3A_620 = arith.mulf %gather3A_610, %get3A_125 : vector<16xf32>
        %add3A_621 = arith.addf %add3A_617, %mul3A_620 : vector<16xf32>
        %mul3A_622 = arith.mulf %gather3A_610, %get3A_61 : vector<16xf32>
        %add3A_623 = arith.addf %add3A_619, %mul3A_622 : vector<16xf32>
        %mul3A_624 = arith.mulf %gather3A_613, %get3A_129 : vector<16xf32>
        %add3A_625 = arith.addf %add3A_621, %mul3A_624 : vector<16xf32>
        %mul3A_626 = arith.mulf %gather3A_613, %get3A_65 : vector<16xf32>
        %add3A_627 = arith.addf %add3A_623, %mul3A_626 : vector<16xf32>
        %add3A_628 = arith.addf %add3A_469, %add3A_625 : vector<16xf32>
        %max3A_629 = arith.constant 0.000000e+00 : f32
        %max3A_630 = vector.broadcast %max3A_629 : f32 to vector<16xf32>
        %max3A_631 = arith.maximumf %add3A_628, %max3A_630 : vector<16xf32>
        %add3A_632 = arith.constant 2 : i32
        %add3A_633 = arith.addi %mul3A_306, %add3A_632 : i32
        %broadcast_in_dim3A_634 = arith.constant 2 : i32
        %broadcast_in_dim3A_635 = vector.broadcast %broadcast_in_dim3A_634 : i32 to vector<16xi32>
        %broadcast_in_dim3A_636 = vector.shape_cast %broadcast_in_dim3A_635 : vector<16xi32> to vector<16x1xi32>
        %gather3A_637 = vector.shape_cast %broadcast_in_dim3A_636 : vector<16x1xi32> to vector<16xi32>
        %gather3A_638 = tpu.dynamic_gather %gather3A_318[%gather3A_637] in [0] : vector<16xi32>, vector<16xi32> -> vector<16xi32>
        %ne3A_639 = arith.constant 0 : i32
        %ne3A_640 = vector.broadcast %ne3A_639 : i32 to vector<16xi32>
        %ne3A_641 = arith.cmpi ne, %gather3A_638, %ne3A_640 : vector<16xi32>
        %get3A_642 = arith.index_cast %add3A_633 : i32 to index
        %get3A_643 = arith.constant 0 : index
        %get3A_644 = tpu.vector_load %arg13[%get3A_642, %get3A_643] {strides = array<i32>} : memref<200x128xf32, #tpu.memory_space<vmem>>, vector<16xf32>,
        %get3A_645 = arith.index_cast %add3A_633 : i32 to index
        %get3A_646 = arith.constant 64 : index
        %get3A_647 = tpu.vector_load %arg13[%get3A_645, %get3A_646] {strides = array<i32>} : memref<200x128xf32, #tpu.memory_space<vmem>>, vector<16xf32>,
        %select_n3A_648 = arith.select %ne3A_641, %get3A_647, %get3A_644 : vector<16xi1>, vector<16xf32>
        %broadcast_in_dim3A_649 = vector.shape_cast %add3A_134 : vector<16xi32> to vector<16x1xi32>
        %gather3A_650 = vector.shape_cast %broadcast_in_dim3A_649 : vector<16x1xi32> to vector<16xi32>
        %gather3A_651 = tpu.dynamic_gather %select_n3A_648[%gather3A_650] in [0] : vector<16xf32>, vector<16xi32> -> vector<16xf32>
        %broadcast_in_dim3A_652 = vector.shape_cast %add3A_137 : vector<16xi32> to vector<16x1xi32>
        %gather3A_653 = vector.shape_cast %broadcast_in_dim3A_652 : vector<16x1xi32> to vector<16xi32>
        %gather3A_654 = tpu.dynamic_gather %select_n3A_648[%gather3A_653] in [0] : vector<16xf32>, vector<16xi32> -> vector<16xf32>
        %broadcast_in_dim3A_655 = vector.shape_cast %add3A_140 : vector<16xi32> to vector<16x1xi32>
        %gather3A_656 = vector.shape_cast %broadcast_in_dim3A_655 : vector<16x1xi32> to vector<16xi32>
        %gather3A_657 = tpu.dynamic_gather %select_n3A_648[%gather3A_656] in [0] : vector<16xf32>, vector<16xi32> -> vector<16xf32>
        %broadcast_in_dim3A_658 = vector.shape_cast %add3A_143 : vector<16xi32> to vector<16x1xi32>
        %gather3A_659 = vector.shape_cast %broadcast_in_dim3A_658 : vector<16x1xi32> to vector<16xi32>
        %gather3A_660 = tpu.dynamic_gather %select_n3A_648[%gather3A_659] in [0] : vector<16xf32>, vector<16xi32> -> vector<16xf32>
        %mul3A_661 = arith.mulf %gather3A_651, %get3A_69 : vector<16xf32>
        %mul3A_662 = arith.mulf %gather3A_651, %get3A_5 : vector<16xf32>
        %mul3A_663 = arith.mulf %gather3A_654, %get3A_73 : vector<16xf32>
        %add3A_664 = arith.addf %mul3A_661, %mul3A_663 : vector<16xf32>
        %mul3A_665 = arith.mulf %gather3A_654, %get3A_9 : vector<16xf32>
        %add3A_666 = arith.addf %mul3A_662, %mul3A_665 : vector<16xf32>
        %mul3A_667 = arith.mulf %gather3A_657, %get3A_77 : vector<16xf32>
        %add3A_668 = arith.addf %add3A_664, %mul3A_667 : vector<16xf32>
        %mul3A_669 = arith.mulf %gather3A_657, %get3A_13 : vector<16xf32>
        %add3A_670 = arith.addf %add3A_666, %mul3A_669 : vector<16xf32>
        %mul3A_671 = arith.mulf %gather3A_660, %get3A_81 : vector<16xf32>
        %add3A_672 = arith.addf %add3A_668, %mul3A_671 : vector<16xf32>
        %mul3A_673 = arith.mulf %gather3A_660, %get3A_17 : vector<16xf32>
        %add3A_674 = arith.addf %add3A_670, %mul3A_673 : vector<16xf32>
        %add3A_675 = arith.addf %add3A_516, %add3A_672 : vector<16xf32>
        %max3A_676 = arith.constant 0.000000e+00 : f32
        %max3A_677 = vector.broadcast %max3A_676 : f32 to vector<16xf32>
        %max3A_678 = arith.maximumf %add3A_675, %max3A_677 : vector<16xf32>
        %get3A_679 = arith.index_cast %add3A_633 : i32 to index
        %get3A_680 = arith.constant 16 : index
        %get3A_681 = tpu.vector_load %arg13[%get3A_679, %get3A_680] {strides = array<i32>} : memref<200x128xf32, #tpu.memory_space<vmem>>, vector<16xf32>,
        %get3A_682 = arith.index_cast %add3A_633 : i32 to index
        %get3A_683 = arith.constant 80 : index
        %get3A_684 = tpu.vector_load %arg13[%get3A_682, %get3A_683] {strides = array<i32>} : memref<200x128xf32, #tpu.memory_space<vmem>>, vector<16xf32>,
        %select_n3A_685 = arith.select %ne3A_641, %get3A_684, %get3A_681 : vector<16xi1>, vector<16xf32>
        %broadcast_in_dim3A_686 = vector.shape_cast %add3A_134 : vector<16xi32> to vector<16x1xi32>
        %gather3A_687 = vector.shape_cast %broadcast_in_dim3A_686 : vector<16x1xi32> to vector<16xi32>
        %gather3A_688 = tpu.dynamic_gather %select_n3A_685[%gather3A_687] in [0] : vector<16xf32>, vector<16xi32> -> vector<16xf32>
        %broadcast_in_dim3A_689 = vector.shape_cast %add3A_137 : vector<16xi32> to vector<16x1xi32>
        %gather3A_690 = vector.shape_cast %broadcast_in_dim3A_689 : vector<16x1xi32> to vector<16xi32>
        %gather3A_691 = tpu.dynamic_gather %select_n3A_685[%gather3A_690] in [0] : vector<16xf32>, vector<16xi32> -> vector<16xf32>
        %broadcast_in_dim3A_692 = vector.shape_cast %add3A_140 : vector<16xi32> to vector<16x1xi32>
        %gather3A_693 = vector.shape_cast %broadcast_in_dim3A_692 : vector<16x1xi32> to vector<16xi32>
        %gather3A_694 = tpu.dynamic_gather %select_n3A_685[%gather3A_693] in [0] : vector<16xf32>, vector<16xi32> -> vector<16xf32>
        %broadcast_in_dim3A_695 = vector.shape_cast %add3A_143 : vector<16xi32> to vector<16x1xi32>
        %gather3A_696 = vector.shape_cast %broadcast_in_dim3A_695 : vector<16x1xi32> to vector<16xi32>
        %gather3A_697 = tpu.dynamic_gather %select_n3A_685[%gather3A_696] in [0] : vector<16xf32>, vector<16xi32> -> vector<16xf32>
        %mul3A_698 = arith.mulf %gather3A_688, %get3A_85 : vector<16xf32>
        %mul3A_699 = arith.mulf %gather3A_688, %get3A_21 : vector<16xf32>
        %mul3A_700 = arith.mulf %gather3A_691, %get3A_89 : vector<16xf32>
        %add3A_701 = arith.addf %mul3A_698, %mul3A_700 : vector<16xf32>
        %mul3A_702 = arith.mulf %gather3A_691, %get3A_25 : vector<16xf32>
        %add3A_703 = arith.addf %mul3A_699, %mul3A_702 : vector<16xf32>
        %mul3A_704 = arith.mulf %gather3A_694, %get3A_93 : vector<16xf32>
        %add3A_705 = arith.addf %add3A_701, %mul3A_704 : vector<16xf32>
        %mul3A_706 = arith.mulf %gather3A_694, %get3A_29 : vector<16xf32>
        %add3A_707 = arith.addf %add3A_703, %mul3A_706 : vector<16xf32>
        %mul3A_708 = arith.mulf %gather3A_697, %get3A_97 : vector<16xf32>
        %add3A_709 = arith.addf %add3A_705, %mul3A_708 : vector<16xf32>
        %mul3A_710 = arith.mulf %gather3A_697, %get3A_33 : vector<16xf32>
        %add3A_711 = arith.addf %add3A_707, %mul3A_710 : vector<16xf32>
        %add3A_712 = arith.addf %add3A_553, %add3A_709 : vector<16xf32>
        %max3A_713 = arith.constant 0.000000e+00 : f32
        %max3A_714 = vector.broadcast %max3A_713 : f32 to vector<16xf32>
        %max3A_715 = arith.maximumf %add3A_712, %max3A_714 : vector<16xf32>
        %get3A_716 = arith.index_cast %add3A_633 : i32 to index
        %get3A_717 = arith.constant 32 : index
        %get3A_718 = tpu.vector_load %arg13[%get3A_716, %get3A_717] {strides = array<i32>} : memref<200x128xf32, #tpu.memory_space<vmem>>, vector<16xf32>,
        %get3A_719 = arith.index_cast %add3A_633 : i32 to index
        %get3A_720 = arith.constant 96 : index
        %get3A_721 = tpu.vector_load %arg13[%get3A_719, %get3A_720] {strides = array<i32>} : memref<200x128xf32, #tpu.memory_space<vmem>>, vector<16xf32>,
        %select_n3A_722 = arith.select %ne3A_641, %get3A_721, %get3A_718 : vector<16xi1>, vector<16xf32>
        %broadcast_in_dim3A_723 = vector.shape_cast %add3A_134 : vector<16xi32> to vector<16x1xi32>
        %gather3A_724 = vector.shape_cast %broadcast_in_dim3A_723 : vector<16x1xi32> to vector<16xi32>
        %gather3A_725 = tpu.dynamic_gather %select_n3A_722[%gather3A_724] in [0] : vector<16xf32>, vector<16xi32> -> vector<16xf32>
        %broadcast_in_dim3A_726 = vector.shape_cast %add3A_137 : vector<16xi32> to vector<16x1xi32>
        %gather3A_727 = vector.shape_cast %broadcast_in_dim3A_726 : vector<16x1xi32> to vector<16xi32>
        %gather3A_728 = tpu.dynamic_gather %select_n3A_722[%gather3A_727] in [0] : vector<16xf32>, vector<16xi32> -> vector<16xf32>
        %broadcast_in_dim3A_729 = vector.shape_cast %add3A_140 : vector<16xi32> to vector<16x1xi32>
        %gather3A_730 = vector.shape_cast %broadcast_in_dim3A_729 : vector<16x1xi32> to vector<16xi32>
        %gather3A_731 = tpu.dynamic_gather %select_n3A_722[%gather3A_730] in [0] : vector<16xf32>, vector<16xi32> -> vector<16xf32>
        %broadcast_in_dim3A_732 = vector.shape_cast %add3A_143 : vector<16xi32> to vector<16x1xi32>
        %gather3A_733 = vector.shape_cast %broadcast_in_dim3A_732 : vector<16x1xi32> to vector<16xi32>
        %gather3A_734 = tpu.dynamic_gather %select_n3A_722[%gather3A_733] in [0] : vector<16xf32>, vector<16xi32> -> vector<16xf32>
        %mul3A_735 = arith.mulf %gather3A_725, %get3A_101 : vector<16xf32>
        %mul3A_736 = arith.mulf %gather3A_725, %get3A_37 : vector<16xf32>
        %mul3A_737 = arith.mulf %gather3A_728, %get3A_105 : vector<16xf32>
        %add3A_738 = arith.addf %mul3A_735, %mul3A_737 : vector<16xf32>
        %mul3A_739 = arith.mulf %gather3A_728, %get3A_41 : vector<16xf32>
        %add3A_740 = arith.addf %mul3A_736, %mul3A_739 : vector<16xf32>
        %mul3A_741 = arith.mulf %gather3A_731, %get3A_109 : vector<16xf32>
        %add3A_742 = arith.addf %add3A_738, %mul3A_741 : vector<16xf32>
        %mul3A_743 = arith.mulf %gather3A_731, %get3A_45 : vector<16xf32>
        %add3A_744 = arith.addf %add3A_740, %mul3A_743 : vector<16xf32>
        %mul3A_745 = arith.mulf %gather3A_734, %get3A_113 : vector<16xf32>
        %add3A_746 = arith.addf %add3A_742, %mul3A_745 : vector<16xf32>
        %mul3A_747 = arith.mulf %gather3A_734, %get3A_49 : vector<16xf32>
        %add3A_748 = arith.addf %add3A_744, %mul3A_747 : vector<16xf32>
        %add3A_749 = arith.addf %add3A_590, %add3A_746 : vector<16xf32>
        %max3A_750 = arith.constant 0.000000e+00 : f32
        %max3A_751 = vector.broadcast %max3A_750 : f32 to vector<16xf32>
        %max3A_752 = arith.maximumf %add3A_749, %max3A_751 : vector<16xf32>
        %get3A_753 = arith.index_cast %add3A_633 : i32 to index
        %get3A_754 = arith.constant 48 : index
        %get3A_755 = tpu.vector_load %arg13[%get3A_753, %get3A_754] {strides = array<i32>} : memref<200x128xf32, #tpu.memory_space<vmem>>, vector<16xf32>,
        %get3A_756 = arith.index_cast %add3A_633 : i32 to index
        %get3A_757 = arith.constant 112 : index
        %get3A_758 = tpu.vector_load %arg13[%get3A_756, %get3A_757] {strides = array<i32>} : memref<200x128xf32, #tpu.memory_space<vmem>>, vector<16xf32>,
        %select_n3A_759 = arith.select %ne3A_641, %get3A_758, %get3A_755 : vector<16xi1>, vector<16xf32>
        %broadcast_in_dim3A_760 = vector.shape_cast %add3A_134 : vector<16xi32> to vector<16x1xi32>
        %gather3A_761 = vector.shape_cast %broadcast_in_dim3A_760 : vector<16x1xi32> to vector<16xi32>
        %gather3A_762 = tpu.dynamic_gather %select_n3A_759[%gather3A_761] in [0] : vector<16xf32>, vector<16xi32> -> vector<16xf32>
        %broadcast_in_dim3A_763 = vector.shape_cast %add3A_137 : vector<16xi32> to vector<16x1xi32>
        %gather3A_764 = vector.shape_cast %broadcast_in_dim3A_763 : vector<16x1xi32> to vector<16xi32>
        %gather3A_765 = tpu.dynamic_gather %select_n3A_759[%gather3A_764] in [0] : vector<16xf32>, vector<16xi32> -> vector<16xf32>
        %broadcast_in_dim3A_766 = vector.shape_cast %add3A_140 : vector<16xi32> to vector<16x1xi32>
        %gather3A_767 = vector.shape_cast %broadcast_in_dim3A_766 : vector<16x1xi32> to vector<16xi32>
        %gather3A_768 = tpu.dynamic_gather %select_n3A_759[%gather3A_767] in [0] : vector<16xf32>, vector<16xi32> -> vector<16xf32>
        %broadcast_in_dim3A_769 = vector.shape_cast %add3A_143 : vector<16xi32> to vector<16x1xi32>
        %gather3A_770 = vector.shape_cast %broadcast_in_dim3A_769 : vector<16x1xi32> to vector<16xi32>
        %gather3A_771 = tpu.dynamic_gather %select_n3A_759[%gather3A_770] in [0] : vector<16xf32>, vector<16xi32> -> vector<16xf32>
        %mul3A_772 = arith.mulf %gather3A_762, %get3A_117 : vector<16xf32>
        %mul3A_773 = arith.mulf %gather3A_762, %get3A_53 : vector<16xf32>
        %mul3A_774 = arith.mulf %gather3A_765, %get3A_121 : vector<16xf32>
        %add3A_775 = arith.addf %mul3A_772, %mul3A_774 : vector<16xf32>
        %mul3A_776 = arith.mulf %gather3A_765, %get3A_57 : vector<16xf32>
        %add3A_777 = arith.addf %mul3A_773, %mul3A_776 : vector<16xf32>
        %mul3A_778 = arith.mulf %gather3A_768, %get3A_125 : vector<16xf32>
        %add3A_779 = arith.addf %add3A_775, %mul3A_778 : vector<16xf32>
        %mul3A_780 = arith.mulf %gather3A_768, %get3A_61 : vector<16xf32>
        %add3A_781 = arith.addf %add3A_777, %mul3A_780 : vector<16xf32>
        %mul3A_782 = arith.mulf %gather3A_771, %get3A_129 : vector<16xf32>
        %add3A_783 = arith.addf %add3A_779, %mul3A_782 : vector<16xf32>
        %mul3A_784 = arith.mulf %gather3A_771, %get3A_65 : vector<16xf32>
        %add3A_785 = arith.addf %add3A_781, %mul3A_784 : vector<16xf32>
        %add3A_786 = arith.addf %add3A_627, %add3A_783 : vector<16xf32>
        %max3A_787 = arith.constant 0.000000e+00 : f32
        %max3A_788 = vector.broadcast %max3A_787 : f32 to vector<16xf32>
        %max3A_789 = arith.maximumf %add3A_786, %max3A_788 : vector<16xf32>
        %add3A_790 = arith.constant 3 : i32
        %add3A_791 = arith.addi %mul3A_306, %add3A_790 : i32
        %broadcast_in_dim3A_792 = arith.constant 3 : i32
        %broadcast_in_dim3A_793 = vector.broadcast %broadcast_in_dim3A_792 : i32 to vector<16xi32>
        %broadcast_in_dim3A_794 = vector.shape_cast %broadcast_in_dim3A_793 : vector<16xi32> to vector<16x1xi32>
        %gather3A_795 = vector.shape_cast %broadcast_in_dim3A_794 : vector<16x1xi32> to vector<16xi32>
        %gather3A_796 = tpu.dynamic_gather %gather3A_318[%gather3A_795] in [0] : vector<16xi32>, vector<16xi32> -> vector<16xi32>
        %ne3A_797 = arith.constant 0 : i32
        %ne3A_798 = vector.broadcast %ne3A_797 : i32 to vector<16xi32>
        %ne3A_799 = arith.cmpi ne, %gather3A_796, %ne3A_798 : vector<16xi32>
        %get3A_800 = arith.index_cast %add3A_791 : i32 to index
        %get3A_801 = arith.constant 0 : index
        %get3A_802 = tpu.vector_load %arg13[%get3A_800, %get3A_801] {strides = array<i32>} : memref<200x128xf32, #tpu.memory_space<vmem>>, vector<16xf32>,
        %get3A_803 = arith.index_cast %add3A_791 : i32 to index
        %get3A_804 = arith.constant 64 : index
        %get3A_805 = tpu.vector_load %arg13[%get3A_803, %get3A_804] {strides = array<i32>} : memref<200x128xf32, #tpu.memory_space<vmem>>, vector<16xf32>,
        %select_n3A_806 = arith.select %ne3A_799, %get3A_805, %get3A_802 : vector<16xi1>, vector<16xf32>
        %broadcast_in_dim3A_807 = vector.shape_cast %add3A_134 : vector<16xi32> to vector<16x1xi32>
        %gather3A_808 = vector.shape_cast %broadcast_in_dim3A_807 : vector<16x1xi32> to vector<16xi32>
        %gather3A_809 = tpu.dynamic_gather %select_n3A_806[%gather3A_808] in [0] : vector<16xf32>, vector<16xi32> -> vector<16xf32>
        %broadcast_in_dim3A_810 = vector.shape_cast %add3A_137 : vector<16xi32> to vector<16x1xi32>
        %gather3A_811 = vector.shape_cast %broadcast_in_dim3A_810 : vector<16x1xi32> to vector<16xi32>
        %gather3A_812 = tpu.dynamic_gather %select_n3A_806[%gather3A_811] in [0] : vector<16xf32>, vector<16xi32> -> vector<16xf32>
        %broadcast_in_dim3A_813 = vector.shape_cast %add3A_140 : vector<16xi32> to vector<16x1xi32>
        %gather3A_814 = vector.shape_cast %broadcast_in_dim3A_813 : vector<16x1xi32> to vector<16xi32>
        %gather3A_815 = tpu.dynamic_gather %select_n3A_806[%gather3A_814] in [0] : vector<16xf32>, vector<16xi32> -> vector<16xf32>
        %broadcast_in_dim3A_816 = vector.shape_cast %add3A_143 : vector<16xi32> to vector<16x1xi32>
        %gather3A_817 = vector.shape_cast %broadcast_in_dim3A_816 : vector<16x1xi32> to vector<16xi32>
        %gather3A_818 = tpu.dynamic_gather %select_n3A_806[%gather3A_817] in [0] : vector<16xf32>, vector<16xi32> -> vector<16xf32>
        %mul3A_819 = arith.mulf %gather3A_809, %get3A_69 : vector<16xf32>
        %mul3A_820 = arith.mulf %gather3A_809, %get3A_5 : vector<16xf32>
        %mul3A_821 = arith.mulf %gather3A_812, %get3A_73 : vector<16xf32>
        %add3A_822 = arith.addf %mul3A_819, %mul3A_821 : vector<16xf32>
        %mul3A_823 = arith.mulf %gather3A_812, %get3A_9 : vector<16xf32>
        %add3A_824 = arith.addf %mul3A_820, %mul3A_823 : vector<16xf32>
        %mul3A_825 = arith.mulf %gather3A_815, %get3A_77 : vector<16xf32>
        %add3A_826 = arith.addf %add3A_822, %mul3A_825 : vector<16xf32>
        %mul3A_827 = arith.mulf %gather3A_815, %get3A_13 : vector<16xf32>
        %add3A_828 = arith.addf %add3A_824, %mul3A_827 : vector<16xf32>
        %mul3A_829 = arith.mulf %gather3A_818, %get3A_81 : vector<16xf32>
        %add3A_830 = arith.addf %add3A_826, %mul3A_829 : vector<16xf32>
        %mul3A_831 = arith.mulf %gather3A_818, %get3A_17 : vector<16xf32>
        %add3A_832 = arith.addf %add3A_828, %mul3A_831 : vector<16xf32>
        %add3A_833 = arith.addf %add3A_674, %add3A_830 : vector<16xf32>
        %max3A_834 = arith.constant 0.000000e+00 : f32
        %max3A_835 = vector.broadcast %max3A_834 : f32 to vector<16xf32>
        %max3A_836 = arith.maximumf %add3A_833, %max3A_835 : vector<16xf32>
        %get3A_837 = arith.index_cast %add3A_791 : i32 to index
        %get3A_838 = arith.constant 16 : index
        %get3A_839 = tpu.vector_load %arg13[%get3A_837, %get3A_838] {strides = array<i32>} : memref<200x128xf32, #tpu.memory_space<vmem>>, vector<16xf32>,
        %get3A_840 = arith.index_cast %add3A_791 : i32 to index
        %get3A_841 = arith.constant 80 : index
        %get3A_842 = tpu.vector_load %arg13[%get3A_840, %get3A_841] {strides = array<i32>} : memref<200x128xf32, #tpu.memory_space<vmem>>, vector<16xf32>,
        %select_n3A_843 = arith.select %ne3A_799, %get3A_842, %get3A_839 : vector<16xi1>, vector<16xf32>
        %broadcast_in_dim3A_844 = vector.shape_cast %add3A_134 : vector<16xi32> to vector<16x1xi32>
        %gather3A_845 = vector.shape_cast %broadcast_in_dim3A_844 : vector<16x1xi32> to vector<16xi32>
        %gather3A_846 = tpu.dynamic_gather %select_n3A_843[%gather3A_845] in [0] : vector<16xf32>, vector<16xi32> -> vector<16xf32>
        %broadcast_in_dim3A_847 = vector.shape_cast %add3A_137 : vector<16xi32> to vector<16x1xi32>
        %gather3A_848 = vector.shape_cast %broadcast_in_dim3A_847 : vector<16x1xi32> to vector<16xi32>
        %gather3A_849 = tpu.dynamic_gather %select_n3A_843[%gather3A_848] in [0] : vector<16xf32>, vector<16xi32> -> vector<16xf32>
        %broadcast_in_dim3A_850 = vector.shape_cast %add3A_140 : vector<16xi32> to vector<16x1xi32>
        %gather3A_851 = vector.shape_cast %broadcast_in_dim3A_850 : vector<16x1xi32> to vector<16xi32>
        %gather3A_852 = tpu.dynamic_gather %select_n3A_843[%gather3A_851] in [0] : vector<16xf32>, vector<16xi32> -> vector<16xf32>
        %broadcast_in_dim3A_853 = vector.shape_cast %add3A_143 : vector<16xi32> to vector<16x1xi32>
        %gather3A_854 = vector.shape_cast %broadcast_in_dim3A_853 : vector<16x1xi32> to vector<16xi32>
        %gather3A_855 = tpu.dynamic_gather %select_n3A_843[%gather3A_854] in [0] : vector<16xf32>, vector<16xi32> -> vector<16xf32>
        %mul3A_856 = arith.mulf %gather3A_846, %get3A_85 : vector<16xf32>
        %mul3A_857 = arith.mulf %gather3A_846, %get3A_21 : vector<16xf32>
        %mul3A_858 = arith.mulf %gather3A_849, %get3A_89 : vector<16xf32>
        %add3A_859 = arith.addf %mul3A_856, %mul3A_858 : vector<16xf32>
        %mul3A_860 = arith.mulf %gather3A_849, %get3A_25 : vector<16xf32>
        %add3A_861 = arith.addf %mul3A_857, %mul3A_860 : vector<16xf32>
        %mul3A_862 = arith.mulf %gather3A_852, %get3A_93 : vector<16xf32>
        %add3A_863 = arith.addf %add3A_859, %mul3A_862 : vector<16xf32>
        %mul3A_864 = arith.mulf %gather3A_852, %get3A_29 : vector<16xf32>
        %add3A_865 = arith.addf %add3A_861, %mul3A_864 : vector<16xf32>
        %mul3A_866 = arith.mulf %gather3A_855, %get3A_97 : vector<16xf32>
        %add3A_867 = arith.addf %add3A_863, %mul3A_866 : vector<16xf32>
        %mul3A_868 = arith.mulf %gather3A_855, %get3A_33 : vector<16xf32>
        %add3A_869 = arith.addf %add3A_865, %mul3A_868 : vector<16xf32>
        %add3A_870 = arith.addf %add3A_711, %add3A_867 : vector<16xf32>
        %max3A_871 = arith.constant 0.000000e+00 : f32
        %max3A_872 = vector.broadcast %max3A_871 : f32 to vector<16xf32>
        %max3A_873 = arith.maximumf %add3A_870, %max3A_872 : vector<16xf32>
        %get3A_874 = arith.index_cast %add3A_791 : i32 to index
        %get3A_875 = arith.constant 32 : index
        %get3A_876 = tpu.vector_load %arg13[%get3A_874, %get3A_875] {strides = array<i32>} : memref<200x128xf32, #tpu.memory_space<vmem>>, vector<16xf32>,
        %get3A_877 = arith.index_cast %add3A_791 : i32 to index
        %get3A_878 = arith.constant 96 : index
        %get3A_879 = tpu.vector_load %arg13[%get3A_877, %get3A_878] {strides = array<i32>} : memref<200x128xf32, #tpu.memory_space<vmem>>, vector<16xf32>,
        %select_n3A_880 = arith.select %ne3A_799, %get3A_879, %get3A_876 : vector<16xi1>, vector<16xf32>
        %broadcast_in_dim3A_881 = vector.shape_cast %add3A_134 : vector<16xi32> to vector<16x1xi32>
        %gather3A_882 = vector.shape_cast %broadcast_in_dim3A_881 : vector<16x1xi32> to vector<16xi32>
        %gather3A_883 = tpu.dynamic_gather %select_n3A_880[%gather3A_882] in [0] : vector<16xf32>, vector<16xi32> -> vector<16xf32>
        %broadcast_in_dim3A_884 = vector.shape_cast %add3A_137 : vector<16xi32> to vector<16x1xi32>
        %gather3A_885 = vector.shape_cast %broadcast_in_dim3A_884 : vector<16x1xi32> to vector<16xi32>
        %gather3A_886 = tpu.dynamic_gather %select_n3A_880[%gather3A_885] in [0] : vector<16xf32>, vector<16xi32> -> vector<16xf32>
        %broadcast_in_dim3A_887 = vector.shape_cast %add3A_140 : vector<16xi32> to vector<16x1xi32>
        %gather3A_888 = vector.shape_cast %broadcast_in_dim3A_887 : vector<16x1xi32> to vector<16xi32>
        %gather3A_889 = tpu.dynamic_gather %select_n3A_880[%gather3A_888] in [0] : vector<16xf32>, vector<16xi32> -> vector<16xf32>
        %broadcast_in_dim3A_890 = vector.shape_cast %add3A_143 : vector<16xi32> to vector<16x1xi32>
        %gather3A_891 = vector.shape_cast %broadcast_in_dim3A_890 : vector<16x1xi32> to vector<16xi32>
        %gather3A_892 = tpu.dynamic_gather %select_n3A_880[%gather3A_891] in [0] : vector<16xf32>, vector<16xi32> -> vector<16xf32>
        %mul3A_893 = arith.mulf %gather3A_883, %get3A_101 : vector<16xf32>
        %mul3A_894 = arith.mulf %gather3A_883, %get3A_37 : vector<16xf32>
        %mul3A_895 = arith.mulf %gather3A_886, %get3A_105 : vector<16xf32>
        %add3A_896 = arith.addf %mul3A_893, %mul3A_895 : vector<16xf32>
        %mul3A_897 = arith.mulf %gather3A_886, %get3A_41 : vector<16xf32>
        %add3A_898 = arith.addf %mul3A_894, %mul3A_897 : vector<16xf32>
        %mul3A_899 = arith.mulf %gather3A_889, %get3A_109 : vector<16xf32>
        %add3A_900 = arith.addf %add3A_896, %mul3A_899 : vector<16xf32>
        %mul3A_901 = arith.mulf %gather3A_889, %get3A_45 : vector<16xf32>
        %add3A_902 = arith.addf %add3A_898, %mul3A_901 : vector<16xf32>
        %mul3A_903 = arith.mulf %gather3A_892, %get3A_113 : vector<16xf32>
        %add3A_904 = arith.addf %add3A_900, %mul3A_903 : vector<16xf32>
        %mul3A_905 = arith.mulf %gather3A_892, %get3A_49 : vector<16xf32>
        %add3A_906 = arith.addf %add3A_902, %mul3A_905 : vector<16xf32>
        %add3A_907 = arith.addf %add3A_748, %add3A_904 : vector<16xf32>
        %max3A_908 = arith.constant 0.000000e+00 : f32
        %max3A_909 = vector.broadcast %max3A_908 : f32 to vector<16xf32>
        %max3A_910 = arith.maximumf %add3A_907, %max3A_909 : vector<16xf32>
        %get3A_911 = arith.index_cast %add3A_791 : i32 to index
        %get3A_912 = arith.constant 48 : index
        %get3A_913 = tpu.vector_load %arg13[%get3A_911, %get3A_912] {strides = array<i32>} : memref<200x128xf32, #tpu.memory_space<vmem>>, vector<16xf32>,
        %get3A_914 = arith.index_cast %add3A_791 : i32 to index
        %get3A_915 = arith.constant 112 : index
        %get3A_916 = tpu.vector_load %arg13[%get3A_914, %get3A_915] {strides = array<i32>} : memref<200x128xf32, #tpu.memory_space<vmem>>, vector<16xf32>,
        %select_n3A_917 = arith.select %ne3A_799, %get3A_916, %get3A_913 : vector<16xi1>, vector<16xf32>
        %broadcast_in_dim3A_918 = vector.shape_cast %add3A_134 : vector<16xi32> to vector<16x1xi32>
        %gather3A_919 = vector.shape_cast %broadcast_in_dim3A_918 : vector<16x1xi32> to vector<16xi32>
        %gather3A_920 = tpu.dynamic_gather %select_n3A_917[%gather3A_919] in [0] : vector<16xf32>, vector<16xi32> -> vector<16xf32>
        %broadcast_in_dim3A_921 = vector.shape_cast %add3A_137 : vector<16xi32> to vector<16x1xi32>
        %gather3A_922 = vector.shape_cast %broadcast_in_dim3A_921 : vector<16x1xi32> to vector<16xi32>
        %gather3A_923 = tpu.dynamic_gather %select_n3A_917[%gather3A_922] in [0] : vector<16xf32>, vector<16xi32> -> vector<16xf32>
        %broadcast_in_dim3A_924 = vector.shape_cast %add3A_140 : vector<16xi32> to vector<16x1xi32>
        %gather3A_925 = vector.shape_cast %broadcast_in_dim3A_924 : vector<16x1xi32> to vector<16xi32>
        %gather3A_926 = tpu.dynamic_gather %select_n3A_917[%gather3A_925] in [0] : vector<16xf32>, vector<16xi32> -> vector<16xf32>
        %broadcast_in_dim3A_927 = vector.shape_cast %add3A_143 : vector<16xi32> to vector<16x1xi32>
        %gather3A_928 = vector.shape_cast %broadcast_in_dim3A_927 : vector<16x1xi32> to vector<16xi32>
        %gather3A_929 = tpu.dynamic_gather %select_n3A_917[%gather3A_928] in [0] : vector<16xf32>, vector<16xi32> -> vector<16xf32>
        %mul3A_930 = arith.mulf %gather3A_920, %get3A_117 : vector<16xf32>
        %mul3A_931 = arith.mulf %gather3A_920, %get3A_53 : vector<16xf32>
        %mul3A_932 = arith.mulf %gather3A_923, %get3A_121 : vector<16xf32>
        %add3A_933 = arith.addf %mul3A_930, %mul3A_932 : vector<16xf32>
        %mul3A_934 = arith.mulf %gather3A_923, %get3A_57 : vector<16xf32>
        %add3A_935 = arith.addf %mul3A_931, %mul3A_934 : vector<16xf32>
        %mul3A_936 = arith.mulf %gather3A_926, %get3A_125 : vector<16xf32>
        %add3A_937 = arith.addf %add3A_933, %mul3A_936 : vector<16xf32>
        %mul3A_938 = arith.mulf %gather3A_926, %get3A_61 : vector<16xf32>
        %add3A_939 = arith.addf %add3A_935, %mul3A_938 : vector<16xf32>
        %mul3A_940 = arith.mulf %gather3A_929, %get3A_129 : vector<16xf32>
        %add3A_941 = arith.addf %add3A_937, %mul3A_940 : vector<16xf32>
        %mul3A_942 = arith.mulf %gather3A_929, %get3A_65 : vector<16xf32>
        %add3A_943 = arith.addf %add3A_939, %mul3A_942 : vector<16xf32>
        %add3A_944 = arith.addf %add3A_785, %add3A_941 : vector<16xf32>
        %max3A_945 = arith.constant 0.000000e+00 : f32
        %max3A_946 = vector.broadcast %max3A_945 : f32 to vector<16xf32>
        %max3A_947 = arith.maximumf %add3A_944, %max3A_946 : vector<16xf32>
        %add3A_948 = arith.constant 0 : i32
        %add3A_949 = arith.addi %mul3A_306, %add3A_948 : i32
        %swap3A = arith.index_cast %add3A_949 : i32 to index
        %swap3A_950 = arith.constant 0 : index
        %swap3A_951 = tpu.vector_load %arg15[%swap3A, %swap3A_950] {strides = array<i32>} : memref<200x64xf32, #tpu.memory_space<vmem>>, vector<16xf32>,
        tpu.vector_store %arg15[%swap3A, %swap3A_950], %max3A_362 {strides = array<i32>} : memref<200x64xf32, #tpu.memory_space<vmem>>, vector<16xf32>,
        %add3A_952 = arith.constant 0 : i32
        %add3A_953 = arith.addi %mul3A_306, %add3A_952 : i32
        %swap3A_954 = arith.index_cast %add3A_953 : i32 to index
        %swap3A_955 = arith.constant 16 : index
        %swap3A_956 = tpu.vector_load %arg15[%swap3A_954, %swap3A_955] {strides = array<i32>} : memref<200x64xf32, #tpu.memory_space<vmem>>, vector<16xf32>,
        tpu.vector_store %arg15[%swap3A_954, %swap3A_955], %max3A_399 {strides = array<i32>} : memref<200x64xf32, #tpu.memory_space<vmem>>, vector<16xf32>,
        %add3A_957 = arith.constant 0 : i32
        %add3A_958 = arith.addi %mul3A_306, %add3A_957 : i32
        %swap3A_959 = arith.index_cast %add3A_958 : i32 to index
        %swap3A_960 = arith.constant 32 : index
        %swap3A_961 = tpu.vector_load %arg15[%swap3A_959, %swap3A_960] {strides = array<i32>} : memref<200x64xf32, #tpu.memory_space<vmem>>, vector<16xf32>,
        tpu.vector_store %arg15[%swap3A_959, %swap3A_960], %max3A_436 {strides = array<i32>} : memref<200x64xf32, #tpu.memory_space<vmem>>, vector<16xf32>,
        %add3A_962 = arith.constant 0 : i32
        %add3A_963 = arith.addi %mul3A_306, %add3A_962 : i32
        %swap3A_964 = arith.index_cast %add3A_963 : i32 to index
        %swap3A_965 = arith.constant 48 : index
        %swap3A_966 = tpu.vector_load %arg15[%swap3A_964, %swap3A_965] {strides = array<i32>} : memref<200x64xf32, #tpu.memory_space<vmem>>, vector<16xf32>,
        tpu.vector_store %arg15[%swap3A_964, %swap3A_965], %max3A_473 {strides = array<i32>} : memref<200x64xf32, #tpu.memory_space<vmem>>, vector<16xf32>,
        %add3A_967 = arith.constant 1 : i32
        %add3A_968 = arith.addi %mul3A_306, %add3A_967 : i32
        %swap3A_969 = arith.index_cast %add3A_968 : i32 to index
        %swap3A_970 = arith.constant 0 : index
        %swap3A_971 = tpu.vector_load %arg15[%swap3A_969, %swap3A_970] {strides = array<i32>} : memref<200x64xf32, #tpu.memory_space<vmem>>, vector<16xf32>,
        tpu.vector_store %arg15[%swap3A_969, %swap3A_970], %max3A_520 {strides = array<i32>} : memref<200x64xf32, #tpu.memory_space<vmem>>, vector<16xf32>,
        %add3A_972 = arith.constant 1 : i32
        %add3A_973 = arith.addi %mul3A_306, %add3A_972 : i32
        %swap3A_974 = arith.index_cast %add3A_973 : i32 to index
        %swap3A_975 = arith.constant 16 : index
        %swap3A_976 = tpu.vector_load %arg15[%swap3A_974, %swap3A_975] {strides = array<i32>} : memref<200x64xf32, #tpu.memory_space<vmem>>, vector<16xf32>,
        tpu.vector_store %arg15[%swap3A_974, %swap3A_975], %max3A_557 {strides = array<i32>} : memref<200x64xf32, #tpu.memory_space<vmem>>, vector<16xf32>,
        %add3A_977 = arith.constant 1 : i32
        %add3A_978 = arith.addi %mul3A_306, %add3A_977 : i32
        %swap3A_979 = arith.index_cast %add3A_978 : i32 to index
        %swap3A_980 = arith.constant 32 : index
        %swap3A_981 = tpu.vector_load %arg15[%swap3A_979, %swap3A_980] {strides = array<i32>} : memref<200x64xf32, #tpu.memory_space<vmem>>, vector<16xf32>,
        tpu.vector_store %arg15[%swap3A_979, %swap3A_980], %max3A_594 {strides = array<i32>} : memref<200x64xf32, #tpu.memory_space<vmem>>, vector<16xf32>,
        %add3A_982 = arith.constant 1 : i32
        %add3A_983 = arith.addi %mul3A_306, %add3A_982 : i32
        %swap3A_984 = arith.index_cast %add3A_983 : i32 to index
        %swap3A_985 = arith.constant 48 : index
        %swap3A_986 = tpu.vector_load %arg15[%swap3A_984, %swap3A_985] {strides = array<i32>} : memref<200x64xf32, #tpu.memory_space<vmem>>, vector<16xf32>,
        tpu.vector_store %arg15[%swap3A_984, %swap3A_985], %max3A_631 {strides = array<i32>} : memref<200x64xf32, #tpu.memory_space<vmem>>, vector<16xf32>,
        %add3A_987 = arith.constant 2 : i32
        %add3A_988 = arith.addi %mul3A_306, %add3A_987 : i32
        %swap3A_989 = arith.index_cast %add3A_988 : i32 to index
        %swap3A_990 = arith.constant 0 : index
        %swap3A_991 = tpu.vector_load %arg15[%swap3A_989, %swap3A_990] {strides = array<i32>} : memref<200x64xf32, #tpu.memory_space<vmem>>, vector<16xf32>,
        tpu.vector_store %arg15[%swap3A_989, %swap3A_990], %max3A_678 {strides = array<i32>} : memref<200x64xf32, #tpu.memory_space<vmem>>, vector<16xf32>,
        %add3A_992 = arith.constant 2 : i32
        %add3A_993 = arith.addi %mul3A_306, %add3A_992 : i32
        %swap3A_994 = arith.index_cast %add3A_993 : i32 to index
        %swap3A_995 = arith.constant 16 : index
        %swap3A_996 = tpu.vector_load %arg15[%swap3A_994, %swap3A_995] {strides = array<i32>} : memref<200x64xf32, #tpu.memory_space<vmem>>, vector<16xf32>,
        tpu.vector_store %arg15[%swap3A_994, %swap3A_995], %max3A_715 {strides = array<i32>} : memref<200x64xf32, #tpu.memory_space<vmem>>, vector<16xf32>,
        %add3A_997 = arith.constant 2 : i32
        %add3A_998 = arith.addi %mul3A_306, %add3A_997 : i32
        %swap3A_999 = arith.index_cast %add3A_998 : i32 to index
        %swap3A_1000 = arith.constant 32 : index
        %swap3A_1001 = tpu.vector_load %arg15[%swap3A_999, %swap3A_1000] {strides = array<i32>} : memref<200x64xf32, #tpu.memory_space<vmem>>, vector<16xf32>,
        tpu.vector_store %arg15[%swap3A_999, %swap3A_1000], %max3A_752 {strides = array<i32>} : memref<200x64xf32, #tpu.memory_space<vmem>>, vector<16xf32>,
        %add3A_1002 = arith.constant 2 : i32
        %add3A_1003 = arith.addi %mul3A_306, %add3A_1002 : i32
        %swap3A_1004 = arith.index_cast %add3A_1003 : i32 to index
        %swap3A_1005 = arith.constant 48 : index
        %swap3A_1006 = tpu.vector_load %arg15[%swap3A_1004, %swap3A_1005] {strides = array<i32>} : memref<200x64xf32, #tpu.memory_space<vmem>>, vector<16xf32>,
        tpu.vector_store %arg15[%swap3A_1004, %swap3A_1005], %max3A_789 {strides = array<i32>} : memref<200x64xf32, #tpu.memory_space<vmem>>, vector<16xf32>,
        %add3A_1007 = arith.constant 3 : i32
        %add3A_1008 = arith.addi %mul3A_306, %add3A_1007 : i32
        %swap3A_1009 = arith.index_cast %add3A_1008 : i32 to index
        %swap3A_1010 = arith.constant 0 : index
        %swap3A_1011 = tpu.vector_load %arg15[%swap3A_1009, %swap3A_1010] {strides = array<i32>} : memref<200x64xf32, #tpu.memory_space<vmem>>, vector<16xf32>,
        tpu.vector_store %arg15[%swap3A_1009, %swap3A_1010], %max3A_836 {strides = array<i32>} : memref<200x64xf32, #tpu.memory_space<vmem>>, vector<16xf32>,
        %add3A_1012 = arith.constant 3 : i32
        %add3A_1013 = arith.addi %mul3A_306, %add3A_1012 : i32
        %swap3A_1014 = arith.index_cast %add3A_1013 : i32 to index
        %swap3A_1015 = arith.constant 16 : index
        %swap3A_1016 = tpu.vector_load %arg15[%swap3A_1014, %swap3A_1015] {strides = array<i32>} : memref<200x64xf32, #tpu.memory_space<vmem>>, vector<16xf32>,
        tpu.vector_store %arg15[%swap3A_1014, %swap3A_1015], %max3A_873 {strides = array<i32>} : memref<200x64xf32, #tpu.memory_space<vmem>>, vector<16xf32>,
        %add3A_1017 = arith.constant 3 : i32
        %add3A_1018 = arith.addi %mul3A_306, %add3A_1017 : i32
        %swap3A_1019 = arith.index_cast %add3A_1018 : i32 to index
        %swap3A_1020 = arith.constant 32 : index
        %swap3A_1021 = tpu.vector_load %arg15[%swap3A_1019, %swap3A_1020] {strides = array<i32>} : memref<200x64xf32, #tpu.memory_space<vmem>>, vector<16xf32>,
        tpu.vector_store %arg15[%swap3A_1019, %swap3A_1020], %max3A_910 {strides = array<i32>} : memref<200x64xf32, #tpu.memory_space<vmem>>, vector<16xf32>,
        %add3A_1022 = arith.constant 3 : i32
        %add3A_1023 = arith.addi %mul3A_306, %add3A_1022 : i32
        %swap3A_1024 = arith.index_cast %add3A_1023 : i32 to index
        %swap3A_1025 = arith.constant 48 : index
        %swap3A_1026 = tpu.vector_load %arg15[%swap3A_1024, %swap3A_1025] {strides = array<i32>} : memref<200x64xf32, #tpu.memory_space<vmem>>, vector<16xf32>,
        tpu.vector_store %arg15[%swap3A_1024, %swap3A_1025], %max3A_947 {strides = array<i32>} : memref<200x64xf32, #tpu.memory_space<vmem>>, vector<16xf32>,
        scf.yield %add3A_832, %add3A_869, %add3A_906, %add3A_943 : vector<16xf32>, vector<16xf32>, vector<16xf32>, vector<16xf32>
      }
      %scan3A_275 = arith.constant 32 : i32
      %dma_wait3A_276 = arith.constant 128 : i32
      %dma_wait3A_277 = arith.constant 0 : i32
      %dma_wait3A_278 = tpu.memref_slice %arg13[%dma_wait3A_276, %dma_wait3A_277] : memref<200x128xf32, #tpu.memory_space<vmem>> -> memref<72x128xf32, #tpu.memory_space<vmem>>
      %dma_wait3A_279 = arith.constant 128 : i32
      %dma_wait3A_280 = tpu.memref_slice %arg9[%dma_wait3A_279] : memref<200xi32, #tpu.memory_space<vmem>> -> memref<72xi32, #tpu.memory_space<vmem>>
      %dma_wait3A_281 = arith.constant 0 : i32
      %dma_wait3A_282 = arith.constant 0 : i32
      %dma_wait3A_283 = tpu.memref_slice %arg4[%dma_wait3A_281, %dma_wait3A_282] : memref<500000x128xf32, #tpu.memory_space<hbm>> -> memref<500000x128xf32, #tpu.memory_space<hbm>>
      tpu.wait_indirect_dma semaphore(%arg19 : memref<!tpu.dma_semaphore, #tpu.memory_space<semaphore_mem>>) src(%dma_wait3A_283 : memref<500000x128xf32, #tpu.memory_space<hbm>>) dst(%dma_wait3A_278 : memref<72x128xf32, #tpu.memory_space<vmem>>)
      %scan3A_284 = arith.constant 32 : i32
      %scan3A_285 = arith.constant 18 : i32
      %scan3A_286 = arith.addi %scan3A_284, %scan3A_285 : i32
      %scan3A_287 = arith.constant 1 : i32
      %scan3A_288:4 = scf.for %scan3A_300 = %scan3A_284 to %scan3A_286 step %scan3A_287 iter_args(%scan3A_301 = %scan3A_274#0, %scan3A_302 = %scan3A_274#1, %scan3A_303 = %scan3A_274#2, %scan3A_304 = %scan3A_274#3) -> (vector<16xf32>, vector<16xf32>, vector<16xf32>, vector<16xf32>)  : i32 {
        %mul3A_305 = arith.constant 4 : i32
        %mul3A_306 = arith.muli %scan3A_300, %mul3A_305 : i32
        %and3A_307 = arith.constant -8 : i32
        %and3A_308 = arith.andi %mul3A_306, %and3A_307 : i32
        %get3A_309 = arith.index_cast %and3A_308 : i32 to index
        %get3A_310 = tpu.vector_load %arg11[%get3A_309] {strides = array<i32>} : memref<208xi32, #tpu.memory_space<vmem>>, vector<16xi32>,
        %sub3A_311 = arith.subi %mul3A_306, %and3A_308 : i32
        %add3A_312 = vector.broadcast %sub3A_311 : i32 to vector<16xi32>
        %add3A_313 = arith.addi %add3A_312, %iota3A : vector<16xi32>
        %and3A_314 = arith.constant 15 : i32
        %and3A_315 = vector.broadcast %and3A_314 : i32 to vector<16xi32>
        %and3A_316 = arith.andi %add3A_313, %and3A_315 : vector<16xi32>
        %broadcast_in_dim3A_317 = vector.shape_cast %and3A_316 : vector<16xi32> to vector<16x1xi32>
        %gather3A = vector.shape_cast %broadcast_in_dim3A_317 : vector<16x1xi32> to vector<16xi32>
        %gather3A_318 = tpu.dynamic_gather %get3A_310[%gather3A] in [0] : vector<16xi32>, vector<16xi32> -> vector<16xi32>
        %add3A_319 = arith.constant 0 : i32
        %add3A_320 = arith.addi %mul3A_306, %add3A_319 : i32
        %broadcast_in_dim3A_321 = arith.constant 0 : i32
        %broadcast_in_dim3A_322 = vector.broadcast %broadcast_in_dim3A_321 : i32 to vector<16xi32>
        %broadcast_in_dim3A_323 = vector.shape_cast %broadcast_in_dim3A_322 : vector<16xi32> to vector<16x1xi32>
        %gather3A_324 = vector.shape_cast %broadcast_in_dim3A_323 : vector<16x1xi32> to vector<16xi32>
        %gather3A_325 = tpu.dynamic_gather %gather3A_318[%gather3A_324] in [0] : vector<16xi32>, vector<16xi32> -> vector<16xi32>
        %ne3A = arith.constant 0 : i32
        %ne3A_326 = vector.broadcast %ne3A : i32 to vector<16xi32>
        %ne3A_327 = arith.cmpi ne, %gather3A_325, %ne3A_326 : vector<16xi32>
        %get3A_328 = arith.index_cast %add3A_320 : i32 to index
        %get3A_329 = arith.constant 0 : index
        %get3A_330 = tpu.vector_load %arg13[%get3A_328, %get3A_329] {strides = array<i32>} : memref<200x128xf32, #tpu.memory_space<vmem>>, vector<16xf32>,
        %get3A_331 = arith.index_cast %add3A_320 : i32 to index
        %get3A_332 = arith.constant 64 : index
        %get3A_333 = tpu.vector_load %arg13[%get3A_331, %get3A_332] {strides = array<i32>} : memref<200x128xf32, #tpu.memory_space<vmem>>, vector<16xf32>,
        %select_n3A = arith.select %ne3A_327, %get3A_333, %get3A_330 : vector<16xi1>, vector<16xf32>
        %broadcast_in_dim3A_334 = vector.shape_cast %add3A_134 : vector<16xi32> to vector<16x1xi32>
        %gather3A_335 = vector.shape_cast %broadcast_in_dim3A_334 : vector<16x1xi32> to vector<16xi32>
        %gather3A_336 = tpu.dynamic_gather %select_n3A[%gather3A_335] in [0] : vector<16xf32>, vector<16xi32> -> vector<16xf32>
        %broadcast_in_dim3A_337 = vector.shape_cast %add3A_137 : vector<16xi32> to vector<16x1xi32>
        %gather3A_338 = vector.shape_cast %broadcast_in_dim3A_337 : vector<16x1xi32> to vector<16xi32>
        %gather3A_339 = tpu.dynamic_gather %select_n3A[%gather3A_338] in [0] : vector<16xf32>, vector<16xi32> -> vector<16xf32>
        %broadcast_in_dim3A_340 = vector.shape_cast %add3A_140 : vector<16xi32> to vector<16x1xi32>
        %gather3A_341 = vector.shape_cast %broadcast_in_dim3A_340 : vector<16x1xi32> to vector<16xi32>
        %gather3A_342 = tpu.dynamic_gather %select_n3A[%gather3A_341] in [0] : vector<16xf32>, vector<16xi32> -> vector<16xf32>
        %broadcast_in_dim3A_343 = vector.shape_cast %add3A_143 : vector<16xi32> to vector<16x1xi32>
        %gather3A_344 = vector.shape_cast %broadcast_in_dim3A_343 : vector<16x1xi32> to vector<16xi32>
        %gather3A_345 = tpu.dynamic_gather %select_n3A[%gather3A_344] in [0] : vector<16xf32>, vector<16xi32> -> vector<16xf32>
        %mul3A_346 = arith.mulf %gather3A_336, %get3A_69 : vector<16xf32>
        %mul3A_347 = arith.mulf %gather3A_336, %get3A_5 : vector<16xf32>
        %mul3A_348 = arith.mulf %gather3A_339, %get3A_73 : vector<16xf32>
        %add3A_349 = arith.addf %mul3A_346, %mul3A_348 : vector<16xf32>
        %mul3A_350 = arith.mulf %gather3A_339, %get3A_9 : vector<16xf32>
        %add3A_351 = arith.addf %mul3A_347, %mul3A_350 : vector<16xf32>
        %mul3A_352 = arith.mulf %gather3A_342, %get3A_77 : vector<16xf32>
        %add3A_353 = arith.addf %add3A_349, %mul3A_352 : vector<16xf32>
        %mul3A_354 = arith.mulf %gather3A_342, %get3A_13 : vector<16xf32>
        %add3A_355 = arith.addf %add3A_351, %mul3A_354 : vector<16xf32>
        %mul3A_356 = arith.mulf %gather3A_345, %get3A_81 : vector<16xf32>
        %add3A_357 = arith.addf %add3A_353, %mul3A_356 : vector<16xf32>
        %mul3A_358 = arith.mulf %gather3A_345, %get3A_17 : vector<16xf32>
        %add3A_359 = arith.addf %add3A_355, %mul3A_358 : vector<16xf32>
        %add3A_360 = arith.addf %scan3A_301, %add3A_357 : vector<16xf32>
        %max3A = arith.constant 0.000000e+00 : f32
        %max3A_361 = vector.broadcast %max3A : f32 to vector<16xf32>
        %max3A_362 = arith.maximumf %add3A_360, %max3A_361 : vector<16xf32>
        %get3A_363 = arith.index_cast %add3A_320 : i32 to index
        %get3A_364 = arith.constant 16 : index
        %get3A_365 = tpu.vector_load %arg13[%get3A_363, %get3A_364] {strides = array<i32>} : memref<200x128xf32, #tpu.memory_space<vmem>>, vector<16xf32>,
        %get3A_366 = arith.index_cast %add3A_320 : i32 to index
        %get3A_367 = arith.constant 80 : index
        %get3A_368 = tpu.vector_load %arg13[%get3A_366, %get3A_367] {strides = array<i32>} : memref<200x128xf32, #tpu.memory_space<vmem>>, vector<16xf32>,
        %select_n3A_369 = arith.select %ne3A_327, %get3A_368, %get3A_365 : vector<16xi1>, vector<16xf32>
        %broadcast_in_dim3A_370 = vector.shape_cast %add3A_134 : vector<16xi32> to vector<16x1xi32>
        %gather3A_371 = vector.shape_cast %broadcast_in_dim3A_370 : vector<16x1xi32> to vector<16xi32>
        %gather3A_372 = tpu.dynamic_gather %select_n3A_369[%gather3A_371] in [0] : vector<16xf32>, vector<16xi32> -> vector<16xf32>
        %broadcast_in_dim3A_373 = vector.shape_cast %add3A_137 : vector<16xi32> to vector<16x1xi32>
        %gather3A_374 = vector.shape_cast %broadcast_in_dim3A_373 : vector<16x1xi32> to vector<16xi32>
        %gather3A_375 = tpu.dynamic_gather %select_n3A_369[%gather3A_374] in [0] : vector<16xf32>, vector<16xi32> -> vector<16xf32>
        %broadcast_in_dim3A_376 = vector.shape_cast %add3A_140 : vector<16xi32> to vector<16x1xi32>
        %gather3A_377 = vector.shape_cast %broadcast_in_dim3A_376 : vector<16x1xi32> to vector<16xi32>
        %gather3A_378 = tpu.dynamic_gather %select_n3A_369[%gather3A_377] in [0] : vector<16xf32>, vector<16xi32> -> vector<16xf32>
        %broadcast_in_dim3A_379 = vector.shape_cast %add3A_143 : vector<16xi32> to vector<16x1xi32>
        %gather3A_380 = vector.shape_cast %broadcast_in_dim3A_379 : vector<16x1xi32> to vector<16xi32>
        %gather3A_381 = tpu.dynamic_gather %select_n3A_369[%gather3A_380] in [0] : vector<16xf32>, vector<16xi32> -> vector<16xf32>
        %mul3A_382 = arith.mulf %gather3A_372, %get3A_85 : vector<16xf32>
        %mul3A_383 = arith.mulf %gather3A_372, %get3A_21 : vector<16xf32>
        %mul3A_384 = arith.mulf %gather3A_375, %get3A_89 : vector<16xf32>
        %add3A_385 = arith.addf %mul3A_382, %mul3A_384 : vector<16xf32>
        %mul3A_386 = arith.mulf %gather3A_375, %get3A_25 : vector<16xf32>
        %add3A_387 = arith.addf %mul3A_383, %mul3A_386 : vector<16xf32>
        %mul3A_388 = arith.mulf %gather3A_378, %get3A_93 : vector<16xf32>
        %add3A_389 = arith.addf %add3A_385, %mul3A_388 : vector<16xf32>
        %mul3A_390 = arith.mulf %gather3A_378, %get3A_29 : vector<16xf32>
        %add3A_391 = arith.addf %add3A_387, %mul3A_390 : vector<16xf32>
        %mul3A_392 = arith.mulf %gather3A_381, %get3A_97 : vector<16xf32>
        %add3A_393 = arith.addf %add3A_389, %mul3A_392 : vector<16xf32>
        %mul3A_394 = arith.mulf %gather3A_381, %get3A_33 : vector<16xf32>
        %add3A_395 = arith.addf %add3A_391, %mul3A_394 : vector<16xf32>
        %add3A_396 = arith.addf %scan3A_302, %add3A_393 : vector<16xf32>
        %max3A_397 = arith.constant 0.000000e+00 : f32
        %max3A_398 = vector.broadcast %max3A_397 : f32 to vector<16xf32>
        %max3A_399 = arith.maximumf %add3A_396, %max3A_398 : vector<16xf32>
        %get3A_400 = arith.index_cast %add3A_320 : i32 to index
        %get3A_401 = arith.constant 32 : index
        %get3A_402 = tpu.vector_load %arg13[%get3A_400, %get3A_401] {strides = array<i32>} : memref<200x128xf32, #tpu.memory_space<vmem>>, vector<16xf32>,
        %get3A_403 = arith.index_cast %add3A_320 : i32 to index
        %get3A_404 = arith.constant 96 : index
        %get3A_405 = tpu.vector_load %arg13[%get3A_403, %get3A_404] {strides = array<i32>} : memref<200x128xf32, #tpu.memory_space<vmem>>, vector<16xf32>,
        %select_n3A_406 = arith.select %ne3A_327, %get3A_405, %get3A_402 : vector<16xi1>, vector<16xf32>
        %broadcast_in_dim3A_407 = vector.shape_cast %add3A_134 : vector<16xi32> to vector<16x1xi32>
        %gather3A_408 = vector.shape_cast %broadcast_in_dim3A_407 : vector<16x1xi32> to vector<16xi32>
        %gather3A_409 = tpu.dynamic_gather %select_n3A_406[%gather3A_408] in [0] : vector<16xf32>, vector<16xi32> -> vector<16xf32>
        %broadcast_in_dim3A_410 = vector.shape_cast %add3A_137 : vector<16xi32> to vector<16x1xi32>
        %gather3A_411 = vector.shape_cast %broadcast_in_dim3A_410 : vector<16x1xi32> to vector<16xi32>
        %gather3A_412 = tpu.dynamic_gather %select_n3A_406[%gather3A_411] in [0] : vector<16xf32>, vector<16xi32> -> vector<16xf32>
        %broadcast_in_dim3A_413 = vector.shape_cast %add3A_140 : vector<16xi32> to vector<16x1xi32>
        %gather3A_414 = vector.shape_cast %broadcast_in_dim3A_413 : vector<16x1xi32> to vector<16xi32>
        %gather3A_415 = tpu.dynamic_gather %select_n3A_406[%gather3A_414] in [0] : vector<16xf32>, vector<16xi32> -> vector<16xf32>
        %broadcast_in_dim3A_416 = vector.shape_cast %add3A_143 : vector<16xi32> to vector<16x1xi32>
        %gather3A_417 = vector.shape_cast %broadcast_in_dim3A_416 : vector<16x1xi32> to vector<16xi32>
        %gather3A_418 = tpu.dynamic_gather %select_n3A_406[%gather3A_417] in [0] : vector<16xf32>, vector<16xi32> -> vector<16xf32>
        %mul3A_419 = arith.mulf %gather3A_409, %get3A_101 : vector<16xf32>
        %mul3A_420 = arith.mulf %gather3A_409, %get3A_37 : vector<16xf32>
        %mul3A_421 = arith.mulf %gather3A_412, %get3A_105 : vector<16xf32>
        %add3A_422 = arith.addf %mul3A_419, %mul3A_421 : vector<16xf32>
        %mul3A_423 = arith.mulf %gather3A_412, %get3A_41 : vector<16xf32>
        %add3A_424 = arith.addf %mul3A_420, %mul3A_423 : vector<16xf32>
        %mul3A_425 = arith.mulf %gather3A_415, %get3A_109 : vector<16xf32>
        %add3A_426 = arith.addf %add3A_422, %mul3A_425 : vector<16xf32>
        %mul3A_427 = arith.mulf %gather3A_415, %get3A_45 : vector<16xf32>
        %add3A_428 = arith.addf %add3A_424, %mul3A_427 : vector<16xf32>
        %mul3A_429 = arith.mulf %gather3A_418, %get3A_113 : vector<16xf32>
        %add3A_430 = arith.addf %add3A_426, %mul3A_429 : vector<16xf32>
        %mul3A_431 = arith.mulf %gather3A_418, %get3A_49 : vector<16xf32>
        %add3A_432 = arith.addf %add3A_428, %mul3A_431 : vector<16xf32>
        %add3A_433 = arith.addf %scan3A_303, %add3A_430 : vector<16xf32>
        %max3A_434 = arith.constant 0.000000e+00 : f32
        %max3A_435 = vector.broadcast %max3A_434 : f32 to vector<16xf32>
        %max3A_436 = arith.maximumf %add3A_433, %max3A_435 : vector<16xf32>
        %get3A_437 = arith.index_cast %add3A_320 : i32 to index
        %get3A_438 = arith.constant 48 : index
        %get3A_439 = tpu.vector_load %arg13[%get3A_437, %get3A_438] {strides = array<i32>} : memref<200x128xf32, #tpu.memory_space<vmem>>, vector<16xf32>,
        %get3A_440 = arith.index_cast %add3A_320 : i32 to index
        %get3A_441 = arith.constant 112 : index
        %get3A_442 = tpu.vector_load %arg13[%get3A_440, %get3A_441] {strides = array<i32>} : memref<200x128xf32, #tpu.memory_space<vmem>>, vector<16xf32>,
        %select_n3A_443 = arith.select %ne3A_327, %get3A_442, %get3A_439 : vector<16xi1>, vector<16xf32>
        %broadcast_in_dim3A_444 = vector.shape_cast %add3A_134 : vector<16xi32> to vector<16x1xi32>
        %gather3A_445 = vector.shape_cast %broadcast_in_dim3A_444 : vector<16x1xi32> to vector<16xi32>
        %gather3A_446 = tpu.dynamic_gather %select_n3A_443[%gather3A_445] in [0] : vector<16xf32>, vector<16xi32> -> vector<16xf32>
        %broadcast_in_dim3A_447 = vector.shape_cast %add3A_137 : vector<16xi32> to vector<16x1xi32>
        %gather3A_448 = vector.shape_cast %broadcast_in_dim3A_447 : vector<16x1xi32> to vector<16xi32>
        %gather3A_449 = tpu.dynamic_gather %select_n3A_443[%gather3A_448] in [0] : vector<16xf32>, vector<16xi32> -> vector<16xf32>
        %broadcast_in_dim3A_450 = vector.shape_cast %add3A_140 : vector<16xi32> to vector<16x1xi32>
        %gather3A_451 = vector.shape_cast %broadcast_in_dim3A_450 : vector<16x1xi32> to vector<16xi32>
        %gather3A_452 = tpu.dynamic_gather %select_n3A_443[%gather3A_451] in [0] : vector<16xf32>, vector<16xi32> -> vector<16xf32>
        %broadcast_in_dim3A_453 = vector.shape_cast %add3A_143 : vector<16xi32> to vector<16x1xi32>
        %gather3A_454 = vector.shape_cast %broadcast_in_dim3A_453 : vector<16x1xi32> to vector<16xi32>
        %gather3A_455 = tpu.dynamic_gather %select_n3A_443[%gather3A_454] in [0] : vector<16xf32>, vector<16xi32> -> vector<16xf32>
        %mul3A_456 = arith.mulf %gather3A_446, %get3A_117 : vector<16xf32>
        %mul3A_457 = arith.mulf %gather3A_446, %get3A_53 : vector<16xf32>
        %mul3A_458 = arith.mulf %gather3A_449, %get3A_121 : vector<16xf32>
        %add3A_459 = arith.addf %mul3A_456, %mul3A_458 : vector<16xf32>
        %mul3A_460 = arith.mulf %gather3A_449, %get3A_57 : vector<16xf32>
        %add3A_461 = arith.addf %mul3A_457, %mul3A_460 : vector<16xf32>
        %mul3A_462 = arith.mulf %gather3A_452, %get3A_125 : vector<16xf32>
        %add3A_463 = arith.addf %add3A_459, %mul3A_462 : vector<16xf32>
        %mul3A_464 = arith.mulf %gather3A_452, %get3A_61 : vector<16xf32>
        %add3A_465 = arith.addf %add3A_461, %mul3A_464 : vector<16xf32>
        %mul3A_466 = arith.mulf %gather3A_455, %get3A_129 : vector<16xf32>
        %add3A_467 = arith.addf %add3A_463, %mul3A_466 : vector<16xf32>
        %mul3A_468 = arith.mulf %gather3A_455, %get3A_65 : vector<16xf32>
        %add3A_469 = arith.addf %add3A_465, %mul3A_468 : vector<16xf32>
        %add3A_470 = arith.addf %scan3A_304, %add3A_467 : vector<16xf32>
        %max3A_471 = arith.constant 0.000000e+00 : f32
        %max3A_472 = vector.broadcast %max3A_471 : f32 to vector<16xf32>
        %max3A_473 = arith.maximumf %add3A_470, %max3A_472 : vector<16xf32>
        %add3A_474 = arith.constant 1 : i32
        %add3A_475 = arith.addi %mul3A_306, %add3A_474 : i32
        %broadcast_in_dim3A_476 = arith.constant 1 : i32
        %broadcast_in_dim3A_477 = vector.broadcast %broadcast_in_dim3A_476 : i32 to vector<16xi32>
        %broadcast_in_dim3A_478 = vector.shape_cast %broadcast_in_dim3A_477 : vector<16xi32> to vector<16x1xi32>
        %gather3A_479 = vector.shape_cast %broadcast_in_dim3A_478 : vector<16x1xi32> to vector<16xi32>
        %gather3A_480 = tpu.dynamic_gather %gather3A_318[%gather3A_479] in [0] : vector<16xi32>, vector<16xi32> -> vector<16xi32>
        %ne3A_481 = arith.constant 0 : i32
        %ne3A_482 = vector.broadcast %ne3A_481 : i32 to vector<16xi32>
        %ne3A_483 = arith.cmpi ne, %gather3A_480, %ne3A_482 : vector<16xi32>
        %get3A_484 = arith.index_cast %add3A_475 : i32 to index
        %get3A_485 = arith.constant 0 : index
        %get3A_486 = tpu.vector_load %arg13[%get3A_484, %get3A_485] {strides = array<i32>} : memref<200x128xf32, #tpu.memory_space<vmem>>, vector<16xf32>,
        %get3A_487 = arith.index_cast %add3A_475 : i32 to index
        %get3A_488 = arith.constant 64 : index
        %get3A_489 = tpu.vector_load %arg13[%get3A_487, %get3A_488] {strides = array<i32>} : memref<200x128xf32, #tpu.memory_space<vmem>>, vector<16xf32>,
        %select_n3A_490 = arith.select %ne3A_483, %get3A_489, %get3A_486 : vector<16xi1>, vector<16xf32>
        %broadcast_in_dim3A_491 = vector.shape_cast %add3A_134 : vector<16xi32> to vector<16x1xi32>
        %gather3A_492 = vector.shape_cast %broadcast_in_dim3A_491 : vector<16x1xi32> to vector<16xi32>
        %gather3A_493 = tpu.dynamic_gather %select_n3A_490[%gather3A_492] in [0] : vector<16xf32>, vector<16xi32> -> vector<16xf32>
        %broadcast_in_dim3A_494 = vector.shape_cast %add3A_137 : vector<16xi32> to vector<16x1xi32>
        %gather3A_495 = vector.shape_cast %broadcast_in_dim3A_494 : vector<16x1xi32> to vector<16xi32>
        %gather3A_496 = tpu.dynamic_gather %select_n3A_490[%gather3A_495] in [0] : vector<16xf32>, vector<16xi32> -> vector<16xf32>
        %broadcast_in_dim3A_497 = vector.shape_cast %add3A_140 : vector<16xi32> to vector<16x1xi32>
        %gather3A_498 = vector.shape_cast %broadcast_in_dim3A_497 : vector<16x1xi32> to vector<16xi32>
        %gather3A_499 = tpu.dynamic_gather %select_n3A_490[%gather3A_498] in [0] : vector<16xf32>, vector<16xi32> -> vector<16xf32>
        %broadcast_in_dim3A_500 = vector.shape_cast %add3A_143 : vector<16xi32> to vector<16x1xi32>
        %gather3A_501 = vector.shape_cast %broadcast_in_dim3A_500 : vector<16x1xi32> to vector<16xi32>
        %gather3A_502 = tpu.dynamic_gather %select_n3A_490[%gather3A_501] in [0] : vector<16xf32>, vector<16xi32> -> vector<16xf32>
        %mul3A_503 = arith.mulf %gather3A_493, %get3A_69 : vector<16xf32>
        %mul3A_504 = arith.mulf %gather3A_493, %get3A_5 : vector<16xf32>
        %mul3A_505 = arith.mulf %gather3A_496, %get3A_73 : vector<16xf32>
        %add3A_506 = arith.addf %mul3A_503, %mul3A_505 : vector<16xf32>
        %mul3A_507 = arith.mulf %gather3A_496, %get3A_9 : vector<16xf32>
        %add3A_508 = arith.addf %mul3A_504, %mul3A_507 : vector<16xf32>
        %mul3A_509 = arith.mulf %gather3A_499, %get3A_77 : vector<16xf32>
        %add3A_510 = arith.addf %add3A_506, %mul3A_509 : vector<16xf32>
        %mul3A_511 = arith.mulf %gather3A_499, %get3A_13 : vector<16xf32>
        %add3A_512 = arith.addf %add3A_508, %mul3A_511 : vector<16xf32>
        %mul3A_513 = arith.mulf %gather3A_502, %get3A_81 : vector<16xf32>
        %add3A_514 = arith.addf %add3A_510, %mul3A_513 : vector<16xf32>
        %mul3A_515 = arith.mulf %gather3A_502, %get3A_17 : vector<16xf32>
        %add3A_516 = arith.addf %add3A_512, %mul3A_515 : vector<16xf32>
        %add3A_517 = arith.addf %add3A_359, %add3A_514 : vector<16xf32>
        %max3A_518 = arith.constant 0.000000e+00 : f32
        %max3A_519 = vector.broadcast %max3A_518 : f32 to vector<16xf32>
        %max3A_520 = arith.maximumf %add3A_517, %max3A_519 : vector<16xf32>
        %get3A_521 = arith.index_cast %add3A_475 : i32 to index
        %get3A_522 = arith.constant 16 : index
        %get3A_523 = tpu.vector_load %arg13[%get3A_521, %get3A_522] {strides = array<i32>} : memref<200x128xf32, #tpu.memory_space<vmem>>, vector<16xf32>,
        %get3A_524 = arith.index_cast %add3A_475 : i32 to index
        %get3A_525 = arith.constant 80 : index
        %get3A_526 = tpu.vector_load %arg13[%get3A_524, %get3A_525] {strides = array<i32>} : memref<200x128xf32, #tpu.memory_space<vmem>>, vector<16xf32>,
        %select_n3A_527 = arith.select %ne3A_483, %get3A_526, %get3A_523 : vector<16xi1>, vector<16xf32>
        %broadcast_in_dim3A_528 = vector.shape_cast %add3A_134 : vector<16xi32> to vector<16x1xi32>
        %gather3A_529 = vector.shape_cast %broadcast_in_dim3A_528 : vector<16x1xi32> to vector<16xi32>
        %gather3A_530 = tpu.dynamic_gather %select_n3A_527[%gather3A_529] in [0] : vector<16xf32>, vector<16xi32> -> vector<16xf32>
        %broadcast_in_dim3A_531 = vector.shape_cast %add3A_137 : vector<16xi32> to vector<16x1xi32>
        %gather3A_532 = vector.shape_cast %broadcast_in_dim3A_531 : vector<16x1xi32> to vector<16xi32>
        %gather3A_533 = tpu.dynamic_gather %select_n3A_527[%gather3A_532] in [0] : vector<16xf32>, vector<16xi32> -> vector<16xf32>
        %broadcast_in_dim3A_534 = vector.shape_cast %add3A_140 : vector<16xi32> to vector<16x1xi32>
        %gather3A_535 = vector.shape_cast %broadcast_in_dim3A_534 : vector<16x1xi32> to vector<16xi32>
        %gather3A_536 = tpu.dynamic_gather %select_n3A_527[%gather3A_535] in [0] : vector<16xf32>, vector<16xi32> -> vector<16xf32>
        %broadcast_in_dim3A_537 = vector.shape_cast %add3A_143 : vector<16xi32> to vector<16x1xi32>
        %gather3A_538 = vector.shape_cast %broadcast_in_dim3A_537 : vector<16x1xi32> to vector<16xi32>
        %gather3A_539 = tpu.dynamic_gather %select_n3A_527[%gather3A_538] in [0] : vector<16xf32>, vector<16xi32> -> vector<16xf32>
        %mul3A_540 = arith.mulf %gather3A_530, %get3A_85 : vector<16xf32>
        %mul3A_541 = arith.mulf %gather3A_530, %get3A_21 : vector<16xf32>
        %mul3A_542 = arith.mulf %gather3A_533, %get3A_89 : vector<16xf32>
        %add3A_543 = arith.addf %mul3A_540, %mul3A_542 : vector<16xf32>
        %mul3A_544 = arith.mulf %gather3A_533, %get3A_25 : vector<16xf32>
        %add3A_545 = arith.addf %mul3A_541, %mul3A_544 : vector<16xf32>
        %mul3A_546 = arith.mulf %gather3A_536, %get3A_93 : vector<16xf32>
        %add3A_547 = arith.addf %add3A_543, %mul3A_546 : vector<16xf32>
        %mul3A_548 = arith.mulf %gather3A_536, %get3A_29 : vector<16xf32>
        %add3A_549 = arith.addf %add3A_545, %mul3A_548 : vector<16xf32>
        %mul3A_550 = arith.mulf %gather3A_539, %get3A_97 : vector<16xf32>
        %add3A_551 = arith.addf %add3A_547, %mul3A_550 : vector<16xf32>
        %mul3A_552 = arith.mulf %gather3A_539, %get3A_33 : vector<16xf32>
        %add3A_553 = arith.addf %add3A_549, %mul3A_552 : vector<16xf32>
        %add3A_554 = arith.addf %add3A_395, %add3A_551 : vector<16xf32>
        %max3A_555 = arith.constant 0.000000e+00 : f32
        %max3A_556 = vector.broadcast %max3A_555 : f32 to vector<16xf32>
        %max3A_557 = arith.maximumf %add3A_554, %max3A_556 : vector<16xf32>
        %get3A_558 = arith.index_cast %add3A_475 : i32 to index
        %get3A_559 = arith.constant 32 : index
        %get3A_560 = tpu.vector_load %arg13[%get3A_558, %get3A_559] {strides = array<i32>} : memref<200x128xf32, #tpu.memory_space<vmem>>, vector<16xf32>,
        %get3A_561 = arith.index_cast %add3A_475 : i32 to index
        %get3A_562 = arith.constant 96 : index
        %get3A_563 = tpu.vector_load %arg13[%get3A_561, %get3A_562] {strides = array<i32>} : memref<200x128xf32, #tpu.memory_space<vmem>>, vector<16xf32>,
        %select_n3A_564 = arith.select %ne3A_483, %get3A_563, %get3A_560 : vector<16xi1>, vector<16xf32>
        %broadcast_in_dim3A_565 = vector.shape_cast %add3A_134 : vector<16xi32> to vector<16x1xi32>
        %gather3A_566 = vector.shape_cast %broadcast_in_dim3A_565 : vector<16x1xi32> to vector<16xi32>
        %gather3A_567 = tpu.dynamic_gather %select_n3A_564[%gather3A_566] in [0] : vector<16xf32>, vector<16xi32> -> vector<16xf32>
        %broadcast_in_dim3A_568 = vector.shape_cast %add3A_137 : vector<16xi32> to vector<16x1xi32>
        %gather3A_569 = vector.shape_cast %broadcast_in_dim3A_568 : vector<16x1xi32> to vector<16xi32>
        %gather3A_570 = tpu.dynamic_gather %select_n3A_564[%gather3A_569] in [0] : vector<16xf32>, vector<16xi32> -> vector<16xf32>
        %broadcast_in_dim3A_571 = vector.shape_cast %add3A_140 : vector<16xi32> to vector<16x1xi32>
        %gather3A_572 = vector.shape_cast %broadcast_in_dim3A_571 : vector<16x1xi32> to vector<16xi32>
        %gather3A_573 = tpu.dynamic_gather %select_n3A_564[%gather3A_572] in [0] : vector<16xf32>, vector<16xi32> -> vector<16xf32>
        %broadcast_in_dim3A_574 = vector.shape_cast %add3A_143 : vector<16xi32> to vector<16x1xi32>
        %gather3A_575 = vector.shape_cast %broadcast_in_dim3A_574 : vector<16x1xi32> to vector<16xi32>
        %gather3A_576 = tpu.dynamic_gather %select_n3A_564[%gather3A_575] in [0] : vector<16xf32>, vector<16xi32> -> vector<16xf32>
        %mul3A_577 = arith.mulf %gather3A_567, %get3A_101 : vector<16xf32>
        %mul3A_578 = arith.mulf %gather3A_567, %get3A_37 : vector<16xf32>
        %mul3A_579 = arith.mulf %gather3A_570, %get3A_105 : vector<16xf32>
        %add3A_580 = arith.addf %mul3A_577, %mul3A_579 : vector<16xf32>
        %mul3A_581 = arith.mulf %gather3A_570, %get3A_41 : vector<16xf32>
        %add3A_582 = arith.addf %mul3A_578, %mul3A_581 : vector<16xf32>
        %mul3A_583 = arith.mulf %gather3A_573, %get3A_109 : vector<16xf32>
        %add3A_584 = arith.addf %add3A_580, %mul3A_583 : vector<16xf32>
        %mul3A_585 = arith.mulf %gather3A_573, %get3A_45 : vector<16xf32>
        %add3A_586 = arith.addf %add3A_582, %mul3A_585 : vector<16xf32>
        %mul3A_587 = arith.mulf %gather3A_576, %get3A_113 : vector<16xf32>
        %add3A_588 = arith.addf %add3A_584, %mul3A_587 : vector<16xf32>
        %mul3A_589 = arith.mulf %gather3A_576, %get3A_49 : vector<16xf32>
        %add3A_590 = arith.addf %add3A_586, %mul3A_589 : vector<16xf32>
        %add3A_591 = arith.addf %add3A_432, %add3A_588 : vector<16xf32>
        %max3A_592 = arith.constant 0.000000e+00 : f32
        %max3A_593 = vector.broadcast %max3A_592 : f32 to vector<16xf32>
        %max3A_594 = arith.maximumf %add3A_591, %max3A_593 : vector<16xf32>
        %get3A_595 = arith.index_cast %add3A_475 : i32 to index
        %get3A_596 = arith.constant 48 : index
        %get3A_597 = tpu.vector_load %arg13[%get3A_595, %get3A_596] {strides = array<i32>} : memref<200x128xf32, #tpu.memory_space<vmem>>, vector<16xf32>,
        %get3A_598 = arith.index_cast %add3A_475 : i32 to index
        %get3A_599 = arith.constant 112 : index
        %get3A_600 = tpu.vector_load %arg13[%get3A_598, %get3A_599] {strides = array<i32>} : memref<200x128xf32, #tpu.memory_space<vmem>>, vector<16xf32>,
        %select_n3A_601 = arith.select %ne3A_483, %get3A_600, %get3A_597 : vector<16xi1>, vector<16xf32>
        %broadcast_in_dim3A_602 = vector.shape_cast %add3A_134 : vector<16xi32> to vector<16x1xi32>
        %gather3A_603 = vector.shape_cast %broadcast_in_dim3A_602 : vector<16x1xi32> to vector<16xi32>
        %gather3A_604 = tpu.dynamic_gather %select_n3A_601[%gather3A_603] in [0] : vector<16xf32>, vector<16xi32> -> vector<16xf32>
        %broadcast_in_dim3A_605 = vector.shape_cast %add3A_137 : vector<16xi32> to vector<16x1xi32>
        %gather3A_606 = vector.shape_cast %broadcast_in_dim3A_605 : vector<16x1xi32> to vector<16xi32>
        %gather3A_607 = tpu.dynamic_gather %select_n3A_601[%gather3A_606] in [0] : vector<16xf32>, vector<16xi32> -> vector<16xf32>
        %broadcast_in_dim3A_608 = vector.shape_cast %add3A_140 : vector<16xi32> to vector<16x1xi32>
        %gather3A_609 = vector.shape_cast %broadcast_in_dim3A_608 : vector<16x1xi32> to vector<16xi32>
        %gather3A_610 = tpu.dynamic_gather %select_n3A_601[%gather3A_609] in [0] : vector<16xf32>, vector<16xi32> -> vector<16xf32>
        %broadcast_in_dim3A_611 = vector.shape_cast %add3A_143 : vector<16xi32> to vector<16x1xi32>
        %gather3A_612 = vector.shape_cast %broadcast_in_dim3A_611 : vector<16x1xi32> to vector<16xi32>
        %gather3A_613 = tpu.dynamic_gather %select_n3A_601[%gather3A_612] in [0] : vector<16xf32>, vector<16xi32> -> vector<16xf32>
        %mul3A_614 = arith.mulf %gather3A_604, %get3A_117 : vector<16xf32>
        %mul3A_615 = arith.mulf %gather3A_604, %get3A_53 : vector<16xf32>
        %mul3A_616 = arith.mulf %gather3A_607, %get3A_121 : vector<16xf32>
        %add3A_617 = arith.addf %mul3A_614, %mul3A_616 : vector<16xf32>
        %mul3A_618 = arith.mulf %gather3A_607, %get3A_57 : vector<16xf32>
        %add3A_619 = arith.addf %mul3A_615, %mul3A_618 : vector<16xf32>
        %mul3A_620 = arith.mulf %gather3A_610, %get3A_125 : vector<16xf32>
        %add3A_621 = arith.addf %add3A_617, %mul3A_620 : vector<16xf32>
        %mul3A_622 = arith.mulf %gather3A_610, %get3A_61 : vector<16xf32>
        %add3A_623 = arith.addf %add3A_619, %mul3A_622 : vector<16xf32>
        %mul3A_624 = arith.mulf %gather3A_613, %get3A_129 : vector<16xf32>
        %add3A_625 = arith.addf %add3A_621, %mul3A_624 : vector<16xf32>
        %mul3A_626 = arith.mulf %gather3A_613, %get3A_65 : vector<16xf32>
        %add3A_627 = arith.addf %add3A_623, %mul3A_626 : vector<16xf32>
        %add3A_628 = arith.addf %add3A_469, %add3A_625 : vector<16xf32>
        %max3A_629 = arith.constant 0.000000e+00 : f32
        %max3A_630 = vector.broadcast %max3A_629 : f32 to vector<16xf32>
        %max3A_631 = arith.maximumf %add3A_628, %max3A_630 : vector<16xf32>
        %add3A_632 = arith.constant 2 : i32
        %add3A_633 = arith.addi %mul3A_306, %add3A_632 : i32
        %broadcast_in_dim3A_634 = arith.constant 2 : i32
        %broadcast_in_dim3A_635 = vector.broadcast %broadcast_in_dim3A_634 : i32 to vector<16xi32>
        %broadcast_in_dim3A_636 = vector.shape_cast %broadcast_in_dim3A_635 : vector<16xi32> to vector<16x1xi32>
        %gather3A_637 = vector.shape_cast %broadcast_in_dim3A_636 : vector<16x1xi32> to vector<16xi32>
        %gather3A_638 = tpu.dynamic_gather %gather3A_318[%gather3A_637] in [0] : vector<16xi32>, vector<16xi32> -> vector<16xi32>
        %ne3A_639 = arith.constant 0 : i32
        %ne3A_640 = vector.broadcast %ne3A_639 : i32 to vector<16xi32>
        %ne3A_641 = arith.cmpi ne, %gather3A_638, %ne3A_640 : vector<16xi32>
        %get3A_642 = arith.index_cast %add3A_633 : i32 to index
        %get3A_643 = arith.constant 0 : index
        %get3A_644 = tpu.vector_load %arg13[%get3A_642, %get3A_643] {strides = array<i32>} : memref<200x128xf32, #tpu.memory_space<vmem>>, vector<16xf32>,
        %get3A_645 = arith.index_cast %add3A_633 : i32 to index
        %get3A_646 = arith.constant 64 : index
        %get3A_647 = tpu.vector_load %arg13[%get3A_645, %get3A_646] {strides = array<i32>} : memref<200x128xf32, #tpu.memory_space<vmem>>, vector<16xf32>,
        %select_n3A_648 = arith.select %ne3A_641, %get3A_647, %get3A_644 : vector<16xi1>, vector<16xf32>
        %broadcast_in_dim3A_649 = vector.shape_cast %add3A_134 : vector<16xi32> to vector<16x1xi32>
        %gather3A_650 = vector.shape_cast %broadcast_in_dim3A_649 : vector<16x1xi32> to vector<16xi32>
        %gather3A_651 = tpu.dynamic_gather %select_n3A_648[%gather3A_650] in [0] : vector<16xf32>, vector<16xi32> -> vector<16xf32>
        %broadcast_in_dim3A_652 = vector.shape_cast %add3A_137 : vector<16xi32> to vector<16x1xi32>
        %gather3A_653 = vector.shape_cast %broadcast_in_dim3A_652 : vector<16x1xi32> to vector<16xi32>
        %gather3A_654 = tpu.dynamic_gather %select_n3A_648[%gather3A_653] in [0] : vector<16xf32>, vector<16xi32> -> vector<16xf32>
        %broadcast_in_dim3A_655 = vector.shape_cast %add3A_140 : vector<16xi32> to vector<16x1xi32>
        %gather3A_656 = vector.shape_cast %broadcast_in_dim3A_655 : vector<16x1xi32> to vector<16xi32>
        %gather3A_657 = tpu.dynamic_gather %select_n3A_648[%gather3A_656] in [0] : vector<16xf32>, vector<16xi32> -> vector<16xf32>
        %broadcast_in_dim3A_658 = vector.shape_cast %add3A_143 : vector<16xi32> to vector<16x1xi32>
        %gather3A_659 = vector.shape_cast %broadcast_in_dim3A_658 : vector<16x1xi32> to vector<16xi32>
        %gather3A_660 = tpu.dynamic_gather %select_n3A_648[%gather3A_659] in [0] : vector<16xf32>, vector<16xi32> -> vector<16xf32>
        %mul3A_661 = arith.mulf %gather3A_651, %get3A_69 : vector<16xf32>
        %mul3A_662 = arith.mulf %gather3A_651, %get3A_5 : vector<16xf32>
        %mul3A_663 = arith.mulf %gather3A_654, %get3A_73 : vector<16xf32>
        %add3A_664 = arith.addf %mul3A_661, %mul3A_663 : vector<16xf32>
        %mul3A_665 = arith.mulf %gather3A_654, %get3A_9 : vector<16xf32>
        %add3A_666 = arith.addf %mul3A_662, %mul3A_665 : vector<16xf32>
        %mul3A_667 = arith.mulf %gather3A_657, %get3A_77 : vector<16xf32>
        %add3A_668 = arith.addf %add3A_664, %mul3A_667 : vector<16xf32>
        %mul3A_669 = arith.mulf %gather3A_657, %get3A_13 : vector<16xf32>
        %add3A_670 = arith.addf %add3A_666, %mul3A_669 : vector<16xf32>
        %mul3A_671 = arith.mulf %gather3A_660, %get3A_81 : vector<16xf32>
        %add3A_672 = arith.addf %add3A_668, %mul3A_671 : vector<16xf32>
        %mul3A_673 = arith.mulf %gather3A_660, %get3A_17 : vector<16xf32>
        %add3A_674 = arith.addf %add3A_670, %mul3A_673 : vector<16xf32>
        %add3A_675 = arith.addf %add3A_516, %add3A_672 : vector<16xf32>
        %max3A_676 = arith.constant 0.000000e+00 : f32
        %max3A_677 = vector.broadcast %max3A_676 : f32 to vector<16xf32>
        %max3A_678 = arith.maximumf %add3A_675, %max3A_677 : vector<16xf32>
        %get3A_679 = arith.index_cast %add3A_633 : i32 to index
        %get3A_680 = arith.constant 16 : index
        %get3A_681 = tpu.vector_load %arg13[%get3A_679, %get3A_680] {strides = array<i32>} : memref<200x128xf32, #tpu.memory_space<vmem>>, vector<16xf32>,
        %get3A_682 = arith.index_cast %add3A_633 : i32 to index
        %get3A_683 = arith.constant 80 : index
        %get3A_684 = tpu.vector_load %arg13[%get3A_682, %get3A_683] {strides = array<i32>} : memref<200x128xf32, #tpu.memory_space<vmem>>, vector<16xf32>,
        %select_n3A_685 = arith.select %ne3A_641, %get3A_684, %get3A_681 : vector<16xi1>, vector<16xf32>
        %broadcast_in_dim3A_686 = vector.shape_cast %add3A_134 : vector<16xi32> to vector<16x1xi32>
        %gather3A_687 = vector.shape_cast %broadcast_in_dim3A_686 : vector<16x1xi32> to vector<16xi32>
        %gather3A_688 = tpu.dynamic_gather %select_n3A_685[%gather3A_687] in [0] : vector<16xf32>, vector<16xi32> -> vector<16xf32>
        %broadcast_in_dim3A_689 = vector.shape_cast %add3A_137 : vector<16xi32> to vector<16x1xi32>
        %gather3A_690 = vector.shape_cast %broadcast_in_dim3A_689 : vector<16x1xi32> to vector<16xi32>
        %gather3A_691 = tpu.dynamic_gather %select_n3A_685[%gather3A_690] in [0] : vector<16xf32>, vector<16xi32> -> vector<16xf32>
        %broadcast_in_dim3A_692 = vector.shape_cast %add3A_140 : vector<16xi32> to vector<16x1xi32>
        %gather3A_693 = vector.shape_cast %broadcast_in_dim3A_692 : vector<16x1xi32> to vector<16xi32>
        %gather3A_694 = tpu.dynamic_gather %select_n3A_685[%gather3A_693] in [0] : vector<16xf32>, vector<16xi32> -> vector<16xf32>
        %broadcast_in_dim3A_695 = vector.shape_cast %add3A_143 : vector<16xi32> to vector<16x1xi32>
        %gather3A_696 = vector.shape_cast %broadcast_in_dim3A_695 : vector<16x1xi32> to vector<16xi32>
        %gather3A_697 = tpu.dynamic_gather %select_n3A_685[%gather3A_696] in [0] : vector<16xf32>, vector<16xi32> -> vector<16xf32>
        %mul3A_698 = arith.mulf %gather3A_688, %get3A_85 : vector<16xf32>
        %mul3A_699 = arith.mulf %gather3A_688, %get3A_21 : vector<16xf32>
        %mul3A_700 = arith.mulf %gather3A_691, %get3A_89 : vector<16xf32>
        %add3A_701 = arith.addf %mul3A_698, %mul3A_700 : vector<16xf32>
        %mul3A_702 = arith.mulf %gather3A_691, %get3A_25 : vector<16xf32>
        %add3A_703 = arith.addf %mul3A_699, %mul3A_702 : vector<16xf32>
        %mul3A_704 = arith.mulf %gather3A_694, %get3A_93 : vector<16xf32>
        %add3A_705 = arith.addf %add3A_701, %mul3A_704 : vector<16xf32>
        %mul3A_706 = arith.mulf %gather3A_694, %get3A_29 : vector<16xf32>
        %add3A_707 = arith.addf %add3A_703, %mul3A_706 : vector<16xf32>
        %mul3A_708 = arith.mulf %gather3A_697, %get3A_97 : vector<16xf32>
        %add3A_709 = arith.addf %add3A_705, %mul3A_708 : vector<16xf32>
        %mul3A_710 = arith.mulf %gather3A_697, %get3A_33 : vector<16xf32>
        %add3A_711 = arith.addf %add3A_707, %mul3A_710 : vector<16xf32>
        %add3A_712 = arith.addf %add3A_553, %add3A_709 : vector<16xf32>
        %max3A_713 = arith.constant 0.000000e+00 : f32
        %max3A_714 = vector.broadcast %max3A_713 : f32 to vector<16xf32>
        %max3A_715 = arith.maximumf %add3A_712, %max3A_714 : vector<16xf32>
        %get3A_716 = arith.index_cast %add3A_633 : i32 to index
        %get3A_717 = arith.constant 32 : index
        %get3A_718 = tpu.vector_load %arg13[%get3A_716, %get3A_717] {strides = array<i32>} : memref<200x128xf32, #tpu.memory_space<vmem>>, vector<16xf32>,
        %get3A_719 = arith.index_cast %add3A_633 : i32 to index
        %get3A_720 = arith.constant 96 : index
        %get3A_721 = tpu.vector_load %arg13[%get3A_719, %get3A_720] {strides = array<i32>} : memref<200x128xf32, #tpu.memory_space<vmem>>, vector<16xf32>,
        %select_n3A_722 = arith.select %ne3A_641, %get3A_721, %get3A_718 : vector<16xi1>, vector<16xf32>
        %broadcast_in_dim3A_723 = vector.shape_cast %add3A_134 : vector<16xi32> to vector<16x1xi32>
        %gather3A_724 = vector.shape_cast %broadcast_in_dim3A_723 : vector<16x1xi32> to vector<16xi32>
        %gather3A_725 = tpu.dynamic_gather %select_n3A_722[%gather3A_724] in [0] : vector<16xf32>, vector<16xi32> -> vector<16xf32>
        %broadcast_in_dim3A_726 = vector.shape_cast %add3A_137 : vector<16xi32> to vector<16x1xi32>
        %gather3A_727 = vector.shape_cast %broadcast_in_dim3A_726 : vector<16x1xi32> to vector<16xi32>
        %gather3A_728 = tpu.dynamic_gather %select_n3A_722[%gather3A_727] in [0] : vector<16xf32>, vector<16xi32> -> vector<16xf32>
        %broadcast_in_dim3A_729 = vector.shape_cast %add3A_140 : vector<16xi32> to vector<16x1xi32>
        %gather3A_730 = vector.shape_cast %broadcast_in_dim3A_729 : vector<16x1xi32> to vector<16xi32>
        %gather3A_731 = tpu.dynamic_gather %select_n3A_722[%gather3A_730] in [0] : vector<16xf32>, vector<16xi32> -> vector<16xf32>
        %broadcast_in_dim3A_732 = vector.shape_cast %add3A_143 : vector<16xi32> to vector<16x1xi32>
        %gather3A_733 = vector.shape_cast %broadcast_in_dim3A_732 : vector<16x1xi32> to vector<16xi32>
        %gather3A_734 = tpu.dynamic_gather %select_n3A_722[%gather3A_733] in [0] : vector<16xf32>, vector<16xi32> -> vector<16xf32>
        %mul3A_735 = arith.mulf %gather3A_725, %get3A_101 : vector<16xf32>
        %mul3A_736 = arith.mulf %gather3A_725, %get3A_37 : vector<16xf32>
        %mul3A_737 = arith.mulf %gather3A_728, %get3A_105 : vector<16xf32>
        %add3A_738 = arith.addf %mul3A_735, %mul3A_737 : vector<16xf32>
        %mul3A_739 = arith.mulf %gather3A_728, %get3A_41 : vector<16xf32>
        %add3A_740 = arith.addf %mul3A_736, %mul3A_739 : vector<16xf32>
        %mul3A_741 = arith.mulf %gather3A_731, %get3A_109 : vector<16xf32>
        %add3A_742 = arith.addf %add3A_738, %mul3A_741 : vector<16xf32>
        %mul3A_743 = arith.mulf %gather3A_731, %get3A_45 : vector<16xf32>
        %add3A_744 = arith.addf %add3A_740, %mul3A_743 : vector<16xf32>
        %mul3A_745 = arith.mulf %gather3A_734, %get3A_113 : vector<16xf32>
        %add3A_746 = arith.addf %add3A_742, %mul3A_745 : vector<16xf32>
        %mul3A_747 = arith.mulf %gather3A_734, %get3A_49 : vector<16xf32>
        %add3A_748 = arith.addf %add3A_744, %mul3A_747 : vector<16xf32>
        %add3A_749 = arith.addf %add3A_590, %add3A_746 : vector<16xf32>
        %max3A_750 = arith.constant 0.000000e+00 : f32
        %max3A_751 = vector.broadcast %max3A_750 : f32 to vector<16xf32>
        %max3A_752 = arith.maximumf %add3A_749, %max3A_751 : vector<16xf32>
        %get3A_753 = arith.index_cast %add3A_633 : i32 to index
        %get3A_754 = arith.constant 48 : index
        %get3A_755 = tpu.vector_load %arg13[%get3A_753, %get3A_754] {strides = array<i32>} : memref<200x128xf32, #tpu.memory_space<vmem>>, vector<16xf32>,
        %get3A_756 = arith.index_cast %add3A_633 : i32 to index
        %get3A_757 = arith.constant 112 : index
        %get3A_758 = tpu.vector_load %arg13[%get3A_756, %get3A_757] {strides = array<i32>} : memref<200x128xf32, #tpu.memory_space<vmem>>, vector<16xf32>,
        %select_n3A_759 = arith.select %ne3A_641, %get3A_758, %get3A_755 : vector<16xi1>, vector<16xf32>
        %broadcast_in_dim3A_760 = vector.shape_cast %add3A_134 : vector<16xi32> to vector<16x1xi32>
        %gather3A_761 = vector.shape_cast %broadcast_in_dim3A_760 : vector<16x1xi32> to vector<16xi32>
        %gather3A_762 = tpu.dynamic_gather %select_n3A_759[%gather3A_761] in [0] : vector<16xf32>, vector<16xi32> -> vector<16xf32>
        %broadcast_in_dim3A_763 = vector.shape_cast %add3A_137 : vector<16xi32> to vector<16x1xi32>
        %gather3A_764 = vector.shape_cast %broadcast_in_dim3A_763 : vector<16x1xi32> to vector<16xi32>
        %gather3A_765 = tpu.dynamic_gather %select_n3A_759[%gather3A_764] in [0] : vector<16xf32>, vector<16xi32> -> vector<16xf32>
        %broadcast_in_dim3A_766 = vector.shape_cast %add3A_140 : vector<16xi32> to vector<16x1xi32>
        %gather3A_767 = vector.shape_cast %broadcast_in_dim3A_766 : vector<16x1xi32> to vector<16xi32>
        %gather3A_768 = tpu.dynamic_gather %select_n3A_759[%gather3A_767] in [0] : vector<16xf32>, vector<16xi32> -> vector<16xf32>
        %broadcast_in_dim3A_769 = vector.shape_cast %add3A_143 : vector<16xi32> to vector<16x1xi32>
        %gather3A_770 = vector.shape_cast %broadcast_in_dim3A_769 : vector<16x1xi32> to vector<16xi32>
        %gather3A_771 = tpu.dynamic_gather %select_n3A_759[%gather3A_770] in [0] : vector<16xf32>, vector<16xi32> -> vector<16xf32>
        %mul3A_772 = arith.mulf %gather3A_762, %get3A_117 : vector<16xf32>
        %mul3A_773 = arith.mulf %gather3A_762, %get3A_53 : vector<16xf32>
        %mul3A_774 = arith.mulf %gather3A_765, %get3A_121 : vector<16xf32>
        %add3A_775 = arith.addf %mul3A_772, %mul3A_774 : vector<16xf32>
        %mul3A_776 = arith.mulf %gather3A_765, %get3A_57 : vector<16xf32>
        %add3A_777 = arith.addf %mul3A_773, %mul3A_776 : vector<16xf32>
        %mul3A_778 = arith.mulf %gather3A_768, %get3A_125 : vector<16xf32>
        %add3A_779 = arith.addf %add3A_775, %mul3A_778 : vector<16xf32>
        %mul3A_780 = arith.mulf %gather3A_768, %get3A_61 : vector<16xf32>
        %add3A_781 = arith.addf %add3A_777, %mul3A_780 : vector<16xf32>
        %mul3A_782 = arith.mulf %gather3A_771, %get3A_129 : vector<16xf32>
        %add3A_783 = arith.addf %add3A_779, %mul3A_782 : vector<16xf32>
        %mul3A_784 = arith.mulf %gather3A_771, %get3A_65 : vector<16xf32>
        %add3A_785 = arith.addf %add3A_781, %mul3A_784 : vector<16xf32>
        %add3A_786 = arith.addf %add3A_627, %add3A_783 : vector<16xf32>
        %max3A_787 = arith.constant 0.000000e+00 : f32
        %max3A_788 = vector.broadcast %max3A_787 : f32 to vector<16xf32>
        %max3A_789 = arith.maximumf %add3A_786, %max3A_788 : vector<16xf32>
        %add3A_790 = arith.constant 3 : i32
        %add3A_791 = arith.addi %mul3A_306, %add3A_790 : i32
        %broadcast_in_dim3A_792 = arith.constant 3 : i32
        %broadcast_in_dim3A_793 = vector.broadcast %broadcast_in_dim3A_792 : i32 to vector<16xi32>
        %broadcast_in_dim3A_794 = vector.shape_cast %broadcast_in_dim3A_793 : vector<16xi32> to vector<16x1xi32>
        %gather3A_795 = vector.shape_cast %broadcast_in_dim3A_794 : vector<16x1xi32> to vector<16xi32>
        %gather3A_796 = tpu.dynamic_gather %gather3A_318[%gather3A_795] in [0] : vector<16xi32>, vector<16xi32> -> vector<16xi32>
        %ne3A_797 = arith.constant 0 : i32
        %ne3A_798 = vector.broadcast %ne3A_797 : i32 to vector<16xi32>
        %ne3A_799 = arith.cmpi ne, %gather3A_796, %ne3A_798 : vector<16xi32>
        %get3A_800 = arith.index_cast %add3A_791 : i32 to index
        %get3A_801 = arith.constant 0 : index
        %get3A_802 = tpu.vector_load %arg13[%get3A_800, %get3A_801] {strides = array<i32>} : memref<200x128xf32, #tpu.memory_space<vmem>>, vector<16xf32>,
        %get3A_803 = arith.index_cast %add3A_791 : i32 to index
        %get3A_804 = arith.constant 64 : index
        %get3A_805 = tpu.vector_load %arg13[%get3A_803, %get3A_804] {strides = array<i32>} : memref<200x128xf32, #tpu.memory_space<vmem>>, vector<16xf32>,
        %select_n3A_806 = arith.select %ne3A_799, %get3A_805, %get3A_802 : vector<16xi1>, vector<16xf32>
        %broadcast_in_dim3A_807 = vector.shape_cast %add3A_134 : vector<16xi32> to vector<16x1xi32>
        %gather3A_808 = vector.shape_cast %broadcast_in_dim3A_807 : vector<16x1xi32> to vector<16xi32>
        %gather3A_809 = tpu.dynamic_gather %select_n3A_806[%gather3A_808] in [0] : vector<16xf32>, vector<16xi32> -> vector<16xf32>
        %broadcast_in_dim3A_810 = vector.shape_cast %add3A_137 : vector<16xi32> to vector<16x1xi32>
        %gather3A_811 = vector.shape_cast %broadcast_in_dim3A_810 : vector<16x1xi32> to vector<16xi32>
        %gather3A_812 = tpu.dynamic_gather %select_n3A_806[%gather3A_811] in [0] : vector<16xf32>, vector<16xi32> -> vector<16xf32>
        %broadcast_in_dim3A_813 = vector.shape_cast %add3A_140 : vector<16xi32> to vector<16x1xi32>
        %gather3A_814 = vector.shape_cast %broadcast_in_dim3A_813 : vector<16x1xi32> to vector<16xi32>
        %gather3A_815 = tpu.dynamic_gather %select_n3A_806[%gather3A_814] in [0] : vector<16xf32>, vector<16xi32> -> vector<16xf32>
        %broadcast_in_dim3A_816 = vector.shape_cast %add3A_143 : vector<16xi32> to vector<16x1xi32>
        %gather3A_817 = vector.shape_cast %broadcast_in_dim3A_816 : vector<16x1xi32> to vector<16xi32>
        %gather3A_818 = tpu.dynamic_gather %select_n3A_806[%gather3A_817] in [0] : vector<16xf32>, vector<16xi32> -> vector<16xf32>
        %mul3A_819 = arith.mulf %gather3A_809, %get3A_69 : vector<16xf32>
        %mul3A_820 = arith.mulf %gather3A_809, %get3A_5 : vector<16xf32>
        %mul3A_821 = arith.mulf %gather3A_812, %get3A_73 : vector<16xf32>
        %add3A_822 = arith.addf %mul3A_819, %mul3A_821 : vector<16xf32>
        %mul3A_823 = arith.mulf %gather3A_812, %get3A_9 : vector<16xf32>
        %add3A_824 = arith.addf %mul3A_820, %mul3A_823 : vector<16xf32>
        %mul3A_825 = arith.mulf %gather3A_815, %get3A_77 : vector<16xf32>
        %add3A_826 = arith.addf %add3A_822, %mul3A_825 : vector<16xf32>
        %mul3A_827 = arith.mulf %gather3A_815, %get3A_13 : vector<16xf32>
        %add3A_828 = arith.addf %add3A_824, %mul3A_827 : vector<16xf32>
        %mul3A_829 = arith.mulf %gather3A_818, %get3A_81 : vector<16xf32>
        %add3A_830 = arith.addf %add3A_826, %mul3A_829 : vector<16xf32>
        %mul3A_831 = arith.mulf %gather3A_818, %get3A_17 : vector<16xf32>
        %add3A_832 = arith.addf %add3A_828, %mul3A_831 : vector<16xf32>
        %add3A_833 = arith.addf %add3A_674, %add3A_830 : vector<16xf32>
        %max3A_834 = arith.constant 0.000000e+00 : f32
        %max3A_835 = vector.broadcast %max3A_834 : f32 to vector<16xf32>
        %max3A_836 = arith.maximumf %add3A_833, %max3A_835 : vector<16xf32>
        %get3A_837 = arith.index_cast %add3A_791 : i32 to index
        %get3A_838 = arith.constant 16 : index
        %get3A_839 = tpu.vector_load %arg13[%get3A_837, %get3A_838] {strides = array<i32>} : memref<200x128xf32, #tpu.memory_space<vmem>>, vector<16xf32>,
        %get3A_840 = arith.index_cast %add3A_791 : i32 to index
        %get3A_841 = arith.constant 80 : index
        %get3A_842 = tpu.vector_load %arg13[%get3A_840, %get3A_841] {strides = array<i32>} : memref<200x128xf32, #tpu.memory_space<vmem>>, vector<16xf32>,
        %select_n3A_843 = arith.select %ne3A_799, %get3A_842, %get3A_839 : vector<16xi1>, vector<16xf32>
        %broadcast_in_dim3A_844 = vector.shape_cast %add3A_134 : vector<16xi32> to vector<16x1xi32>
        %gather3A_845 = vector.shape_cast %broadcast_in_dim3A_844 : vector<16x1xi32> to vector<16xi32>
        %gather3A_846 = tpu.dynamic_gather %select_n3A_843[%gather3A_845] in [0] : vector<16xf32>, vector<16xi32> -> vector<16xf32>
        %broadcast_in_dim3A_847 = vector.shape_cast %add3A_137 : vector<16xi32> to vector<16x1xi32>
        %gather3A_848 = vector.shape_cast %broadcast_in_dim3A_847 : vector<16x1xi32> to vector<16xi32>
        %gather3A_849 = tpu.dynamic_gather %select_n3A_843[%gather3A_848] in [0] : vector<16xf32>, vector<16xi32> -> vector<16xf32>
        %broadcast_in_dim3A_850 = vector.shape_cast %add3A_140 : vector<16xi32> to vector<16x1xi32>
        %gather3A_851 = vector.shape_cast %broadcast_in_dim3A_850 : vector<16x1xi32> to vector<16xi32>
        %gather3A_852 = tpu.dynamic_gather %select_n3A_843[%gather3A_851] in [0] : vector<16xf32>, vector<16xi32> -> vector<16xf32>
        %broadcast_in_dim3A_853 = vector.shape_cast %add3A_143 : vector<16xi32> to vector<16x1xi32>
        %gather3A_854 = vector.shape_cast %broadcast_in_dim3A_853 : vector<16x1xi32> to vector<16xi32>
        %gather3A_855 = tpu.dynamic_gather %select_n3A_843[%gather3A_854] in [0] : vector<16xf32>, vector<16xi32> -> vector<16xf32>
        %mul3A_856 = arith.mulf %gather3A_846, %get3A_85 : vector<16xf32>
        %mul3A_857 = arith.mulf %gather3A_846, %get3A_21 : vector<16xf32>
        %mul3A_858 = arith.mulf %gather3A_849, %get3A_89 : vector<16xf32>
        %add3A_859 = arith.addf %mul3A_856, %mul3A_858 : vector<16xf32>
        %mul3A_860 = arith.mulf %gather3A_849, %get3A_25 : vector<16xf32>
        %add3A_861 = arith.addf %mul3A_857, %mul3A_860 : vector<16xf32>
        %mul3A_862 = arith.mulf %gather3A_852, %get3A_93 : vector<16xf32>
        %add3A_863 = arith.addf %add3A_859, %mul3A_862 : vector<16xf32>
        %mul3A_864 = arith.mulf %gather3A_852, %get3A_29 : vector<16xf32>
        %add3A_865 = arith.addf %add3A_861, %mul3A_864 : vector<16xf32>
        %mul3A_866 = arith.mulf %gather3A_855, %get3A_97 : vector<16xf32>
        %add3A_867 = arith.addf %add3A_863, %mul3A_866 : vector<16xf32>
        %mul3A_868 = arith.mulf %gather3A_855, %get3A_33 : vector<16xf32>
        %add3A_869 = arith.addf %add3A_865, %mul3A_868 : vector<16xf32>
        %add3A_870 = arith.addf %add3A_711, %add3A_867 : vector<16xf32>
        %max3A_871 = arith.constant 0.000000e+00 : f32
        %max3A_872 = vector.broadcast %max3A_871 : f32 to vector<16xf32>
        %max3A_873 = arith.maximumf %add3A_870, %max3A_872 : vector<16xf32>
        %get3A_874 = arith.index_cast %add3A_791 : i32 to index
        %get3A_875 = arith.constant 32 : index
        %get3A_876 = tpu.vector_load %arg13[%get3A_874, %get3A_875] {strides = array<i32>} : memref<200x128xf32, #tpu.memory_space<vmem>>, vector<16xf32>,
        %get3A_877 = arith.index_cast %add3A_791 : i32 to index
        %get3A_878 = arith.constant 96 : index
        %get3A_879 = tpu.vector_load %arg13[%get3A_877, %get3A_878] {strides = array<i32>} : memref<200x128xf32, #tpu.memory_space<vmem>>, vector<16xf32>,
        %select_n3A_880 = arith.select %ne3A_799, %get3A_879, %get3A_876 : vector<16xi1>, vector<16xf32>
        %broadcast_in_dim3A_881 = vector.shape_cast %add3A_134 : vector<16xi32> to vector<16x1xi32>
        %gather3A_882 = vector.shape_cast %broadcast_in_dim3A_881 : vector<16x1xi32> to vector<16xi32>
        %gather3A_883 = tpu.dynamic_gather %select_n3A_880[%gather3A_882] in [0] : vector<16xf32>, vector<16xi32> -> vector<16xf32>
        %broadcast_in_dim3A_884 = vector.shape_cast %add3A_137 : vector<16xi32> to vector<16x1xi32>
        %gather3A_885 = vector.shape_cast %broadcast_in_dim3A_884 : vector<16x1xi32> to vector<16xi32>
        %gather3A_886 = tpu.dynamic_gather %select_n3A_880[%gather3A_885] in [0] : vector<16xf32>, vector<16xi32> -> vector<16xf32>
        %broadcast_in_dim3A_887 = vector.shape_cast %add3A_140 : vector<16xi32> to vector<16x1xi32>
        %gather3A_888 = vector.shape_cast %broadcast_in_dim3A_887 : vector<16x1xi32> to vector<16xi32>
        %gather3A_889 = tpu.dynamic_gather %select_n3A_880[%gather3A_888] in [0] : vector<16xf32>, vector<16xi32> -> vector<16xf32>
        %broadcast_in_dim3A_890 = vector.shape_cast %add3A_143 : vector<16xi32> to vector<16x1xi32>
        %gather3A_891 = vector.shape_cast %broadcast_in_dim3A_890 : vector<16x1xi32> to vector<16xi32>
        %gather3A_892 = tpu.dynamic_gather %select_n3A_880[%gather3A_891] in [0] : vector<16xf32>, vector<16xi32> -> vector<16xf32>
        %mul3A_893 = arith.mulf %gather3A_883, %get3A_101 : vector<16xf32>
        %mul3A_894 = arith.mulf %gather3A_883, %get3A_37 : vector<16xf32>
        %mul3A_895 = arith.mulf %gather3A_886, %get3A_105 : vector<16xf32>
        %add3A_896 = arith.addf %mul3A_893, %mul3A_895 : vector<16xf32>
        %mul3A_897 = arith.mulf %gather3A_886, %get3A_41 : vector<16xf32>
        %add3A_898 = arith.addf %mul3A_894, %mul3A_897 : vector<16xf32>
        %mul3A_899 = arith.mulf %gather3A_889, %get3A_109 : vector<16xf32>
        %add3A_900 = arith.addf %add3A_896, %mul3A_899 : vector<16xf32>
        %mul3A_901 = arith.mulf %gather3A_889, %get3A_45 : vector<16xf32>
        %add3A_902 = arith.addf %add3A_898, %mul3A_901 : vector<16xf32>
        %mul3A_903 = arith.mulf %gather3A_892, %get3A_113 : vector<16xf32>
        %add3A_904 = arith.addf %add3A_900, %mul3A_903 : vector<16xf32>
        %mul3A_905 = arith.mulf %gather3A_892, %get3A_49 : vector<16xf32>
        %add3A_906 = arith.addf %add3A_902, %mul3A_905 : vector<16xf32>
        %add3A_907 = arith.addf %add3A_748, %add3A_904 : vector<16xf32>
        %max3A_908 = arith.constant 0.000000e+00 : f32
        %max3A_909 = vector.broadcast %max3A_908 : f32 to vector<16xf32>
        %max3A_910 = arith.maximumf %add3A_907, %max3A_909 : vector<16xf32>
        %get3A_911 = arith.index_cast %add3A_791 : i32 to index
        %get3A_912 = arith.constant 48 : index
        %get3A_913 = tpu.vector_load %arg13[%get3A_911, %get3A_912] {strides = array<i32>} : memref<200x128xf32, #tpu.memory_space<vmem>>, vector<16xf32>,
        %get3A_914 = arith.index_cast %add3A_791 : i32 to index
        %get3A_915 = arith.constant 112 : index
        %get3A_916 = tpu.vector_load %arg13[%get3A_914, %get3A_915] {strides = array<i32>} : memref<200x128xf32, #tpu.memory_space<vmem>>, vector<16xf32>,
        %select_n3A_917 = arith.select %ne3A_799, %get3A_916, %get3A_913 : vector<16xi1>, vector<16xf32>
        %broadcast_in_dim3A_918 = vector.shape_cast %add3A_134 : vector<16xi32> to vector<16x1xi32>
        %gather3A_919 = vector.shape_cast %broadcast_in_dim3A_918 : vector<16x1xi32> to vector<16xi32>
        %gather3A_920 = tpu.dynamic_gather %select_n3A_917[%gather3A_919] in [0] : vector<16xf32>, vector<16xi32> -> vector<16xf32>
        %broadcast_in_dim3A_921 = vector.shape_cast %add3A_137 : vector<16xi32> to vector<16x1xi32>
        %gather3A_922 = vector.shape_cast %broadcast_in_dim3A_921 : vector<16x1xi32> to vector<16xi32>
        %gather3A_923 = tpu.dynamic_gather %select_n3A_917[%gather3A_922] in [0] : vector<16xf32>, vector<16xi32> -> vector<16xf32>
        %broadcast_in_dim3A_924 = vector.shape_cast %add3A_140 : vector<16xi32> to vector<16x1xi32>
        %gather3A_925 = vector.shape_cast %broadcast_in_dim3A_924 : vector<16x1xi32> to vector<16xi32>
        %gather3A_926 = tpu.dynamic_gather %select_n3A_917[%gather3A_925] in [0] : vector<16xf32>, vector<16xi32> -> vector<16xf32>
        %broadcast_in_dim3A_927 = vector.shape_cast %add3A_143 : vector<16xi32> to vector<16x1xi32>
        %gather3A_928 = vector.shape_cast %broadcast_in_dim3A_927 : vector<16x1xi32> to vector<16xi32>
        %gather3A_929 = tpu.dynamic_gather %select_n3A_917[%gather3A_928] in [0] : vector<16xf32>, vector<16xi32> -> vector<16xf32>
        %mul3A_930 = arith.mulf %gather3A_920, %get3A_117 : vector<16xf32>
        %mul3A_931 = arith.mulf %gather3A_920, %get3A_53 : vector<16xf32>
        %mul3A_932 = arith.mulf %gather3A_923, %get3A_121 : vector<16xf32>
        %add3A_933 = arith.addf %mul3A_930, %mul3A_932 : vector<16xf32>
        %mul3A_934 = arith.mulf %gather3A_923, %get3A_57 : vector<16xf32>
        %add3A_935 = arith.addf %mul3A_931, %mul3A_934 : vector<16xf32>
        %mul3A_936 = arith.mulf %gather3A_926, %get3A_125 : vector<16xf32>
        %add3A_937 = arith.addf %add3A_933, %mul3A_936 : vector<16xf32>
        %mul3A_938 = arith.mulf %gather3A_926, %get3A_61 : vector<16xf32>
        %add3A_939 = arith.addf %add3A_935, %mul3A_938 : vector<16xf32>
        %mul3A_940 = arith.mulf %gather3A_929, %get3A_129 : vector<16xf32>
        %add3A_941 = arith.addf %add3A_937, %mul3A_940 : vector<16xf32>
        %mul3A_942 = arith.mulf %gather3A_929, %get3A_65 : vector<16xf32>
        %add3A_943 = arith.addf %add3A_939, %mul3A_942 : vector<16xf32>
        %add3A_944 = arith.addf %add3A_785, %add3A_941 : vector<16xf32>
        %max3A_945 = arith.constant 0.000000e+00 : f32
        %max3A_946 = vector.broadcast %max3A_945 : f32 to vector<16xf32>
        %max3A_947 = arith.maximumf %add3A_944, %max3A_946 : vector<16xf32>
        %add3A_948 = arith.constant 0 : i32
        %add3A_949 = arith.addi %mul3A_306, %add3A_948 : i32
        %swap3A = arith.index_cast %add3A_949 : i32 to index
        %swap3A_950 = arith.constant 0 : index
        %swap3A_951 = tpu.vector_load %arg15[%swap3A, %swap3A_950] {strides = array<i32>} : memref<200x64xf32, #tpu.memory_space<vmem>>, vector<16xf32>,
        tpu.vector_store %arg15[%swap3A, %swap3A_950], %max3A_362 {strides = array<i32>} : memref<200x64xf32, #tpu.memory_space<vmem>>, vector<16xf32>,
        %add3A_952 = arith.constant 0 : i32
        %add3A_953 = arith.addi %mul3A_306, %add3A_952 : i32
        %swap3A_954 = arith.index_cast %add3A_953 : i32 to index
        %swap3A_955 = arith.constant 16 : index
        %swap3A_956 = tpu.vector_load %arg15[%swap3A_954, %swap3A_955] {strides = array<i32>} : memref<200x64xf32, #tpu.memory_space<vmem>>, vector<16xf32>,
        tpu.vector_store %arg15[%swap3A_954, %swap3A_955], %max3A_399 {strides = array<i32>} : memref<200x64xf32, #tpu.memory_space<vmem>>, vector<16xf32>,
        %add3A_957 = arith.constant 0 : i32
        %add3A_958 = arith.addi %mul3A_306, %add3A_957 : i32
        %swap3A_959 = arith.index_cast %add3A_958 : i32 to index
        %swap3A_960 = arith.constant 32 : index
        %swap3A_961 = tpu.vector_load %arg15[%swap3A_959, %swap3A_960] {strides = array<i32>} : memref<200x64xf32, #tpu.memory_space<vmem>>, vector<16xf32>,
        tpu.vector_store %arg15[%swap3A_959, %swap3A_960], %max3A_436 {strides = array<i32>} : memref<200x64xf32, #tpu.memory_space<vmem>>, vector<16xf32>,
        %add3A_962 = arith.constant 0 : i32
        %add3A_963 = arith.addi %mul3A_306, %add3A_962 : i32
        %swap3A_964 = arith.index_cast %add3A_963 : i32 to index
        %swap3A_965 = arith.constant 48 : index
        %swap3A_966 = tpu.vector_load %arg15[%swap3A_964, %swap3A_965] {strides = array<i32>} : memref<200x64xf32, #tpu.memory_space<vmem>>, vector<16xf32>,
        tpu.vector_store %arg15[%swap3A_964, %swap3A_965], %max3A_473 {strides = array<i32>} : memref<200x64xf32, #tpu.memory_space<vmem>>, vector<16xf32>,
        %add3A_967 = arith.constant 1 : i32
        %add3A_968 = arith.addi %mul3A_306, %add3A_967 : i32
        %swap3A_969 = arith.index_cast %add3A_968 : i32 to index
        %swap3A_970 = arith.constant 0 : index
        %swap3A_971 = tpu.vector_load %arg15[%swap3A_969, %swap3A_970] {strides = array<i32>} : memref<200x64xf32, #tpu.memory_space<vmem>>, vector<16xf32>,
        tpu.vector_store %arg15[%swap3A_969, %swap3A_970], %max3A_520 {strides = array<i32>} : memref<200x64xf32, #tpu.memory_space<vmem>>, vector<16xf32>,
        %add3A_972 = arith.constant 1 : i32
        %add3A_973 = arith.addi %mul3A_306, %add3A_972 : i32
        %swap3A_974 = arith.index_cast %add3A_973 : i32 to index
        %swap3A_975 = arith.constant 16 : index
        %swap3A_976 = tpu.vector_load %arg15[%swap3A_974, %swap3A_975] {strides = array<i32>} : memref<200x64xf32, #tpu.memory_space<vmem>>, vector<16xf32>,
        tpu.vector_store %arg15[%swap3A_974, %swap3A_975], %max3A_557 {strides = array<i32>} : memref<200x64xf32, #tpu.memory_space<vmem>>, vector<16xf32>,
        %add3A_977 = arith.constant 1 : i32
        %add3A_978 = arith.addi %mul3A_306, %add3A_977 : i32
        %swap3A_979 = arith.index_cast %add3A_978 : i32 to index
        %swap3A_980 = arith.constant 32 : index
        %swap3A_981 = tpu.vector_load %arg15[%swap3A_979, %swap3A_980] {strides = array<i32>} : memref<200x64xf32, #tpu.memory_space<vmem>>, vector<16xf32>,
        tpu.vector_store %arg15[%swap3A_979, %swap3A_980], %max3A_594 {strides = array<i32>} : memref<200x64xf32, #tpu.memory_space<vmem>>, vector<16xf32>,
        %add3A_982 = arith.constant 1 : i32
        %add3A_983 = arith.addi %mul3A_306, %add3A_982 : i32
        %swap3A_984 = arith.index_cast %add3A_983 : i32 to index
        %swap3A_985 = arith.constant 48 : index
        %swap3A_986 = tpu.vector_load %arg15[%swap3A_984, %swap3A_985] {strides = array<i32>} : memref<200x64xf32, #tpu.memory_space<vmem>>, vector<16xf32>,
        tpu.vector_store %arg15[%swap3A_984, %swap3A_985], %max3A_631 {strides = array<i32>} : memref<200x64xf32, #tpu.memory_space<vmem>>, vector<16xf32>,
        %add3A_987 = arith.constant 2 : i32
        %add3A_988 = arith.addi %mul3A_306, %add3A_987 : i32
        %swap3A_989 = arith.index_cast %add3A_988 : i32 to index
        %swap3A_990 = arith.constant 0 : index
        %swap3A_991 = tpu.vector_load %arg15[%swap3A_989, %swap3A_990] {strides = array<i32>} : memref<200x64xf32, #tpu.memory_space<vmem>>, vector<16xf32>,
        tpu.vector_store %arg15[%swap3A_989, %swap3A_990], %max3A_678 {strides = array<i32>} : memref<200x64xf32, #tpu.memory_space<vmem>>, vector<16xf32>,
        %add3A_992 = arith.constant 2 : i32
        %add3A_993 = arith.addi %mul3A_306, %add3A_992 : i32
        %swap3A_994 = arith.index_cast %add3A_993 : i32 to index
        %swap3A_995 = arith.constant 16 : index
        %swap3A_996 = tpu.vector_load %arg15[%swap3A_994, %swap3A_995] {strides = array<i32>} : memref<200x64xf32, #tpu.memory_space<vmem>>, vector<16xf32>,
        tpu.vector_store %arg15[%swap3A_994, %swap3A_995], %max3A_715 {strides = array<i32>} : memref<200x64xf32, #tpu.memory_space<vmem>>, vector<16xf32>,
        %add3A_997 = arith.constant 2 : i32
        %add3A_998 = arith.addi %mul3A_306, %add3A_997 : i32
        %swap3A_999 = arith.index_cast %add3A_998 : i32 to index
        %swap3A_1000 = arith.constant 32 : index
        %swap3A_1001 = tpu.vector_load %arg15[%swap3A_999, %swap3A_1000] {strides = array<i32>} : memref<200x64xf32, #tpu.memory_space<vmem>>, vector<16xf32>,
        tpu.vector_store %arg15[%swap3A_999, %swap3A_1000], %max3A_752 {strides = array<i32>} : memref<200x64xf32, #tpu.memory_space<vmem>>, vector<16xf32>,
        %add3A_1002 = arith.constant 2 : i32
        %add3A_1003 = arith.addi %mul3A_306, %add3A_1002 : i32
        %swap3A_1004 = arith.index_cast %add3A_1003 : i32 to index
        %swap3A_1005 = arith.constant 48 : index
        %swap3A_1006 = tpu.vector_load %arg15[%swap3A_1004, %swap3A_1005] {strides = array<i32>} : memref<200x64xf32, #tpu.memory_space<vmem>>, vector<16xf32>,
        tpu.vector_store %arg15[%swap3A_1004, %swap3A_1005], %max3A_789 {strides = array<i32>} : memref<200x64xf32, #tpu.memory_space<vmem>>, vector<16xf32>,
        %add3A_1007 = arith.constant 3 : i32
        %add3A_1008 = arith.addi %mul3A_306, %add3A_1007 : i32
        %swap3A_1009 = arith.index_cast %add3A_1008 : i32 to index
        %swap3A_1010 = arith.constant 0 : index
        %swap3A_1011 = tpu.vector_load %arg15[%swap3A_1009, %swap3A_1010] {strides = array<i32>} : memref<200x64xf32, #tpu.memory_space<vmem>>, vector<16xf32>,
        tpu.vector_store %arg15[%swap3A_1009, %swap3A_1010], %max3A_836 {strides = array<i32>} : memref<200x64xf32, #tpu.memory_space<vmem>>, vector<16xf32>,
        %add3A_1012 = arith.constant 3 : i32
        %add3A_1013 = arith.addi %mul3A_306, %add3A_1012 : i32
        %swap3A_1014 = arith.index_cast %add3A_1013 : i32 to index
        %swap3A_1015 = arith.constant 16 : index
        %swap3A_1016 = tpu.vector_load %arg15[%swap3A_1014, %swap3A_1015] {strides = array<i32>} : memref<200x64xf32, #tpu.memory_space<vmem>>, vector<16xf32>,
        tpu.vector_store %arg15[%swap3A_1014, %swap3A_1015], %max3A_873 {strides = array<i32>} : memref<200x64xf32, #tpu.memory_space<vmem>>, vector<16xf32>,
        %add3A_1017 = arith.constant 3 : i32
        %add3A_1018 = arith.addi %mul3A_306, %add3A_1017 : i32
        %swap3A_1019 = arith.index_cast %add3A_1018 : i32 to index
        %swap3A_1020 = arith.constant 32 : index
        %swap3A_1021 = tpu.vector_load %arg15[%swap3A_1019, %swap3A_1020] {strides = array<i32>} : memref<200x64xf32, #tpu.memory_space<vmem>>, vector<16xf32>,
        tpu.vector_store %arg15[%swap3A_1019, %swap3A_1020], %max3A_910 {strides = array<i32>} : memref<200x64xf32, #tpu.memory_space<vmem>>, vector<16xf32>,
        %add3A_1022 = arith.constant 3 : i32
        %add3A_1023 = arith.addi %mul3A_306, %add3A_1022 : i32
        %swap3A_1024 = arith.index_cast %add3A_1023 : i32 to index
        %swap3A_1025 = arith.constant 48 : index
        %swap3A_1026 = tpu.vector_load %arg15[%swap3A_1024, %swap3A_1025] {strides = array<i32>} : memref<200x64xf32, #tpu.memory_space<vmem>>, vector<16xf32>,
        tpu.vector_store %arg15[%swap3A_1024, %swap3A_1025], %max3A_947 {strides = array<i32>} : memref<200x64xf32, #tpu.memory_space<vmem>>, vector<16xf32>,
        scf.yield %add3A_832, %add3A_869, %add3A_906, %add3A_943 : vector<16xf32>, vector<16xf32>, vector<16xf32>, vector<16xf32>
      }
      %scan3A_289 = arith.constant 18 : i32
      %add3A_290 = arith.constant 1 : i32
      %add3A_291 = arith.addi %add3A_192, %add3A_290 : i32
      %dma_start3A_292 = arith.constant 0 : i32
      %dma_start3A_293 = arith.constant 0 : i32
      %dma_start3A_294 = tpu.memref_slice %arg7[%add3A_291, %dma_start3A_292, %dma_start3A_293] : memref<4096x200x64xf32, #tpu.memory_space<hbm>> -> memref<1x200x64xf32, #tpu.memory_space<hbm>>
      %dma_start3A_295 = tpu.memref_squeeze %dma_start3A_294 : memref<1x200x64xf32, #tpu.memory_space<hbm>> -> memref<200x64xf32, #tpu.memory_space<hbm>>
      %dma_start3A_296 = arith.constant 0 : i32
      %dma_start3A_297 = arith.constant 0 : i32
      %dma_start3A_298 = tpu.memref_slice %arg7[%add3A_291, %dma_start3A_296, %dma_start3A_297] : memref<4096x200x64xf32, #tpu.memory_space<hbm>> -> memref<1x200x64xf32, #tpu.memory_space<hbm>>
      %dma_start3A_299 = tpu.memref_squeeze %dma_start3A_298 : memref<1x200x64xf32, #tpu.memory_space<hbm>> -> memref<200x64xf32, #tpu.memory_space<hbm>>
      tpu.enqueue_dma source(%arg15 : memref<200x64xf32, #tpu.memory_space<vmem>>) target(%dma_start3A_299 : memref<200x64xf32, #tpu.memory_space<hbm>>) target_semaphore(%arg21 : memref<!tpu.dma_semaphore, #tpu.memory_space<semaphore_mem>>)
    }
    %scan3A_168 = arith.constant 64 : i32
    %add3A_169 = arith.constant 128 : i32
    %add3A_170 = arith.addi %mul3A_2, %add3A_169 : i32
    %sub3A = arith.constant 2 : i32
    %sub3A_171 = arith.subi %add3A_170, %sub3A : i32
    %dma_wait3A = arith.constant 0 : i32
    %dma_wait3A_172 = arith.constant 0 : i32
    %dma_wait3A_173 = tpu.memref_slice %arg7[%sub3A_171, %dma_wait3A, %dma_wait3A_172] : memref<4096x200x64xf32, #tpu.memory_space<hbm>> -> memref<1x200x64xf32, #tpu.memory_space<hbm>>
    %dma_wait3A_174 = tpu.memref_squeeze %dma_wait3A_173 : memref<1x200x64xf32, #tpu.memory_space<hbm>> -> memref<200x64xf32, #tpu.memory_space<hbm>>
    %dma_wait3A_175 = arith.constant 0 : i32
    %dma_wait3A_176 = arith.constant 0 : i32
    %dma_wait3A_177 = tpu.memref_slice %arg7[%sub3A_171, %dma_wait3A_175, %dma_wait3A_176] : memref<4096x200x64xf32, #tpu.memory_space<hbm>> -> memref<1x200x64xf32, #tpu.memory_space<hbm>>
    %dma_wait3A_178 = tpu.memref_squeeze %dma_wait3A_177 : memref<1x200x64xf32, #tpu.memory_space<hbm>> -> memref<200x64xf32, #tpu.memory_space<hbm>>
    tpu.wait_dma2 semaphore(%arg20 : memref<!tpu.dma_semaphore, #tpu.memory_space<semaphore_mem>>) src(%arg14 : memref<200x64xf32, #tpu.memory_space<vmem>>) dst(%dma_wait3A_178 : memref<200x64xf32, #tpu.memory_space<hbm>>)
    %add3A_179 = arith.constant 1 : i32
    %add3A_180 = arith.addi %sub3A_171, %add3A_179 : i32
    %dma_wait3A_181 = arith.constant 0 : i32
    %dma_wait3A_182 = arith.constant 0 : i32
    %dma_wait3A_183 = tpu.memref_slice %arg7[%add3A_180, %dma_wait3A_181, %dma_wait3A_182] : memref<4096x200x64xf32, #tpu.memory_space<hbm>> -> memref<1x200x64xf32, #tpu.memory_space<hbm>>
    %dma_wait3A_184 = tpu.memref_squeeze %dma_wait3A_183 : memref<1x200x64xf32, #tpu.memory_space<hbm>> -> memref<200x64xf32, #tpu.memory_space<hbm>>
    %dma_wait3A_185 = arith.constant 0 : i32
    %dma_wait3A_186 = arith.constant 0 : i32
    %dma_wait3A_187 = tpu.memref_slice %arg7[%add3A_180, %dma_wait3A_185, %dma_wait3A_186] : memref<4096x200x64xf32, #tpu.memory_space<hbm>> -> memref<1x200x64xf32, #tpu.memory_space<hbm>>
    %dma_wait3A_188 = tpu.memref_squeeze %dma_wait3A_187 : memref<1x200x64xf32, #tpu.memory_space<hbm>> -> memref<200x64xf32, #tpu.memory_space<hbm>>
    tpu.wait_dma2 semaphore(%arg21 : memref<!tpu.dma_semaphore, #tpu.memory_space<semaphore_mem>>) src(%arg15 : memref<200x64xf32, #tpu.memory_space<vmem>>) dst(%dma_wait3A_188 : memref<200x64xf32, #tpu.memory_space<hbm>>)
    return
  }
}

</mosaic_0001>

<sc_bundles>
// kernel: _decoder.3.cloned.1.call-start
scs
__scs_entry_jumppad:
0x0: {  	(pc) =	sbr.rel $0x88, $3  }
0x1: {  	(tag) =	ssettag $0x0;
	lr =	simm.s32 $0x1  }
0x2: {  	[smem:$0x3F9C] =	sst lr;
	_ =	strace $0xD0000000  }
0x3: {  	_ = 	snop  }
0x4: {  	_ = 	snop  }
0x5: {  	_ = 	snop  }
0x6: {  	_ = 	snop  }
0x7: {  	_ = 	snop  }
__scs_overlays_trampoline_lowered:
0x8: {  	[smem:$0x3FAB] =	sst s0  }
0x9: {  	[smem:$0x3FAC] =	sst s1  }
0xa: {  	[smem:$0x3FAD] =	sst s2  }
0xb: {  	[smem:$0x3FAE] =	sst s3  }
0xc: {  	[smem:$0x3FAF] =	sst s4  }
0xd: {  	[smem:$0x3FB0] =	sst s5  }
0xe: {  	[smem:$0x3FB1] =	sst s6  }
0xf: {  	[smem:$0x3FB2] =	sst s7  }
0x10: {  	[smem:$0x3FB3] =	sst s8  }
0x11: {  	[smem:$0x3FB4] =	sst s9;
	s0 =	simm.s32 @!p0 $0x0  }
0x12: {  	s1 =	sld [smem:$0x3F9A];
	s0 =	simm.s32 @p0 $0x1  }
0x13: {  	[smem:$0x3FB5] =	sst s0;
	s0 =	simm.s32 @!p1 $0x0  }
0x14: {  	s2 =	sld [smem:$0x3F99];
	s0 =	simm.s32 @p1 $0x1  }
0x15: {  	[smem:$0x3FB6] =	sst s0;
	s0 =	simm.s32 @!p2 $0x0  }
0x16: {  	s3 =	sld [smem:$0x3FDB];
	s0 =	simm.s32 @p2 $0x1  }
0x17: {  	s4 =	simm.s32 $0x1BF5;
	[smem:$0x3FB8] =	sst s0  }
0x18: {  	s0 =	sld [smem:$0x3F9B];
	_ =	swait.ge [sflag:s4], $0x0  }
0x19: {  	s7 =	sld [smem:$0x3F9C]  }
0x1a: {  	s8 =	sadd.s32 $0xFFFFE003, lr  }
0x1b: {  	s9 =	sadd.s32 $0xFFFFFEF7, lr;
	s5 =	simm.s32 $0xFFFFFFFF;
	p2 =	slt.u32 s8, $0xFFFFF086  }
0x1c: {  	p1 =	slt.u32 s9, $0xF7A;
	s5 =	simm.s32 @!p2 $0x0  }
0x1d: {  	s5 =	simm.s32 @p1 $0x1;
	p0 =	seq.s32 s7, s2  }
0x1e: {  	s7 =	smul.u32 @!p0 $0xF7A, s2;
	p2 =	seq.s32 @!p0 s5, $0x0  }
0x1f: {  	s9 =	smul.u32 $0xF7A, s1;
	s8 =	simm.s32 @!p0 $0x1BF5;
	p2 =	por !p2, p0  }
0x20: {  	[sflag:s8] =	ssyncset.s32 @!p0 $0xFFFFF086;
	s6 =	sadd.s32 @!p0 s3, s7;
	s7 =	simm.s32 @!p0 $0x108  }
0x21: {  	s3 =	sadd.s32 s3, s9;
	s6 =	sadd.s32 @!p0 $0x88, s6;
	s7 =	simm.s32 @p2 $0x1082  }
0x22: {  	[simem:s7], [sflag:s8] =	dma.local @!p0 [hbm:s6], $0xF7A  }
0x23: {  	s9 =	sor.u32 $0xD0000000, s2;
	s6 =	simm.s32 $0x108;
	_ =	swait.ge @!p0 [sflag:s8], $0x0  }
0x24: {  	s3 =	sadd.s32 $0x88, s3;
	s6 =	simm.s32 @!p1 $0x1082;
	[sflag:s4] =	ssyncset.s32 $0xFFFFF086  }
0x25: {  	[simem:s6], [sflag:s4] =	dma.local [hbm:s3], $0xF7A  }
0x26: {  	[smem:$0x3F9C] =	sst s1;
	(tag) =	ssettag s2;
	_ =	strace s9  }
0x27: {  	s1 =	sld [smem:$0x3FAC]  }
0x28: {  	s2 =	sld [smem:$0x3FAD]  }
0x29: {  	s4 =	sld [smem:$0x3FAF]  }
0x2a: {  	p0 =	seq.s32 s5, $0x0;
	s5 =	sld [smem:$0x3FB0]  }
0x2b: {  	s6 =	sld [smem:$0x3FB1]  }
0x2c: {  	s7 =	sld [smem:$0x3FB2]  }
0x2d: {  	s3 =	simm.s32 $0x108;
	s8 =	sld [smem:$0x3FB3]  }
0x2e: {  	s3 =	simm.s32 @!p0 $0x1082;
	s9 =	sld [smem:$0x3FB4]  }
0x2f: {  	lr =	sadd.s32 s0, s3;
	s0 =	sld [smem:$0x3FAB]  }
0x30: {  	s3 =	sld [smem:$0x3FAE]  }
0x31: {  	[smem:$0x3FB7] =	sst s10  }
0x32: {  	s10 =	sld [smem:$0x3FB5];
	_ =	sdelay $0x3  }
0x33: {  	p0 =	seq.s32 s10, $0x1;
	s10 =	sld [smem:$0x3FB7];
	_ =	sdelay $0x3  }
0x34: {  	[smem:$0x3FB7] =	sst s10  }
0x35: {  	s10 =	sld [smem:$0x3FB6];
	_ =	sdelay $0x3  }
0x36: {  	p1 =	seq.s32 s10, $0x1;
	s10 =	sld [smem:$0x3FB7];
	_ =	sdelay $0x3  }
0x37: {  	[smem:$0x3FB7] =	sst s10  }
0x38: {  	s10 =	sld [smem:$0x3FB8]  }
0x39: {  	_ = 	snop;
	(pc) =	sbr.ind lr, $3  }
0x3a: {  	_ = 	snop  }
0x3b: {  	_ = 	snop  }
0x3c: {  	p2 =	seq.s32 s10, $0x1;
	s10 =	sld [smem:$0x3FB7]  }
0x3d: {  	_ =	shalt  }
0x3e: {  	_ =	shalt  }
0x3f: {  	_ =	shalt  }
0x40: {  	_ =	shalt  }
0x41: {  	_ =	shalt  }
0x42: {  	_ =	shalt  }
0x43: {  	_ =	shalt  }
0x44: {  	_ =	shalt  }
0x45: {  	_ =	shalt  }
0x46: {  	_ =	shalt  }
0x47: {  	_ =	shalt  }
0x48: {  	_ =	shalt  }
0x49: {  	_ =	shalt  }
0x4a: {  	_ =	shalt  }
0x4b: {  	_ =	shalt  }
0x4c: {  	_ =	shalt  }
0x4d: {  	_ =	shalt  }
0x4e: {  	_ =	shalt  }
0x4f: {  	_ =	shalt  }
0x50: {  	_ =	shalt  }
0x51: {  	_ =	shalt  }
0x52: {  	_ =	shalt  }
0x53: {  	_ =	shalt  }
0x54: {  	_ =	shalt  }
0x55: {  	_ =	shalt  }
0x56: {  	_ =	shalt  }
0x57: {  	_ =	shalt  }
0x58: {  	_ =	shalt  }
0x59: {  	_ =	shalt  }
0x5a: {  	_ =	shalt  }
0x5b: {  	_ =	shalt  }
0x5c: {  	_ =	shalt  }
0x5d: {  	_ =	shalt  }
0x5e: {  	_ =	shalt  }
0x5f: {  	_ =	shalt  }
0x60: {  	_ =	shalt  }
0x61: {  	_ =	shalt  }
0x62: {  	_ =	shalt  }
0x63: {  	_ =	shalt  }
0x64: {  	_ =	shalt  }
0x65: {  	_ =	shalt  }
0x66: {  	_ =	shalt  }
0x67: {  	_ =	shalt  }
0x68: {  	_ =	shalt  }
0x69: {  	_ =	shalt  }
0x6a: {  	_ =	shalt  }
0x6b: {  	_ =	shalt  }
0x6c: {  	_ =	shalt  }
0x6d: {  	_ =	shalt  }
0x6e: {  	_ =	shalt  }
0x6f: {  	_ =	shalt  }
0x70: {  	_ =	shalt  }
0x71: {  	_ =	shalt  }
0x72: {  	_ =	shalt  }
0x73: {  	_ =	shalt  }
0x74: {  	_ =	shalt  }
0x75: {  	_ =	shalt  }
0x76: {  	_ =	shalt  }
0x77: {  	_ =	shalt  }
0x78: {  	_ =	shalt  }
0x79: {  	_ =	shalt  }
0x7a: {  	_ =	shalt  }
0x7b: {  	_ =	shalt  }
0x7c: {  	_ =	shalt  }
0x7d: {  	_ =	shalt  }
0x7e: {  	_ =	shalt  }
0x7f: {  	_ =	shalt  }
0x80: {  	_ =	shalt  }
0x81: {  	_ =	shalt  }
0x82: {  	_ =	shalt  }
0x83: {  	_ =	shalt  }
0x84: {  	_ =	shalt  }
0x85: {  	_ =	shalt  }
0x86: {  	_ =	shalt  }
0x87: {  	_ =	shalt  }
.Lfunc_end0:
.L_simem_size_0:
called_computation_lowered:
.L_overlay_start_0:
0x88: {  	s2 =	sld [smem:$0x3FD9]  }
0x89: {  	s3 =	sld [smem:$0x3FFE];
	_ =	sdelay $0x1  }
0x8a: {  	s1 =	srdreg.scid  }
0x8b: {  	s0 =	sand.u32 $0x1, s1  }
0x8c: {  	s17 =	sshll.u32 s0, $0xA;
	s2 =	sadd.s32 s3, s2  }
0x8d: {  	s2 =	sadd.s32 s2, s17  }
0x8e: {  	[smem:$0x3FC3] =	sst s2  }
0x8f: {  	_ = 	snop  }
0x90: {  	s2 =	sld [smem:$0x3FC9]  }
0x91: {  	s18 =	sld [smem:$0x3FC8]  }
0x92: {  	s4 =	sld [smem:$0x3FC7]  }
0x93: {  	s5 =	sld [smem:$0x3FC6]  }
0x94: {  	s6 =	sld [smem:$0x3FC5];
	(tm) =	ssettm $0x1  }
0x95: {  	s7 =	sld [smem:$0x3FFB];
	_ =	sdelay $0x3  }
0x96: {  	_ =	strace s7  }
0x97: {  	s7 =	sld [smem:$0x3FFC];
	_ =	sdelay $0x3  }
0x98: {  	_ =	strace s7  }
0x99: {  	s7 =	sld [smem:$0x3FFD];
	_ =	sdelay $0x3  }
0x9a: {  	_ =	strace s7  }
0x9b: {  	_ =	strace $0x8FFFFFFF  }
0x9c: {  	s19 =	sld [smem:$0x3FDB];
	_ =	sdelay $0x1  }
0x9d: {  	s8 =	simm.s32 $_scs_section_size  }
0x9e: {  	s9 =	simm.s32 $_size__tile_overlayer_lowered;
	s10 =	simm.s32 $_tile_overlayer_lowered  }
0x9f: {  	s22 =	simm.s32 $0x1BFF;
	s21 =	sshll.u32 s10, $0x1;
	s7 =	sadd.s32 s8, s19  }
0xa0: {  	s11 =	simm.s32 $0x0;
	s20 =	sshll.u32 s9, $0x1;
	s9 =	sadd.s32 s21, s7  }
0xa1: {  	[timem:s11], [sflag:s22] =	dma.local [hbm:s9], s20  }
0xa2: {  	_ =	swait.ge [sflag:s22], s20  }
0xa3: {  	s8 =	ssub.s32 $0x0, s20;
	[sflag:s22] =	ssyncset.done $0x0  }
0xa4: {  	[sflag:s22] =	ssyncadd.s32 s8;
	_ =	sdelay $0x1  }
0xa5: {  	s23 =	simm.s32 $0x1B8B  }
0xa6: {  	_ =	swait.ge [sflag:s23], $0x1  }
0xa7: {  	[sflag:s23] =	ssyncset.done $0x0  }
0xa8: {  	s25 =	simm.s32 $0x1B8E;
	s24 =	sld [smem:$0x3FFE];
	[sflag:s23] =	ssyncadd.s32 $0xFFFFFFFF  }
0xa9: {  	s26 =	simm.s32 $execute0_lowered;
	[smem:$0x3FD2] =	sst s25  }
0xaa: {  	s9 =	sshll.u32 s26, $0x1;
	_ =	strace $0x80000046;
	[dreg:$0x1] =	wrdreg $0xFFFFFFFF  }
0xab: {  	s28 =	simm.s32 $_size_execute0_lowered;
	s7 =	sadd.s32 s7, s9;
	[dreg:$0x0] =	wrdreg $0x0  }
0xac: {  	s9 =	sshll.u32 s28, $0x1;
	[dreg:$0x2] =	wrdreg s7  }
0xad: {  	[dreg:$0x3] =	wrdreg s9  }
0xae: {  	[dreg:$0x4] =	wrdreg $0xC0  }
0xaf: {  	_ =	task [dreg:s11], $0x5FFFF  }
0xb0: {  	[dreg:$0x1] =	wrdreg $0xFFFFFFFF  }
0xb1: {  	[dreg:$0x0] =	wrdreg $0x60  }
0xb2: {  	[dreg:$0x2] =	wrdreg s2  }
0xb3: {  	[dreg:$0x3] =	wrdreg s18  }
0xb4: {  	[dreg:$0x4] =	wrdreg s4  }
0xb5: {  	[dreg:$0x5] =	wrdreg s5  }
0xb6: {  	[dreg:$0x6] =	wrdreg s6  }
0xb7: {  	[dreg:$0x7] =	wrdreg s24  }
0xb8: {  	[dreg:$0x8] =	wrdreg $0x9  }
0xb9: {  	_ =	task.clear_ibuf [dreg:s11], $0x9FFFF;
	_ =	strace $0x90000046  }
0xba: {  	s29 =	simm.s32 $0x9;
	_ =	strace $0x80000048  }
0xbb: {  	_ =	swait.ge [sflag:s29], $0x1  }
0xbc: {  	[sflag:s29] =	ssyncadd.s32 $0xFFFFFFFF  }
0xbd: {  	_ =	strace $0x90000048  }
0xbe: {  	_ =	sfence  }
0xbf: {  	s30 =	sld [smem:$0x0];
	_ =	sdelay $0x2  }
0xc0: {  	s31 =	sshll.u32 s1, $0xD;
	s1 =	sshrl.u32 s1, $0x2  }
0xc1: {  	s3 =	sand.u32 $0x4000, s31;
	s1 =	sadd.s32 s1, s30  }
0xc2: {  	s0 =	sor.u32 s3, s0;
	s1 =	sshll.u32 s1, $0x11  }
0xc3: {  	s0 =	sor.u32 s1, s0  }
0xc4: {  	s0 =	sadd.s32 $0x8F2B, s0  }
0xc5: {  	[sflag:s0] =	ssyncadd.remote.s32 $0x1  }
0xc6: {  	_ =	sfence.sel $0xFFFF  }
0xc7: {  	[dreg:$0x0] =	wrdreg $0xFFFFFFFF;
	(pc) =	sbr.abs _section_cstart, $3  }
0xc8: {  	[dreg:$0x1] =	wrdreg $0xFFFFFFFF  }
0xc9: {  	_ =	task.clear_ibuf [dreg:s11], $0x2FFFF;
	_ =	strace $0x9FFFFFFF  }
0xca: {  	(tm) =	ssettm $0x7FFFFFFF  }
0xcb: {  	_ =	shalt  }
tec
execute0_lowered:
.L_overlay_start_1:
0x0: {  	(tag) =	ssettag $0x1  }
0x1: {  	s0 =	rddreg [dreg:$0x0]  }
0x2: {  	s1 =	rddreg [dreg:$0x1]  }
0x3: {  	s3 =	rddreg [dreg:$0x2]  }
0x4: {  	s2 =	rddreg [dreg:$0x5];
	s4 =	srdreg.scid  }
0x5: {  	s5 =	stileid.u32;
	s7 =	simm.s32 $0x0;
	s14 =	simm.s32 $0x5  }
0x6: {  	s16 =	simm.s32 $0x200;
	s17 =	simm.s32 $0x80;
	s18 =	simm.s32 $0x400  }
0x7: {  	s19 =	simm.s32 $0x48;
	s20 =	simm.s32 $0x4400;
	s21 =	simm.s32 $0x100  }
0x8: {  	s22 =	simm.s32 $0x300;
	s28 =	simm.s32 $0xCC00;
	s29 =	simm.s32 $0x2  }
0x9: {  	s30 =	simm.s32 $0x4;
	s4 =	sand.u32 $0x1, s4;
	s5 =	sshll.u32 s5, $0x1  }
0xa: {  	v19 =	vlaneseq.u32;
	s31 =	simm.s32 $0x13000;
	s6 =	ssub.s32 $0x2, s4;
	s4 =	sor.u32 s4, s5  }
0xb: {  	[smem:$0x7FF] =	sst s7;
	s8 =	sadd.s32 $0x400, s2;
	v0 =	vshrl.u32 v19, $0x2;
	s10 =	smul.u32 $0xC80, s4  }
0xc: {  	_ =	strace $0x80000047;
	v0 =	vmul.u32 $0x4, v0;
	s23 =	sshrl.u32 s6, $0x1;
	s9 =	sshll.u32 s4, $0x7  }
0xd: {  	s4 =	simm.s32 $0x0;
	s24 =	ssub.s32 s6, s23;
	s25 =	sadd.s32 s0, s10  }
0xe: {  	s23 =	simm.s32 $0x6800;
	v1 =	vor.u32 $0x2, v0;
	[tilespmem:$0x1FFE0] =	vst v0;
	s26 =	sadd.s32 s1, s10;
	[dreg:$0x7] =	wrdreg s25  }
0xf: {  	v20 =	vimm.s32 $0x0;
	v3 =	vor.u32 $0x1, v0;
	v0 =	vor.u32 $0x3, v0;
	s2 =	smax.u32 s24, $0x1;
	s24 =	simm.s32 $0x180;
	[tilespmem:$0x1FFD0] =	vst v1;
	[dreg:$0x8] =	wrdreg s26  }
0x10: {  	v22 =	vimm.s32 $0x1;
	v24 =	vimm.s32 $0x2;
	v25 =	vimm.s32 $0x3;
	[tilespmem:$0x1FFF0] =	vst v0;
	[dreg:$0x9] =	wrdreg s2;
	s25 =	simm.s32 $0xA800;
	s26 =	simm.s32 $0x1  }
.LBB2_1:
0x11: {  	s2 =	rddreg [dreg:$0x3];
	s5 =	simm.s32 $0x19400  }
0x12: {  	[tilespmem:s5], [sflag:$0x5] =	stream.linear.gather [hbm4b:s2+s7], $0x200, $0x38;
	[tilespmem:$0x19800] =	vst v63  }
0x13: {  	_ =	swait.ge [sflag:s14], $0x200  }
0x14: {  	[sflag:s14] =	ssyncset.done $0x0  }
0x15: {  	[sflag:s14] =	ssyncadd.s32 $0xFFFFFE00  }
0x16: {  	s12 =	simm.s32 $0x19600;
	s11 =	rddreg [dreg:$0x4]  }
0x17: {  	[tilespmem:s12], [sflag:$0x5] =	stream.linear.gather [hbm4b:s11+s7], $0x200, $0x38;
	[tilespmem:$0x19800] =	vst v63  }
0x18: {  	_ =	swait.ge [sflag:s14], $0x200  }
0x19: {  	[sflag:s14] =	ssyncset.done $0x0  }
0x1a: {  	[sflag:s14] =	ssyncadd.s32 $0xFFFFFE00  }
0x1b: {  	v0 =	vld [tilespmem:$0x19580];
	_ =	sdelay $0x4  }
0x1c: {  	[tilespmem:$0x1FDD0] =	vst v0;
	v0 =	vld [tilespmem:$0x195B0];
	_ =	sdelay $0x4  }
0x1d: {  	[tilespmem:$0x1FDE0] =	vst v0;
	v0 =	vld [tilespmem:$0x19790]  }
0x1e: {  	v63 =	vld [tilespmem:$0x19400]  }
0x1f: {  	v61 =	vld [tilespmem:$0x19480]  }
0x20: {  	v62 =	vld [tilespmem:$0x19500]  }
0x21: {  	v55 =	vld [tilespmem:$0x19410]  }
0x22: {  	[tilespmem:$0x1FDF0] =	vst v0;
	v0 =	vld [tilespmem:$0x19620]  }
0x23: {  	v1 =	vld [tilespmem:$0x19490]  }
0x24: {  	v56 =	vld [tilespmem:$0x19510]  }
0x25: {  	v46 =	vld [tilespmem:$0x19590]  }
0x26: {  	v52 =	vld [tilespmem:$0x19420]  }
0x27: {  	[tilespmem:$0x1FE00] =	vst v0;
	v0 =	vld [tilespmem:$0x196A0]  }
0x28: {  	v51 =	vld [tilespmem:$0x194A0]  }
0x29: {  	v30 =	vld [tilespmem:$0x19520]  }
0x2a: {  	v32 =	vld [tilespmem:$0x195A0]  }
0x2b: {  	v26 =	vld [tilespmem:$0x19430]  }
0x2c: {  	[tilespmem:$0x1FE10] =	vst v0;
	v0 =	vld [tilespmem:$0x19720]  }
0x2d: {  	v28 =	vld [tilespmem:$0x194B0]  }
0x2e: {  	v31 =	vld [tilespmem:$0x19530]  }
0x2f: {  	v54 =	vld [tilespmem:$0x19600]  }
0x30: {  	v40 =	vld [tilespmem:$0x19680]  }
0x31: {  	[tilespmem:$0x1FE20] =	vst v0;
	v0 =	vld [tilespmem:$0x19730]  }
0x32: {  	v50 =	vld [tilespmem:$0x19700]  }
0x33: {  	v47 =	vld [tilespmem:$0x19780]  }
0x34: {  	v33 =	vld [tilespmem:$0x19610]  }
0x35: {  	v60 =	vld [tilespmem:$0x19690]  }
0x36: {  	[tilespmem:$0x1FE30] =	vst v0;
	v0 =	vld [tilespmem:$0x197B0]  }
0x37: {  	v45 =	vld [tilespmem:$0x19710]  }
0x38: {  	v58 =	vld [tilespmem:$0x197A0]  }
0x39: {  	s13 =	rddreg [dreg:$0x7];
	v41 =	vld [tilespmem:$0x19630]  }
0x3a: {  	v39 =	vld [tilespmem:$0x196B0];
	[tilespmem:s7], [sflag:$0x5] =	stream.linear.gather [hbm4b:s13+s7], $0xC8, $0x38  }
0x3b: {  	[tilespmem:$0x1FE40] =	vst v0  }
0x3c: {  	_ =	swait.ge [sflag:s14], $0xC8  }
0x3d: {  	[sflag:s14] =	ssyncset.done $0x0  }
0x3e: {  	s15 =	rddreg [dreg:$0x8];
	[sflag:s14] =	ssyncadd.s32 $0xFFFFFF38  }
0x3f: {  	[tilespmem:s16], [sflag:$0x5] =	stream.linear.gather [hbm4b:s15+s7], $0xC8, $0x38;
	[tilespmem:$0x19800] =	vst v63  }
0x40: {  	_ =	swait.ge [sflag:s14], $0xC8  }
0x41: {  	[tilespmem:$0x1FE50] =	vst v61  }
0x42: {  	[tilespmem:$0x1FE60] =	vst v62  }
0x43: {  	[tilespmem:$0x1FE70] =	vst v39  }
0x44: {  	[tilespmem:$0x1FE80] =	vst v63  }
0x45: {  	[tilespmem:$0x1FE90] =	vst v58  }
0x46: {  	[tilespmem:$0x1FEA0] =	vst v45  }
0x47: {  	[tilespmem:$0x1FEB0] =	vst v41  }
0x48: {  	[tilespmem:$0x1FEC0] =	vst v28  }
0x49: {  	[tilespmem:$0x1FED0] =	vst v54  }
0x4a: {  	[tilespmem:$0x1FEE0] =	vst v50  }
0x4b: {  	[tilespmem:$0x1FEF0] =	vst v33  }
0x4c: {  	[tilespmem:$0x1FF00] =	vst v47  }
0x4d: {  	[tilespmem:$0x1FF10] =	vst v31  }
0x4e: {  	[tilespmem:$0x1FF20] =	vst v26  }
0x4f: {  	[tilespmem:$0x1FF30] =	vst v55  }
0x50: {  	[tilespmem:$0x1FF40] =	vst v40  }
0x51: {  	[tilespmem:$0x1FF50] =	vst v60  }
0x52: {  	[tilespmem:$0x1FF60] =	vst v1  }
0x53: {  	[tilespmem:$0x1FF70] =	vst v56  }
0x54: {  	[tilespmem:$0x1FF80] =	vst v46  }
0x55: {  	[tilespmem:$0x1FF90] =	vst v52  }
0x56: {  	[sflag:s14] =	ssyncset.done $0x0;
	[tilespmem:$0x1FFA0] =	vst v51  }
0x57: {  	[tilespmem:$0x1FFB0] =	vst v30;
	[sflag:s14] =	ssyncadd.s32 $0xFFFFFF38  }
0x58: {  	[tilespmem:s18], [sflag:$0x1] =	stream.indirect.gather [hbm4b:s3+s17], $0x80, s7, s17, $0xb8;
	[tilespmem:$0x19800] =	vst v63  }
0x59: {  	s5 =	simm.s32 $0x0;
	[tilespmem:$0x1FFC0] =	vst v32  }
0x5a: {  	[tilespmem:s20], [sflag:$0x1] =	stream.indirect.gather [hbm4b:s3+s19], $0x80, s17, s19, $0xb8;
	[tilespmem:$0x19800] =	vst v63  }
.LBB2_2:
0x5b: {  	s6 =	sshll.u32 s5, $0x1  }
0x5c: {  	s13 =	sadd.s32 s9, s6  }
0x5d: {  	s6 =	sor.u32 $0x1, s13  }
0x5e: {  	s10 =	smul.u32 $0x19, s6;
	_ =	sdelay $0x1  }
0x5f: {  	s11 =	sadd.s32 s0, s10  }
0x60: {  	[tilespmem:s21], [sflag:$0x5] =	stream.linear.gather [hbm4b:s11+s7], $0xC8, $0x38;
	[tilespmem:$0x19800] =	vst v63  }
0x61: {  	_ =	swait.ge [sflag:s14], $0xC8  }
0x62: {  	[sflag:s14] =	ssyncset.done $0x0  }
0x63: {  	s10 =	sadd.s32 s1, s10;
	[sflag:s14] =	ssyncadd.s32 $0xFFFFFF38  }
0x64: {  	[tilespmem:s22], [sflag:$0x5] =	stream.linear.gather [hbm4b:s10+s7], $0xC8, $0x38;
	[tilespmem:$0x19800] =	vst v63  }
0x65: {  	_ =	swait.ge [sflag:s14], $0xC8  }
0x66: {  	[sflag:s14] =	ssyncset.done $0x0  }
0x67: {  	[sflag:s14] =	ssyncadd.s32 $0xFFFFFF38  }
0x68: {  	[tilespmem:s23], [sflag:$0x2] =	stream.indirect.gather [hbm4b:s3+s17], $0x80, s21, s17, $0xb8;
	[tilespmem:$0x19800] =	vst v63  }
0x69: {  	_ = 	snop  }
0x6a: {  	[tilespmem:s25], [sflag:$0x2] =	stream.indirect.gather [hbm4b:s3+s19], $0x80, s24, s19, $0xb8;
	[tilespmem:$0x19800] =	vst v63  }
0x6b: {  	_ =	swait.ge [sflag:s26], $0x4000  }
0x6c: {  	p0 =	seq.s32 s5, $0x0;
	[sflag:s26] =	ssyncset.done $0x0  }
0x6d: {  	s10 =	simm.s32 @!p0 $0x3;
	[sflag:s26] =	ssyncadd.s32 $0xFFFFC000  }
0x6e: {  	_ =	swait.ge @!p0 [sflag:s10], $0x6400  }
0x6f: {  	v39 =	vld [tilespmem:$0x1FDE0]  }
0x70: {  	v36 =	vld [tilespmem:$0x1FE00]  }
0x71: {  	v55 =	vld [tilespmem:$0x1FE10]  }
0x72: {  	v37 =	vld [tilespmem:$0x1FE20]  }
0x73: {  	v41 =	vimm.f32 $0.0e+00;
	s15 =	simm.s32 $0xCD00;
	[sflag:s10] =	ssyncset.done @!p0 $0x0;
	v29 =	vld [tilespmem:$0x1FE30]  }
0x74: {  	v17 =	vimm.f32 $0.0e+00;
	v16 =	vimm.f32 $0.0e+00;
	v40 =	vimm.f32 $0.0e+00;
	v33 =	vmovc v3;
	s11 =	simm.s32 $0x500;
	v38 =	vld [tilespmem:$0x1FE40];
	[sflag:s10] =	ssyncadd.s32 @!p0 $0xFFFF9C00;
	s10 =	simm.s32 $0x0  }
.LBB2_3:
0x75: {  	s12 =	sand.u32 $0x78, s10  }
0x76: {  	v0 =	vld [tilespmem:s12+$0x200]  }
0x77: {  	v6 =	vld [tilespmem:s11+$0xFFFFFF00]  }
0x78: {  	v50 =	vld [tilespmem:s11+$0xFFFFFF40]  }
0x79: {  	s2 =	sand.u32 $0x4, s10;
	v51 =	vld [tilespmem:s11+$0xFFFFFF10]  }
0x7a: {  	v1 =	vld [tilespmem:$0x1FFE0];
	v2 =	vadd.s32 s2, v19  }
0x7b: {  	v8 =	vld [tilespmem:s11+$0xFFFFFF50];
	v45 =	vperm.xlane v0, v2  }
0x7c: {  	v4 =	vld [tilespmem:$0x1FFD0]  }
0x7d: {  	v43 =	vld [tilespmem:$0x1FF40];
	v2 =	vperm.xlane v45, v20  }
0x7e: {  	v5 =	vld [tilespmem:$0x1FFF0]  }
0x7f: {  	v60 =	vld [tilespmem:s11+$0xFFFFFF20];
	vm0 =	veq.s32 v2, $0x0  }
0x80: {  	v14 =	vld [tilespmem:s11+$0xFFFFFF60];
	v0 =	vsel vm0, v6, v50  }
0x81: {  	v27 =	vld [tilespmem:$0x1FEE0];
	v6 =	vperm.xlane v0, v1  }
0x82: {  	v42 =	vld [tilespmem:$0x1FF00];
	v2 =	vsel vm0, v51, v8;
	v7 =	vperm.xlane v0, v33;
	v9 =	vperm.xlane v0, v4  }
0x83: {  	v58 =	vld [tilespmem:$0x1FEF0];
	v0 =	vperm.xlane v0, v5;
	v53 =	vperm.xlane v2, v1  }
0x84: {  	v56 =	vld [tilespmem:$0x1FF50];
	v10 =	vmul.f32 v6, v54;
	v11 =	vmul.f32 v7, v43  }
0x85: {  	v23 =	vld [tilespmem:$0x1FEA0];
	v8 =	vsel vm0, v60, v14;
	v44 =	vperm.xlane v2, v33;
	v13 =	vperm.xlane v2, v4  }
0x86: {  	v34 =	vld [tilespmem:$0x1FF70];
	v2 =	vperm.xlane v2, v5;
	v52 =	vmul.f32 v9, v27;
	v10 =	vadd.f32 v11, v10  }
0x87: {  	v18 =	vld [tilespmem:$0x1FF60];
	v60 =	vperm.xlane v8, v33;
	v14 =	vperm.xlane v8, v4  }
0x88: {  	v21 =	vld [tilespmem:$0x1FF30];
	v6 =	vmul.f32 v6, v63;
	v12 =	vmul.f32 v0, v42;
	v10 =	vadd.f32 v52, v10  }
0x89: {  	v50 =	vld [tilespmem:$0x1FDD0];
	v7 =	vmul.f32 v7, v61;
	v9 =	vmul.f32 v9, v62  }
0x8a: {  	v3 =	vld [tilespmem:$0x1FDF0];
	v47 =	vmul.f32 v53, v58;
	v15 =	vmul.f32 v44, v56;
	v10 =	vadd.f32 v12, v10  }
0x8b: {  	v57 =	vld [tilespmem:$0x1FF90];
	v49 =	vmul.f32 v13, v23;
	v51 =	vmul.f32 v13, v34  }
0x8c: {  	v6 =	vadd.f32 v7, v6;
	v11 =	vmul.f32 v44, v18;
	v44 =	vadd.f32 v10, v40;
	v40 =	vld [tilespmem:$0x1FFA0]  }
0x8d: {  	v7 =	vmul.f32 v53, v21;
	v53 =	vperm.xlane v8, v1  }
0x8e: {  	v0 =	vmul.f32 v0, v50;
	v48 =	vadd.f32 v15, v47;
	v6 =	vadd.f32 v9, v6  }
0x8f: {  	v52 =	vmul.f32 v2, v3;
	v35 =	vmul.f32 v53, v36  }
0x90: {  	v13 =	vld [tilespmem:s11+$0xFFFFFF30];
	v0 =	vadd.f32 v0, v6;
	v6 =	vadd.f32 v49, v48;
	v48 =	vmul.f32 v60, v55  }
0x91: {  	v15 =	vld [tilespmem:s11+$0xFFFFFF70];
	v7 =	vadd.f32 v11, v7;
	v9 =	vmul.f32 v53, v57;
	v11 =	vmul.f32 v60, v40  }
0x92: {  	v59 =	vmul.f32 v14, v37;
	v6 =	vadd.f32 v52, v6;
	v52 =	vadd.f32 v48, v35  }
0x93: {  	v35 =	vld [tilespmem:$0x1FE90];
	v60 =	vmul.f32 v14, v30;
	v53 =	vadd.f32 v11, v9  }
0x94: {  	v2 =	vmul.f32 v2, v46;
	v49 =	vadd.f32 v6, v16;
	v6 =	vadd.f32 v59, v52;
	v59 =	vld [tilespmem:$0x1FEB0]  }
0x95: {  	v7 =	vadd.f32 v51, v7;
	v51 =	vperm.xlane v8, v5;
	v8 =	vadd.f32 v60, v53;
	v60 =	vld [tilespmem:$0x1FE70]  }
0x96: {  	v48 =	vsel vm0, v13, v15  }
0x97: {  	v7 =	vadd.f32 v2, v7;
	v2 =	vmul.f32 v51, v32;
	v13 =	vperm.xlane v48, v33  }
0x98: {  	v10 =	vperm.xlane v48, v4;
	[tilespmem:$0x1FDA0] =	vst v49;
	v49 =	vperm.xlane v48, v1  }
0x99: {  	v16 =	vld [tilespmem:s11+$0xFFFFFFC0];
	v48 =	vperm.xlane v48, v5;
	v47 =	vmul.f32 v51, v35  }
0x9a: {  	v14 =	vld [tilespmem:s11+$0xFFFFFF80];
	v51 =	vmul.f32 v49, v59;
	v15 =	vmul.f32 v13, v60  }
0x9b: {  	v52 =	vmul.f32 v49, v26;
	v12 =	vmul.f32 v48, v38;
	v6 =	vadd.f32 v47, v6  }
0x9c: {  	v53 =	vmul.f32 v13, v28;
	v11 =	vadd.f32 v15, v51;
	v15 =	vperm.xlane v45, v22  }
0x9d: {  	v47 =	vmul.f32 v10, v29;
	v10 =	vmul.f32 v10, v31;
	v6 =	vadd.f32 v6, v17  }
0x9e: {  	v8 =	vadd.f32 v2, v8;
	v2 =	vadd.f32 v53, v52;
	vm13 =	veq.s32 v15, $0x0  }
0x9f: {  	[tilespmem:$0x1FDB0] =	vst v6;
	v6 =	vmul.f32 v48, v39;
	v49 =	vadd.f32 v47, v11;
	v11 =	vld [tilespmem:s11+$0xFFFFFF90];
	v51 =	vsel vm13, v14, v16  }
0xa0: {  	v14 =	vld [tilespmem:s11+$0xFFFFFFD0];
	v52 =	vperm.xlane v51, v1;
	v15 =	vperm.xlane v51, v33  }
0xa1: {  	v2 =	vadd.f32 v10, v2;
	v53 =	vperm.xlane v51, v4;
	v13 =	vperm.xlane v51, v5  }
0xa2: {  	v9 =	vadd.f32 v12, v49;
	v47 =	vmul.f32 v52, v54;
	v48 =	vmul.f32 v52, v63  }
0xa3: {  	v28 =	vmovc v31;
	v16 =	vadd.f32 v6, v2;
	v49 =	vmul.f32 v15, v43;
	v51 =	vmul.f32 v15, v61  }
0xa4: {  	v31 =	vmovc v30;
	v41 =	vadd.f32 v9, v41;
	v15 =	vmul.f32 v53, v27;
	v12 =	vmul.f32 v53, v62  }
0xa5: {  	v30 =	vmovc v26;
	v53 =	vmul.f32 v13, v42;
	v11 =	vsel vm13, v11, v14;
	v2 =	vadd.f32 v49, v47;
	v47 =	vld [tilespmem:s11+$0xFFFFFFA0]  }
0xa6: {  	v26 =	vmovc v46;
	v6 =	vadd.f32 v51, v48;
	v49 =	vld [tilespmem:s11+$0xFFFFFFE0];
	v52 =	vperm.xlane v11, v1;
	v14 =	vperm.xlane v11, v33  }
0xa7: {  	v17 =	vmovc v50;
	v50 =	vmul.f32 v13, v50;
	v46 =	vperm.xlane v11, v4;
	v2 =	vadd.f32 v15, v2  }
0xa8: {  	v6 =	vadd.f32 v12, v6;
	v15 =	vmul.f32 v52, v58;
	v48 =	vmul.f32 v14, v56  }
0xa9: {  	v9 =	vmul.f32 v52, v21;
	v14 =	vmul.f32 v14, v18;
	v2 =	vadd.f32 v53, v2  }
0xaa: {  	v52 =	vperm.xlane v11, v5;
	v10 =	vadd.f32 v50, v6;
	v51 =	vadd.f32 v48, v15  }
0xab: {  	v15 =	vmul.f32 v46, v23;
	v46 =	vmul.f32 v46, v34;
	v49 =	vsel vm13, v47, v49  }
0xac: {  	v9 =	vadd.f32 v14, v9;
	v48 =	vmul.f32 v52, v3;
	v12 =	vperm.xlane v49, v1  }
0xad: {  	v6 =	vmul.f32 v52, v26;
	v47 =	vld [tilespmem:s11+$0xFFFFFFF0];
	v50 =	vperm.xlane v49, v33;
	v53 =	vadd.f32 v15, v51  }
0xae: {  	v2 =	vadd.f32 v2, v0;
	v15 =	vld [tilespmem:s11+$0xFFFFFFB0];
	v9 =	vadd.f32 v46, v9;
	v52 =	vmul.f32 v12, v36  }
0xaf: {  	v12 =	vmul.f32 v12, v57;
	v51 =	vadd.f32 v48, v53;
	v53 =	vmul.f32 v50, v55  }
0xb0: {  	v9 =	vadd.f32 v6, v9;
	v48 =	vperm.xlane v49, v4;
	v50 =	vmul.f32 v50, v40  }
0xb1: {  	v49 =	vperm.xlane v49, v5;
	v0 =	vadd.f32 v51, v7;
	v6 =	vadd.f32 v53, v52  }
0xb2: {  	v51 =	vmul.f32 v48, v37;
	v7 =	vmul.f32 v48, v31;
	v11 =	vadd.f32 v50, v12  }
0xb3: {  	v12 =	vmul.f32 v49, v35;
	v13 =	vmul.f32 v49, v32;
	v49 =	vld [tilespmem:s11+$0x40];
	v15 =	vsel vm13, v15, v47  }
0xb4: {  	v52 =	vperm.xlane v15, v1;
	v6 =	vadd.f32 v51, v6;
	v51 =	vld [tilespmem:$0x1FEC0]  }
0xb5: {  	v47 =	vld [tilespmem:s11+$0x0];
	v53 =	vperm.xlane v15, v33;
	v7 =	vadd.f32 v7, v11  }
0xb6: {  	v11 =	vperm.xlane v15, v4;
	v48 =	vmul.f32 v52, v59;
	v6 =	vadd.f32 v12, v6  }
0xb7: {  	v12 =	vmul.f32 v52, v30;
	v52 =	vperm.xlane v45, v24  }
0xb8: {  	v50 =	vmul.f32 v53, v60;
	v13 =	vadd.f32 v13, v7;
	v6 =	vadd.f32 v6, v8  }
0xb9: {  	vm14 =	veq.s32 v52, $0x0;
	v7 =	vmul.f32 v53, v51;
	v53 =	vperm.xlane v15, v5  }
0xba: {  	v15 =	vadd.f32 v50, v48;
	v51 =	vmul.f32 v11, v29;
	v46 =	vsel vm14, v47, v49  }
0xbb: {  	v11 =	vmul.f32 v11, v28;
	v47 =	vld [tilespmem:s11+$0x10];
	v48 =	vperm.xlane v46, v33;
	v7 =	vadd.f32 v7, v12  }
0xbc: {  	v49 =	vld [tilespmem:s11+$0x50];
	v52 =	vmul.f32 v53, v38;
	v12 =	vadd.f32 v51, v15;
	v15 =	vperm.xlane v46, v1  }
0xbd: {  	v8 =	vmul.f32 v53, v39;
	v7 =	vadd.f32 v11, v7;
	v11 =	vperm.xlane v46, v4  }
0xbe: {  	v12 =	vadd.f32 v52, v12;
	v53 =	vmul.f32 v15, v54;
	v52 =	vmul.f32 v48, v43  }
0xbf: {  	v15 =	vmul.f32 v15, v63;
	v8 =	vadd.f32 v8, v7;
	v7 =	vperm.xlane v46, v5  }
0xc0: {  	v14 =	vadd.f32 v52, v53;
	v53 =	vmul.f32 v48, v61;
	v52 =	vmul.f32 v11, v27  }
0xc1: {  	v47 =	vsel vm14, v47, v49;
	v11 =	vmul.f32 v11, v62;
	v50 =	vmul.f32 v7, v42  }
0xc2: {  	v49 =	vld [tilespmem:s11+$0x20];
	v15 =	vadd.f32 v53, v15;
	v46 =	vmul.f32 v7, v17;
	v7 =	vperm.xlane v47, v1  }
0xc3: {  	v48 =	vperm.xlane v47, v33;
	v51 =	vperm.xlane v47, v4;
	v14 =	vadd.f32 v52, v14;
	v52 =	vld [tilespmem:s11+$0x60]  }
0xc4: {  	v11 =	vadd.f32 v11, v15;
	v15 =	vmul.f32 v7, v58;
	v53 =	vmul.f32 v7, v21  }
0xc5: {  	v7 =	vadd.f32 v12, v16;
	v12 =	vmul.f32 v48, v56;
	v16 =	vmul.f32 v48, v18  }
0xc6: {  	v14 =	vadd.f32 v50, v14;
	v11 =	vadd.f32 v46, v11;
	v46 =	vperm.xlane v47, v5  }
0xc7: {  	v12 =	vadd.f32 v12, v15;
	v15 =	vadd.f32 v16, v53;
	v16 =	vmul.f32 v51, v23  }
0xc8: {  	v53 =	vmul.f32 v51, v34;
	v49 =	vsel vm14, v49, v52;
	v48 =	vmul.f32 v46, v3  }
0xc9: {  	v50 =	vld [tilespmem:s11+$0x30];
	v12 =	vadd.f32 v16, v12;
	v16 =	vmul.f32 v46, v26;
	v46 =	vperm.xlane v49, v1  }
0xca: {  	v45 =	vperm.xlane v45, v25;
	v52 =	vld [tilespmem:s11+$0x70];
	v15 =	vadd.f32 v53, v15;
	v47 =	vperm.xlane v49, v33  }
0xcb: {  	v12 =	vadd.f32 v48, v12;
	v48 =	vmul.f32 v46, v36;
	v46 =	vmul.f32 v46, v57  }
0xcc: {  	v10 =	vadd.f32 v14, v10;
	v53 =	vmul.f32 v47, v55;
	v47 =	vmul.f32 v47, v40  }
0xcd: {  	v51 =	vperm.xlane v49, v4;
	v15 =	vadd.f32 v16, v15;
	v9 =	vadd.f32 v12, v9  }
0xce: {  	v12 =	vperm.xlane v49, v5;
	v14 =	vadd.f32 v53, v48;
	v16 =	vadd.f32 v47, v46  }
0xcf: {  	v17 =	vld [tilespmem:$0x1FEC0];
	v46 =	vmul.f32 v51, v37;
	v53 =	vmul.f32 v51, v31;
	v49 =	vsel vm14, v50, v52  }
0xd0: {  	[tilespmem:$0x1FDC0] =	vst v0;
	v50 =	vperm.xlane v49, v33;
	v47 =	vperm.xlane v49, v4  }
0xd1: {  	v0 =	vmovc v40;
	v51 =	vld [tilespmem:s11+$0x80];
	v40 =	vmul.f32 v12, v35;
	v14 =	vadd.f32 v46, v14;
	v46 =	vperm.xlane v49, v1  }
0xd2: {  	v52 =	vperm.xlane v49, v5;
	v16 =	vadd.f32 v53, v16;
	v12 =	vmul.f32 v12, v32;
	v53 =	vld [tilespmem:s11+$0xC0]  }
0xd3: {  	v14 =	vadd.f32 v40, v14;
	v48 =	vmul.f32 v46, v59;
	v40 =	vmul.f32 v50, v60  }
0xd4: {  	v12 =	vadd.f32 v12, v16;
	v16 =	vmul.f32 v46, v30;
	v46 =	vmul.f32 v50, v17  }
0xd5: {  	vm15 =	veq.s32 v45, $0x0;
	v45 =	vld [tilespmem:s11+$0xD0];
	v48 =	vadd.f32 v40, v48;
	v40 =	vmul.f32 v47, v29  }
0xd6: {  	v49 =	vmul.f32 v52, v38;
	v16 =	vadd.f32 v46, v16;
	v46 =	vld [tilespmem:s11+$0x90];
	v47 =	vmul.f32 v47, v28  }
0xd7: {  	v13 =	vadd.f32 v14, v13;
	v50 =	vsel vm15, v51, v53;
	v48 =	vadd.f32 v40, v48  }
0xd8: {  	v14 =	vmul.f32 v52, v39;
	v16 =	vadd.f32 v47, v16;
	v40 =	vperm.xlane v50, v1  }
0xd9: {  	v51 =	vperm.xlane v50, v33;
	v48 =	vadd.f32 v49, v48  }
0xda: {  	v49 =	vperm.xlane v50, v4;
	v14 =	vadd.f32 v14, v16;
	v16 =	vmul.f32 v40, v54  }
0xdb: {  	v47 =	vmul.f32 v40, v63;
	v43 =	vmul.f32 v51, v43;
	v45 =	vsel vm15, v46, v45  }
0xdc: {  	v44 =	vmax.f32 v44, $0.0e+00;
	v51 =	vmul.f32 v51, v61;
	v46 =	vperm.xlane v45, v1  }
0xdd: {  	v8 =	vadd.f32 v48, v8;
	v48 =	vperm.xlane v45, v33;
	v40 =	vmul.f32 v49, v27  }
0xde: {  	v50 =	vperm.xlane v50, v5;
	v16 =	vadd.f32 v43, v16;
	v53 =	vperm.xlane v45, v4  }
0xdf: {  	v47 =	vadd.f32 v51, v47;
	v51 =	vmul.f32 v46, v58;
	v58 =	vmovc v54;
	v54 =	vmul.f32 v48, v56  }
0xe0: {  	v17 =	vmovc v39;
	v39 =	vmovc v38;
	v38 =	vmov v37;
	v37 =	vld [tilespmem:s11+$0xE0];
	v52 =	vmul.f32 v50, v42;
	v16 =	vadd.f32 v40, v16  }
0xe1: {  	v45 =	vperm.xlane v45, v5;
	v43 =	vmul.f32 v53, v23;
	v40 =	vmovc v55;
	v55 =	vld [tilespmem:s11+$0xA0];
	v51 =	vadd.f32 v54, v51  }
0xe2: {  	v46 =	vmul.f32 v46, v21;
	v48 =	vmul.f32 v48, v18;
	v16 =	vadd.f32 v52, v16  }
0xe3: {  	v41 =	vmax.f32 v41, $0.0e+00;
	v49 =	vmul.f32 v49, v62;
	v52 =	vld [tilespmem:s11+$0xB0];
	v43 =	vadd.f32 v43, v51  }
0xe4: {  	v3 =	vmul.f32 v45, v3;
	v11 =	vadd.f32 v16, v11;
	v16 =	vadd.f32 v48, v46;
	v46 =	vld [tilespmem:s11+$0xF0]  }
0xe5: {  	v2 =	vmax.f32 v2, $0.0e+00;
	v9 =	vmax.f32 v9, $0.0e+00;
	v42 =	vld [tilespmem:$0x1FDA0];
	v34 =	vmul.f32 v53, v34  }
0xe6: {  	v47 =	vadd.f32 v49, v47;
	v18 =	vld [tilespmem:$0x1FDB0];
	v48 =	vadd.f32 v3, v43;
	v43 =	vsel vm15, v55, v37  }
0xe7: {  	v16 =	vadd.f32 v34, v16;
	v49 =	vperm.xlane v43, v1;
	v53 =	vperm.xlane v43, v33  }
0xe8: {  	v15 =	vadd.f32 v48, v15;
	v48 =	vperm.xlane v43, v4;
	v51 =	vperm.xlane v43, v5  }
0xe9: {  	v37 =	vmovc v38;
	v46 =	vsel vm15, v52, v46;
	v52 =	vmul.f32 v49, v36;
	v34 =	vmul.f32 v53, v40  }
0xea: {  	v3 =	vmax.f32 v42, $0.0e+00;
	v49 =	vmul.f32 v49, v57;
	v57 =	vmul.f32 v48, v37  }
0xeb: {  	v56 =	vld [tilespmem:$0x1FDC0];
	[tilespmem:s15+$0xFFFFFF00] =	vst v44;
	v42 =	vmax.f32 v18, $0.0e+00;
	v54 =	vperm.xlane v46, v1;
	v1 =	vperm.xlane v46, v33  }
0xec: {  	[tilespmem:s15+$0xFFFFFF20] =	vst v42;
	v53 =	vmul.f32 v53, v0;
	v42 =	vmul.f32 v51, v35;
	v52 =	vadd.f32 v34, v52  }
0xed: {  	[tilespmem:s15+$0xFFFFFF30] =	vst v41;
	v43 =	vmax.f32 v13, $0.0e+00;
	v34 =	vmul.f32 v54, v59;
	v35 =	vmul.f32 v1, v60  }
0xee: {  	[tilespmem:s15+$0xFFFFFF80] =	vst v2;
	v60 =	vmax.f32 v7, $0.0e+00;
	v7 =	vperm.xlane v46, v5;
	v44 =	vadd.f32 v57, v52  }
0xef: {  	[tilespmem:s15+$0x10] =	vst v9;
	v57 =	vperm.xlane v46, v4;
	v46 =	vmovc v26;
	v26 =	vmovc v30;
	v30 =	vmov v31;
	v31 =	vmov v28;
	v28 =	vld [tilespmem:$0x1FEC0]  }
0xf0: {  	[tilespmem:s15+$0xFFFFFF10] =	vst v3;
	v0 =	vmax.f32 v56, $0.0e+00;
	v56 =	vmax.f32 v15, $0.0e+00;
	v49 =	vadd.f32 v53, v49  }
0xf1: {  	[tilespmem:s15+$0x20] =	vst v43;
	v59 =	vmax.f32 v6, $0.0e+00;
	v41 =	vadd.f32 v35, v34;
	v34 =	vmul.f32 v57, v29  }
0xf2: {  	v55 =	vmovc v40;
	v38 =	vmovc v39;
	v53 =	vmax.f32 v11, $0.0e+00;
	[tilespmem:s15+$0xFFFFFFB0] =	vst v60;
	v60 =	vmul.f32 v51, v32;
	v35 =	vmax.f32 v10, $0.0e+00  }
0xf3: {  	[tilespmem:s15+$0xFFFFFF90] =	vst v0;
	v2 =	vmul.f32 v57, v31;
	v57 =	vld [tilespmem:$0x1FDD0];
	v0 =	vadd.f32 v34, v41;
	v41 =	vmul.f32 v7, v38  }
0xf4: {  	[tilespmem:s15+$0x90] =	vst v56;
	v40 =	vmul.f32 v54, v26;
	v42 =	vadd.f32 v42, v44;
	v1 =	vmul.f32 v1, v28  }
0xf5: {  	p1 =	sne.s32 s10, $0x7C;
	[tilespmem:s15+$0xFFFFFFA0] =	vst v59;
	v59 =	vmul.f32 v45, v46;
	v44 =	vmul.f32 v48, v30;
	v0 =	vadd.f32 v41, v0  }
.Ltmp0:
0xf6: {  	[tilespmem:s15+$0x80] =	vst v53;
	v48 =	vmax.f32 v8, $0.0e+00;
	v52 =	vadd.f32 v42, v12;
	v10 =	vadd.f32 v1, v40;
	(pc) =	sbr.rel @p1 .LBB2_3-.Ltmp0, $4  }
0xf7: {  	[tilespmem:s15+$0x0] =	vst v35;
	v49 =	vadd.f32 v44, v49;
	v7 =	vmul.f32 v7, v17;
	v0 =	vadd.f32 v0, v14  }
0xf8: {  	v54 =	vmovc v58;
	[tilespmem:s15+$0x30] =	vst v48;
	v9 =	vmax.f32 v52, $0.0e+00;
	v58 =	vmul.f32 v50, v57;
	v2 =	vadd.f32 v2, v10  }
0xf9: {  	v39 =	vmovc v17;
	v16 =	vadd.f32 v59, v16;
	v17 =	vadd.f32 v60, v49;
	[tilespmem:s15+$0xA0] =	vst v9;
	v0 =	vmax.f32 v0, $0.0e+00  }
0xfa: {  	s10 =	sadd.s32 $0x4, s10;
	s11 =	sadd.s32 $0x200, s11;
	v40 =	vadd.f32 v58, v47;
	[tilespmem:s15+$0xB0] =	vst v0;
	v41 =	vadd.f32 v7, v2;
	s15 =	sadd.s32 $0x200, s15  }
0xfb: {  	_ =	swait.ge [sflag:s26], $0x2400  }
0xfc: {  	[sflag:s26] =	ssyncset.done $0x0  }
0xfd: {  	s15 =	simm.s32 $0x0;
	[sflag:s26] =	ssyncadd.s32 $0xFFFFDC00  }
0xfe: {  	v2 =	vld [tilespmem:s15+$0x4400]  }
0xff: {  	v9 =	vld [tilespmem:s15+$0x4440]  }
0x100: {  	v10 =	vld [tilespmem:s15+$0x4410]  }
0x101: {  	v11 =	vld [tilespmem:s15+$0x4450]  }
0x102: {  	v6 =	vld [tilespmem:s15+$0x4420]  }
0x103: {  	v8 =	vld [tilespmem:s15+$0x4460]  }
0x104: {  	s10 =	simm.s32 $0x80;
	v0 =	vld [tilespmem:s15+$0x4430]  }
0x105: {  	s11 =	sand.u32 $0xF8, s10;
	[tilespmem:$0x1FD60] =	vst v40;
	v7 =	vld [tilespmem:s15+$0x4470]  }
0x106: {  	[tilespmem:$0x1FD70] =	vst v41;
	v14 =	vld [tilespmem:s11+$0x200]  }
0x107: {  	[tilespmem:$0x1FD80] =	vst v17;
	v12 =	vld [tilespmem:s15+$0x4480]  }
0x108: {  	v29 =	vmov v33;
	[tilespmem:$0x1FD90] =	vst v16;
	v13 =	vld [tilespmem:s15+$0x44C0];
	s11 =	simm.s32 $0x800  }
.LBB2_5:
0x109: {  	v15 =	vld [tilespmem:s15+$0x4490]  }
0x10a: {  	v46 =	vld [tilespmem:s15+$0x44D0]  }
0x10b: {  	v49 =	vld [tilespmem:s15+$0x44E0]  }
0x10c: {  	v5 =	vld [tilespmem:$0x1FFF0]  }
0x10d: {  	v4 =	vld [tilespmem:$0x1FFD0]  }
0x10e: {  	v1 =	vld [tilespmem:$0x1FFE0]  }
0x10f: {  	v43 =	vld [tilespmem:$0x1FEE0]  }
0x110: {  	s12 =	sand.u32 $0x4, s10;
	v34 =	vld [tilespmem:$0x1FF00]  }
0x111: {  	v40 =	vld [tilespmem:s15+$0x45C0];
	v16 =	vadd.s32 s12, v19  }
0x112: {  	v41 =	vld [tilespmem:s15+$0x4590];
	v14 =	vperm.xlane v14, v16  }
0x113: {  	v37 =	vld [tilespmem:$0x1FF60]  }
0x114: {  	v36 =	vld [tilespmem:$0x1FF50];
	v45 =	vperm.xlane v14, v20  }
0x115: {  	v33 =	vld [tilespmem:$0x1FF70];
	v48 =	vperm.xlane v14, v22  }
0x116: {  	v16 =	vld [tilespmem:s15+$0x44A0];
	vm1 =	veq.s32 v45, $0x0  }
0x117: {  	vm2 =	veq.s32 v48, $0x0;
	v60 =	vsel vm1, v0, v7;
	v7 =	vld [tilespmem:$0x1FED0]  }
0x118: {  	v2 =	vsel vm1, v2, v9;
	v54 =	vsel vm2, v15, v46;
	v15 =	vld [tilespmem:s15+$0x4510]  }
0x119: {  	v13 =	vsel vm2, v12, v13;
	v56 =	vsel vm1, v6, v8;
	v6 =	vld [tilespmem:s15+$0x4550];
	v3 =	vperm.xlane v2, v5  }
0x11a: {  	v53 =	vsel vm1, v10, v11;
	v0 =	vld [tilespmem:s15+$0x4560];
	v17 =	vperm.xlane v2, v4;
	v11 =	vperm.xlane v13, v1  }
0x11b: {  	v18 =	vperm.xlane v2, v1;
	v10 =	vperm.xlane v2, v29;
	v2 =	vld [tilespmem:s15+$0x4520]  }
0x11c: {  	v47 =	vperm.xlane v14, v24;
	v46 =	vmul.f32 v11, v7;
	v7 =	vld [tilespmem:$0x1FF40]  }
0x11d: {  	v52 =	vperm.xlane v14, v25;
	v14 =	vld [tilespmem:s15+$0x4500]  }
0x11e: {  	vm0 =	veq.s32 v47, $0x0;
	v9 =	vld [tilespmem:s15+$0x4540]  }
0x11f: {  	v12 =	vperm.xlane v13, v29;
	v22 =	vsel vm0, v15, v6;
	v6 =	vld [tilespmem:$0x1FDD0]  }
0x120: {  	v32 =	vld [tilespmem:s15+$0x45F0];
	v8 =	vperm.xlane v13, v4;
	v44 =	vmul.f32 v18, v63  }
0x121: {  	v55 =	vmul.f32 v10, v61;
	v26 =	vsel vm0, v2, v0;
	v0 =	vld [tilespmem:$0x1FF30];
	v57 =	vmul.f32 v12, v7  }
0x122: {  	v45 =	vld [tilespmem:s15+$0x4530];
	v58 =	vsel vm2, v16, v49;
	v59 =	vmul.f32 v17, v62;
	v47 =	vmul.f32 v8, v43  }
0x123: {  	[tilespmem:$0x1FC70] =	vst v10;
	v10 =	vsel vm0, v14, v9;
	v14 =	vld [tilespmem:s15+$0x4570];
	v9 =	vperm.xlane v13, v5;
	v15 =	vadd.f32 v57, v46  }
0x124: {  	[tilespmem:$0x1FC60] =	vst v18;
	v18 =	vld [tilespmem:s15+$0x45A0];
	v13 =	vadd.f32 v55, v44;
	v49 =	vmul.f32 v3, v6;
	v6 =	vperm.xlane v53, v1  }
0x125: {  	[tilespmem:$0x1FC90] =	vst v3;
	v35 =	vmul.f32 v9, v34;
	v3 =	vperm.xlane v53, v29;
	v15 =	vadd.f32 v47, v15;
	v47 =	vld [tilespmem:s15+$0x45E0]  }
0x126: {  	v2 =	vadd.f32 v59, v13;
	v59 =	vld [tilespmem:s15+$0x4580];
	v42 =	vmul.f32 v6, v0  }
0x127: {  	[tilespmem:$0x1FCB0] =	vst v3;
	v44 =	vmul.f32 v3, v37;
	v3 =	vperm.xlane v53, v4;
	v15 =	vadd.f32 v35, v15;
	v35 =	vld [tilespmem:$0x1FEF0]  }
0x128: {  	vm15 =	veq.s32 v52, $0x0;
	v39 =	vsel vm0, v45, v14;
	v2 =	vadd.f32 v49, v2;
	v0 =	vld [tilespmem:$0x1FF80]  }
0x129: {  	v48 =	vld [tilespmem:$0x1FEA0];
	v14 =	vperm.xlane v54, v29;
	v57 =	vadd.f32 v44, v42;
	v20 =	vmul.f32 v3, v33  }
0x12a: {  	[tilespmem:$0x1FC80] =	vst v17;
	v13 =	vperm.xlane v54, v1;
	v2 =	vadd.f32 v15, v2;
	v62 =	vsel vm15, v18, v47;
	v47 =	vld [tilespmem:$0x1FF90]  }
0x12b: {  	v45 =	vld [tilespmem:s15+$0x45D0];
	[tilespmem:$0x1FCA0] =	vst v6;
	v17 =	vmul.f32 v14, v36;
	v6 =	vperm.xlane v53, v5;
	v20 =	vadd.f32 v20, v57  }
0x12c: {  	v57 =	vld [tilespmem:$0x1FDF0];
	v15 =	vperm.xlane v54, v4;
	v19 =	vmax.f32 v2, $0.0e+00;
	v46 =	vmul.f32 v13, v35  }
0x12d: {  	v31 =	vsel vm15, v59, v40;
	v59 =	vld [tilespmem:s15+$0x45B0];
	[tilespmem:s15+$0x10C80] =	vst v19;
	v19 =	vmul.f32 v6, v0;
	v0 =	vperm.xlane v56, v1  }
0x12e: {  	v38 =	vperm.xlane v54, v5;
	v40 =	vld [tilespmem:$0x1FE10]  }
0x12f: {  	v21 =	vmul.f32 v15, v48;
	v17 =	vadd.f32 v17, v46;
	[tilespmem:$0x1FCE0] =	vst v0;
	v23 =	vmul.f32 v0, v47;
	v0 =	vld [tilespmem:$0x1FFA0]  }
0x130: {  	v49 =	vld [tilespmem:$0x1FE00];
	v63 =	vsel vm15, v41, v45;
	v18 =	vadd.f32 v19, v20  }
0x131: {  	v41 =	vld [tilespmem:$0x1FFB0];
	v20 =	vperm.xlane v58, v29;
	v17 =	vadd.f32 v21, v17;
	v21 =	vmul.f32 v38, v57  }
0x132: {  	v42 =	vld [tilespmem:$0x1FFC0];
	v2 =	vperm.xlane v56, v29  }
0x133: {  	v54 =	vld [tilespmem:$0x1FE20];
	v19 =	vperm.xlane v58, v1;
	v25 =	vmul.f32 v20, v40;
	v17 =	vadd.f32 v21, v17  }
0x134: {  	v61 =	vsel vm15, v59, v32;
	v24 =	vmul.f32 v2, v0;
	v0 =	vperm.xlane v56, v4  }
0x135: {  	v46 =	vld [tilespmem:$0x1FE90];
	v21 =	vmul.f32 v19, v49;
	v17 =	vadd.f32 v17, v18;
	v18 =	vperm.xlane v58, v4  }
0x136: {  	[tilespmem:$0x1FCF0] =	vst v2;
	v2 =	vperm.xlane v56, v5;
	v23 =	vadd.f32 v24, v23;
	v24 =	vmul.f32 v0, v41  }
0x137: {  	v32 =	vperm.xlane v58, v5;
	v59 =	vld [tilespmem:$0x1FEC0];
	v21 =	vadd.f32 v25, v21;
	v17 =	vmax.f32 v17, $0.0e+00  }
0x138: {  	v58 =	vld [tilespmem:$0x1FF20];
	v25 =	vmul.f32 v18, v54;
	v55 =	vmul.f32 v2, v42;
	[tilespmem:s15+$0x10C90] =	vst v17;
	v17 =	vadd.f32 v24, v23  }
0x139: {  	[tilespmem:$0x1FD10] =	vst v2;
	v2 =	vperm.xlane v60, v29  }
0x13a: {  	v21 =	vadd.f32 v25, v21;
	v23 =	vmul.f32 v32, v46;
	v17 =	vadd.f32 v55, v17;
	v55 =	vld [tilespmem:$0x1FF10]  }
0x13b: {  	[tilespmem:$0x1FD00] =	vst v0;
	v0 =	vperm.xlane v60, v1  }
0x13c: {  	v56 =	vld [tilespmem:$0x1FDE0];
	v28 =	vmul.f32 v2, v59;
	v21 =	vadd.f32 v23, v21  }
0x13d: {  	[tilespmem:$0x1FD30] =	vst v2;
	v2 =	vperm.xlane v60, v4;
	v27 =	vmul.f32 v0, v58  }
0x13e: {  	v17 =	vadd.f32 v21, v17  }
0x13f: {  	[tilespmem:$0x1FCC0] =	vst v3;
	v3 =	vperm.xlane v60, v5;
	v27 =	vadd.f32 v28, v27;
	v28 =	vmul.f32 v2, v55  }
0x140: {  	v50 =	vld [tilespmem:s15+$0x44B0];
	v17 =	vmax.f32 v17, $0.0e+00  }
0x141: {  	v51 =	vld [tilespmem:s15+$0x44F0];
	v30 =	vmul.f32 v3, v56;
	[tilespmem:s15+$0x10CA0] =	vst v17;
	v17 =	vadd.f32 v28, v27;
	_ =	sdelay $0x1  }
0x142: {  	v17 =	vadd.f32 v30, v17;
	v30 =	vld [tilespmem:$0x1FE80];
	_ =	sdelay $0x1  }
0x143: {  	v52 =	vld [tilespmem:$0x1FEB0]  }
0x144: {  	v16 =	vsel vm2, v50, v51;
	v51 =	vld [tilespmem:$0x1FE70]  }
0x145: {  	v45 =	vld [tilespmem:$0x1FE30]  }
0x146: {  	v24 =	vperm.xlane v16, v1;
	v11 =	vmul.f32 v11, v30;
	v30 =	vld [tilespmem:$0x1FE50]  }
0x147: {  	[tilespmem:$0x1FD50] =	vst v3;
	v25 =	vperm.xlane v16, v29;
	v3 =	vld [tilespmem:$0x1FF30]  }
0x148: {  	v23 =	vmul.f32 v24, v52  }
0x149: {  	[tilespmem:$0x1FD20] =	vst v0;
	v0 =	vmov v29;
	v29 =	vmul.f32 v25, v51;
	v21 =	vperm.xlane v16, v4  }
0x14a: {  	v44 =	vld [tilespmem:$0x1FE40]  }
0x14b: {  	[tilespmem:$0x1FCD0] =	vst v6;
	v6 =	vld [tilespmem:$0x1FDD0];
	v23 =	vadd.f32 v29, v23;
	v29 =	vmul.f32 v21, v45;
	v12 =	vmul.f32 v12, v30  }
0x14c: {  	v14 =	vmul.f32 v14, v37;
	[tilespmem:$0x1FD40] =	vst v2;
	v13 =	vmul.f32 v13, v3;
	v2 =	vld [tilespmem:$0x1FED0]  }
0x14d: {  	v16 =	vperm.xlane v16, v5;
	v23 =	vadd.f32 v29, v23;
	v11 =	vadd.f32 v12, v11;
	v12 =	vld [tilespmem:$0x1FE60]  }
0x14e: {  	v29 =	vperm.xlane v10, v0;
	v13 =	vadd.f32 v14, v13;
	v14 =	vmul.f32 v15, v33;
	v15 =	vld [tilespmem:$0x1FF80]  }
0x14f: {  	v27 =	vperm.xlane v10, v1;
	v28 =	vmul.f32 v16, v44  }
0x150: {  	v9 =	vmul.f32 v9, v6  }
0x151: {  	v23 =	vadd.f32 v28, v23;
	v28 =	vmul.f32 v27, v2;
	v30 =	vmul.f32 v29, v7  }
0x152: {  	v13 =	vadd.f32 v14, v13;
	v8 =	vmul.f32 v8, v12;
	v12 =	vperm.xlane v10, v4  }
0x153: {  	v17 =	vadd.f32 v23, v17;
	v14 =	vmul.f32 v38, v15;
	v10 =	vperm.xlane v10, v5  }
0x154: {  	v23 =	vadd.f32 v30, v28;
	v8 =	vadd.f32 v8, v11;
	v11 =	vmul.f32 v12, v43  }
0x155: {  	v17 =	vmax.f32 v17, $0.0e+00;
	v30 =	vperm.xlane v22, v1;
	v28 =	vmul.f32 v10, v34  }
0x156: {  	v8 =	vadd.f32 v9, v8;
	v9 =	vadd.f32 v11, v23;
	v11 =	vperm.xlane v22, v0  }
0x157: {  	v13 =	vadd.f32 v14, v13;
	[tilespmem:s15+$0x10CB0] =	vst v17;
	v17 =	vmul.f32 v30, v35  }
0x158: {  	v14 =	vld [tilespmem:$0x1FFA0];
	v9 =	vadd.f32 v28, v9;
	v23 =	vmul.f32 v11, v36;
	v28 =	vperm.xlane v22, v4  }
0x159: {  	v53 =	vmov v37;
	v37 =	vperm.xlane v22, v5  }
0x15a: {  	v8 =	vadd.f32 v9, v8;
	v9 =	vadd.f32 v23, v17;
	v17 =	vmul.f32 v28, v48  }
0x15b: {  	v50 =	vmovc v7;
	v7 =	vmov v43;
	v43 =	vperm.xlane v26, v1;
	v22 =	vmul.f32 v37, v57  }
0x15c: {  	v23 =	vperm.xlane v26, v0;
	v8 =	vmax.f32 v8, $0.0e+00;
	v9 =	vadd.f32 v17, v9  }
0x15d: {  	v17 =	vmul.f32 v20, v14;
	[tilespmem:s15+$0x10D00] =	vst v8;
	v8 =	vmul.f32 v19, v47  }
0x15e: {  	v20 =	vmul.f32 v23, v40;
	v19 =	vmul.f32 v43, v49;
	v9 =	vadd.f32 v22, v9  }
0x15f: {  	v8 =	vadd.f32 v17, v8;
	v17 =	vmul.f32 v18, v41;
	v18 =	vperm.xlane v26, v4  }
0x160: {  	v22 =	vperm.xlane v26, v5;
	v9 =	vadd.f32 v9, v13;
	v13 =	vadd.f32 v20, v19  }
0x161: {  	v8 =	vadd.f32 v17, v8;
	v17 =	vmul.f32 v32, v42;
	v19 =	vmul.f32 v18, v54  }
0x162: {  	v38 =	vperm.xlane v39, v1;
	v20 =	vmul.f32 v22, v46;
	v9 =	vmax.f32 v9, $0.0e+00  }
0x163: {  	v8 =	vadd.f32 v17, v8;
	v13 =	vadd.f32 v19, v13;
	v17 =	vperm.xlane v39, v0  }
0x164: {  	[tilespmem:s15+$0x10D10] =	vst v9;
	v9 =	vmul.f32 v24, v58;
	v19 =	vmul.f32 v25, v59  }
0x165: {  	v13 =	vadd.f32 v20, v13;
	v20 =	vmul.f32 v38, v52;
	v24 =	vmul.f32 v17, v51  }
0x166: {  	v9 =	vadd.f32 v19, v9;
	v19 =	vmul.f32 v21, v55;
	v21 =	vperm.xlane v39, v4  }
0x167: {  	v8 =	vadd.f32 v13, v8  }
0x168: {  	v13 =	vadd.f32 v24, v20;
	v9 =	vadd.f32 v19, v9;
	v19 =	vmul.f32 v21, v45;
	_ =	sdelay $0x1  }
0x169: {  	v8 =	vmax.f32 v8, $0.0e+00;
	v13 =	vadd.f32 v19, v13;
	v19 =	vld [tilespmem:$0x1FE50]  }
0x16a: {  	[tilespmem:s15+$0x10D20] =	vst v8;
	v8 =	vld [tilespmem:$0x1FE80];
	_ =	sdelay $0x3  }
0x16b: {  	v32 =	vperm.xlane v39, v5  }
0x16c: {  	v19 =	vmul.f32 v29, v19;
	v8 =	vmul.f32 v27, v8;
	_ =	sdelay $0x1  }
0x16d: {  	v16 =	vmul.f32 v16, v56;
	v20 =	vmul.f32 v32, v44;
	v8 =	vadd.f32 v19, v8;
	v19 =	vld [tilespmem:$0x1FE60]  }
0x16e: {  	v24 =	vperm.xlane v31, v1  }
0x16f: {  	v9 =	vadd.f32 v16, v9;
	v16 =	vperm.xlane v31, v0;
	v13 =	vadd.f32 v20, v13;
	_ =	sdelay $0x1  }
0x170: {  	v20 =	vmul.f32 v24, v2;
	v25 =	vmul.f32 v16, v50;
	v9 =	vadd.f32 v13, v9  }
0x171: {  	v12 =	vmul.f32 v12, v19;
	v19 =	vperm.xlane v31, v4  }
0x172: {  	v10 =	vmul.f32 v10, v6;
	v13 =	vadd.f32 v25, v20;
	v9 =	vmax.f32 v9, $0.0e+00  }
0x173: {  	v31 =	vperm.xlane v31, v5;
	v8 =	vadd.f32 v12, v8;
	v12 =	vmul.f32 v19, v7  }
0x174: {  	v11 =	vmul.f32 v11, v53;
	[tilespmem:s15+$0x10D30] =	vst v9;
	v9 =	vmul.f32 v30, v3  }
0x175: {  	v20 =	vmul.f32 v31, v34;
	v8 =	vadd.f32 v10, v8;
	v10 =	vadd.f32 v12, v13  }
0x176: {  	v25 =	vperm.xlane v63, v1;
	v9 =	vadd.f32 v11, v9;
	v12 =	vperm.xlane v63, v0  }
0x177: {  	v11 =	vmul.f32 v28, v33;
	v28 =	vperm.xlane v63, v4;
	v10 =	vadd.f32 v20, v10  }
0x178: {  	v13 =	vmul.f32 v25, v35;
	v20 =	vmul.f32 v12, v36  }
0x179: {  	v39 =	vmovc v7;
	v9 =	vadd.f32 v11, v9;
	v7 =	vmul.f32 v37, v15;
	v8 =	vadd.f32 v10, v8  }
0x17a: {  	v11 =	vmul.f32 v28, v48;
	v10 =	vperm.xlane v63, v5;
	v13 =	vadd.f32 v20, v13  }
0x17b: {  	v26 =	vperm.xlane v62, v1;
	v7 =	vadd.f32 v7, v9;
	v8 =	vmax.f32 v8, $0.0e+00  }
0x17c: {  	v20 =	vmul.f32 v10, v57;
	v9 =	vadd.f32 v11, v13;
	v11 =	vperm.xlane v62, v0  }
0x17d: {  	v60 =	vmov v49;
	v13 =	vmul.f32 v23, v14;
	[tilespmem:s15+$0x10D80] =	vst v8;
	v8 =	vmul.f32 v43, v47  }
0x17e: {  	v43 =	vmovc v14;
	v14 =	vmul.f32 v26, v60;
	v9 =	vadd.f32 v20, v9;
	v20 =	vmul.f32 v11, v40  }
0x17f: {  	v27 =	vmovc v50;
	v8 =	vadd.f32 v13, v8;
	v13 =	vmul.f32 v18, v41;
	v18 =	vperm.xlane v62, v4  }
0x180: {  	v50 =	vmovc v6;
	v6 =	vmul.f32 v22, v42;
	v7 =	vadd.f32 v9, v7;
	v9 =	vperm.xlane v62, v5  }
0x181: {  	v14 =	vadd.f32 v20, v14;
	v8 =	vadd.f32 v13, v8;
	v13 =	vmul.f32 v18, v54  }
0x182: {  	v23 =	vperm.xlane v61, v1;
	v1 =	vld [tilespmem:$0x1FC60];
	v20 =	vmul.f32 v9, v46  }
0x183: {  	v6 =	vadd.f32 v6, v8;
	v8 =	vadd.f32 v13, v14;
	v13 =	vperm.xlane v61, v0  }
0x184: {  	v14 =	vmul.f32 v17, v59  }
0x185: {  	v17 =	vmul.f32 v23, v52;
	v8 =	vadd.f32 v20, v8;
	v20 =	vmul.f32 v13, v51;
	_ =	sdelay $0x1  }
0x186: {  	v17 =	vadd.f32 v20, v17;
	v20 =	vmul.f32 v1, v2;
	v1 =	vld [tilespmem:$0x1FC70];
	_ =	sdelay $0x4  }
0x187: {  	v27 =	vmul.f32 v1, v27;
	v1 =	vld [tilespmem:$0x1FC80];
	_ =	sdelay $0x1  }
0x188: {  	v6 =	vadd.f32 v8, v6  }
0x189: {  	v7 =	vmax.f32 v7, $0.0e+00  }
0x18a: {  	[tilespmem:s15+$0x10D90] =	vst v7;
	v7 =	vmul.f32 v38, v58;
	v6 =	vmax.f32 v6, $0.0e+00  }
0x18b: {  	[tilespmem:s15+$0x10DA0] =	vst v6;
	v6 =	vmul.f32 v1, v39;
	v1 =	vld [tilespmem:$0x1FC90]  }
0x18c: {  	v7 =	vadd.f32 v14, v7;
	v14 =	vmul.f32 v21, v55;
	v21 =	vperm.xlane v61, v4;
	_ =	sdelay $0x1  }
0x18d: {  	v29 =	vmovc v0;
	v0 =	vmul.f32 v32, v56;
	v7 =	vadd.f32 v14, v7;
	v14 =	vmul.f32 v21, v45  }
0x18e: {  	v8 =	vperm.xlane v61, v5  }
0x18f: {  	v0 =	vadd.f32 v0, v7;
	v7 =	vadd.f32 v14, v17;
	v14 =	vmul.f32 v1, v34;
	v1 =	vld [tilespmem:$0x1FCA0]  }
0x190: {  	v22 =	vmul.f32 v8, v44;
	_ =	sdelay $0x1  }
0x191: {  	v7 =	vadd.f32 v22, v7  }
0x192: {  	v49 =	vmov v3;
	v3 =	vmov v35  }
0x193: {  	v0 =	vadd.f32 v7, v0;
	v7 =	vmul.f32 v1, v3;
	v1 =	vld [tilespmem:$0x1FCB0];
	_ =	sdelay $0x2  }
0x194: {  	v63 =	vld [tilespmem:$0x1FE80];
	v17 =	vadd.f32 v27, v20  }
0x195: {  	v61 =	vld [tilespmem:$0x1FE50]  }
0x196: {  	v6 =	vadd.f32 v6, v17;
	v17 =	vmul.f32 v1, v36;
	v1 =	vld [tilespmem:$0x1FCC0]  }
0x197: {  	v62 =	vld [tilespmem:$0x1FE60];
	_ =	sdelay $0x2  }
0x198: {  	v16 =	vmul.f32 v16, v61;
	v20 =	vmul.f32 v24, v63  }
0x199: {  	v6 =	vadd.f32 v14, v6;
	v14 =	vmul.f32 v1, v48;
	v1 =	vld [tilespmem:$0x1FCD0]  }
0x19a: {  	v19 =	vmul.f32 v19, v62;
	v16 =	vadd.f32 v16, v20;
	_ =	sdelay $0x1  }
0x19b: {  	v2 =	vmul.f32 v31, v50;
	v16 =	vadd.f32 v19, v16  }
0x19c: {  	v0 =	vmax.f32 v0, $0.0e+00  }
0x19d: {  	[tilespmem:s15+$0x10DB0] =	vst v0;
	v0 =	vld [tilespmem:$0x1FD60];
	v7 =	vadd.f32 v17, v7;
	v17 =	vmul.f32 v1, v57;
	v1 =	vadd.f32 v2, v16;
	_ =	sdelay $0x1  }
0x19e: {  	[tilespmem:$0x1FD60] =	vst v1;
	v1 =	vld [tilespmem:$0x1FCE0];
	_ =	sdelay $0x2  }
0x19f: {  	v12 =	vmul.f32 v12, v53;
	v0 =	vadd.f32 v6, v0;
	v6 =	vmul.f32 v25, v49;
	_ =	sdelay $0x1  }
0x1a0: {  	v6 =	vadd.f32 v12, v6;
	v12 =	vmul.f32 v1, v60;
	v1 =	vld [tilespmem:$0x1FCF0];
	_ =	sdelay $0x4  }
0x1a1: {  	v7 =	vadd.f32 v14, v7;
	v14 =	vmul.f32 v1, v40;
	v1 =	vld [tilespmem:$0x1FD10];
	_ =	sdelay $0x4  }
0x1a2: {  	v10 =	vmul.f32 v10, v15;
	v15 =	vmul.f32 v1, v46;
	v1 =	vld [tilespmem:$0x1FD90]  }
0x1a3: {  	v2 =	vmul.f32 v28, v33;
	_ =	sdelay $0x1  }
0x1a4: {  	v7 =	vadd.f32 v17, v7;
	v2 =	vadd.f32 v2, v6  }
0x1a5: {  	v0 =	vmax.f32 v0, $0.0e+00  }
0x1a6: {  	[tilespmem:s15+$0x10C00] =	vst v0;
	v0 =	vld [tilespmem:$0x1FD00];
	v6 =	vadd.f32 v7, v1;
	v1 =	vadd.f32 v10, v2;
	_ =	sdelay $0x1  }
0x1a7: {  	[tilespmem:$0x1FD90] =	vst v1;
	v1 =	vld [tilespmem:$0x1FD20];
	_ =	sdelay $0x2  }
0x1a8: {  	v0 =	vmul.f32 v0, v54;
	v7 =	vadd.f32 v14, v12;
	_ =	sdelay $0x1  }
0x1a9: {  	v0 =	vadd.f32 v0, v7;
	v7 =	vmul.f32 v9, v42;
	v9 =	vmul.f32 v1, v52;
	v1 =	vld [tilespmem:$0x1FD30];
	_ =	sdelay $0x4  }
0x1aa: {  	v2 =	vmul.f32 v11, v43;
	v11 =	vmul.f32 v1, v51;
	v1 =	vld [tilespmem:$0x1FD40];
	_ =	sdelay $0x3  }
0x1ab: {  	v6 =	vmax.f32 v6, $0.0e+00  }
0x1ac: {  	[tilespmem:s15+$0x10C10] =	vst v6;
	v6 =	vmul.f32 v1, v45;
	v1 =	vld [tilespmem:$0x1FD50];
	_ =	sdelay $0x2  }
0x1ad: {  	v12 =	vmul.f32 v26, v47;
	_ =	sdelay $0x1  }
0x1ae: {  	v2 =	vadd.f32 v2, v12;
	v12 =	vmul.f32 v1, v44;
	v1 =	vld [tilespmem:$0x1FD80]  }
0x1af: {  	v10 =	vmul.f32 v18, v41;
	_ =	sdelay $0x1  }
0x1b0: {  	v0 =	vadd.f32 v15, v0;
	v10 =	vadd.f32 v10, v2;
	_ =	sdelay $0x1  }
0x1b1: {  	v0 =	vadd.f32 v0, v1;
	v1 =	vadd.f32 v7, v10  }
0x1b2: {  	v13 =	vmul.f32 v13, v59;
	v9 =	vadd.f32 v11, v9;
	v11 =	vmul.f32 v23, v58  }
0x1b3: {  	s12 =	sshra.s32 s11, $0x2;
	v14 =	vmul.f32 v21, v55;
	[tilespmem:$0x1FD80] =	vst v1;
	v1 =	vld [tilespmem:$0x1FD70]  }
0x1b4: {  	v2 =	vld [tilespmem:s12+$0x4400];
	v6 =	vadd.f32 v6, v9;
	v7 =	vmul.f32 v8, v56;
	v8 =	vadd.f32 v13, v11  }
0x1b5: {  	v9 =	vld [tilespmem:s12+$0x4440];
	v0 =	vmax.f32 v0, $0.0e+00  }
0x1b6: {  	v12 =	vadd.f32 v12, v6;
	v10 =	vld [tilespmem:s12+$0x4410];
	[tilespmem:s15+$0x10C20] =	vst v0;
	v0 =	vadd.f32 v14, v8  }
0x1b7: {  	v11 =	vld [tilespmem:s12+$0x4450]  }
0x1b8: {  	v6 =	vld [tilespmem:s12+$0x4420];
	v0 =	vadd.f32 v7, v0;
	v12 =	vadd.f32 v12, v1  }
0x1b9: {  	p1 =	sne.s32 s11, $0x8800;
	v8 =	vld [tilespmem:s12+$0x4460]  }
.Ltmp1:
0x1ba: {  	s10 =	sadd.s32 $0x4, s10;
	v7 =	vld [tilespmem:s12+$0x4470];
	[tilespmem:$0x1FD70] =	vst v0;
	v12 =	vmax.f32 v12, $0.0e+00;
	(pc) =	sbr.rel @p1 .LBB2_5-.Ltmp1, $4  }
0x1bb: {  	s2 =	sand.u32 $0xF8, s10;
	v0 =	vld [tilespmem:s12+$0x4430];
	[tilespmem:s15+$0x10C30] =	vst v12  }
0x1bc: {  	s15 =	smov.u32 s12;
	v14 =	vld [tilespmem:s2+$0x200]  }
0x1bd: {  	v22 =	vimm.s32 $0x1;
	v24 =	vimm.s32 $0x2;
	v12 =	vld [tilespmem:s15+$0x4480]  }
0x1be: {  	s11 =	sadd.s32 $0x800, s11;
	v20 =	vimm.s32 $0x0;
	v19 =	vlaneseq.u32;
	v25 =	vimm.s32 $0x3;
	v13 =	vld [tilespmem:s15+$0x44C0]  }
0x1bf: {  	v15 =	vld [tilespmem:s15+$0x4490]  }
0x1c0: {  	v17 =	vld [tilespmem:s15+$0x44D0]  }
0x1c1: {  	v18 =	vld [tilespmem:s15+$0x44E0]  }
0x1c2: {  	v23 =	vld [tilespmem:s15+$0x44F0]  }
0x1c3: {  	v56 =	vld [tilespmem:s15+$0x4540]  }
0x1c4: {  	v5 =	vld [tilespmem:$0x1FFF0]  }
0x1c5: {  	v4 =	vld [tilespmem:$0x1FFD0]  }
0x1c6: {  	v1 =	vld [tilespmem:$0x1FFE0]  }
0x1c7: {  	v59 =	vld [tilespmem:s15+$0x4560]  }
0x1c8: {  	v48 =	vld [tilespmem:$0x1FED0]  }
0x1c9: {  	v36 =	vld [tilespmem:$0x1FF40]  }
0x1ca: {  	v60 =	vld [tilespmem:s15+$0x4570]  }
0x1cb: {  	v38 =	vld [tilespmem:$0x1FEE0]  }
0x1cc: {  	v53 =	vld [tilespmem:$0x1FDD0]  }
0x1cd: {  	v46 =	vld [tilespmem:$0x1FF30]  }
0x1ce: {  	s2 =	sand.u32 $0x4, s10;
	v37 =	vld [tilespmem:$0x1FEF0]  }
0x1cf: {  	v30 =	vld [tilespmem:s15+$0x45E0];
	v16 =	vadd.s32 s2, v19  }
0x1d0: {  	v55 =	vld [tilespmem:$0x1FF70];
	v14 =	vperm.xlane v14, v16  }
0x1d1: {  	v50 =	vld [tilespmem:$0x1FEA0]  }
0x1d2: {  	v47 =	vld [tilespmem:$0x1FDF0];
	v19 =	vperm.xlane v14, v20  }
0x1d3: {  	v39 =	vld [tilespmem:$0x1FF90];
	v21 =	vperm.xlane v14, v24;
	v22 =	vperm.xlane v14, v22  }
0x1d4: {  	v16 =	vld [tilespmem:s15+$0x44A0];
	v14 =	vperm.xlane v14, v25;
	vm1 =	veq.s32 v19, $0x0  }
0x1d5: {  	v40 =	vld [tilespmem:$0x1FFA0];
	vm0 =	veq.s32 v21, $0x0;
	vm2 =	veq.s32 v22, $0x0;
	v2 =	vsel vm1, v2, v9  }
0x1d6: {  	v20 =	vld [tilespmem:s15+$0x44B0];
	v57 =	vsel vm2, v12, v13;
	v28 =	vperm.xlane v2, v5;
	v26 =	vperm.xlane v2, v4  }
0x1d7: {  	v10 =	vsel vm1, v10, v11;
	v13 =	vld [tilespmem:s15+$0x4510];
	v41 =	vperm.xlane v57, v4;
	v3 =	vperm.xlane v2, v1  }
0x1d8: {  	v12 =	vsel vm2, v15, v17;
	v15 =	vld [tilespmem:s15+$0x4550];
	v58 =	vperm.xlane v2, v29;
	v17 =	vperm.xlane v57, v1  }
0x1d9: {  	v44 =	vld [tilespmem:$0x1FE10];
	v2 =	vsel vm2, v16, v18;
	v18 =	vperm.xlane v57, v29;
	v27 =	vperm.xlane v57, v5  }
0x1da: {  	v19 =	vld [tilespmem:s15+$0x4500];
	vm15 =	veq.s32 v14, $0x0;
	v33 =	vperm.xlane v10, v4;
	v34 =	vperm.xlane v12, v4  }
0x1db: {  	v6 =	vsel vm1, v6, v8;
	v16 =	vld [tilespmem:s15+$0x4520];
	v21 =	vmul.f32 v3, v63;
	v22 =	vmul.f32 v58, v61  }
0x1dc: {  	v0 =	vsel vm1, v0, v7;
	[tilespmem:$0x1FB10] =	vst v3;
	v24 =	vmul.f32 v17, v48;
	v25 =	vmul.f32 v18, v36;
	v3 =	vld [tilespmem:$0x1FF00]  }
0x1dd: {  	v20 =	vsel vm2, v20, v23;
	v23 =	vld [tilespmem:s15+$0x4530];
	[tilespmem:$0x1FB50] =	vst v26;
	v26 =	vmul.f32 v26, v62;
	v13 =	vsel vm0, v13, v15  }
0x1de: {  	v9 =	vld [tilespmem:$0x1FF50];
	v15 =	vadd.f32 v22, v21;
	v21 =	vadd.f32 v25, v24;
	v22 =	vmul.f32 v41, v38  }
0x1df: {  	v31 =	vperm.xlane v10, v5;
	v51 =	vperm.xlane v12, v5;
	v19 =	vsel vm0, v19, v56;
	v56 =	vld [tilespmem:$0x1FF80]  }
0x1e0: {  	v42 =	vperm.xlane v6, v5;
	v63 =	vadd.f32 v26, v15;
	v15 =	vadd.f32 v22, v21;
	v21 =	vld [tilespmem:s15+$0x4580]  }
0x1e1: {  	v24 =	vmul.f32 v28, v53;
	v11 =	vsel vm0, v16, v59;
	v16 =	vmul.f32 v27, v3;
	v3 =	vld [tilespmem:$0x1FF60]  }
0x1e2: {  	v62 =	vperm.xlane v10, v1;
	v52 =	vmul.f32 v34, v50;
	v32 =	vsel vm0, v23, v60;
	v23 =	vld [tilespmem:s15+$0x45C0]  }
0x1e3: {  	v14 =	vld [tilespmem:s15+$0x45D0];
	v22 =	vperm.xlane v12, v1;
	v7 =	vadd.f32 v24, v63;
	v15 =	vadd.f32 v16, v15  }
0x1e4: {  	v26 =	vperm.xlane v10, v29;
	v24 =	vld [tilespmem:s15+$0x4590];
	v16 =	vperm.xlane v12, v29  }
0x1e5: {  	v49 =	vld [tilespmem:$0x1FE20];
	[tilespmem:$0x1FB80] =	vst v28;
	v25 =	vmul.f32 v62, v46;
	v7 =	vadd.f32 v15, v7;
	v15 =	vmul.f32 v22, v37  }
0x1e6: {  	v35 =	vmovc v61;
	[tilespmem:$0x1FB40] =	vst v26;
	v28 =	vmul.f32 v16, v9;
	v26 =	vmul.f32 v26, v3;
	v3 =	vmov v29;
	v29 =	vld [tilespmem:s15+$0x45A0]  }
0x1e7: {  	[tilespmem:$0x1FB30] =	vst v62;
	v62 =	vperm.xlane v2, v5;
	v10 =	vsel vm15, v21, v23;
	v21 =	vld [tilespmem:s15+$0x45B0];
	v23 =	vmul.f32 v31, v56  }
0x1e8: {  	[tilespmem:$0x1FB90] =	vst v31;
	v31 =	vld [tilespmem:$0x1FE00];
	v15 =	vadd.f32 v28, v15;
	v28 =	vmul.f32 v33, v55;
	v25 =	vadd.f32 v26, v25  }
0x1e9: {  	[tilespmem:$0x1FB60] =	vst v33;
	v61 =	vsel vm15, v24, v14;
	v14 =	vld [tilespmem:s15+$0x45F0];
	v33 =	vperm.xlane v6, v1;
	v12 =	vperm.xlane v6, v3  }
0x1ea: {  	v15 =	vadd.f32 v52, v15;
	v52 =	vld [tilespmem:$0x1FFC0];
	v24 =	vadd.f32 v28, v25;
	v25 =	vmul.f32 v51, v47  }
0x1eb: {  	v54 =	vperm.xlane v0, v3;
	[tilespmem:$0x1FBD0] =	vst v33;
	v45 =	vsel vm15, v29, v30;
	v30 =	vmul.f32 v33, v39;
	v33 =	vld [tilespmem:$0x1FFB0]  }
0x1ec: {  	v28 =	vperm.xlane v2, v1;
	v39 =	vld [tilespmem:$0x1FF20];
	v15 =	vadd.f32 v25, v15;
	v25 =	vperm.xlane v2, v4  }
0x1ed: {  	v29 =	vperm.xlane v2, v3;
	v23 =	vadd.f32 v23, v24;
	v24 =	vmul.f32 v12, v40;
	v40 =	vld [tilespmem:$0x1FEC0]  }
0x1ee: {  	[tilespmem:$0x1FBE0] =	vst v12;
	v12 =	vperm.xlane v6, v4;
	v59 =	vsel vm15, v21, v14;
	v21 =	vmul.f32 v25, v49;
	v49 =	vld [tilespmem:$0x1FE90]  }
0x1ef: {  	[tilespmem:$0x1FB20] =	vst v58;
	v57 =	vmul.f32 v28, v31;
	v58 =	vmul.f32 v29, v44  }
0x1f0: {  	v26 =	vld [tilespmem:$0x1FF10];
	v2 =	vperm.xlane v0, v1;
	v43 =	vadd.f32 v24, v30;
	v14 =	vmul.f32 v12, v33  }
0x1f1: {  	[tilespmem:$0x1FC40] =	vst v42;
	v30 =	vmul.f32 v42, v52;
	v42 =	vld [tilespmem:$0x1FE70];
	v24 =	vadd.f32 v58, v57;
	v58 =	vperm.xlane v0, v4  }
0x1f2: {  	v57 =	vmul.f32 v2, v39;
	v60 =	vmul.f32 v54, v40;
	v6 =	vadd.f32 v14, v43;
	v43 =	vld [tilespmem:$0x1FEB0]  }
0x1f3: {  	[tilespmem:$0x1FC00] =	vst v2;
	v2 =	vadd.f32 v15, v23;
	v14 =	vadd.f32 v21, v24;
	v21 =	vmul.f32 v62, v49  }
0x1f4: {  	v60 =	vadd.f32 v60, v57;
	v57 =	vld [tilespmem:$0x1FE30];
	v6 =	vadd.f32 v30, v6;
	v30 =	vperm.xlane v20, v3  }
0x1f5: {  	[tilespmem:$0x1FC30] =	vst v58;
	v8 =	vmul.f32 v58, v26;
	v58 =	vld [tilespmem:$0x1FDE0];
	v24 =	vperm.xlane v20, v1;
	v21 =	vadd.f32 v21, v14  }
0x1f6: {  	[tilespmem:$0x1FC10] =	vst v54;
	v54 =	vld [tilespmem:$0x1FE40];
	v23 =	vmul.f32 v30, v42  }
0x1f7: {  	[tilespmem:$0x1FB70] =	vst v2;
	v14 =	vmul.f32 v24, v43;
	v2 =	vadd.f32 v21, v6;
	v21 =	vperm.xlane v20, v4  }
0x1f8: {  	v52 =	vld [tilespmem:$0x1FE80];
	v0 =	vperm.xlane v0, v5  }
0x1f9: {  	v20 =	vperm.xlane v20, v5;
	v14 =	vadd.f32 v23, v14;
	v23 =	vmul.f32 v21, v57  }
0x1fa: {  	v18 =	vmul.f32 v18, v35;
	[tilespmem:$0x1FC50] =	vst v0;
	v60 =	vadd.f32 v8, v60  }
0x1fb: {  	v0 =	vmul.f32 v0, v58;
	[tilespmem:$0x1FBA0] =	vst v2;
	v2 =	vmul.f32 v20, v54;
	v14 =	vadd.f32 v23, v14  }
0x1fc: {  	v63 =	vperm.xlane v19, v1;
	v23 =	vperm.xlane v19, v3  }
0x1fd: {  	v17 =	vmul.f32 v17, v52;
	v0 =	vadd.f32 v0, v60;
	v2 =	vadd.f32 v2, v14  }
0x1fe: {  	v52 =	vmovc v35;
	v35 =	vmul.f32 v63, v48;
	v6 =	vmovc v48;
	v48 =	vmov v36;
	v14 =	vmul.f32 v23, v36;
	v36 =	vld [tilespmem:$0x1FE60]  }
0x1ff: {  	v0 =	vadd.f32 v2, v0  }
0x200: {  	v8 =	vld [tilespmem:$0x1FF00]  }
0x201: {  	v22 =	vmul.f32 v22, v46;
	v7 =	vmax.f32 v7, $0.0e+00;
	[tilespmem:$0x1FBB0] =	vst v0;
	v0 =	vmul.f32 v27, v53;
	v27 =	vld [tilespmem:$0x1FF60]  }
0x202: {  	v15 =	vperm.xlane v19, v4;
	v60 =	vperm.xlane v13, v3  }
0x203: {  	[tilespmem:s15+$0x10C80] =	vst v7;
	v17 =	vadd.f32 v18, v17;
	v19 =	vperm.xlane v19, v5;
	v18 =	vmul.f32 v41, v36  }
0x204: {  	v7 =	vmovc v38;
	v2 =	vmul.f32 v15, v38;
	v38 =	vperm.xlane v13, v1;
	v14 =	vadd.f32 v14, v35  }
0x205: {  	v35 =	vperm.xlane v13, v4;
	v36 =	vperm.xlane v13, v5;
	v17 =	vadd.f32 v18, v17  }
0x206: {  	v2 =	vadd.f32 v2, v14;
	v18 =	vmul.f32 v19, v8;
	v16 =	vmul.f32 v16, v27  }
0x207: {  	v14 =	vmul.f32 v60, v9;
	v0 =	vadd.f32 v0, v17;
	v17 =	vmul.f32 v38, v37  }
0x208: {  	[tilespmem:$0x1FC20] =	vst v12;
	v2 =	vadd.f32 v18, v2;
	v18 =	vmul.f32 v36, v47;
	v16 =	vadd.f32 v16, v22  }
0x209: {  	v12 =	vmovc v47;
	v47 =	vld [tilespmem:$0x1FF90];
	v22 =	vmul.f32 v34, v55;
	v13 =	vadd.f32 v14, v17;
	v14 =	vmul.f32 v35, v50  }
0x20a: {  	v34 =	vld [tilespmem:$0x1FFA0]  }
0x20b: {  	v17 =	vmul.f32 v51, v56;
	v16 =	vadd.f32 v22, v16;
	v13 =	vadd.f32 v14, v13  }
0x20c: {  	v0 =	vadd.f32 v2, v0  }
0x20d: {  	v16 =	vadd.f32 v17, v16;
	v13 =	vadd.f32 v18, v13  }
0x20e: {  	v25 =	vmul.f32 v25, v33  }
0x20f: {  	[tilespmem:$0x1FBC0] =	vst v0;
	v0 =	vmul.f32 v28, v47;
	v2 =	vmul.f32 v29, v34;
	v13 =	vadd.f32 v13, v16  }
0x210: {  	v41 =	vmov v33;
	v33 =	vld [tilespmem:$0x1FFC0];
	v22 =	vperm.xlane v11, v1;
	v14 =	vperm.xlane v11, v3  }
0x211: {  	v0 =	vadd.f32 v2, v0;
	v2 =	vperm.xlane v11, v4;
	[tilespmem:$0x1FBF0] =	vst v13;
	v13 =	vperm.xlane v11, v5;
	v11 =	vld [tilespmem:$0x1FE20];
	_ =	sdelay $0x1  }
0x212: {  	v17 =	vmul.f32 v22, v31;
	v18 =	vmul.f32 v14, v44;
	_ =	sdelay $0x1  }
0x213: {  	v24 =	vmul.f32 v24, v39;
	v21 =	vmul.f32 v21, v26;
	v51 =	vmovc v31;
	v31 =	vld [tilespmem:$0x1FE80];
	v16 =	vadd.f32 v18, v17  }
0x214: {  	v17 =	vmul.f32 v62, v33;
	v0 =	vadd.f32 v25, v0;
	v18 =	vmul.f32 v2, v11  }
0x215: {  	v28 =	vperm.xlane v32, v1;
	v25 =	vmul.f32 v13, v49  }
0x216: {  	v0 =	vadd.f32 v17, v0;
	v17 =	vmul.f32 v30, v40;
	v16 =	vadd.f32 v18, v16  }
0x217: {  	v35 =	vmul.f32 v35, v55;
	v29 =	vmul.f32 v28, v43  }
0x218: {  	v62 =	vmul.f32 v63, v31;
	v17 =	vadd.f32 v17, v24;
	v16 =	vadd.f32 v25, v16  }
0x219: {  	v30 =	vperm.xlane v32, v4;
	v18 =	vperm.xlane v32, v3  }
0x21a: {  	v17 =	vadd.f32 v21, v17;
	v0 =	vadd.f32 v16, v0;
	v16 =	vmul.f32 v20, v58  }
0x21b: {  	v24 =	vperm.xlane v10, v1;
	v25 =	vmul.f32 v18, v42  }
0x21c: {  	v32 =	vperm.xlane v32, v5;
	v16 =	vadd.f32 v16, v17;
	v17 =	vmul.f32 v23, v52  }
0x21d: {  	v20 =	vmul.f32 v30, v57;
	v25 =	vadd.f32 v25, v29;
	v29 =	vperm.xlane v10, v3  }
0x21e: {  	v21 =	vmul.f32 v32, v54;
	v23 =	vmul.f32 v24, v6;
	v17 =	vadd.f32 v17, v62;
	v62 =	vld [tilespmem:$0x1FE60]  }
0x21f: {  	v20 =	vadd.f32 v20, v25;
	v24 =	vmul.f32 v29, v48;
	v25 =	vperm.xlane v10, v4  }
0x220: {  	v22 =	vmul.f32 v22, v47;
	v10 =	vperm.xlane v10, v5  }
0x221: {  	v20 =	vadd.f32 v21, v20;
	v21 =	vadd.f32 v24, v23;
	v23 =	vmul.f32 v25, v7  }
0x222: {  	v14 =	vmul.f32 v14, v34;
	v10 =	vmul.f32 v10, v8  }
0x223: {  	v52 =	vmovc v48;
	v24 =	vmul.f32 v60, v27;
	v21 =	vadd.f32 v23, v21;
	v48 =	vmul.f32 v15, v62  }
0x224: {  	v23 =	vperm.xlane v61, v3;
	v16 =	vadd.f32 v20, v16;
	v20 =	vmul.f32 v38, v46  }
0x225: {  	v31 =	vmovc v6;
	v6 =	vadd.f32 v48, v17;
	v17 =	vmul.f32 v19, v53;
	v19 =	vperm.xlane v61, v1  }
0x226: {  	v10 =	vadd.f32 v10, v21;
	v20 =	vadd.f32 v24, v20;
	v21 =	vperm.xlane v61, v4  }
0x227: {  	v6 =	vadd.f32 v17, v6;
	v17 =	vmul.f32 v19, v37;
	v19 =	vmul.f32 v23, v9  }
0x228: {  	v14 =	vadd.f32 v14, v22;
	v38 =	vperm.xlane v61, v5  }
0x229: {  	v25 =	vmovc v7;
	v21 =	vmul.f32 v21, v50;
	v7 =	vadd.f32 v35, v20;
	v17 =	vadd.f32 v19, v17  }
0x22a: {  	v20 =	vperm.xlane v45, v1;
	v6 =	vadd.f32 v10, v6;
	v19 =	vmul.f32 v36, v56  }
0x22b: {  	v10 =	vmul.f32 v38, v12;
	v17 =	vadd.f32 v21, v17;
	v21 =	vperm.xlane v45, v3  }
0x22c: {  	v2 =	vmul.f32 v2, v41;
	v7 =	vadd.f32 v19, v7;
	v19 =	vmul.f32 v20, v51  }
0x22d: {  	v20 =	vperm.xlane v45, v4;
	v10 =	vadd.f32 v10, v17;
	v17 =	vmul.f32 v21, v44  }
0x22e: {  	v2 =	vadd.f32 v2, v14;
	v14 =	vperm.xlane v59, v3;
	v46 =	vmul.f32 v13, v33  }
0x22f: {  	v38 =	vmovc v33;
	v33 =	vmov v11;
	v11 =	vmul.f32 v20, v11;
	v17 =	vadd.f32 v17, v19  }
0x230: {  	v45 =	vperm.xlane v45, v5;
	v19 =	vperm.xlane v59, v1;
	v1 =	vmov v3;
	v3 =	vld [tilespmem:$0x1FB10]  }
0x231: {  	v20 =	vmul.f32 v28, v39;
	v11 =	vadd.f32 v11, v17;
	v17 =	vmul.f32 v18, v40;
	_ =	sdelay $0x1  }
0x232: {  	v48 =	vmovc v8;
	v8 =	vmul.f32 v45, v49;
	v55 =	vadd.f32 v17, v20;
	v17 =	vmul.f32 v30, v26;
	_ =	sdelay $0x1  }
0x233: {  	v8 =	vadd.f32 v8, v11;
	v11 =	vadd.f32 v17, v55;
	v17 =	vmul.f32 v3, v31;
	v3 =	vld [tilespmem:$0x1FB20];
	_ =	sdelay $0x4  }
0x234: {  	v18 =	vmul.f32 v19, v43;
	v19 =	vmul.f32 v3, v52;
	v3 =	vld [tilespmem:$0x1FB30]  }
0x235: {  	v53 =	vmul.f32 v14, v42;
	v14 =	vperm.xlane v59, v4;
	_ =	sdelay $0x1  }
0x236: {  	v14 =	vmul.f32 v14, v57;
	v7 =	vadd.f32 v10, v7;
	v10 =	vadd.f32 v53, v18;
	_ =	sdelay $0x1  }
0x237: {  	v10 =	vadd.f32 v14, v10;
	v14 =	vmul.f32 v3, v37;
	v3 =	vld [tilespmem:$0x1FB40];
	_ =	sdelay $0x4  }
0x238: {  	v20 =	vmul.f32 v3, v9;
	v3 =	vld [tilespmem:$0x1FB50];
	_ =	sdelay $0x4  }
0x239: {  	v17 =	vadd.f32 v19, v17;
	v19 =	vmul.f32 v3, v25;
	v3 =	vld [tilespmem:$0x1FB60];
	_ =	sdelay $0x4  }
0x23a: {  	v14 =	vadd.f32 v20, v14;
	v20 =	vmul.f32 v3, v50;
	v3 =	vld [tilespmem:$0x1FB70];
	_ =	sdelay $0x4  }
0x23b: {  	v61 =	vmul.f32 v32, v58;
	v32 =	vadd.f32 v19, v17;
	v17 =	vmax.f32 v3, $0.0e+00;
	v3 =	vld [tilespmem:$0x1FB80]  }
0x23c: {  	v18 =	vperm.xlane v59, v5;
	_ =	sdelay $0x1  }
0x23d: {  	v18 =	vmul.f32 v18, v54;
	_ =	sdelay $0x1  }
0x23e: {  	v10 =	vadd.f32 v18, v10;
	v18 =	vmul.f32 v3, v48;
	v3 =	vld [tilespmem:$0x1FB90];
	_ =	sdelay $0x4  }
0x23f: {  	v19 =	vmul.f32 v3, v12;
	v3 =	vld [tilespmem:$0x1FBA0];
	_ =	sdelay $0x4  }
0x240: {  	v35 =	vmax.f32 v3, $0.0e+00;
	v3 =	vld [tilespmem:$0x1FBB0];
	_ =	sdelay $0x4  }
0x241: {  	v22 =	vmov v40;
	v40 =	vmax.f32 v3, $0.0e+00;
	v3 =	vld [tilespmem:$0x1FBC0];
	_ =	sdelay $0x4  }
0x242: {  	v41 =	vmax.f32 v3, $0.0e+00;
	v3 =	vld [tilespmem:$0x1FBD0];
	_ =	sdelay $0x4  }
0x243: {  	v12 =	vmul.f32 v3, v51;
	v3 =	vld [tilespmem:$0x1FBE0];
	_ =	sdelay $0x2  }
0x244: {  	v14 =	vadd.f32 v20, v14;
	_ =	sdelay $0x1  }
0x245: {  	v60 =	vmov v39;
	v39 =	vadd.f32 v19, v14;
	v14 =	vmul.f32 v3, v44;
	v3 =	vld [tilespmem:$0x1FBF0];
	_ =	sdelay $0x4  }
0x246: {  	v45 =	vmax.f32 v3, $0.0e+00;
	v3 =	vld [tilespmem:$0x1FC00];
	_ =	sdelay $0x4  }
0x247: {  	v13 =	vmul.f32 v3, v43;
	v3 =	vld [tilespmem:$0x1FC10];
	_ =	sdelay $0x4  }
0x248: {  	[tilespmem:s15+$0x10C90] =	vst v17;
	v17 =	vmul.f32 v3, v42;
	v3 =	vld [tilespmem:$0x1FC20];
	_ =	sdelay $0x4  }
0x249: {  	v2 =	vadd.f32 v46, v2;
	v46 =	vadd.f32 v14, v12;
	v12 =	vmul.f32 v3, v33;
	v3 =	vld [tilespmem:$0x1FC30];
	_ =	sdelay $0x4  }
0x24a: {  	v14 =	vmul.f32 v3, v57;
	v3 =	vld [tilespmem:$0x1FC40];
	_ =	sdelay $0x4  }
0x24b: {  	v9 =	vadd.f32 v61, v11;
	v11 =	vadd.f32 v12, v46;
	v12 =	vmul.f32 v3, v49;
	v3 =	vld [tilespmem:$0x1FC50];
	_ =	sdelay $0x4  }
0x24c: {  	v2 =	vadd.f32 v8, v2;
	v51 =	vmul.f32 v3, v54;
	v3 =	vld [tilespmem:$0x1FD60];
	_ =	sdelay $0x1  }
0x24d: {  	v2 =	vmax.f32 v2, $0.0e+00  }
0x24e: {  	[tilespmem:s15+$0x10DA0] =	vst v2;
	v2 =	vld [tilespmem:$0x1FD90];
	v36 =	vadd.f32 v18, v32;
	_ =	sdelay $0x1  }
0x24f: {  	v0 =	vmax.f32 v0, $0.0e+00;
	v34 =	vadd.f32 v10, v9;
	v52 =	vadd.f32 v36, v3;
	v3 =	vld [tilespmem:$0x1FD80]  }
0x250: {  	[tilespmem:s15+$0x10D20] =	vst v0;
	v6 =	vmax.f32 v6, $0.0e+00  }
0x251: {  	[tilespmem:s15+$0x10D80] =	vst v6;
	v55 =	vmax.f32 v34, $0.0e+00  }
0x252: {  	[tilespmem:s15+$0x10DB0] =	vst v55;
	v50 =	vmax.f32 v7, $0.0e+00;
	v2 =	vadd.f32 v39, v2;
	v53 =	vadd.f32 v12, v11  }
0x253: {  	[tilespmem:s15+$0x10D90] =	vst v50;
	v0 =	vadd.f32 v17, v13  }
0x254: {  	[tilespmem:s15+$0x10CA0] =	vst v35;
	v2 =	vmax.f32 v2, $0.0e+00;
	v61 =	vadd.f32 v53, v3;
	v3 =	vld [tilespmem:$0x1FD70]  }
0x255: {  	[tilespmem:s15+$0x10C10] =	vst v2;
	v0 =	vadd.f32 v14, v0  }
0x256: {  	[tilespmem:s15+$0x10CB0] =	vst v40  }
0x257: {  	[tilespmem:s15+$0x10D00] =	vst v41;
	v0 =	vadd.f32 v51, v0  }
0x258: {  	p1 =	sne.s32 s5, $0x3F;
	[tilespmem:s15+$0x10D10] =	vst v45;
	v13 =	vmax.f32 v16, $0.0e+00  }
.Ltmp2:
0x259: {  	[tilespmem:s15+$0x10D30] =	vst v13;
	v6 =	vmax.f32 v52, $0.0e+00;
	v0 =	vadd.f32 v0, v3;
	(pc) =	sbr.rel @p1 .LBB2_8-.Ltmp2, $4  }
0x25a: {  	s12 =	smul.u32 $0xC80, s13;
	[tilespmem:s15+$0x10C00] =	vst v6;
	v2 =	vmax.f32 v61, $0.0e+00  }
0x25b: {  	v23 =	vmovc v26;
	v27 =	vmov v48;
	v28 =	vmov v31;
	[tilespmem:s15+$0x10C20] =	vst v2;
	v0 =	vmax.f32 v0, $0.0e+00  }
0x25c: {  	s2 =	sadd.s32 s8, s12;
	v59 =	vmovc v25;
	v26 =	vmovc v56;
	v50 =	vmov v54;
	v19 =	vmov v42;
	v41 =	vmov v38;
	[tilespmem:s15+$0x10C30] =	vst v0  }
0x25d: {  	v63 =	vld [tilespmem:$0x1FE80];
	v13 =	vmovc v49;
	v36 =	vmovc v47;
	v47 =	vmov v37;
	v53 =	vmov v57;
	v3 =	vmov v58;
	[hbm4b:s2+s7] =	stream.linear.scatter [tilespmem:s28], [sflag:$0x3], $0x6400, $0x38  }
.Ltmp3:
0x25e: {  	(pc) =	sbr.rel .LBB2_9-.Ltmp3, $4  }
0x25f: {  	_ = 	snop  }
0x260: {  	_ =	swait.ge [sflag:s29], $0x4000  }
0x261: {  	[sflag:s29] =	ssyncset.done $0x0  }
0x262: {  	[sflag:s29] =	ssyncadd.s32 $0xFFFFC000  }
.LBB2_8:
0x263: {  	s2 =	smul.u32 $0xC8, s13;
	_ =	sdelay $0x1  }
0x264: {  	s2 =	sshrl.u32 s2, $0x3  }
0x265: {  	s2 =	sadd.s32 $0x32, s2  }
0x266: {  	s10 =	sadd.s32 s0, s2  }
0x267: {  	[tilespmem:s7], [sflag:$0x5] =	stream.linear.gather [hbm4b:s10+s7], $0xC8, $0x38;
	[tilespmem:$0x19800] =	vst v63  }
0x268: {  	_ =	swait.ge [sflag:s14], $0xC8  }
0x269: {  	[sflag:s14] =	ssyncset.done $0x0  }
0x26a: {  	s2 =	sadd.s32 s1, s2;
	[sflag:s14] =	ssyncadd.s32 $0xFFFFFF38  }
0x26b: {  	[tilespmem:s16], [sflag:$0x5] =	stream.linear.gather [hbm4b:s2+s7], $0xC8, $0x38;
	[tilespmem:$0x19800] =	vst v63  }
0x26c: {  	_ =	swait.ge [sflag:s14], $0xC8  }
0x26d: {  	[sflag:s14] =	ssyncset.done $0x0  }
0x26e: {  	[sflag:s14] =	ssyncadd.s32 $0xFFFFFF38  }
0x26f: {  	[tilespmem:s18], [sflag:$0x1] =	stream.indirect.gather [hbm4b:s3+s17], $0x80, s7, s17, $0xb8;
	[tilespmem:$0x19800] =	vst v63  }
.Ltmp4:
0x270: {  	_ = 	snop;
	(pc) =	sbr.rel @p0 .LBB2_10-.Ltmp4, $4  }
0x271: {  	[tilespmem:s20], [sflag:$0x1] =	stream.indirect.gather [hbm4b:s3+s19], $0x80, s17, s19, $0xb8;
	[tilespmem:$0x19800] =	vst v63  }
0x272: {  	_ =	swait.ge [sflag:s29], $0x4000  }
0x273: {  	[sflag:s29] =	ssyncset.done $0x0  }
0x274: {  	[sflag:s29] =	ssyncadd.s32 $0xFFFFC000  }
.LBB2_9:
0x275: {  	_ =	swait.ge [sflag:s30], $0x6400  }
0x276: {  	[sflag:s30] =	ssyncset.done $0x0  }
0x277: {  	[sflag:s30] =	ssyncadd.s32 $0xFFFF9C00  }
.LBB2_10:
0x278: {  	v17 =	vimm.f32 $0.0e+00;
	v20 =	vimm.f32 $0.0e+00;
	v16 =	vimm.f32 $0.0e+00  }
0x279: {  	v0 =	vimm.f32 $0.0e+00;
	v57 =	vlaneseq.u32;
	v46 =	vimm.s32 $0x0  }
0x27a: {  	v51 =	vimm.s32 $0x1;
	v48 =	vimm.s32 $0x2;
	v49 =	vimm.s32 $0x3;
	v58 =	vmovc v22  }
0x27b: {  	s10 =	simm.s32 $0x0;
	s11 =	simm.s32 $0x6900;
	s13 =	simm.s32 $0x13100;
	v61 =	vld [tilespmem:$0x1FE50];
	v52 =	vmovc v23;
	v54 =	vmovc v13;
	v56 =	vmov v19;
	v32 =	vmov v3;
	v3 =	vmov v1;
	[tilespmem:$0x1FB00] =	vst v0  }
.LBB2_11:
0x27c: {  	s2 =	sand.u32 $0x78, s10  }
0x27d: {  	v0 =	vld [tilespmem:s2+$0x300];
	_ =	sdelay $0x2  }
0x27e: {  	s15 =	sand.u32 $0x4, s10  }
0x27f: {  	v6 =	vld [tilespmem:s11+$0xFFFFFF00];
	v2 =	vadd.s32 s15, v57  }
0x280: {  	v45 =	vperm.xlane v0, v2;
	v0 =	vld [tilespmem:s11+$0xFFFFFF40]  }
0x281: {  	v1 =	vld [tilespmem:$0x1FFE0]  }
0x282: {  	v4 =	vld [tilespmem:$0x1FFD0];
	v2 =	vperm.xlane v45, v46  }
0x283: {  	v25 =	vld [tilespmem:$0x1FF40]  }
0x284: {  	v8 =	vld [tilespmem:s11+$0xFFFFFF50];
	vm0 =	veq.s32 v2, $0x0  }
0x285: {  	v5 =	vld [tilespmem:$0x1FFF0];
	v0 =	vsel vm0, v6, v0  }
0x286: {  	v21 =	vld [tilespmem:$0x1FDD0];
	v6 =	vperm.xlane v0, v1;
	v7 =	vperm.xlane v0, v3  }
0x287: {  	v14 =	vld [tilespmem:s11+$0xFFFFFF60];
	v9 =	vperm.xlane v0, v4  }
0x288: {  	v2 =	vld [tilespmem:s11+$0xFFFFFF10];
	v10 =	vmul.f32 v6, v28;
	v11 =	vmul.f32 v7, v25  }
0x289: {  	v42 =	vld [tilespmem:$0x1FF30]  }
0x28a: {  	v33 =	vld [tilespmem:$0x1FF60];
	v38 =	vmul.f32 v9, v59;
	v10 =	vadd.f32 v11, v10  }
0x28b: {  	v29 =	vld [tilespmem:$0x1FEA0];
	v0 =	vperm.xlane v0, v5  }
0x28c: {  	v6 =	vmul.f32 v6, v63;
	v7 =	vmul.f32 v7, v61;
	v10 =	vadd.f32 v38, v10;
	v38 =	vld [tilespmem:$0x1FF50]  }
0x28d: {  	v35 =	vld [tilespmem:$0x1FF70];
	v9 =	vmul.f32 v9, v62;
	v12 =	vmul.f32 v0, v27;
	v2 =	vsel vm0, v2, v8  }
0x28e: {  	v0 =	vmul.f32 v0, v21;
	v8 =	vld [tilespmem:s11+$0xFFFFFF20];
	v39 =	vperm.xlane v2, v1  }
0x28f: {  	v30 =	vld [tilespmem:$0x1FDF0];
	v11 =	vperm.xlane v2, v3;
	v13 =	vperm.xlane v2, v4  }
0x290: {  	v6 =	vadd.f32 v7, v6;
	v2 =	vperm.xlane v2, v5;
	v55 =	vmul.f32 v39, v47  }
0x291: {  	v34 =	vld [tilespmem:$0x1FE00];
	v7 =	vmul.f32 v39, v42;
	v15 =	vmul.f32 v11, v38  }
0x292: {  	v31 =	vld [tilespmem:$0x1FE10];
	v6 =	vadd.f32 v9, v6;
	v39 =	vmul.f32 v13, v29;
	v11 =	vmul.f32 v11, v33  }
0x293: {  	v40 =	vmul.f32 v13, v35;
	v8 =	vsel vm0, v8, v14;
	v37 =	vadd.f32 v15, v55  }
0x294: {  	v43 =	vmul.f32 v2, v30;
	v44 =	vperm.xlane v8, v1;
	v7 =	vadd.f32 v11, v7  }
0x295: {  	v0 =	vadd.f32 v0, v6;
	v55 =	vperm.xlane v8, v3;
	v6 =	vadd.f32 v39, v37  }
0x296: {  	v2 =	vmul.f32 v2, v26;
	v9 =	vmul.f32 v44, v36;
	v7 =	vadd.f32 v40, v7  }
0x297: {  	v39 =	vld [tilespmem:$0x1FFA0];
	v6 =	vadd.f32 v43, v6;
	v43 =	vmul.f32 v44, v34;
	v44 =	vmul.f32 v55, v31  }
0x298: {  	v7 =	vadd.f32 v2, v7  }
0x299: {  	v2 =	vadd.f32 v6, v16;
	v6 =	vadd.f32 v44, v43;
	v44 =	vld [tilespmem:$0x1FFB0]  }
0x29a: {  	v13 =	vld [tilespmem:s11+$0xFFFFFF30]  }
0x29b: {  	v15 =	vld [tilespmem:s11+$0xFFFFFF70]  }
0x29c: {  	v14 =	vperm.xlane v8, v4;
	v40 =	vld [tilespmem:$0x1FE20];
	v11 =	vmul.f32 v55, v39  }
0x29d: {  	v18 =	vld [tilespmem:$0x1FB00]  }
0x29e: {  	[tilespmem:$0x1FAE0] =	vst v2;
	v2 =	vperm.xlane v8, v5;
	v8 =	vadd.f32 v11, v9;
	v37 =	vmul.f32 v14, v44;
	_ =	sdelay $0x1  }
0x29f: {  	v10 =	vadd.f32 v12, v10;
	v8 =	vadd.f32 v37, v8;
	v37 =	vld [tilespmem:$0x1FEB0]  }
0x2a0: {  	v12 =	vsel vm0, v13, v15;
	v55 =	vmul.f32 v14, v40  }
0x2a1: {  	v10 =	vadd.f32 v10, v18;
	v13 =	vperm.xlane v12, v3  }
0x2a2: {  	v6 =	vadd.f32 v55, v6;
	v55 =	vperm.xlane v12, v1;
	v43 =	vmul.f32 v2, v54  }
0x2a3: {  	[tilespmem:$0x1FAD0] =	vst v10;
	v10 =	vperm.xlane v12, v4;
	v16 =	vld [tilespmem:s11+$0xFFFFFFC0];
	v2 =	vmul.f32 v2, v41  }
0x2a4: {  	v15 =	vmul.f32 v13, v56;
	v14 =	vld [tilespmem:s11+$0xFFFFFF80];
	v6 =	vadd.f32 v43, v6;
	v43 =	vmul.f32 v55, v37  }
0x2a5: {  	v9 =	vmul.f32 v13, v58;
	v8 =	vadd.f32 v2, v8;
	v2 =	vmul.f32 v55, v60  }
0x2a6: {  	v55 =	vmul.f32 v10, v53;
	v11 =	vadd.f32 v15, v43;
	v15 =	vperm.xlane v45, v51  }
0x2a7: {  	v6 =	vadd.f32 v6, v20;
	v2 =	vadd.f32 v9, v2;
	v43 =	vperm.xlane v12, v5  }
0x2a8: {  	v10 =	vmul.f32 v10, v52;
	v9 =	vadd.f32 v55, v11;
	vm13 =	veq.s32 v15, $0x0  }
0x2a9: {  	[tilespmem:$0x1FAF0] =	vst v6;
	v11 =	vld [tilespmem:s11+$0xFFFFFF90];
	v12 =	vmul.f32 v43, v50;
	v6 =	vmul.f32 v43, v32;
	v55 =	vsel vm13, v14, v16  }
0x2aa: {  	v2 =	vadd.f32 v10, v2;
	v14 =	vld [tilespmem:s11+$0xFFFFFFD0];
	v43 =	vperm.xlane v55, v1;
	v15 =	vperm.xlane v55, v3  }
0x2ab: {  	v9 =	vadd.f32 v12, v9;
	v12 =	vperm.xlane v55, v4;
	v13 =	vperm.xlane v55, v5  }
0x2ac: {  	v16 =	vadd.f32 v6, v2;
	v2 =	vmul.f32 v43, v28;
	v6 =	vmul.f32 v43, v63  }
0x2ad: {  	v55 =	vmul.f32 v15, v25;
	v10 =	vmul.f32 v15, v61  }
0x2ae: {  	v15 =	vmul.f32 v12, v59;
	v12 =	vmul.f32 v12, v62;
	v43 =	vmovc v53;
	v53 =	vmovc v41;
	v41 =	vmov v36  }
0x2af: {  	v36 =	vmovc v32;
	v32 =	vadd.f32 v9, v17;
	v11 =	vsel vm13, v11, v14;
	v2 =	vadd.f32 v55, v2  }
0x2b0: {  	v18 =	vld [tilespmem:s11+$0xFFFFFFA0];
	v6 =	vadd.f32 v10, v6;
	v10 =	vmul.f32 v13, v27;
	v55 =	vperm.xlane v11, v1  }
0x2b1: {  	v20 =	vld [tilespmem:s11+$0xFFFFFFE0];
	v14 =	vperm.xlane v11, v3;
	v17 =	vperm.xlane v11, v4;
	v2 =	vadd.f32 v15, v2  }
0x2b2: {  	v6 =	vadd.f32 v12, v6;
	v12 =	vmul.f32 v13, v21;
	v15 =	vmul.f32 v55, v47  }
0x2b3: {  	v19 =	vmul.f32 v14, v38;
	v9 =	vmul.f32 v55, v42  }
0x2b4: {  	v14 =	vmul.f32 v14, v33;
	v2 =	vadd.f32 v10, v2;
	v10 =	vadd.f32 v12, v6  }
0x2b5: {  	v6 =	vperm.xlane v11, v5;
	v55 =	vadd.f32 v19, v15;
	v15 =	vmul.f32 v17, v29  }
0x2b6: {  	v12 =	vmul.f32 v17, v35;
	v9 =	vadd.f32 v14, v9;
	v14 =	vsel vm13, v18, v20  }
0x2b7: {  	v17 =	vperm.xlane v14, v3;
	v11 =	vadd.f32 v15, v55;
	v55 =	vmul.f32 v6, v30  }
0x2b8: {  	v18 =	vld [tilespmem:s11+$0xFFFFFFF0];
	v6 =	vmul.f32 v6, v26;
	v9 =	vadd.f32 v12, v9;
	v12 =	vperm.xlane v14, v1  }
0x2b9: {  	v2 =	vadd.f32 v2, v0;
	v15 =	vld [tilespmem:s11+$0xFFFFFFB0];
	v0 =	vadd.f32 v55, v11  }
0x2ba: {  	v9 =	vadd.f32 v6, v9;
	v6 =	vmul.f32 v12, v34;
	v55 =	vmul.f32 v17, v31  }
0x2bb: {  	v12 =	vmul.f32 v12, v41;
	v11 =	vmul.f32 v17, v39  }
0x2bc: {  	v13 =	vperm.xlane v14, v5;
	v0 =	vadd.f32 v0, v7;
	v7 =	vperm.xlane v14, v4  }
0x2bd: {  	v6 =	vadd.f32 v55, v6;
	v11 =	vadd.f32 v11, v12  }
0x2be: {  	v12 =	vmul.f32 v13, v54;
	v15 =	vsel vm13, v15, v18;
	v55 =	vmul.f32 v7, v40  }
0x2bf: {  	v7 =	vmul.f32 v7, v44;
	v17 =	vperm.xlane v15, v1  }
0x2c0: {  	v20 =	vld [tilespmem:s11+$0x40];
	v13 =	vmul.f32 v13, v53;
	v6 =	vadd.f32 v55, v6;
	v55 =	vperm.xlane v15, v3  }
0x2c1: {  	v18 =	vld [tilespmem:s11+$0x0];
	v7 =	vadd.f32 v7, v11;
	v11 =	vperm.xlane v15, v4;
	v19 =	vmul.f32 v17, v37  }
0x2c2: {  	v6 =	vadd.f32 v12, v6;
	v12 =	vmul.f32 v17, v60;
	v17 =	vmul.f32 v55, v56  }
0x2c3: {  	v13 =	vadd.f32 v13, v7;
	v7 =	vmul.f32 v55, v58;
	v55 =	vperm.xlane v45, v48  }
0x2c4: {  	v6 =	vadd.f32 v6, v8;
	v8 =	vperm.xlane v15, v5;
	v15 =	vadd.f32 v17, v19  }
0x2c5: {  	v7 =	vadd.f32 v7, v12;
	v12 =	vmul.f32 v11, v43;
	vm14 =	veq.s32 v55, $0x0  }
0x2c6: {  	v11 =	vmul.f32 v11, v52;
	v17 =	vsel vm14, v18, v20  }
0x2c7: {  	v18 =	vld [tilespmem:s11+$0x10];
	v55 =	vmul.f32 v8, v50;
	v12 =	vadd.f32 v12, v15;
	v15 =	vperm.xlane v17, v1  }
0x2c8: {  	v20 =	vld [tilespmem:s11+$0x50];
	v19 =	vperm.xlane v17, v3;
	v8 =	vmul.f32 v8, v36  }
0x2c9: {  	v7 =	vadd.f32 v11, v7;
	v11 =	vperm.xlane v17, v4;
	v14 =	vmul.f32 v15, v28  }
0x2ca: {  	v22 =	vmovc v21;
	v12 =	vadd.f32 v55, v12;
	v21 =	vmul.f32 v19, v25;
	v55 =	vperm.xlane v17, v5  }
0x2cb: {  	v15 =	vmul.f32 v15, v63;
	v17 =	vmul.f32 v19, v61  }
0x2cc: {  	v8 =	vadd.f32 v8, v7;
	v19 =	vmul.f32 v11, v59;
	v11 =	vmul.f32 v11, v62  }
0x2cd: {  	v14 =	vadd.f32 v21, v14;
	v21 =	vmul.f32 v55, v27;
	v18 =	vsel vm14, v18, v20  }
0x2ce: {  	v23 =	vld [tilespmem:s11+$0x60];
	v15 =	vadd.f32 v17, v15;
	v17 =	vmul.f32 v55, v22;
	v55 =	vperm.xlane v18, v1  }
0x2cf: {  	v20 =	vld [tilespmem:s11+$0x20];
	v22 =	vperm.xlane v18, v4;
	v14 =	vadd.f32 v19, v14;
	v19 =	vperm.xlane v18, v3  }
0x2d0: {  	v11 =	vadd.f32 v11, v15;
	v15 =	vmul.f32 v55, v47;
	v24 =	vmul.f32 v55, v42  }
0x2d1: {  	v7 =	vadd.f32 v12, v16;
	v55 =	vmul.f32 v19, v38;
	v16 =	vmul.f32 v19, v33  }
0x2d2: {  	v14 =	vadd.f32 v21, v14;
	v11 =	vadd.f32 v17, v11;
	v17 =	vperm.xlane v18, v5  }
0x2d3: {  	v21 =	vld [tilespmem:s11+$0x30];
	v12 =	vadd.f32 v55, v15;
	v15 =	vadd.f32 v16, v24;
	v16 =	vmul.f32 v22, v29  }
0x2d4: {  	v18 =	vmul.f32 v22, v35;
	v20 =	vsel vm14, v20, v23;
	v23 =	vld [tilespmem:s11+$0x70];
	v19 =	vmul.f32 v17, v30  }
0x2d5: {  	v12 =	vadd.f32 v16, v12;
	v16 =	vmul.f32 v17, v26;
	v17 =	vperm.xlane v20, v1  }
0x2d6: {  	v22 =	vperm.xlane v20, v4;
	v15 =	vadd.f32 v18, v15;
	v18 =	vperm.xlane v20, v3  }
0x2d7: {  	v12 =	vadd.f32 v19, v12;
	v19 =	vmul.f32 v17, v34;
	v17 =	vmul.f32 v17, v41  }
0x2d8: {  	v10 =	vadd.f32 v14, v10;
	v14 =	vmul.f32 v18, v31;
	v18 =	vmul.f32 v18, v39  }
0x2d9: {  	v55 =	vperm.xlane v20, v5;
	v15 =	vadd.f32 v16, v15;
	v20 =	vsel vm14, v21, v23  }
0x2da: {  	v14 =	vadd.f32 v14, v19;
	v16 =	vadd.f32 v18, v17;
	v17 =	vmul.f32 v22, v40  }
0x2db: {  	v21 =	vperm.xlane v20, v3;
	v9 =	vadd.f32 v12, v9;
	v18 =	vmul.f32 v22, v44  }
0x2dc: {  	v19 =	vmul.f32 v55, v54;
	v14 =	vadd.f32 v17, v14;
	v17 =	vperm.xlane v20, v1  }
0x2dd: {  	v24 =	vld [tilespmem:s11+$0xC0];
	v12 =	vmul.f32 v55, v53;
	v55 =	vperm.xlane v20, v5;
	v16 =	vadd.f32 v18, v16  }
0x2de: {  	v22 =	vld [tilespmem:s11+$0x80];
	v23 =	vmul.f32 v21, v56;
	v14 =	vadd.f32 v19, v14;
	v19 =	vmul.f32 v17, v37  }
0x2df: {  	v18 =	vperm.xlane v20, v4;
	v12 =	vadd.f32 v12, v16;
	v16 =	vmul.f32 v17, v60  }
0x2e0: {  	v17 =	vmul.f32 v21, v58;
	v19 =	vadd.f32 v23, v19;
	v23 =	vperm.xlane v45, v49  }
0x2e1: {  	v20 =	vld [tilespmem:s11+$0xD0];
	v21 =	vmul.f32 v18, v43;
	v18 =	vmul.f32 v18, v52  }
0x2e2: {  	v13 =	vadd.f32 v14, v13;
	v16 =	vadd.f32 v17, v16;
	v17 =	vld [tilespmem:s11+$0x90];
	vm15 =	veq.s32 v23, $0x0  }
0x2e3: {  	v19 =	vadd.f32 v21, v19;
	v21 =	vmul.f32 v55, v50;
	v22 =	vsel vm15, v22, v24  }
0x2e4: {  	v14 =	vmul.f32 v55, v36;
	v16 =	vadd.f32 v18, v16;
	v18 =	vperm.xlane v22, v1  }
0x2e5: {  	v23 =	vperm.xlane v22, v3;
	v19 =	vadd.f32 v21, v19;
	v21 =	vperm.xlane v22, v4  }
0x2e6: {  	v22 =	vperm.xlane v22, v5;
	v14 =	vadd.f32 v14, v16;
	v16 =	vmul.f32 v18, v28  }
0x2e7: {  	v17 =	vsel vm15, v17, v20;
	v18 =	vmul.f32 v18, v63;
	v24 =	vmul.f32 v23, v25  }
0x2e8: {  	v23 =	vmul.f32 v23, v61;
	v8 =	vadd.f32 v19, v8;
	v19 =	vperm.xlane v17, v1  }
0x2e9: {  	v20 =	vperm.xlane v17, v3;
	v25 =	vperm.xlane v17, v4  }
0x2ea: {  	v17 =	vperm.xlane v17, v5;
	v16 =	vadd.f32 v24, v16;
	v24 =	vmul.f32 v21, v59  }
0x2eb: {  	v45 =	vmovc v26;
	v18 =	vadd.f32 v23, v18;
	v23 =	vmul.f32 v19, v47;
	v26 =	vmul.f32 v20, v38  }
0x2ec: {  	v55 =	vmovc v28;
	v28 =	vld [tilespmem:s11+$0xE0];
	v21 =	vmul.f32 v21, v62;
	v16 =	vadd.f32 v24, v16;
	v24 =	vmul.f32 v22, v27  }
0x2ed: {  	v38 =	vmovc v47;
	v47 =	vmov v27;
	v27 =	vld [tilespmem:s11+$0xA0];
	v23 =	vadd.f32 v26, v23;
	v26 =	vmul.f32 v25, v29  }
0x2ee: {  	v19 =	vmul.f32 v19, v42;
	v20 =	vmul.f32 v20, v33;
	v16 =	vadd.f32 v24, v16  }
0x2ef: {  	v18 =	vadd.f32 v21, v18;
	v21 =	vadd.f32 v26, v23;
	v23 =	vmul.f32 v17, v30;
	v24 =	vld [tilespmem:s11+$0xB0]  }
0x2f0: {  	v2 =	vmax.f32 v2, $0.0e+00;
	v26 =	vld [tilespmem:$0x1FAF0];
	v11 =	vadd.f32 v16, v11  }
0x2f1: {  	v16 =	vadd.f32 v20, v19;
	v19 =	vld [tilespmem:s11+$0xF0];
	v20 =	vadd.f32 v23, v21;
	v23 =	vmul.f32 v25, v35  }
0x2f2: {  	v0 =	vmax.f32 v0, $0.0e+00;
	v9 =	vmax.f32 v9, $0.0e+00;
	v21 =	vld [tilespmem:$0x1FAD0];
	v27 =	vsel vm15, v27, v28  }
0x2f3: {  	v25 =	vld [tilespmem:$0x1FAE0];
	v16 =	vadd.f32 v23, v16;
	v23 =	vperm.xlane v27, v1;
	v28 =	vperm.xlane v27, v3  }
0x2f4: {  	v15 =	vadd.f32 v20, v15;
	v20 =	vperm.xlane v27, v4;
	v27 =	vperm.xlane v27, v5  }
0x2f5: {  	v30 =	vmax.f32 v32, $0.0e+00;
	[tilespmem:s13+$0xFFFFFF90] =	vst v0;
	v26 =	vmax.f32 v26, $0.0e+00;
	v29 =	vmul.f32 v28, v31  }
0x2f6: {  	v0 =	vmax.f32 v6, $0.0e+00;
	v28 =	vmul.f32 v28, v39;
	[tilespmem:s13+$0xFFFFFF20] =	vst v26;
	v26 =	vmul.f32 v27, v54  }
0x2f7: {  	v32 =	vmovc v36;
	v21 =	vmax.f32 v21, $0.0e+00;
	v19 =	vsel vm15, v24, v19;
	v24 =	vmul.f32 v23, v34  }
0x2f8: {  	v36 =	vmovc v41;
	v33 =	vmul.f32 v20, v44;
	v25 =	vmax.f32 v25, $0.0e+00;
	[tilespmem:s13+$0xFFFFFF00] =	vst v21;
	v21 =	vmul.f32 v20, v40  }
0x2f9: {  	[tilespmem:s13+$0xFFFFFF10] =	vst v25;
	v25 =	vperm.xlane v19, v3;
	v24 =	vadd.f32 v29, v24;
	v29 =	vperm.xlane v19, v1  }
0x2fa: {  	[tilespmem:s13+$0xFFFFFF80] =	vst v2;
	v39 =	vmax.f32 v7, $0.0e+00;
	v23 =	vmul.f32 v23, v36;
	v2 =	vperm.xlane v19, v4  }
0x2fb: {  	[tilespmem:s13+$0xFFFFFF30] =	vst v30;
	v30 =	vmul.f32 v25, v56;
	v21 =	vadd.f32 v21, v24;
	v24 =	vmul.f32 v29, v37  }
0x2fc: {  	v41 =	vmovc v53;
	[tilespmem:s13+$0xFFFFFFB0] =	vst v39;
	v34 =	vmax.f32 v8, $0.0e+00;
	v39 =	vmax.f32 v11, $0.0e+00;
	v7 =	vperm.xlane v19, v5;
	v1 =	vld [tilespmem:$0x1FDD0]  }
0x2fd: {  	v53 =	vmovc v43;
	[tilespmem:s13+$0xFFFFFFA0] =	vst v0;
	v40 =	vmax.f32 v10, $0.0e+00;
	v0 =	vmul.f32 v2, v43;
	v24 =	vadd.f32 v30, v24  }
0x2fe: {  	[tilespmem:s13+$0x10] =	vst v9;
	v23 =	vadd.f32 v28, v23;
	v19 =	vmul.f32 v25, v58;
	v42 =	vmul.f32 v29, v60  }
0x2ff: {  	[tilespmem:s13+$0x30] =	vst v34;
	v43 =	vmul.f32 v7, v50;
	v21 =	vadd.f32 v26, v21;
	v0 =	vadd.f32 v0, v24  }
0x300: {  	[tilespmem:s13+$0x0] =	vst v40;
	v40 =	vmax.f32 v15, $0.0e+00;
	v28 =	vmovc v55;
	v55 =	vmax.f32 v13, $0.0e+00;
	v10 =	vadd.f32 v19, v42  }
0x301: {  	p0 =	sne.s32 s10, $0x7C;
	[tilespmem:s13+$0x80] =	vst v39;
	v42 =	vmul.f32 v22, v1;
	v37 =	vadd.f32 v21, v12;
	v0 =	vadd.f32 v43, v0  }
.Ltmp5:
0x302: {  	v2 =	vmul.f32 v2, v52;
	[tilespmem:s13+$0x20] =	vst v55;
	v35 =	vadd.f32 v33, v23;
	v55 =	vmul.f32 v27, v41;
	(pc) =	sbr.rel @p0 .LBB2_11-.Ltmp5, $4  }
0x303: {  	[tilespmem:s13+$0x90] =	vst v40;
	v6 =	vadd.f32 v42, v18;
	v9 =	vmax.f32 v37, $0.0e+00;
	v0 =	vadd.f32 v0, v14  }
0x304: {  	v7 =	vmul.f32 v7, v32;
	v2 =	vadd.f32 v2, v10;
	v43 =	vmul.f32 v17, v45;
	[tilespmem:s13+$0xA0] =	vst v9  }
0x305: {  	v27 =	vmov v47;
	v20 =	vadd.f32 v55, v35;
	[tilespmem:$0x1FB00] =	vst v6;
	v0 =	vmax.f32 v0, $0.0e+00  }
0x306: {  	s10 =	sadd.s32 $0x4, s10;
	s11 =	sadd.s32 $0x200, s11;
	v47 =	vmovc v38;
	v26 =	vmov v45;
	v17 =	vadd.f32 v7, v2;
	v16 =	vadd.f32 v43, v16;
	[tilespmem:s13+$0xB0] =	vst v0;
	s13 =	sadd.s32 $0x200, s13  }
0x307: {  	_ =	swait.ge [sflag:s29], $0x2400  }
0x308: {  	[sflag:s29] =	ssyncset.done $0x0  }
0x309: {  	s13 =	simm.s32 $0x0;
	[sflag:s29] =	ssyncadd.s32 $0xFFFFDC00  }
0x30a: {  	v2 =	vld [tilespmem:s13+$0xA800]  }
0x30b: {  	v9 =	vld [tilespmem:s13+$0xA840]  }
0x30c: {  	v10 =	vld [tilespmem:s13+$0xA810]  }
0x30d: {  	v11 =	vld [tilespmem:s13+$0xA850]  }
0x30e: {  	v6 =	vld [tilespmem:s13+$0xA820]  }
0x30f: {  	v8 =	vld [tilespmem:s13+$0xA860]  }
0x310: {  	s10 =	simm.s32 $0x80;
	v0 =	vld [tilespmem:s13+$0xA830]  }
0x311: {  	s2 =	sand.u32 $0xF8, s10;
	v7 =	vld [tilespmem:s13+$0xA870]  }
0x312: {  	[tilespmem:$0x1FAA0] =	vst v17;
	v14 =	vld [tilespmem:s2+$0x300]  }
0x313: {  	[tilespmem:$0x1FAB0] =	vst v20;
	v12 =	vld [tilespmem:s13+$0xA880]  }
0x314: {  	s11 =	simm.s32 $0x800;
	[tilespmem:$0x1FAC0] =	vst v16;
	v13 =	vld [tilespmem:s13+$0xA8C0]  }
.LBB2_13:
0x315: {  	v15 =	vld [tilespmem:s13+$0xA890]  }
0x316: {  	v17 =	vld [tilespmem:s13+$0xA8D0]  }
0x317: {  	v32 =	vld [tilespmem:s13+$0xA8A0]  }
0x318: {  	v18 =	vld [tilespmem:s13+$0xA8E0]  }
0x319: {  	v20 =	vld [tilespmem:s13+$0xA8B0]  }
0x31a: {  	v23 =	vld [tilespmem:s13+$0xA8F0]  }
0x31b: {  	v5 =	vld [tilespmem:$0x1FFF0]  }
0x31c: {  	v4 =	vld [tilespmem:$0x1FFD0]  }
0x31d: {  	v1 =	vld [tilespmem:$0x1FFE0]  }
0x31e: {  	v34 =	vld [tilespmem:s13+$0xA930]  }
0x31f: {  	v55 =	vld [tilespmem:$0x1FED0]  }
0x320: {  	v56 =	vld [tilespmem:$0x1FF40]  }
0x321: {  	s2 =	sand.u32 $0x4, s10;
	v54 =	vld [tilespmem:$0x1FEE0]  }
0x322: {  	v59 =	vld [tilespmem:$0x1FDD0];
	v16 =	vadd.s32 s2, v57  }
0x323: {  	v53 =	vld [tilespmem:$0x1FF00];
	v14 =	vperm.xlane v14, v16  }
0x324: {  	v40 =	vld [tilespmem:s13+$0xA980]  }
0x325: {  	v42 =	vld [tilespmem:s13+$0xA9C0];
	v19 =	vperm.xlane v14, v46  }
0x326: {  	v43 =	vld [tilespmem:s13+$0xA990];
	v22 =	vperm.xlane v14, v51  }
0x327: {  	v58 =	vld [tilespmem:$0x1FF60];
	v21 =	vperm.xlane v14, v48;
	vm1 =	veq.s32 v19, $0x0  }
0x328: {  	v29 =	vld [tilespmem:s13+$0xA9A0];
	v24 =	vperm.xlane v14, v49;
	vm2 =	veq.s32 v22, $0x0;
	v2 =	vsel vm1, v2, v9  }
0x329: {  	v57 =	vld [tilespmem:$0x1FF30];
	vm0 =	veq.s32 v21, $0x0;
	v13 =	vsel vm2, v12, v13;
	v28 =	vperm.xlane v2, v5  }
0x32a: {  	v14 =	vld [tilespmem:s13+$0xA900];
	v21 =	vsel vm1, v6, v8;
	v27 =	vperm.xlane v2, v4;
	v8 =	vperm.xlane v13, v4  }
0x32b: {  	v19 =	vsel vm1, v10, v11;
	v9 =	vld [tilespmem:s13+$0xA940];
	v33 =	vperm.xlane v2, v1;
	v10 =	vperm.xlane v2, v3  }
0x32c: {  	v17 =	vsel vm2, v15, v17;
	v15 =	vld [tilespmem:s13+$0xA910];
	v11 =	vperm.xlane v13, v1;
	v12 =	vperm.xlane v13, v3  }
0x32d: {  	v6 =	vld [tilespmem:s13+$0xA950];
	v38 =	vperm.xlane v19, v1;
	v41 =	vperm.xlane v19, v3  }
0x32e: {  	v60 =	vsel vm1, v0, v7;
	v0 =	vld [tilespmem:s13+$0xA960];
	v30 =	vperm.xlane v19, v4;
	v22 =	vmul.f32 v33, v63  }
0x32f: {  	vm15 =	veq.s32 v24, $0x0;
	v2 =	vld [tilespmem:s13+$0xA920];
	v25 =	vmul.f32 v10, v61;
	v35 =	vmul.f32 v11, v55  }
0x330: {  	v52 =	vld [tilespmem:$0x1FF70];
	v18 =	vsel vm2, v32, v18;
	[tilespmem:$0x1F9D0] =	vst v27;
	v26 =	vmul.f32 v12, v56;
	v27 =	vmul.f32 v27, v62  }
0x331: {  	v47 =	vld [tilespmem:$0x1FF90];
	v16 =	vsel vm2, v20, v23;
	v36 =	vmul.f32 v8, v54;
	v37 =	vmul.f32 v28, v59  }
0x332: {  	[tilespmem:$0x1F9C0] =	vst v10;
	v10 =	vsel vm0, v14, v9;
	v14 =	vld [tilespmem:s13+$0xA970];
	v9 =	vperm.xlane v13, v5;
	v13 =	vadd.f32 v25, v22  }
0x333: {  	v49 =	vld [tilespmem:$0x1FEF0];
	v61 =	vmul.f32 v38, v57;
	v7 =	vsel vm0, v15, v6;
	v15 =	vadd.f32 v26, v35  }
0x334: {  	v48 =	vld [tilespmem:$0x1FF50];
	v62 =	vmul.f32 v41, v58;
	v6 =	vsel vm0, v2, v0;
	v2 =	vadd.f32 v27, v13  }
0x335: {  	[tilespmem:$0x1F9F0] =	vst v38;
	v63 =	vld [tilespmem:s13+$0xA9D0];
	v38 =	vmul.f32 v30, v52;
	v15 =	vadd.f32 v36, v15;
	v39 =	vmul.f32 v9, v53  }
0x336: {  	v46 =	vld [tilespmem:$0x1FEA0];
	v23 =	vadd.f32 v62, v61;
	v13 =	vperm.xlane v17, v1;
	v2 =	vadd.f32 v37, v2  }
0x337: {  	v50 =	vld [tilespmem:$0x1FFA0];
	v15 =	vadd.f32 v39, v15;
	v0 =	vsel vm0, v34, v14;
	v14 =	vperm.xlane v17, v3  }
0x338: {  	v31 =	vperm.xlane v19, v5;
	[tilespmem:$0x1F9B0] =	vst v33;
	v23 =	vadd.f32 v38, v23;
	v38 =	vld [tilespmem:$0x1FDF0];
	v33 =	vmul.f32 v13, v49  }
0x339: {  	v51 =	vld [tilespmem:$0x1FF80];
	v2 =	vadd.f32 v15, v2;
	v15 =	vperm.xlane v17, v4;
	v34 =	vmul.f32 v14, v48  }
0x33a: {  	v20 =	vld [tilespmem:s13+$0xA9B0];
	v45 =	vperm.xlane v21, v5;
	[tilespmem:$0x1FA00] =	vst v41;
	v41 =	vperm.xlane v21, v1;
	v63 =	vsel vm15, v43, v63  }
0x33b: {  	v35 =	vld [tilespmem:s13+$0xA9E0];
	v17 =	vperm.xlane v17, v5;
	v39 =	vmul.f32 v15, v46;
	v27 =	vadd.f32 v34, v33  }
0x33c: {  	[tilespmem:$0x1FA30] =	vst v41;
	v43 =	vperm.xlane v21, v3;
	v37 =	vmax.f32 v2, $0.0e+00;
	v33 =	vmul.f32 v41, v47;
	v41 =	vld [tilespmem:$0x1FE00]  }
0x33d: {  	v2 =	vsel vm15, v40, v42;
	v32 =	vmul.f32 v17, v38;
	v42 =	vadd.f32 v39, v27;
	v39 =	vld [tilespmem:$0x1FE10]  }
0x33e: {  	v22 =	vld [tilespmem:s13+$0xA9F0];
	v40 =	vmul.f32 v31, v51;
	v34 =	vmul.f32 v43, v50  }
0x33f: {  	v26 =	vperm.xlane v18, v3;
	[tilespmem:s13+$0x17080] =	vst v37;
	v37 =	vperm.xlane v21, v4;
	v24 =	vadd.f32 v32, v42;
	v42 =	vld [tilespmem:$0x1FFB0]  }
0x340: {  	v19 =	vadd.f32 v40, v23;
	v23 =	vperm.xlane v18, v1;
	v21 =	vadd.f32 v34, v33;
	v34 =	vld [tilespmem:$0x1FE20]  }
0x341: {  	[tilespmem:$0x1FA40] =	vst v43;
	v43 =	vld [tilespmem:$0x1FFC0]  }
0x342: {  	v62 =	vsel vm15, v29, v35;
	v35 =	vmul.f32 v23, v41;
	v36 =	vmul.f32 v26, v39  }
0x343: {  	v61 =	vsel vm15, v20, v22;
	v20 =	vperm.xlane v18, v4  }
0x344: {  	v22 =	vadd.f32 v36, v35;
	v36 =	vmul.f32 v37, v42  }
0x345: {  	[tilespmem:$0x1FA50] =	vst v37;
	v19 =	vadd.f32 v24, v19;
	v37 =	vmul.f32 v20, v34  }
0x346: {  	[tilespmem:$0x1FA60] =	vst v45;
	v45 =	vmul.f32 v45, v43;
	v24 =	vadd.f32 v36, v21  }
0x347: {  	v19 =	vmax.f32 v19, $0.0e+00;
	v33 =	vadd.f32 v37, v22;
	v37 =	vld [tilespmem:$0x1FE90]  }
0x348: {  	[tilespmem:s13+$0x17090] =	vst v19;
	v19 =	vadd.f32 v45, v24;
	v45 =	vld [tilespmem:$0x1FEC0];
	_ =	sdelay $0x1  }
0x349: {  	v18 =	vperm.xlane v18, v5  }
0x34a: {  	v35 =	vperm.xlane v60, v3  }
0x34b: {  	[tilespmem:$0x1F9E0] =	vst v28;
	v36 =	vmul.f32 v18, v37  }
0x34c: {  	[tilespmem:$0x1FA80] =	vst v35;
	v28 =	vmul.f32 v35, v45;
	v35 =	vld [tilespmem:$0x1FEB0]  }
0x34d: {  	v21 =	vadd.f32 v36, v33;
	v33 =	vld [tilespmem:$0x1FE70];
	_ =	sdelay $0x2  }
0x34e: {  	v25 =	vperm.xlane v16, v3;
	v24 =	vperm.xlane v16, v1;
	_ =	sdelay $0x1  }
0x34f: {  	v44 =	vld [tilespmem:$0x1FF20];
	v22 =	vmul.f32 v24, v35;
	v40 =	vmul.f32 v25, v33;
	_ =	sdelay $0x1  }
0x350: {  	v22 =	vadd.f32 v40, v22;
	v40 =	vld [tilespmem:$0x1FF10]  }
0x351: {  	v32 =	vperm.xlane v60, v1;
	_ =	sdelay $0x1  }
0x352: {  	v27 =	vmul.f32 v32, v44;
	v36 =	vperm.xlane v60, v4;
	_ =	sdelay $0x1  }
0x353: {  	[tilespmem:$0x1FA90] =	vst v36;
	v27 =	vadd.f32 v28, v27;
	v28 =	vmul.f32 v36, v40;
	v36 =	vld [tilespmem:$0x1FDE0];
	_ =	sdelay $0x1  }
0x354: {  	v19 =	vadd.f32 v21, v19  }
0x355: {  	v60 =	vperm.xlane v60, v5  }
0x356: {  	[tilespmem:$0x1FA10] =	vst v30;
	v19 =	vmax.f32 v19, $0.0e+00  }
0x357: {  	[tilespmem:s13+$0x170A0] =	vst v19;
	v19 =	vadd.f32 v28, v27;
	v30 =	vmul.f32 v60, v36;
	_ =	sdelay $0x1  }
0x358: {  	v19 =	vadd.f32 v30, v19;
	v30 =	vld [tilespmem:$0x1FE80];
	_ =	sdelay $0x4  }
0x359: {  	v11 =	vmul.f32 v11, v30;
	v30 =	vld [tilespmem:$0x1FE50]  }
0x35a: {  	[tilespmem:$0x1FA70] =	vst v32;
	v32 =	vld [tilespmem:$0x1FE30];
	_ =	sdelay $0x2  }
0x35b: {  	[tilespmem:$0x1FA20] =	vst v31;
	v31 =	vld [tilespmem:$0x1FE40];
	v21 =	vperm.xlane v16, v4  }
0x35c: {  	v12 =	vmul.f32 v12, v30  }
0x35d: {  	v29 =	vmul.f32 v21, v32  }
0x35e: {  	v16 =	vperm.xlane v16, v5;
	v11 =	vadd.f32 v12, v11;
	v12 =	vld [tilespmem:$0x1FE60]  }
0x35f: {  	v22 =	vadd.f32 v29, v22;
	v29 =	vperm.xlane v10, v3  }
0x360: {  	v27 =	vperm.xlane v10, v1;
	v28 =	vmul.f32 v16, v31;
	_ =	sdelay $0x1  }
0x361: {  	v22 =	vadd.f32 v28, v22;
	v28 =	vmul.f32 v27, v55;
	v30 =	vmul.f32 v29, v56  }
0x362: {  	v8 =	vmul.f32 v8, v12;
	v12 =	vperm.xlane v10, v4  }
0x363: {  	v9 =	vmul.f32 v9, v59;
	v19 =	vadd.f32 v22, v19;
	v22 =	vadd.f32 v30, v28  }
0x364: {  	v10 =	vperm.xlane v10, v5;
	v8 =	vadd.f32 v8, v11;
	v11 =	vmul.f32 v12, v54  }
0x365: {  	v13 =	vmul.f32 v13, v57;
	v14 =	vmul.f32 v14, v58  }
0x366: {  	v28 =	vmul.f32 v10, v53;
	v8 =	vadd.f32 v9, v8;
	v9 =	vadd.f32 v11, v22  }
0x367: {  	v13 =	vadd.f32 v14, v13;
	v14 =	vmul.f32 v15, v52;
	v15 =	vperm.xlane v7, v4  }
0x368: {  	v30 =	vperm.xlane v7, v1;
	v11 =	vperm.xlane v7, v3;
	v9 =	vadd.f32 v28, v9  }
0x369: {  	v13 =	vadd.f32 v14, v13;
	v14 =	vmul.f32 v17, v51;
	v19 =	vmax.f32 v19, $0.0e+00  }
0x36a: {  	[tilespmem:s13+$0x170B0] =	vst v19;
	v19 =	vmul.f32 v30, v49;
	v28 =	vmul.f32 v11, v48;
	v8 =	vadd.f32 v9, v8  }
0x36b: {  	v17 =	vmul.f32 v15, v46;
	v26 =	vmul.f32 v26, v50  }
0x36c: {  	v7 =	vperm.xlane v7, v5;
	v9 =	vadd.f32 v28, v19;
	v8 =	vmax.f32 v8, $0.0e+00  }
0x36d: {  	v13 =	vadd.f32 v14, v13;
	v22 =	vperm.xlane v6, v1;
	[tilespmem:s13+$0x17100] =	vst v8;
	v8 =	vmul.f32 v23, v47  }
0x36e: {  	v14 =	vperm.xlane v6, v3;
	v28 =	vmul.f32 v7, v38;
	v9 =	vadd.f32 v17, v9  }
0x36f: {  	v19 =	vmul.f32 v22, v41;
	v8 =	vadd.f32 v26, v8;
	v26 =	vmul.f32 v20, v42  }
0x370: {  	v9 =	vadd.f32 v28, v9;
	v28 =	vmul.f32 v14, v39;
	v20 =	vperm.xlane v6, v4  }
0x371: {  	v17 =	vmul.f32 v18, v43;
	v6 =	vperm.xlane v6, v5;
	v8 =	vadd.f32 v26, v8  }
0x372: {  	v9 =	vadd.f32 v9, v13;
	v13 =	vadd.f32 v28, v19;
	v28 =	vmul.f32 v20, v34  }
0x373: {  	v23 =	vperm.xlane v0, v1;
	v8 =	vadd.f32 v17, v8;
	v17 =	vperm.xlane v0, v3  }
0x374: {  	v26 =	vmul.f32 v6, v37;
	v13 =	vadd.f32 v28, v13  }
0x375: {  	v19 =	vmul.f32 v23, v35;
	v28 =	vmul.f32 v17, v33  }
0x376: {  	v13 =	vadd.f32 v26, v13;
	v26 =	vmul.f32 v21, v40;
	v21 =	vperm.xlane v0, v4;
	_ =	sdelay $0x1  }
0x377: {  	v8 =	vadd.f32 v13, v8;
	v13 =	vadd.f32 v28, v19;
	v28 =	vmul.f32 v21, v32;
	_ =	sdelay $0x1  }
0x378: {  	v9 =	vmax.f32 v9, $0.0e+00;
	v13 =	vadd.f32 v28, v13;
	v28 =	vld [tilespmem:$0x1FE50]  }
0x379: {  	v18 =	vmul.f32 v25, v45;
	[tilespmem:s13+$0x17110] =	vst v9;
	v9 =	vmul.f32 v24, v44  }
0x37a: {  	v8 =	vmax.f32 v8, $0.0e+00  }
0x37b: {  	v9 =	vadd.f32 v18, v9;
	v0 =	vperm.xlane v0, v5;
	[tilespmem:s13+$0x17120] =	vst v8;
	v8 =	vld [tilespmem:$0x1FE80]  }
0x37c: {  	v16 =	vmul.f32 v16, v36  }
0x37d: {  	v9 =	vadd.f32 v26, v9;
	v19 =	vmul.f32 v0, v31;
	v18 =	vmul.f32 v29, v28;
	v28 =	vld [tilespmem:$0x1FE60]  }
0x37e: {  	v24 =	vperm.xlane v2, v1  }
0x37f: {  	v9 =	vadd.f32 v16, v9;
	v16 =	vperm.xlane v2, v3;
	v13 =	vadd.f32 v19, v13  }
0x380: {  	v8 =	vmul.f32 v27, v8  }
0x381: {  	v19 =	vmul.f32 v24, v55;
	v9 =	vadd.f32 v13, v9;
	v29 =	vmul.f32 v16, v56  }
0x382: {  	v8 =	vadd.f32 v18, v8;
	v18 =	vperm.xlane v2, v4;
	v12 =	vmul.f32 v12, v28  }
0x383: {  	v10 =	vmul.f32 v10, v59;
	v9 =	vmax.f32 v9, $0.0e+00;
	v13 =	vadd.f32 v29, v19  }
0x384: {  	v2 =	vperm.xlane v2, v5;
	v8 =	vadd.f32 v12, v8;
	v12 =	vmul.f32 v18, v54  }
0x385: {  	v11 =	vmul.f32 v11, v58;
	[tilespmem:s13+$0x17130] =	vst v9;
	v9 =	vmul.f32 v30, v57  }
0x386: {  	v29 =	vmul.f32 v2, v53;
	v8 =	vadd.f32 v10, v8;
	v10 =	vadd.f32 v12, v13  }
0x387: {  	v25 =	vperm.xlane v63, v1;
	v9 =	vadd.f32 v11, v9;
	v12 =	vperm.xlane v63, v3  }
0x388: {  	v11 =	vmul.f32 v15, v52;
	v15 =	vperm.xlane v63, v4;
	v10 =	vadd.f32 v29, v10  }
0x389: {  	v13 =	vmul.f32 v25, v49;
	v27 =	vmul.f32 v12, v48  }
0x38a: {  	v7 =	vmul.f32 v7, v51;
	v9 =	vadd.f32 v11, v9;
	v8 =	vadd.f32 v10, v8  }
0x38b: {  	v11 =	vmul.f32 v15, v46;
	v10 =	vperm.xlane v63, v5;
	v13 =	vadd.f32 v27, v13  }
0x38c: {  	v26 =	vperm.xlane v62, v1;
	v7 =	vadd.f32 v7, v9;
	v8 =	vmax.f32 v8, $0.0e+00  }
0x38d: {  	v28 =	vmul.f32 v10, v38;
	v9 =	vadd.f32 v11, v13;
	v11 =	vperm.xlane v62, v3  }
0x38e: {  	v13 =	vmul.f32 v14, v50;
	[tilespmem:s13+$0x17180] =	vst v8;
	v8 =	vmul.f32 v22, v47  }
0x38f: {  	v14 =	vmul.f32 v26, v41;
	v9 =	vadd.f32 v28, v9;
	v29 =	vmul.f32 v11, v39  }
0x390: {  	v8 =	vadd.f32 v13, v8;
	v13 =	vmul.f32 v20, v42;
	v20 =	vperm.xlane v62, v4  }
0x391: {  	v6 =	vmul.f32 v6, v43;
	v7 =	vadd.f32 v9, v7;
	v9 =	vperm.xlane v62, v5  }
0x392: {  	v14 =	vadd.f32 v29, v14;
	v8 =	vadd.f32 v13, v8;
	v13 =	vmul.f32 v20, v34  }
0x393: {  	v22 =	vperm.xlane v61, v1;
	v7 =	vmax.f32 v7, $0.0e+00;
	v30 =	vmul.f32 v9, v37  }
0x394: {  	v6 =	vadd.f32 v6, v8;
	v8 =	vadd.f32 v13, v14;
	v13 =	vperm.xlane v61, v3  }
0x395: {  	[tilespmem:s13+$0x17190] =	vst v7;
	v7 =	vmul.f32 v23, v44;
	v14 =	vmul.f32 v17, v45  }
0x396: {  	v8 =	vadd.f32 v30, v8  }
0x397: {  	v27 =	vmul.f32 v22, v35;
	v28 =	vmul.f32 v13, v33;
	v7 =	vadd.f32 v14, v7  }
0x398: {  	v29 =	vld [tilespmem:$0x1F9B0];
	v14 =	vmul.f32 v21, v40;
	v21 =	vperm.xlane v61, v4;
	v6 =	vadd.f32 v8, v6  }
0x399: {  	v0 =	vmul.f32 v0, v36;
	v30 =	vld [tilespmem:$0x1F9C0];
	v8 =	vperm.xlane v61, v5;
	v17 =	vadd.f32 v28, v27  }
0x39a: {  	v7 =	vadd.f32 v14, v7;
	v14 =	vmul.f32 v21, v32;
	v6 =	vmax.f32 v6, $0.0e+00  }
0x39b: {  	[tilespmem:s13+$0x171A0] =	vst v6;
	v6 =	vld [tilespmem:$0x1F9D0]  }
0x39c: {  	v63 =	vld [tilespmem:$0x1FE80];
	v23 =	vmul.f32 v8, v31;
	v0 =	vadd.f32 v0, v7;
	v7 =	vadd.f32 v14, v17  }
0x39d: {  	v14 =	vld [tilespmem:$0x1F9E0]  }
0x39e: {  	v19 =	vmul.f32 v29, v55;
	v61 =	vld [tilespmem:$0x1FE50];
	v27 =	vmul.f32 v30, v56;
	v7 =	vadd.f32 v23, v7;
	_ =	sdelay $0x1  }
0x39f: {  	v62 =	vld [tilespmem:$0x1FE60];
	v0 =	vadd.f32 v7, v0;
	v6 =	vmul.f32 v6, v54;
	v54 =	vadd.f32 v27, v19  }
0x3a0: {  	v56 =	vld [tilespmem:$0x1FA00]  }
0x3a1: {  	v7 =	vld [tilespmem:$0x1F9F0];
	v14 =	vmul.f32 v14, v53;
	v0 =	vmax.f32 v0, $0.0e+00;
	v6 =	vadd.f32 v6, v54  }
0x3a2: {  	v55 =	vmul.f32 v24, v63;
	v16 =	vmul.f32 v16, v61;
	[tilespmem:s13+$0x171B0] =	vst v0;
	v0 =	vld [tilespmem:$0x1FB00]  }
0x3a3: {  	v6 =	vadd.f32 v14, v6;
	v14 =	vld [tilespmem:$0x1FA10]  }
0x3a4: {  	v18 =	vmul.f32 v18, v62;
	v16 =	vadd.f32 v16, v55  }
0x3a5: {  	v2 =	vmul.f32 v2, v59  }
0x3a6: {  	v17 =	vmul.f32 v56, v48;
	v16 =	vadd.f32 v18, v16;
	v7 =	vmul.f32 v7, v49  }
0x3a7: {  	v12 =	vmul.f32 v12, v58;
	v0 =	vadd.f32 v6, v0;
	v6 =	vmul.f32 v25, v57  }
0x3a8: {  	v59 =	vld [tilespmem:$0x1FA20];
	v2 =	vadd.f32 v2, v16;
	v7 =	vadd.f32 v17, v7;
	v14 =	vmul.f32 v14, v46  }
0x3a9: {  	v6 =	vadd.f32 v12, v6;
	v12 =	vld [tilespmem:$0x1FA30]  }
0x3aa: {  	[tilespmem:$0x1FB00] =	vst v2;
	v2 =	vmul.f32 v15, v52;
	v0 =	vmax.f32 v0, $0.0e+00;
	v7 =	vadd.f32 v14, v7;
	v14 =	vld [tilespmem:$0x1FA40]  }
0x3ab: {  	[tilespmem:s13+$0x17000] =	vst v0;
	v0 =	vld [tilespmem:$0x1FA50]  }
0x3ac: {  	v2 =	vadd.f32 v2, v6;
	v6 =	vld [tilespmem:$0x1FAC0]  }
0x3ad: {  	v17 =	vmul.f32 v59, v38  }
0x3ae: {  	v10 =	vmul.f32 v10, v51  }
0x3af: {  	v7 =	vadd.f32 v17, v7;
	v12 =	vmul.f32 v12, v41;
	v14 =	vmul.f32 v14, v39  }
0x3b0: {  	v2 =	vadd.f32 v10, v2  }
0x3b1: {  	v15 =	vld [tilespmem:$0x1FA60];
	v0 =	vmul.f32 v0, v34;
	v6 =	vadd.f32 v7, v6;
	v7 =	vadd.f32 v14, v12  }
0x3b2: {  	[tilespmem:$0x1FAC0] =	vst v2;
	v2 =	vmul.f32 v11, v50;
	v11 =	vld [tilespmem:$0x1FA80];
	v12 =	vmul.f32 v26, v47  }
0x3b3: {  	v0 =	vadd.f32 v0, v7;
	v7 =	vmul.f32 v9, v43;
	v9 =	vld [tilespmem:$0x1FA70]  }
0x3b4: {  	v10 =	vmul.f32 v20, v42;
	v6 =	vmax.f32 v6, $0.0e+00;
	v2 =	vadd.f32 v2, v12  }
0x3b5: {  	[tilespmem:s13+$0x17010] =	vst v6;
	v6 =	vld [tilespmem:$0x1FA90]  }
0x3b6: {  	v10 =	vadd.f32 v10, v2;
	v2 =	vld [tilespmem:$0x1FAB0]  }
0x3b7: {  	v15 =	vmul.f32 v15, v37  }
0x3b8: {  	v11 =	vmul.f32 v11, v33;
	v9 =	vmul.f32 v9, v35  }
0x3b9: {  	v13 =	vmul.f32 v13, v45;
	v0 =	vadd.f32 v15, v0  }
0x3ba: {  	s15 =	sshra.s32 s11, $0x2;
	v7 =	vadd.f32 v7, v10;
	v9 =	vadd.f32 v11, v9;
	v11 =	vmul.f32 v22, v44  }
0x3bb: {  	v6 =	vmul.f32 v6, v32;
	v10 =	vld [tilespmem:s15+$0xA810];
	v0 =	vadd.f32 v0, v2  }
0x3bc: {  	v14 =	vmul.f32 v21, v40;
	[tilespmem:$0x1FAB0] =	vst v7;
	v7 =	vmul.f32 v8, v36;
	v2 =	vld [tilespmem:s15+$0xA800];
	v8 =	vadd.f32 v13, v11  }
0x3bd: {  	v6 =	vadd.f32 v6, v9;
	v9 =	vld [tilespmem:s15+$0xA840];
	v0 =	vmax.f32 v0, $0.0e+00  }
0x3be: {  	[tilespmem:s13+$0x17020] =	vst v0;
	v0 =	vadd.f32 v14, v8;
	v8 =	vld [tilespmem:$0x1FAA0]  }
0x3bf: {  	v12 =	vmul.f32 v60, v31;
	_ =	sdelay $0x1  }
0x3c0: {  	v12 =	vadd.f32 v12, v6  }
0x3c1: {  	v11 =	vld [tilespmem:s15+$0xA850]  }
0x3c2: {  	v6 =	vld [tilespmem:s15+$0xA820];
	v0 =	vadd.f32 v7, v0;
	v12 =	vadd.f32 v12, v8  }
0x3c3: {  	p0 =	sne.s32 s11, $0x8800;
	v7 =	vld [tilespmem:s15+$0xA870]  }
.Ltmp6:
0x3c4: {  	s10 =	sadd.s32 $0x4, s10;
	[tilespmem:$0x1FAA0] =	vst v0;
	v0 =	vld [tilespmem:s15+$0xA830];
	v12 =	vmax.f32 v12, $0.0e+00;
	(pc) =	sbr.rel @p0 .LBB2_13-.Ltmp6, $4  }
0x3c5: {  	s12 =	sand.u32 $0xF8, s10;
	v8 =	vld [tilespmem:s15+$0xA860];
	[tilespmem:s13+$0x17030] =	vst v12  }
0x3c6: {  	s13 =	smov.u32 s15;
	v14 =	vld [tilespmem:s12+$0x300]  }
0x3c7: {  	v51 =	vimm.s32 $0x1;
	v48 =	vimm.s32 $0x2;
	v12 =	vld [tilespmem:s13+$0xA880]  }
0x3c8: {  	s11 =	sadd.s32 $0x800, s11;
	v49 =	vimm.s32 $0x3;
	v57 =	vlaneseq.u32;
	v46 =	vimm.s32 $0x0;
	v13 =	vld [tilespmem:s13+$0xA8C0]  }
0x3c9: {  	v15 =	vld [tilespmem:s13+$0xA890]  }
0x3ca: {  	v17 =	vld [tilespmem:s13+$0xA8D0]  }
0x3cb: {  	v18 =	vld [tilespmem:s13+$0xA8E0]  }
0x3cc: {  	v20 =	vld [tilespmem:s13+$0xA8B0]  }
0x3cd: {  	v23 =	vld [tilespmem:s13+$0xA8F0]  }
0x3ce: {  	v52 =	vld [tilespmem:$0x1FFD0]  }
0x3cf: {  	v53 =	vld [tilespmem:s13+$0xA950]  }
0x3d0: {  	v40 =	vld [tilespmem:$0x1FFE0]  }
0x3d1: {  	v60 =	vld [tilespmem:s13+$0xA960]  }
0x3d2: {  	v27 =	vld [tilespmem:$0x1FED0]  }
0x3d3: {  	v35 =	vld [tilespmem:$0x1FF40]  }
0x3d4: {  	v32 =	vld [tilespmem:s13+$0xA970]  }
0x3d5: {  	v36 =	vld [tilespmem:$0x1FEE0]  }
0x3d6: {  	s2 =	sand.u32 $0x4, s10;
	v37 =	vld [tilespmem:$0x1FDD0]  }
0x3d7: {  	v41 =	vld [tilespmem:$0x1FF00];
	v16 =	vadd.s32 s2, v57  }
0x3d8: {  	v55 =	vld [tilespmem:$0x1FF30];
	v14 =	vperm.xlane v14, v16  }
0x3d9: {  	v42 =	vld [tilespmem:$0x1FF60]  }
0x3da: {  	v43 =	vld [tilespmem:s13+$0xA9D0];
	v19 =	vperm.xlane v14, v46  }
0x3db: {  	v16 =	vld [tilespmem:s13+$0xA8A0];
	v22 =	vperm.xlane v14, v51  }
0x3dc: {  	v21 =	vperm.xlane v14, v48;
	v14 =	vperm.xlane v14, v49;
	v49 =	vld [tilespmem:$0x1FFF0];
	vm1 =	veq.s32 v19, $0x0  }
0x3dd: {  	v54 =	vld [tilespmem:$0x1FEF0];
	vm2 =	veq.s32 v22, $0x0;
	v2 =	vsel vm1, v2, v9  }
0x3de: {  	v58 =	vld [tilespmem:$0x1FF50];
	vm0 =	veq.s32 v21, $0x0;
	v50 =	vsel vm2, v12, v13;
	v26 =	vperm.xlane v2, v52  }
0x3df: {  	v29 =	vld [tilespmem:s13+$0xA9A0];
	v10 =	vsel vm1, v10, v11;
	v33 =	vperm.xlane v50, v52;
	v59 =	vperm.xlane v2, v40  }
0x3e0: {  	v30 =	vld [tilespmem:s13+$0xA9E0];
	v12 =	vsel vm2, v15, v17;
	v22 =	vperm.xlane v2, v3;
	v17 =	vperm.xlane v50, v40  }
0x3e1: {  	v28 =	vperm.xlane v2, v49;
	v2 =	vsel vm2, v16, v18;
	v16 =	vld [tilespmem:s13+$0xA920];
	v18 =	vperm.xlane v50, v3  }
0x3e2: {  	v47 =	vld [tilespmem:$0x1FF70];
	v0 =	vsel vm1, v0, v7;
	[tilespmem:$0x1F870] =	vst v22;
	v21 =	vmul.f32 v59, v63;
	v22 =	vmul.f32 v22, v61  }
0x3e3: {  	v51 =	vld [tilespmem:s13+$0xA910];
	v20 =	vsel vm2, v20, v23;
	v24 =	vmul.f32 v17, v27;
	v25 =	vmul.f32 v18, v35  }
0x3e4: {  	v45 =	vld [tilespmem:$0x1FE10];
	v56 =	vperm.xlane v50, v5;
	[tilespmem:$0x1F8A0] =	vst v26;
	v26 =	vmul.f32 v26, v62;
	v34 =	vadd.f32 v22, v21  }
0x3e5: {  	v23 =	vld [tilespmem:s13+$0xA930];
	v22 =	vmul.f32 v33, v36;
	v21 =	vadd.f32 v25, v24;
	v24 =	vmul.f32 v28, v37  }
0x3e6: {  	v48 =	vld [tilespmem:s13+$0xA940];
	v25 =	vperm.xlane v10, v40;
	v11 =	vsel vm0, v16, v60;
	v38 =	vadd.f32 v26, v34  }
0x3e7: {  	v19 =	vld [tilespmem:s13+$0xA900];
	[tilespmem:$0x1F860] =	vst v59;
	v16 =	vmul.f32 v56, v41;
	v26 =	vperm.xlane v10, v3;
	v39 =	vadd.f32 v22, v21  }
0x3e8: {  	v13 =	vsel vm0, v51, v53;
	v59 =	vld [tilespmem:$0x1FEA0];
	[tilespmem:$0x1F880] =	vst v25;
	v22 =	vperm.xlane v12, v40;
	v25 =	vmul.f32 v25, v55  }
0x3e9: {  	v51 =	vld [tilespmem:$0x1FF80];
	[tilespmem:$0x1F890] =	vst v26;
	v26 =	vmul.f32 v26, v42;
	v15 =	vadd.f32 v16, v39;
	v16 =	vperm.xlane v12, v3  }
0x3ea: {  	v34 =	vsel vm0, v23, v32;
	v23 =	vld [tilespmem:s13+$0xA9C0];
	v7 =	vadd.f32 v24, v38;
	v57 =	vmul.f32 v22, v54  }
0x3eb: {  	[tilespmem:$0x1F8D0] =	vst v28;
	v24 =	vld [tilespmem:s13+$0xA990];
	v25 =	vadd.f32 v26, v25;
	v26 =	vperm.xlane v12, v4;
	v28 =	vmul.f32 v16, v58  }
0x3ec: {  	vm15 =	veq.s32 v14, $0x0;
	v6 =	vsel vm1, v6, v8;
	v32 =	vperm.xlane v10, v4;
	v21 =	vld [tilespmem:s13+$0xA980]  }
0x3ed: {  	v46 =	vld [tilespmem:$0x1FE00];
	v7 =	vadd.f32 v15, v7;
	v52 =	vmul.f32 v26, v59;
	v15 =	vadd.f32 v28, v57  }
0x3ee: {  	v31 =	vperm.xlane v10, v5;
	v62 =	vperm.xlane v6, v40;
	v19 =	vsel vm0, v19, v48;
	v48 =	vld [tilespmem:$0x1FFA0]  }
0x3ef: {  	v63 =	vperm.xlane v6, v3;
	v28 =	vmul.f32 v32, v47;
	v15 =	vadd.f32 v52, v15;
	v52 =	vld [tilespmem:$0x1FF90]  }
0x3f0: {  	v36 =	vsel vm15, v29, v30;
	v29 =	vperm.xlane v2, v3;
	v61 =	vsel vm15, v24, v43;
	v43 =	vld [tilespmem:$0x1FDF0]  }
0x3f1: {  	v44 =	vld [tilespmem:$0x1FFB0];
	v10 =	vsel vm15, v21, v23;
	v23 =	vmul.f32 v31, v51;
	v24 =	vadd.f32 v28, v25  }
0x3f2: {  	v49 =	vld [tilespmem:$0x1FE20];
	v58 =	vmul.f32 v29, v45;
	v28 =	vperm.xlane v2, v40  }
0x3f3: {  	[tilespmem:$0x1F8E0] =	vst v31;
	v60 =	vld [tilespmem:s13+$0xA9F0];
	v31 =	vperm.xlane v12, v5;
	v23 =	vadd.f32 v23, v24;
	v24 =	vmul.f32 v63, v48  }
0x3f4: {  	[tilespmem:$0x1F8B0] =	vst v32;
	v21 =	vld [tilespmem:s13+$0xA9B0];
	v32 =	vmul.f32 v28, v46;
	v30 =	vmul.f32 v62, v52  }
0x3f5: {  	v25 =	vmul.f32 v31, v43  }
0x3f6: {  	v37 =	vperm.xlane v6, v4;
	v39 =	vadd.f32 v24, v30;
	v24 =	vadd.f32 v58, v32;
	v58 =	vld [tilespmem:$0x1FE90]  }
0x3f7: {  	v53 =	vld [tilespmem:$0x1FEC0];
	v15 =	vadd.f32 v25, v15;
	v25 =	vperm.xlane v2, v4  }
0x3f8: {  	v41 =	vmul.f32 v37, v44;
	v57 =	vld [tilespmem:$0x1FFC0]  }
0x3f9: {  	[tilespmem:$0x1F920] =	vst v62;
	v54 =	vld [tilespmem:$0x1FF20];
	v59 =	vsel vm15, v21, v60;
	v62 =	vperm.xlane v2, v5;
	v21 =	vmul.f32 v25, v49  }
0x3fa: {  	v38 =	vperm.xlane v6, v5;
	v42 =	vperm.xlane v0, v3  }
0x3fb: {  	v6 =	vadd.f32 v41, v39;
	v50 =	vadd.f32 v21, v24;
	v41 =	vld [tilespmem:$0x1FEB0];
	v21 =	vmul.f32 v62, v58  }
0x3fc: {  	v2 =	vperm.xlane v0, v40;
	v39 =	vld [tilespmem:$0x1FE70]  }
0x3fd: {  	[tilespmem:$0x1F970] =	vst v37;
	v60 =	vmul.f32 v42, v53;
	v30 =	vmul.f32 v38, v57;
	v21 =	vadd.f32 v21, v50;
	v50 =	vld [tilespmem:$0x1FF10]  }
0x3fe: {  	v37 =	vld [tilespmem:$0x1FE30];
	[tilespmem:$0x1F990] =	vst v38;
	v9 =	vmul.f32 v2, v54;
	v24 =	vperm.xlane v20, v40  }
0x3ff: {  	[tilespmem:$0x1F950] =	vst v2;
	v2 =	vadd.f32 v15, v23;
	v6 =	vadd.f32 v30, v6;
	v30 =	vperm.xlane v20, v3  }
0x400: {  	[tilespmem:$0x1F960] =	vst v42;
	v42 =	vperm.xlane v0, v4;
	v38 =	vld [tilespmem:$0x1FE40];
	v32 =	vmul.f32 v24, v41  }
0x401: {  	[tilespmem:$0x1F8C0] =	vst v2;
	v23 =	vmul.f32 v30, v39;
	v2 =	vadd.f32 v21, v6;
	v21 =	vperm.xlane v20, v4  }
0x402: {  	[tilespmem:$0x1F980] =	vst v42;
	v60 =	vadd.f32 v60, v9;
	v9 =	vmul.f32 v42, v50;
	v42 =	vld [tilespmem:$0x1FDE0]  }
0x403: {  	v20 =	vperm.xlane v20, v5;
	v14 =	vadd.f32 v23, v32;
	v23 =	vmul.f32 v21, v37  }
0x404: {  	[tilespmem:$0x1F930] =	vst v63;
	v0 =	vperm.xlane v0, v5;
	v15 =	vld [tilespmem:$0x1FE80]  }
0x405: {  	v32 =	vld [tilespmem:$0x1FE50];
	[tilespmem:$0x1F8F0] =	vst v2;
	v2 =	vmul.f32 v20, v38;
	v14 =	vadd.f32 v23, v14;
	v23 =	vperm.xlane v19, v3  }
0x406: {  	v63 =	vperm.xlane v19, v40;
	[tilespmem:$0x1F9A0] =	vst v0;
	v60 =	vadd.f32 v9, v60  }
0x407: {  	v40 =	vmovc v35;
	v2 =	vadd.f32 v2, v14;
	v14 =	vmul.f32 v23, v35;
	v35 =	vld [tilespmem:$0x1FE60];
	v0 =	vmul.f32 v0, v42  }
0x408: {  	v12 =	vld [tilespmem:$0x1FDD0]  }
0x409: {  	v0 =	vadd.f32 v0, v60  }
0x40a: {  	v7 =	vmax.f32 v7, $0.0e+00;
	v17 =	vmul.f32 v17, v15;
	v18 =	vmul.f32 v18, v32  }
0x40b: {  	[tilespmem:s13+$0x17080] =	vst v7;
	v7 =	vld [tilespmem:$0x1FEE0];
	v0 =	vadd.f32 v2, v0  }
0x40c: {  	v17 =	vadd.f32 v18, v17;
	v60 =	vmul.f32 v63, v27;
	v18 =	vmul.f32 v33, v35;
	v33 =	vld [tilespmem:$0x1FEF0]  }
0x40d: {  	[tilespmem:$0x1F900] =	vst v0;
	v0 =	vmul.f32 v56, v12;
	v56 =	vld [tilespmem:$0x1FF60]  }
0x40e: {  	v14 =	vadd.f32 v14, v60;
	v60 =	vld [tilespmem:$0x1FF50]  }
0x40f: {  	v8 =	vld [tilespmem:$0x1FF00];
	v22 =	vmul.f32 v22, v55;
	v15 =	vperm.xlane v13, v3  }
0x410: {  	v6 =	vperm.xlane v19, v4;
	v19 =	vperm.xlane v19, v5  }
0x411: {  	v32 =	vperm.xlane v13, v4;
	v35 =	vperm.xlane v13, v1;
	v17 =	vadd.f32 v18, v17  }
0x412: {  	v2 =	vmul.f32 v6, v7;
	v16 =	vmul.f32 v16, v56  }
0x413: {  	v0 =	vadd.f32 v0, v17;
	v17 =	vmul.f32 v35, v33;
	v9 =	vmul.f32 v15, v60  }
0x414: {  	v18 =	vmul.f32 v19, v8;
	v2 =	vadd.f32 v2, v14;
	v16 =	vadd.f32 v16, v22  }
0x415: {  	v22 =	vmul.f32 v26, v47;
	v26 =	vperm.xlane v13, v5;
	v13 =	vadd.f32 v9, v17;
	v9 =	vld [tilespmem:$0x1FEA0];
	_ =	sdelay $0x1  }
0x416: {  	v2 =	vadd.f32 v18, v2;
	_ =	sdelay $0x1  }
0x417: {  	v25 =	vmul.f32 v25, v44;
	v0 =	vadd.f32 v2, v0  }
0x418: {  	v2 =	vmul.f32 v29, v48;
	v14 =	vmul.f32 v32, v9  }
0x419: {  	[tilespmem:$0x1F910] =	vst v0;
	v0 =	vmul.f32 v28, v52;
	v17 =	vmul.f32 v31, v51  }
0x41a: {  	v16 =	vadd.f32 v22, v16;
	v18 =	vmul.f32 v26, v43;
	v13 =	vadd.f32 v14, v13  }
0x41b: {  	v0 =	vadd.f32 v2, v0;
	v22 =	vperm.xlane v11, v1;
	v14 =	vperm.xlane v11, v3  }
0x41c: {  	v2 =	vperm.xlane v11, v4;
	v16 =	vadd.f32 v17, v16;
	v13 =	vadd.f32 v18, v13  }
0x41d: {  	v17 =	vmul.f32 v22, v46;
	v18 =	vmul.f32 v14, v45  }
0x41e: {  	v0 =	vadd.f32 v25, v0;
	v11 =	vperm.xlane v11, v5;
	v13 =	vadd.f32 v13, v16  }
0x41f: {  	v16 =	vadd.f32 v18, v17;
	v17 =	vmul.f32 v62, v57;
	v18 =	vmul.f32 v2, v49  }
0x420: {  	v24 =	vmul.f32 v24, v54;
	v25 =	vmul.f32 v11, v58  }
0x421: {  	v16 =	vadd.f32 v18, v16;
	v0 =	vadd.f32 v17, v0;
	v17 =	vmul.f32 v30, v53  }
0x422: {  	v31 =	vperm.xlane v34, v1  }
0x423: {  	v21 =	vmul.f32 v21, v50;
	v16 =	vadd.f32 v25, v16;
	v17 =	vadd.f32 v17, v24  }
0x424: {  	v28 =	vld [tilespmem:$0x1FE80];
	v29 =	vmul.f32 v31, v41;
	v18 =	vperm.xlane v34, v3  }
0x425: {  	v62 =	vld [tilespmem:$0x1FE60];
	v0 =	vadd.f32 v16, v0;
	v16 =	vmul.f32 v20, v42;
	v17 =	vadd.f32 v21, v17  }
0x426: {  	v30 =	vperm.xlane v34, v4;
	v25 =	vmul.f32 v18, v39  }
0x427: {  	v32 =	vmul.f32 v32, v47;
	v16 =	vadd.f32 v16, v17;
	v17 =	vld [tilespmem:$0x1FE50]  }
0x428: {  	[tilespmem:$0x1F940] =	vst v13;
	v13 =	vperm.xlane v34, v5;
	v20 =	vmul.f32 v30, v37;
	v25 =	vadd.f32 v25, v29  }
0x429: {  	v34 =	vmul.f32 v63, v28;
	v24 =	vperm.xlane v10, v1  }
0x42a: {  	v6 =	vmul.f32 v6, v62;
	v21 =	vmul.f32 v13, v38;
	v20 =	vadd.f32 v20, v25  }
0x42b: {  	v29 =	vperm.xlane v10, v3;
	v25 =	vperm.xlane v10, v4  }
0x42c: {  	v10 =	vperm.xlane v10, v5;
	v20 =	vadd.f32 v21, v20;
	v17 =	vmul.f32 v23, v17  }
0x42d: {  	v23 =	vmul.f32 v24, v27;
	v24 =	vmul.f32 v29, v40  }
0x42e: {  	v16 =	vadd.f32 v20, v16;
	v20 =	vmul.f32 v35, v55;
	v17 =	vadd.f32 v17, v34  }
0x42f: {  	v21 =	vadd.f32 v24, v23;
	v23 =	vmul.f32 v25, v7;
	v24 =	vmul.f32 v15, v56  }
0x430: {  	v6 =	vadd.f32 v6, v17;
	v17 =	vmul.f32 v19, v12;
	v19 =	vperm.xlane v61, v1  }
0x431: {  	v10 =	vmul.f32 v10, v8;
	v21 =	vadd.f32 v23, v21;
	v23 =	vperm.xlane v61, v3  }
0x432: {  	v20 =	vadd.f32 v24, v20;
	v6 =	vadd.f32 v17, v6;
	v17 =	vmul.f32 v19, v33  }
0x433: {  	v10 =	vadd.f32 v10, v21;
	v19 =	vmul.f32 v23, v60;
	v21 =	vperm.xlane v61, v4  }
0x434: {  	v22 =	vmul.f32 v22, v52;
	v34 =	vperm.xlane v61, v5  }
0x435: {  	v29 =	vmovc v7;
	v7 =	vadd.f32 v32, v20;
	v17 =	vadd.f32 v19, v17;
	v21 =	vmul.f32 v21, v9  }
0x436: {  	v20 =	vperm.xlane v36, v1;
	v6 =	vadd.f32 v10, v6;
	v19 =	vmul.f32 v26, v51  }
0x437: {  	v10 =	vmul.f32 v34, v43;
	v17 =	vadd.f32 v21, v17;
	v21 =	vperm.xlane v36, v3  }
0x438: {  	v35 =	vperm.xlane v36, v5;
	v7 =	vadd.f32 v19, v7;
	v19 =	vmul.f32 v20, v46  }
0x439: {  	v34 =	vld [tilespmem:$0x1F870];
	v20 =	vperm.xlane v36, v4;
	v10 =	vadd.f32 v10, v17;
	v17 =	vmul.f32 v21, v45  }
0x43a: {  	v14 =	vmul.f32 v14, v48;
	v25 =	vmov v8;
	v8 =	vmul.f32 v35, v58;
	v35 =	vld [tilespmem:$0x1F880]  }
0x43b: {  	v47 =	vmul.f32 v20, v49;
	v17 =	vadd.f32 v17, v19;
	v19 =	vperm.xlane v59, v1;
	v1 =	vld [tilespmem:$0x1F910]  }
0x43c: {  	v14 =	vadd.f32 v14, v22;
	v2 =	vmul.f32 v2, v44  }
0x43d: {  	v36 =	vmul.f32 v11, v57;
	v11 =	vadd.f32 v47, v17;
	v17 =	vmul.f32 v18, v53  }
0x43e: {  	v2 =	vadd.f32 v2, v14;
	v18 =	vmul.f32 v19, v41;
	v19 =	vmul.f32 v34, v40;
	v40 =	vld [tilespmem:$0x1F890]  }
0x43f: {  	v48 =	vperm.xlane v59, v3;
	v55 =	vperm.xlane v59, v4  }
0x440: {  	v2 =	vadd.f32 v36, v2;
	v36 =	vmul.f32 v35, v33;
	v35 =	vmax.f32 v1, $0.0e+00;
	v1 =	vld [tilespmem:$0x1F920]  }
0x441: {  	v52 =	vmul.f32 v48, v39;
	v20 =	vmul.f32 v31, v54  }
0x442: {  	v14 =	vmul.f32 v55, v37;
	v7 =	vadd.f32 v10, v7  }
0x443: {  	v56 =	vadd.f32 v17, v20;
	v10 =	vadd.f32 v52, v18;
	v20 =	vmul.f32 v40, v60;
	_ =	sdelay $0x1  }
0x444: {  	v10 =	vadd.f32 v14, v10;
	v14 =	vadd.f32 v20, v36;
	v36 =	vmul.f32 v1, v46;
	v1 =	vld [tilespmem:$0x1F930];
	_ =	sdelay $0x4  }
0x445: {  	v40 =	vmul.f32 v1, v45;
	v1 =	vld [tilespmem:$0x1F940]  }
0x446: {  	v32 =	vld [tilespmem:$0x1F860];
	v17 =	vmul.f32 v30, v50;
	_ =	sdelay $0x1  }
0x447: {  	v42 =	vmul.f32 v13, v42;
	v47 =	vld [tilespmem:$0x1F8A0];
	v8 =	vadd.f32 v8, v11;
	v11 =	vadd.f32 v17, v56  }
0x448: {  	v18 =	vperm.xlane v59, v5;
	v59 =	vld [tilespmem:$0x1F8E0]  }
0x449: {  	v24 =	vmov v9;
	v9 =	vadd.f32 v42, v11;
	v42 =	vmax.f32 v1, $0.0e+00;
	v1 =	vld [tilespmem:$0x1F950]  }
0x44a: {  	v17 =	vmul.f32 v32, v27;
	_ =	sdelay $0x1  }
0x44b: {  	v17 =	vadd.f32 v19, v17;
	v19 =	vmul.f32 v47, v29  }
0x44c: {  	v55 =	vld [tilespmem:$0x1F8C0]  }
0x44d: {  	v52 =	vadd.f32 v19, v17;
	v19 =	vmul.f32 v59, v43;
	v43 =	vmul.f32 v1, v41;
	v1 =	vld [tilespmem:$0x1F960];
	_ =	sdelay $0x3  }
0x44e: {  	v17 =	vmax.f32 v55, $0.0e+00  }
0x44f: {  	[tilespmem:s13+$0x17090] =	vst v17;
	v17 =	vmul.f32 v1, v39;
	v1 =	vld [tilespmem:$0x1F970];
	_ =	sdelay $0x3  }
0x450: {  	v48 =	vld [tilespmem:$0x1F8B0]  }
0x451: {  	v46 =	vmul.f32 v1, v49;
	v1 =	vld [tilespmem:$0x1F980];
	_ =	sdelay $0x4  }
0x452: {  	v20 =	vmul.f32 v48, v24;
	v48 =	vmul.f32 v1, v37;
	v1 =	vld [tilespmem:$0x1F990];
	_ =	sdelay $0x4  }
0x453: {  	v49 =	vmul.f32 v1, v58;
	v1 =	vld [tilespmem:$0x1F9A0];
	_ =	sdelay $0x3  }
0x454: {  	v34 =	vld [tilespmem:$0x1F900]  }
0x455: {  	v55 =	vmul.f32 v1, v38;
	v1 =	vld [tilespmem:$0x1FAC0]  }
0x456: {  	v56 =	vld [tilespmem:$0x1F8D0];
	v14 =	vadd.f32 v20, v14  }
0x457: {  	v2 =	vadd.f32 v8, v2  }
0x458: {  	v33 =	vadd.f32 v19, v14  }
0x459: {  	v15 =	vld [tilespmem:$0x1F8F0];
	v18 =	vmul.f32 v18, v38;
	v2 =	vmax.f32 v2, $0.0e+00;
	v45 =	vadd.f32 v40, v36  }
0x45a: {  	v0 =	vmax.f32 v0, $0.0e+00;
	v11 =	vmax.f32 v34, $0.0e+00;
	[tilespmem:s13+$0x171A0] =	vst v2;
	v2 =	vadd.f32 v33, v1;
	v1 =	vld [tilespmem:$0x1FAB0]  }
0x45b: {  	v10 =	vadd.f32 v18, v10;
	[tilespmem:s13+$0x170B0] =	vst v11;
	v18 =	vmul.f32 v56, v25;
	v56 =	vld [tilespmem:$0x1FB00];
	v11 =	vadd.f32 v46, v45  }
0x45c: {  	[tilespmem:s13+$0x17120] =	vst v0;
	v6 =	vmax.f32 v6, $0.0e+00  }
0x45d: {  	[tilespmem:s13+$0x17180] =	vst v6;
	v60 =	vadd.f32 v10, v9;
	v58 =	vadd.f32 v49, v11  }
0x45e: {  	[tilespmem:s13+$0x17100] =	vst v35;
	v47 =	vmax.f32 v16, $0.0e+00;
	v32 =	vadd.f32 v18, v52;
	v0 =	vadd.f32 v17, v43  }
0x45f: {  	[tilespmem:s13+$0x17130] =	vst v47;
	v9 =	vmax.f32 v15, $0.0e+00;
	v59 =	vmax.f32 v60, $0.0e+00;
	v60 =	vadd.f32 v58, v1;
	v1 =	vld [tilespmem:$0x1FAA0]  }
0x460: {  	[tilespmem:s13+$0x170A0] =	vst v9;
	v6 =	vadd.f32 v32, v56;
	v0 =	vadd.f32 v48, v0  }
0x461: {  	v52 =	vmax.f32 v7, $0.0e+00;
	[tilespmem:s13+$0x171B0] =	vst v59  }
0x462: {  	s5 =	sadd.s32 $0x1, s5;
	[tilespmem:s13+$0x17190] =	vst v52;
	v6 =	vmax.f32 v6, $0.0e+00;
	v0 =	vadd.f32 v55, v0  }
0x463: {  	p0 =	sne.s32 s5, $0x40;
	[tilespmem:s13+$0x17000] =	vst v6  }
.Ltmp7:
0x464: {  	[tilespmem:s13+$0x17110] =	vst v42;
	v2 =	vmax.f32 v2, $0.0e+00;
	v0 =	vadd.f32 v0, v1;
	(pc) =	sbr.rel @p0 .LBB2_2-.Ltmp7, $4  }
0x465: {  	s15 =	smul.u32 $0xC80, s6;
	[tilespmem:s13+$0x17010] =	vst v2;
	v2 =	vmax.f32 v60, $0.0e+00  }
0x466: {  	v22 =	vimm.s32 $0x1;
	v28 =	vmov v53;
	[tilespmem:s13+$0x17020] =	vst v2;
	v0 =	vmax.f32 v0, $0.0e+00  }
0x467: {  	s2 =	sadd.s32 s8, s15;
	v63 =	vld [tilespmem:$0x1FE80];
	v26 =	vmovc v54;
	v31 =	vmovc v50;
	v54 =	vmov v27;
	v30 =	vmov v44;
	v24 =	vimm.s32 $0x2;
	[tilespmem:s13+$0x17030] =	vst v0  }
0x468: {  	v61 =	vld [tilespmem:$0x1FE50];
	v25 =	vimm.s32 $0x3;
	v20 =	vimm.s32 $0x0;
	v19 =	vlaneseq.u32;
	v32 =	vmovc v57;
	v46 =	vmovc v51;
	[hbm4b:s2+s7] =	stream.linear.scatter [tilespmem:s31], [sflag:$0x4], $0x6400, $0x38  }
0x469: {  	s2 =	simm.s32 $0x3  }
0x46a: {  	_ =	swait.ge [sflag:s2], $0x6400  }
0x46b: {  	[sflag:s2] =	ssyncset.done $0x0  }
0x46c: {  	[sflag:s2] =	ssyncadd.s32 $0xFFFF9C00  }
0x46d: {  	_ =	swait.ge [sflag:s30], $0x6400  }
0x46e: {  	s4 =	sadd.s32 $0x1, s4;
	s15 =	rddreg [dreg:$0x9]  }
0x46f: {  	p0 =	sne.s32 s4, s15  }
.Ltmp8:
0x470: {  	_ = 	snop;
	(pc) =	sbr.rel @p0 .LBB2_1-.Ltmp8, $3  }
0x471: {  	_ =	sdelay $0x1  }
0x472: {  	[sflag:s30] =	ssyncset.done $0x0  }
0x473: {  	[sflag:s30] =	ssyncadd.s32 $0xFFFF9C00  }
0x474: {  	_ =	sfence.sel $0x180000  }
0x475: {  	[bflag:$0x0] =	sbarrier.arrive $0xFFFF  }
0x476: {  	_ =	strace $0x90000047  }
0x477: {  	s0 =	stileid.u32;
	[bflag:$0x2] =	sbarrier.arrive $0xFFFF  }
0x478: {  	p0 =	sne.s32 s0, $0x0;
	s0 =	rddreg [dreg:$0x6]  }
0x479: {  	s0 =	sadd.s32 @!p0 $0x100000, s0  }
0x47a: {  	[sflag:s0] =	ssyncadd.tile.s32 @!p0 $0x1;
	_ =	shalt  }
.Lfunc_end2:
_tile_overlayer_lowered:
.L_overlay_start_2:
0x47b: {  	(tag) =	ssettag $0x2  }
0x47c: {  	s0 =	rddreg [dreg:$0x0];
	s2 =	stileid.u32  }
0x47d: {  	s1 =	rddreg [dreg:$0x1];
	p0 =	sne.s32 s2, $0x0  }
0x47e: {  	s3 =	rddreg [dreg:$0x2];
	[bflag:$0x3] =	sbarrier.arrive $0xFFFF;
	s2 =	simm.s32 @!p0 $0x1C05  }
0x47f: {  	[timem:s3], [sflag:s2] =	dma.local @!p0 [hbm:s0], s1  }
0x480: {  	s0 =	simm.s32 @!p0 $0x5  }
0x481: {  	_ =	swait.ge @!p0 [sflag:s0], s1  }
0x482: {  	s1 =	ssub.s32 @!p0 $0x0, s1;
	[sflag:s0] =	ssyncset.done @!p0 $0x0  }
0x483: {  	[sflag:s0] =	ssyncadd.s32 @!p0 s1  }
0x484: {  	[bflag:$0x3] =	sbarrier.arrive $0xFFFF  }
0x485: {  	_ =	shalt  }

</sc_bundles>
